<compile_context>
chip_gen: v7x
topology: tpu7x:2x2x1
jax: 0.10.2.dev20260603
libtpu: 0.0.44.dev20260713+nightly
codegen_flags: <defaults>
</compile_context>

<pallas_src>
import functools

import jax
import jax.numpy as jnp
from jax.experimental import pallas as pl

_B, _CIN, _H, _W = 2, 20, 256, 256
_A = 9
_PRE_TOPK, _POST_TOPK = 2000, 200
_RPN_NMS, _DET_NMS, _SCORE_TH = 0.5, 0.3, 0.15


def _conv2d(x, w, b, pad):
    y = jax.lax.conv_general_dilated(
        x, w, (1, 1), ((pad, pad), (pad, pad)),
        dimension_numbers=('NCHW', 'OIHW', 'NCHW'))
    return y + b[None, :, None, None]


def _make_anchors(h, w):
    scales = jnp.array([8.0, 16.0, 32.0], dtype=jnp.float32)
    ratios = jnp.array([0.5, 1.0, 2.0], dtype=jnp.float32)
    ws = (scales[:, None] / jnp.sqrt(ratios[None, :])).reshape(-1)
    hs = (scales[:, None] * jnp.sqrt(ratios[None, :])).reshape(-1)
    cy, cx = jnp.meshgrid(jnp.arange(h, dtype=jnp.float32) + 0.5,
                          jnp.arange(w, dtype=jnp.float32) + 0.5, indexing='ij')
    cx = cx[..., None]
    cy = cy[..., None]
    x1 = cx - ws / 2
    y1 = cy - hs / 2
    x2 = cx + ws / 2
    y2 = cy + hs / 2
    return jnp.stack([x1, y1, x2, y2], axis=-1).reshape(-1, 4)


def _decode(anchors, deltas, hh, ww):
    aw = anchors[:, 2] - anchors[:, 0]
    ah = anchors[:, 3] - anchors[:, 1]
    acx = anchors[:, 0] + 0.5 * aw
    acy = anchors[:, 1] + 0.5 * ah
    dx, dy, dw, dh = deltas[:, 0], deltas[:, 1], deltas[:, 2], deltas[:, 3]
    px = acx + dx * aw
    py = acy + dy * ah
    pw = aw * jnp.exp(dw)
    ph = ah * jnp.exp(dh)
    x1 = jnp.clip(px - 0.5 * pw, 0.0, ww - 1.0)
    x2 = jnp.clip(px + 0.5 * pw, 0.0, ww - 1.0)
    y1 = jnp.clip(py - 0.5 * ph, 0.0, hh - 1.0)
    y2 = jnp.clip(py + 0.5 * ph, 0.0, hh - 1.0)
    return jnp.stack([x1, y1, x2, y2], axis=1)


def _nms_body(n_valid, thr, coords_ref, keep_ref):
    x1 = coords_ref[0]
    y1 = coords_ref[1]
    x2 = coords_ref[2]
    y2 = coords_ref[3]
    rows = x1.shape[0]
    area = (x2 - x1) * (y2 - y1)
    jr = (jax.lax.broadcasted_iota(jnp.int32, (rows, 128), 0) * 128
          + jax.lax.broadcasted_iota(jnp.int32, (rows, 128), 1)).astype(jnp.float32)

    def body(i, supp):
        fi = i.astype(jnp.float32)
        oh = (jr == fi).astype(jnp.float32)
        bx1 = jnp.sum(x1 * oh)
        by1 = jnp.sum(y1 * oh)
        bx2 = jnp.sum(x2 * oh)
        by2 = jnp.sum(y2 * oh)
        s_i = jnp.sum(supp * oh)
        barea = (bx2 - bx1) * (by2 - by1)
        iw = jnp.maximum(jnp.minimum(x2, bx2) - jnp.maximum(x1, bx1), 0.0)
        ih = jnp.maximum(jnp.minimum(y2, by2) - jnp.maximum(y1, by1), 0.0)
        inter = iw * ih
        iou = inter / (area + barea - inter + 1e-9)
        newly = jnp.where((iou > thr) & (jr > fi), 1.0, 0.0)
        return jnp.where(s_i < 0.5, jnp.maximum(supp, newly), supp)

    supp = jax.lax.fori_loop(0, n_valid, body,
                             jnp.zeros((rows, 128), jnp.float32))
    keep_ref[...] = 1.0 - supp


def _nms_pallas(boxes, n, thr):
    np_ = ((n + 127) // 128) * 128
    rows = np_ // 128
    b = jnp.pad(boxes, ((0, np_ - n), (0, 0)))
    coords = b.T.reshape(4, rows, 128)
    keep = pl.pallas_call(
        functools.partial(_nms_body, n, thr),
        out_shape=jax.ShapeDtypeStruct((rows, 128), jnp.float32),
    )(coords)
    return keep.reshape(-1)[:n] > 0.5


def _roi_align(feat, boxes, out=7):
    c, hh, ww = feat.shape
    r = boxes.shape[0]
    x1, y1, x2, y2 = boxes[:, 0], boxes[:, 1], boxes[:, 2], boxes[:, 3]
    gx = x1[:, None] + (jnp.arange(out, dtype=jnp.float32) + 0.5) / out * jnp.maximum(x2 - x1, 1.0)[:, None]
    gy = y1[:, None] + (jnp.arange(out, dtype=jnp.float32) + 0.5) / out * jnp.maximum(y2 - y1, 1.0)[:, None]
    X = jnp.broadcast_to(gx[:, None, :], (r, out, out))
    Y = jnp.broadcast_to(gy[:, :, None], (r, out, out))
    x0 = jnp.clip(jnp.floor(X), 0, ww - 2).astype(jnp.int32)
    y0 = jnp.clip(jnp.floor(Y), 0, hh - 2).astype(jnp.int32)
    wx = jnp.clip(X - x0.astype(jnp.float32), 0.0, 1.0)
    wy = jnp.clip(Y - y0.astype(jnp.float32), 0.0, 1.0)
    v00 = feat[:, y0, x0]
    v01 = feat[:, y0, x0 + 1]
    v10 = feat[:, y0 + 1, x0]
    v11 = feat[:, y0 + 1, x0 + 1]
    val = v00 * (1 - wy) * (1 - wx) + v01 * (1 - wy) * wx + v10 * wy * (1 - wx) + v11 * wy * wx
    return jnp.transpose(val, (1, 0, 2, 3))


def kernel(x, Wf, bf, Wb, bb, Wr, br, Wo, bo, Wx, bx, Wfc, bfc, Wc, bc, Wd, bd, Wp, bp):
    bn = x.shape[0]
    feat = jax.nn.relu(_conv2d(x, Wf, bf, 1))
    feat = jax.nn.relu(_conv2d(feat, Wb, bb, 1))
    anchors = _make_anchors(_H, _W)
    rpn_in = jax.nn.relu(_conv2d(feat, Wr, br, 1))
    obj = _conv2d(rpn_in, Wo, bo, 0)
    bbx = _conv2d(rpn_in, Wx, bx, 0)
    obj = jnp.transpose(obj, (0, 2, 3, 1)).reshape(bn, -1)
    bbx = jnp.transpose(bbx, (0, 2, 3, 1)).reshape(bn, -1, 4)
    outs = []
    for i in range(bn):
        logit, idx = jax.lax.top_k(obj[i], _PRE_TOPK)
        sco = jax.nn.sigmoid(logit)
        dec = _decode(anchors[idx], bbx[i][idx], _H, _W)
        keep = _nms_pallas(dec, _PRE_TOPK, _RPN_NMS)
        masked = jnp.where(keep, sco, -jnp.inf)
        _, idx2 = jax.lax.top_k(masked, _POST_TOPK)
        props = dec[idx2]
        roi = _roi_align(feat[i], props, 7)
        hdn = jax.nn.relu(roi.reshape(_POST_TOPK, -1) @ Wfc.T + bfc)
        cls = hdn @ Wc.T + bc
        deltas = hdn @ Wd.T + bd
        pbr = hdn @ Wp.T + bp
        boxes2 = _decode(props, deltas, _H, _W) + pbr
        score = jax.nn.softmax(cls, axis=-1)[:, 1]
        order = jnp.argsort(-score)
        bs = boxes2[order]
        ss = score[order]
        keep2 = _nms_pallas(bs, _POST_TOPK, _DET_NMS)
        fs = jnp.where(jnp.logical_and(keep2, ss > _SCORE_TH), ss, 0.0)
        outs.append(jnp.concatenate([bs, fs[:, None]], axis=1))
    return jnp.stack(outs, axis=0)

# --- scband reference (transcript-rebuilt; emitter-appended) ---
"""Pipeline reference for scband-table-detection-model-34737695490235 (READ-ONLY COPY).

The authoritative reference and input builder live on the scoring server;
editing this copy changes nothing except your own understanding.
"""

import jax, jax.numpy as jnp
import numpy as np

B, CIN, H, W = 2, 20, 256, 256
A = 9
PRE_TOPK, POST_TOPK = 2000, 200
RPN_NMS, DET_NMS, SCORE_TH = 0.5, 0.3, 0.15


def conv2d(x, w, b, pad):
    y = jax.lax.conv_general_dilated(x, w, (1, 1), ((pad, pad), (pad, pad)), dimension_numbers=('NCHW', 'OIHW', 'NCHW'))
    return y + b[None, :, None, None]


def make_anchors(h, w):
    scales = jnp.array([8.0, 16.0, 32.0], dtype=jnp.float32)
    ratios = jnp.array([0.5, 1.0, 2.0], dtype=jnp.float32)
    ws = (scales[:, None] / jnp.sqrt(ratios[None, :])).reshape(-1)
    hs = (scales[:, None] * jnp.sqrt(ratios[None, :])).reshape(-1)
    cy, cx = jnp.meshgrid(jnp.arange(h, dtype=jnp.float32) + 0.5, jnp.arange(w, dtype=jnp.float32) + 0.5, indexing='ij')
    cx = cx[..., None]
    cy = cy[..., None]
    x1 = cx - ws / 2
    y1 = cy - hs / 2
    x2 = cx + ws / 2
    y2 = cy + hs / 2
    return jnp.stack([x1, y1, x2, y2], axis=-1).reshape(-1, 4)


def decode(anchors, deltas, hh, ww):
    aw = anchors[:, 2] - anchors[:, 0]
    ah = anchors[:, 3] - anchors[:, 1]
    acx = anchors[:, 0] + 0.5 * aw
    acy = anchors[:, 1] + 0.5 * ah
    dx, dy, dw, dh = deltas[:, 0], deltas[:, 1], deltas[:, 2], deltas[:, 3]
    px = acx + dx * aw
    py = acy + dy * ah
    pw = aw * jnp.exp(dw)
    ph = ah * jnp.exp(dh)
    x1 = jnp.clip(px - 0.5 * pw, 0.0, ww - 1.0)
    x2 = jnp.clip(px + 0.5 * pw, 0.0, ww - 1.0)
    y1 = jnp.clip(py - 0.5 * ph, 0.0, hh - 1.0)
    y2 = jnp.clip(py + 0.5 * ph, 0.0, hh - 1.0)
    return jnp.stack([x1, y1, x2, y2], axis=1)


def pairwise_iou(a, b):
    area_a = (a[:, 2] - a[:, 0]) * (a[:, 3] - a[:, 1])
    area_b = (b[:, 2] - b[:, 0]) * (b[:, 3] - b[:, 1])
    lt = jnp.maximum(a[:, None, :2], b[None, :, :2])
    rb = jnp.minimum(a[:, None, 2:], b[None, :, 2:])
    wh = jnp.clip(rb - lt, 0.0, None)
    inter = wh[..., 0] * wh[..., 1]
    return inter / (area_a[:, None] + area_b[None, :] - inter + 1e-9)


def nms_keep(boxes, scores, thr):
    n = boxes.shape[0]
    iou = jax.lax.stop_gradient(pairwise_iou(boxes, boxes))
    idxs = jnp.arange(n)
    def body(supp, i):
        alive = jnp.logical_not(supp[i])
        supp = jnp.logical_or(supp, jnp.logical_and(alive, jnp.logical_and(iou[i] > thr, idxs > i)))
        return supp, None
    supp, _ = jax.lax.scan(body, jnp.zeros((n,), dtype=bool), idxs)
    return jnp.logical_not(supp)


def roi_align(feat, boxes, out=7):
    c, hh, ww = feat.shape
    r = boxes.shape[0]
    x1, y1, x2, y2 = boxes[:, 0], boxes[:, 1], boxes[:, 2], boxes[:, 3]
    gx = x1[:, None] + (jnp.arange(out, dtype=jnp.float32) + 0.5) / out * jnp.maximum(x2 - x1, 1.0)[:, None]
    gy = y1[:, None] + (jnp.arange(out, dtype=jnp.float32) + 0.5) / out * jnp.maximum(y2 - y1, 1.0)[:, None]
    X = jnp.broadcast_to(gx[:, None, :], (r, out, out))
    Y = jnp.broadcast_to(gy[:, :, None], (r, out, out))
    x0 = jnp.clip(jnp.floor(X), 0, ww - 2).astype(jnp.int32)
    y0 = jnp.clip(jnp.floor(Y), 0, hh - 2).astype(jnp.int32)
    wx = jnp.clip(X - x0.astype(jnp.float32), 0.0, 1.0)
    wy = jnp.clip(Y - y0.astype(jnp.float32), 0.0, 1.0)
    v00 = feat[:, y0, x0]
    v01 = feat[:, y0, x0 + 1]
    v10 = feat[:, y0 + 1, x0]
    v11 = feat[:, y0 + 1, x0 + 1]
    val = v00 * (1 - wy) * (1 - wx) + v01 * (1 - wy) * wx + v10 * wy * (1 - wx) + v11 * wy * wx
    return jnp.transpose(val, (1, 0, 2, 3))


def forward(x, Wf, bf, Wb, bb, Wr, br, Wo, bo, Wx, bx, Wfc, bfc, Wc, bc, Wd, bd, Wp, bp):
    bn = x.shape[0]
    feat = jax.nn.relu(conv2d(x, Wf, bf, 1))
    feat = jax.nn.relu(conv2d(feat, Wb, bb, 1))
    anchors = make_anchors(H, W)
    rpn_in = jax.nn.relu(conv2d(feat, Wr, br, 1))
    obj = conv2d(rpn_in, Wo, bo, 0)
    bbx = conv2d(rpn_in, Wx, bx, 0)
    obj = jnp.transpose(obj, (0, 2, 3, 1)).reshape(bn, -1)
    bbx = jnp.transpose(bbx, (0, 2, 3, 1)).reshape(bn, -1, 4)
    probs = jax.nn.sigmoid(obj)
    outs = []
    for i in range(bn):
        dec = decode(anchors, bbx[i], H, W)
        sco, idx = jax.lax.top_k(probs[i], PRE_TOPK)
        dec = dec[idx]
        keep = nms_keep(dec, sco, RPN_NMS)
        masked = jnp.where(keep, sco, -jnp.inf)
        _, idx2 = jax.lax.top_k(masked, POST_TOPK)
        props = dec[idx2]
        roi = roi_align(feat[i], props, 7)
        hdn = jax.nn.relu(roi.reshape(POST_TOPK, -1) @ Wfc.T + bfc)
        cls = hdn @ Wc.T + bc
        deltas = hdn @ Wd.T + bd
        pbr = hdn @ Wp.T + bp
        boxes2 = decode(props, deltas, H, W) + pbr
        score = jax.nn.softmax(cls, axis=-1)[:, 1]
        order = jnp.argsort(-score)
        bs = boxes2[order]
        ss = score[order]
        keep2 = nms_keep(bs, ss, DET_NMS)
        fs = jnp.where(jnp.logical_and(keep2, ss > SCORE_TH), ss, 0.0)
        outs.append(jnp.concatenate([bs, fs[:, None]], axis=1))
    return jnp.stack(outs, axis=0)


def setup_inputs(seed: int = 0):
    key = jax.random.key(seed)
    ks = jax.random.split(key, 20)
    def nrm(k, shape, s):
        return jax.random.normal(k, shape, dtype=jnp.float32) * s
    return {
        'x': nrm(ks[0], (B, CIN, H, W), 1.0),
        'Wf': nrm(ks[1], (32, CIN, 3, 3), 0.05), 'bf': jnp.zeros((32,), jnp.float32),
        'Wb': nrm(ks[2], (64, 32, 3, 3), 0.05), 'bb': jnp.zeros((64,), jnp.float32),
        'Wr': nrm(ks[3], (64, 64, 3, 3), 0.05), 'br': jnp.zeros((64,), jnp.float32),
        'Wo': nrm(ks[4], (A, 64, 1, 1), 0.05), 'bo': jnp.zeros((A,), jnp.float32),
        'Wx': nrm(ks[5], (4 * A, 64, 1, 1), 0.01), 'bx': jnp.zeros((4 * A,), jnp.float32),
        'Wfc': nrm(ks[6], (128, 64 * 49), 0.02), 'bfc': jnp.zeros((128,), jnp.float32),
        'Wc': nrm(ks[7], (2, 128), 0.02), 'bc': jnp.zeros((2,), jnp.float32),
        'Wd': nrm(ks[8], (4, 128), 0.01), 'bd': jnp.zeros((4,), jnp.float32),
        'Wp': nrm(ks[9], (4, 128), 0.01), 'bp': jnp.zeros((4,), jnp.float32),
    }


def reference(x, Wf, bf, Wb, bb, Wr, br, Wo, bo, Wx, bx, Wfc, bfc, Wc, bc, Wd, bd, Wp, bp):
    return forward(x, Wf, bf, Wb, bb, Wr, br, Wo, bo, Wx, bx, Wfc, bfc, Wc, bc, Wd, bd, Wp, bp)

if __name__ == "__main__":
    import jax
    _d = setup_inputs()
    print(jax.jit(kernel)(*tuple(_d.values())))

</pallas_src>

<mosaic_0001>
module attributes {stable_mosaic.version = 14 : i64} {
  func.func @_nms_body(%arg0: memref<4x16x128xf32, #tpu.memory_space<vmem>>, %arg1: memref<16x128xf32, #tpu.memory_space<vmem>>) attributes {dimension_semantics = [], scalar_prefetch = 0 : i64, scratch_operands = 0 : i64, tpu.core_type = #tpu.core_type<tc>} {
    %get3A = arith.constant 0 : index
    %get3A_0 = arith.constant 0 : index
    %get3A_1 = arith.constant 0 : index
    %get3A_2 = vector.load %arg0[%get3A, %get3A_0, %get3A_1] : memref<4x16x128xf32, #tpu.memory_space<vmem>>, vector<1x16x128xf32>
    %get3A_3 = vector.shape_cast %get3A_2 : vector<1x16x128xf32> to vector<16x128xf32>
    %get3A_4 = arith.constant 1 : index
    %get3A_5 = arith.constant 0 : index
    %get3A_6 = arith.constant 0 : index
    %get3A_7 = vector.load %arg0[%get3A_4, %get3A_5, %get3A_6] : memref<4x16x128xf32, #tpu.memory_space<vmem>>, vector<1x16x128xf32>
    %get3A_8 = vector.shape_cast %get3A_7 : vector<1x16x128xf32> to vector<16x128xf32>
    %get3A_9 = arith.constant 2 : index
    %get3A_10 = arith.constant 0 : index
    %get3A_11 = arith.constant 0 : index
    %get3A_12 = vector.load %arg0[%get3A_9, %get3A_10, %get3A_11] : memref<4x16x128xf32, #tpu.memory_space<vmem>>, vector<1x16x128xf32>
    %get3A_13 = vector.shape_cast %get3A_12 : vector<1x16x128xf32> to vector<16x128xf32>
    %get3A_14 = arith.constant 3 : index
    %get3A_15 = arith.constant 0 : index
    %get3A_16 = arith.constant 0 : index
    %get3A_17 = vector.load %arg0[%get3A_14, %get3A_15, %get3A_16] : memref<4x16x128xf32, #tpu.memory_space<vmem>>, vector<1x16x128xf32>
    %get3A_18 = vector.shape_cast %get3A_17 : vector<1x16x128xf32> to vector<16x128xf32>
    %sub3A = arith.subf %get3A_13, %get3A_3 : vector<16x128xf32>
    %sub3A_19 = arith.subf %get3A_18, %get3A_8 : vector<16x128xf32>
    %mul3A = arith.mulf %sub3A, %sub3A_19 : vector<16x128xf32>
    %iota3A = tpu.iota {dimensions = array<i32: 0>} : vector<16x128xi32>
    %mul3A_20 = arith.constant 128 : i32
    %mul3A_21 = vector.broadcast %mul3A_20 : i32 to vector<16x128xi32>
    %mul3A_22 = arith.muli %iota3A, %mul3A_21 : vector<16x128xi32>
    %iota3A_23 = tpu.iota {dimensions = array<i32: 1>} : vector<16x128xi32>
    %add3A = arith.addi %mul3A_22, %iota3A_23 : vector<16x128xi32>
    %convert_element_type3A = arith.sitofp %add3A : vector<16x128xi32> to vector<16x128xf32>
    %broadcast_in_dim3A = arith.constant 0.000000e+00 : f32
    %broadcast_in_dim3A_24 = vector.broadcast %broadcast_in_dim3A : f32 to vector<16x128xf32>
    %scan3A = arith.constant 0 : i32
    %scan3A_25 = arith.constant 2000 : i32
    %scan3A_26 = arith.addi %scan3A, %scan3A_25 : i32
    %scan3A_27 = arith.constant 1 : i32
    %scan3A_28 = scf.for %scan3A_35 = %scan3A to %scan3A_26 step %scan3A_27 iter_args(%scan3A_36 = %broadcast_in_dim3A_24) -> (vector<16x128xf32>)  : i32 {
      %convert_element_type3A_37 = arith.sitofp %scan3A_35 : i32 to f32
      %eq3A = vector.broadcast %convert_element_type3A_37 : f32 to vector<16x128xf32>
      %eq3A_38 = arith.cmpf oeq, %convert_element_type3A, %eq3A : vector<16x128xf32>
      %convert_element_type3A_39 = arith.extui %eq3A_38 : vector<16x128xi1> to vector<16x128xi32>
      %convert_element_type3A_40 = arith.sitofp %convert_element_type3A_39 : vector<16x128xi32> to vector<16x128xf32>
      %mul3A_41 = arith.mulf %get3A_3, %convert_element_type3A_40 : vector<16x128xf32>
      %reduce_sum3A = vector.shape_cast %mul3A_41 : vector<16x128xf32> to vector<1x16x128xf32>
      %reduce_sum3A_42 = arith.constant dense<0.000000e+00> : vector<1xf32>
      %reduce_sum3A_43 = vector.multi_reduction <add>, %reduce_sum3A, %reduce_sum3A_42 [1, 2] : vector<1x16x128xf32> to vector<1xf32>
      %reduce_sum3A_44 = vector.shape_cast %reduce_sum3A_43 : vector<1xf32> to vector<1x1x1xf32>
      %reduce_sum3A_45 = vector.extract %reduce_sum3A_44[0, 0, 0] : f32 from vector<1x1x1xf32>
      %mul3A_46 = arith.mulf %get3A_8, %convert_element_type3A_40 : vector<16x128xf32>
      %reduce_sum3A_47 = vector.shape_cast %mul3A_46 : vector<16x128xf32> to vector<1x16x128xf32>
      %reduce_sum3A_48 = arith.constant dense<0.000000e+00> : vector<1xf32>
      %reduce_sum3A_49 = vector.multi_reduction <add>, %reduce_sum3A_47, %reduce_sum3A_48 [1, 2] : vector<1x16x128xf32> to vector<1xf32>
      %reduce_sum3A_50 = vector.shape_cast %reduce_sum3A_49 : vector<1xf32> to vector<1x1x1xf32>
      %reduce_sum3A_51 = vector.extract %reduce_sum3A_50[0, 0, 0] : f32 from vector<1x1x1xf32>
      %mul3A_52 = arith.mulf %get3A_13, %convert_element_type3A_40 : vector<16x128xf32>
      %reduce_sum3A_53 = vector.shape_cast %mul3A_52 : vector<16x128xf32> to vector<1x16x128xf32>
      %reduce_sum3A_54 = arith.constant dense<0.000000e+00> : vector<1xf32>
      %reduce_sum3A_55 = vector.multi_reduction <add>, %reduce_sum3A_53, %reduce_sum3A_54 [1, 2] : vector<1x16x128xf32> to vector<1xf32>
      %reduce_sum3A_56 = vector.shape_cast %reduce_sum3A_55 : vector<1xf32> to vector<1x1x1xf32>
      %reduce_sum3A_57 = vector.extract %reduce_sum3A_56[0, 0, 0] : f32 from vector<1x1x1xf32>
      %mul3A_58 = arith.mulf %get3A_18, %convert_element_type3A_40 : vector<16x128xf32>
      %reduce_sum3A_59 = vector.shape_cast %mul3A_58 : vector<16x128xf32> to vector<1x16x128xf32>
      %reduce_sum3A_60 = arith.constant dense<0.000000e+00> : vector<1xf32>
      %reduce_sum3A_61 = vector.multi_reduction <add>, %reduce_sum3A_59, %reduce_sum3A_60 [1, 2] : vector<1x16x128xf32> to vector<1xf32>
      %reduce_sum3A_62 = vector.shape_cast %reduce_sum3A_61 : vector<1xf32> to vector<1x1x1xf32>
      %reduce_sum3A_63 = vector.extract %reduce_sum3A_62[0, 0, 0] : f32 from vector<1x1x1xf32>
      %mul3A_64 = arith.mulf %scan3A_36, %convert_element_type3A_40 : vector<16x128xf32>
      %reduce_sum3A_65 = vector.shape_cast %mul3A_64 : vector<16x128xf32> to vector<1x16x128xf32>
      %reduce_sum3A_66 = arith.constant dense<0.000000e+00> : vector<1xf32>
      %reduce_sum3A_67 = vector.multi_reduction <add>, %reduce_sum3A_65, %reduce_sum3A_66 [1, 2] : vector<1x16x128xf32> to vector<1xf32>
      %reduce_sum3A_68 = vector.shape_cast %reduce_sum3A_67 : vector<1xf32> to vector<1x1x1xf32>
      %reduce_sum3A_69 = vector.extract %reduce_sum3A_68[0, 0, 0] : f32 from vector<1x1x1xf32>
      %sub3A_70 = arith.subf %reduce_sum3A_57, %reduce_sum3A_45 : f32
      %sub3A_71 = arith.subf %reduce_sum3A_63, %reduce_sum3A_51 : f32
      %mul3A_72 = arith.mulf %sub3A_70, %sub3A_71 : f32
      %min3A = vector.broadcast %reduce_sum3A_57 : f32 to vector<16x128xf32>
      %min3A_73 = arith.minimumf %get3A_13, %min3A : vector<16x128xf32>
      %max3A = vector.broadcast %reduce_sum3A_45 : f32 to vector<16x128xf32>
      %max3A_74 = arith.maximumf %get3A_3, %max3A : vector<16x128xf32>
      %sub3A_75 = arith.subf %min3A_73, %max3A_74 : vector<16x128xf32>
      %max3A_76 = arith.constant 0.000000e+00 : f32
      %max3A_77 = vector.broadcast %max3A_76 : f32 to vector<16x128xf32>
      %max3A_78 = arith.maximumf %sub3A_75, %max3A_77 : vector<16x128xf32>
      %min3A_79 = vector.broadcast %reduce_sum3A_63 : f32 to vector<16x128xf32>
      %min3A_80 = arith.minimumf %get3A_18, %min3A_79 : vector<16x128xf32>
      %max3A_81 = vector.broadcast %reduce_sum3A_51 : f32 to vector<16x128xf32>
      %max3A_82 = arith.maximumf %get3A_8, %max3A_81 : vector<16x128xf32>
      %sub3A_83 = arith.subf %min3A_80, %max3A_82 : vector<16x128xf32>
      %max3A_84 = arith.constant 0.000000e+00 : f32
      %max3A_85 = vector.broadcast %max3A_84 : f32 to vector<16x128xf32>
      %max3A_86 = arith.maximumf %sub3A_83, %max3A_85 : vector<16x128xf32>
      %mul3A_87 = arith.mulf %max3A_78, %max3A_86 : vector<16x128xf32>
      %add3A_88 = vector.broadcast %mul3A_72 : f32 to vector<16x128xf32>
      %add3A_89 = arith.addf %mul3A, %add3A_88 : vector<16x128xf32>
      %sub3A_90 = arith.subf %add3A_89, %mul3A_87 : vector<16x128xf32>
      %add3A_91 = arith.constant 9.99999971E-10 : f32
      %add3A_92 = vector.broadcast %add3A_91 : f32 to vector<16x128xf32>
      %add3A_93 = arith.addf %sub3A_90, %add3A_92 : vector<16x128xf32>
      %div3A = arith.divf %mul3A_87, %add3A_93 : vector<16x128xf32>
      %gt3A = arith.constant 5.000000e-01 : f32
      %gt3A_94 = vector.broadcast %gt3A : f32 to vector<16x128xf32>
      %gt3A_95 = arith.cmpf ogt, %div3A, %gt3A_94 : vector<16x128xf32>
      %gt3A_96 = vector.broadcast %convert_element_type3A_37 : f32 to vector<16x128xf32>
      %gt3A_97 = arith.cmpf ogt, %convert_element_type3A, %gt3A_96 : vector<16x128xf32>
      %and3A = arith.andi %gt3A_95, %gt3A_97 : vector<16x128xi1>
      %jit3A = arith.constant 1.000000e+00 : f32
      %jit3A_98 = arith.constant 0.000000e+00 : f32
      %broadcast_in_dim3A_99 = vector.broadcast %jit3A : f32 to vector<16x128xf32>
      %broadcast_in_dim3A_100 = vector.broadcast %jit3A_98 : f32 to vector<16x128xf32>
      %select_n3A = arith.select %and3A, %broadcast_in_dim3A_99, %broadcast_in_dim3A_100 : vector<16x128xi1>, vector<16x128xf32>
      %lt3A = arith.constant 5.000000e-01 : f32
      %lt3A_101 = arith.cmpf olt, %reduce_sum3A_69, %lt3A : f32
      %max3A_102 = arith.maximumf %scan3A_36, %select_n3A : vector<16x128xf32>
      %select_n3A_103 = arith.select %lt3A_101, %max3A_102, %scan3A_36 : vector<16x128xf32>
      scf.yield %select_n3A_103 : vector<16x128xf32>
    }
    %scan3A_29 = arith.constant 2000 : i32
    %sub3A_30 = arith.constant 1.000000e+00 : f32
    %sub3A_31 = vector.broadcast %sub3A_30 : f32 to vector<16x128xf32>
    %sub3A_32 = arith.subf %sub3A_31, %scan3A_28 : vector<16x128xf32>
    %swap3A = arith.constant 0 : index
    %swap3A_33 = arith.constant 0 : index
    %swap3A_34 = vector.load %arg1[%swap3A, %swap3A_33] : memref<16x128xf32, #tpu.memory_space<vmem>>, vector<16x128xf32>
    tpu.vector_store %arg1[%swap3A, %swap3A_33], %sub3A_32 {strides = array<i32>} : memref<16x128xf32, #tpu.memory_space<vmem>>, vector<16x128xf32>,
    return
  }
}

module attributes {stable_mosaic.version = 14 : i64} {
  func.func @_nms_body(%arg0: memref<4x2x128xf32, #tpu.memory_space<vmem>>, %arg1: memref<2x128xf32, #tpu.memory_space<vmem>>) attributes {dimension_semantics = [], scalar_prefetch = 0 : i64, scratch_operands = 0 : i64, tpu.core_type = #tpu.core_type<tc>} {
    %get3A = arith.constant 0 : index
    %get3A_0 = arith.constant 0 : index
    %get3A_1 = arith.constant 0 : index
    %get3A_2 = vector.load %arg0[%get3A, %get3A_0, %get3A_1] : memref<4x2x128xf32, #tpu.memory_space<vmem>>, vector<1x2x128xf32>
    %get3A_3 = vector.shape_cast %get3A_2 : vector<1x2x128xf32> to vector<2x128xf32>
    %get3A_4 = arith.constant 1 : index
    %get3A_5 = arith.constant 0 : index
    %get3A_6 = arith.constant 0 : index
    %get3A_7 = vector.load %arg0[%get3A_4, %get3A_5, %get3A_6] : memref<4x2x128xf32, #tpu.memory_space<vmem>>, vector<1x2x128xf32>
    %get3A_8 = vector.shape_cast %get3A_7 : vector<1x2x128xf32> to vector<2x128xf32>
    %get3A_9 = arith.constant 2 : index
    %get3A_10 = arith.constant 0 : index
    %get3A_11 = arith.constant 0 : index
    %get3A_12 = vector.load %arg0[%get3A_9, %get3A_10, %get3A_11] : memref<4x2x128xf32, #tpu.memory_space<vmem>>, vector<1x2x128xf32>
    %get3A_13 = vector.shape_cast %get3A_12 : vector<1x2x128xf32> to vector<2x128xf32>
    %get3A_14 = arith.constant 3 : index
    %get3A_15 = arith.constant 0 : index
    %get3A_16 = arith.constant 0 : index
    %get3A_17 = vector.load %arg0[%get3A_14, %get3A_15, %get3A_16] : memref<4x2x128xf32, #tpu.memory_space<vmem>>, vector<1x2x128xf32>
    %get3A_18 = vector.shape_cast %get3A_17 : vector<1x2x128xf32> to vector<2x128xf32>
    %sub3A = arith.subf %get3A_13, %get3A_3 : vector<2x128xf32>
    %sub3A_19 = arith.subf %get3A_18, %get3A_8 : vector<2x128xf32>
    %mul3A = arith.mulf %sub3A, %sub3A_19 : vector<2x128xf32>
    %iota3A = tpu.iota {dimensions = array<i32: 0>} : vector<2x128xi32>
    %mul3A_20 = arith.constant 128 : i32
    %mul3A_21 = vector.broadcast %mul3A_20 : i32 to vector<2x128xi32>
    %mul3A_22 = arith.muli %iota3A, %mul3A_21 : vector<2x128xi32>
    %iota3A_23 = tpu.iota {dimensions = array<i32: 1>} : vector<2x128xi32>
    %add3A = arith.addi %mul3A_22, %iota3A_23 : vector<2x128xi32>
    %convert_element_type3A = arith.sitofp %add3A : vector<2x128xi32> to vector<2x128xf32>
    %broadcast_in_dim3A = arith.constant 0.000000e+00 : f32
    %broadcast_in_dim3A_24 = vector.broadcast %broadcast_in_dim3A : f32 to vector<2x128xf32>
    %scan3A = arith.constant 0 : i32
    %scan3A_25 = arith.constant 200 : i32
    %scan3A_26 = arith.addi %scan3A, %scan3A_25 : i32
    %scan3A_27 = arith.constant 1 : i32
    %scan3A_28 = scf.for %scan3A_35 = %scan3A to %scan3A_26 step %scan3A_27 iter_args(%scan3A_36 = %broadcast_in_dim3A_24) -> (vector<2x128xf32>)  : i32 {
      %convert_element_type3A_37 = arith.sitofp %scan3A_35 : i32 to f32
      %eq3A = vector.broadcast %convert_element_type3A_37 : f32 to vector<2x128xf32>
      %eq3A_38 = arith.cmpf oeq, %convert_element_type3A, %eq3A : vector<2x128xf32>
      %convert_element_type3A_39 = arith.extui %eq3A_38 : vector<2x128xi1> to vector<2x128xi32>
      %convert_element_type3A_40 = arith.sitofp %convert_element_type3A_39 : vector<2x128xi32> to vector<2x128xf32>
      %mul3A_41 = arith.mulf %get3A_3, %convert_element_type3A_40 : vector<2x128xf32>
      %reduce_sum3A = vector.shape_cast %mul3A_41 : vector<2x128xf32> to vector<1x2x128xf32>
      %reduce_sum3A_42 = arith.constant dense<0.000000e+00> : vector<1xf32>
      %reduce_sum3A_43 = vector.multi_reduction <add>, %reduce_sum3A, %reduce_sum3A_42 [1, 2] : vector<1x2x128xf32> to vector<1xf32>
      %reduce_sum3A_44 = vector.shape_cast %reduce_sum3A_43 : vector<1xf32> to vector<1x1x1xf32>
      %reduce_sum3A_45 = vector.extract %reduce_sum3A_44[0, 0, 0] : f32 from vector<1x1x1xf32>
      %mul3A_46 = arith.mulf %get3A_8, %convert_element_type3A_40 : vector<2x128xf32>
      %reduce_sum3A_47 = vector.shape_cast %mul3A_46 : vector<2x128xf32> to vector<1x2x128xf32>
      %reduce_sum3A_48 = arith.constant dense<0.000000e+00> : vector<1xf32>
      %reduce_sum3A_49 = vector.multi_reduction <add>, %reduce_sum3A_47, %reduce_sum3A_48 [1, 2] : vector<1x2x128xf32> to vector<1xf32>
      %reduce_sum3A_50 = vector.shape_cast %reduce_sum3A_49 : vector<1xf32> to vector<1x1x1xf32>
      %reduce_sum3A_51 = vector.extract %reduce_sum3A_50[0, 0, 0] : f32 from vector<1x1x1xf32>
      %mul3A_52 = arith.mulf %get3A_13, %convert_element_type3A_40 : vector<2x128xf32>
      %reduce_sum3A_53 = vector.shape_cast %mul3A_52 : vector<2x128xf32> to vector<1x2x128xf32>
      %reduce_sum3A_54 = arith.constant dense<0.000000e+00> : vector<1xf32>
      %reduce_sum3A_55 = vector.multi_reduction <add>, %reduce_sum3A_53, %reduce_sum3A_54 [1, 2] : vector<1x2x128xf32> to vector<1xf32>
      %reduce_sum3A_56 = vector.shape_cast %reduce_sum3A_55 : vector<1xf32> to vector<1x1x1xf32>
      %reduce_sum3A_57 = vector.extract %reduce_sum3A_56[0, 0, 0] : f32 from vector<1x1x1xf32>
      %mul3A_58 = arith.mulf %get3A_18, %convert_element_type3A_40 : vector<2x128xf32>
      %reduce_sum3A_59 = vector.shape_cast %mul3A_58 : vector<2x128xf32> to vector<1x2x128xf32>
      %reduce_sum3A_60 = arith.constant dense<0.000000e+00> : vector<1xf32>
      %reduce_sum3A_61 = vector.multi_reduction <add>, %reduce_sum3A_59, %reduce_sum3A_60 [1, 2] : vector<1x2x128xf32> to vector<1xf32>
      %reduce_sum3A_62 = vector.shape_cast %reduce_sum3A_61 : vector<1xf32> to vector<1x1x1xf32>
      %reduce_sum3A_63 = vector.extract %reduce_sum3A_62[0, 0, 0] : f32 from vector<1x1x1xf32>
      %mul3A_64 = arith.mulf %scan3A_36, %convert_element_type3A_40 : vector<2x128xf32>
      %reduce_sum3A_65 = vector.shape_cast %mul3A_64 : vector<2x128xf32> to vector<1x2x128xf32>
      %reduce_sum3A_66 = arith.constant dense<0.000000e+00> : vector<1xf32>
      %reduce_sum3A_67 = vector.multi_reduction <add>, %reduce_sum3A_65, %reduce_sum3A_66 [1, 2] : vector<1x2x128xf32> to vector<1xf32>
      %reduce_sum3A_68 = vector.shape_cast %reduce_sum3A_67 : vector<1xf32> to vector<1x1x1xf32>
      %reduce_sum3A_69 = vector.extract %reduce_sum3A_68[0, 0, 0] : f32 from vector<1x1x1xf32>
      %sub3A_70 = arith.subf %reduce_sum3A_57, %reduce_sum3A_45 : f32
      %sub3A_71 = arith.subf %reduce_sum3A_63, %reduce_sum3A_51 : f32
      %mul3A_72 = arith.mulf %sub3A_70, %sub3A_71 : f32
      %min3A = vector.broadcast %reduce_sum3A_57 : f32 to vector<2x128xf32>
      %min3A_73 = arith.minimumf %get3A_13, %min3A : vector<2x128xf32>
      %max3A = vector.broadcast %reduce_sum3A_45 : f32 to vector<2x128xf32>
      %max3A_74 = arith.maximumf %get3A_3, %max3A : vector<2x128xf32>
      %sub3A_75 = arith.subf %min3A_73, %max3A_74 : vector<2x128xf32>
      %max3A_76 = arith.constant 0.000000e+00 : f32
      %max3A_77 = vector.broadcast %max3A_76 : f32 to vector<2x128xf32>
      %max3A_78 = arith.maximumf %sub3A_75, %max3A_77 : vector<2x128xf32>
      %min3A_79 = vector.broadcast %reduce_sum3A_63 : f32 to vector<2x128xf32>
      %min3A_80 = arith.minimumf %get3A_18, %min3A_79 : vector<2x128xf32>
      %max3A_81 = vector.broadcast %reduce_sum3A_51 : f32 to vector<2x128xf32>
      %max3A_82 = arith.maximumf %get3A_8, %max3A_81 : vector<2x128xf32>
      %sub3A_83 = arith.subf %min3A_80, %max3A_82 : vector<2x128xf32>
      %max3A_84 = arith.constant 0.000000e+00 : f32
      %max3A_85 = vector.broadcast %max3A_84 : f32 to vector<2x128xf32>
      %max3A_86 = arith.maximumf %sub3A_83, %max3A_85 : vector<2x128xf32>
      %mul3A_87 = arith.mulf %max3A_78, %max3A_86 : vector<2x128xf32>
      %add3A_88 = vector.broadcast %mul3A_72 : f32 to vector<2x128xf32>
      %add3A_89 = arith.addf %mul3A, %add3A_88 : vector<2x128xf32>
      %sub3A_90 = arith.subf %add3A_89, %mul3A_87 : vector<2x128xf32>
      %add3A_91 = arith.constant 9.99999971E-10 : f32
      %add3A_92 = vector.broadcast %add3A_91 : f32 to vector<2x128xf32>
      %add3A_93 = arith.addf %sub3A_90, %add3A_92 : vector<2x128xf32>
      %div3A = arith.divf %mul3A_87, %add3A_93 : vector<2x128xf32>
      %gt3A = arith.constant 3.000000e-01 : f32
      %gt3A_94 = vector.broadcast %gt3A : f32 to vector<2x128xf32>
      %gt3A_95 = arith.cmpf ogt, %div3A, %gt3A_94 : vector<2x128xf32>
      %gt3A_96 = vector.broadcast %convert_element_type3A_37 : f32 to vector<2x128xf32>
      %gt3A_97 = arith.cmpf ogt, %convert_element_type3A, %gt3A_96 : vector<2x128xf32>
      %and3A = arith.andi %gt3A_95, %gt3A_97 : vector<2x128xi1>
      %jit3A = arith.constant 1.000000e+00 : f32
      %jit3A_98 = arith.constant 0.000000e+00 : f32
      %broadcast_in_dim3A_99 = vector.broadcast %jit3A : f32 to vector<2x128xf32>
      %broadcast_in_dim3A_100 = vector.broadcast %jit3A_98 : f32 to vector<2x128xf32>
      %select_n3A = arith.select %and3A, %broadcast_in_dim3A_99, %broadcast_in_dim3A_100 : vector<2x128xi1>, vector<2x128xf32>
      %lt3A = arith.constant 5.000000e-01 : f32
      %lt3A_101 = arith.cmpf olt, %reduce_sum3A_69, %lt3A : f32
      %max3A_102 = arith.maximumf %scan3A_36, %select_n3A : vector<2x128xf32>
      %select_n3A_103 = arith.select %lt3A_101, %max3A_102, %scan3A_36 : vector<2x128xf32>
      scf.yield %select_n3A_103 : vector<2x128xf32>
    }
    %scan3A_29 = arith.constant 200 : i32
    %sub3A_30 = arith.constant 1.000000e+00 : f32
    %sub3A_31 = vector.broadcast %sub3A_30 : f32 to vector<2x128xf32>
    %sub3A_32 = arith.subf %sub3A_31, %scan3A_28 : vector<2x128xf32>
    %swap3A = arith.constant 0 : index
    %swap3A_33 = arith.constant 0 : index
    %swap3A_34 = vector.load %arg1[%swap3A, %swap3A_33] : memref<2x128xf32, #tpu.memory_space<vmem>>, vector<2x128xf32>
    tpu.vector_store %arg1[%swap3A, %swap3A_33], %sub3A_32 {strides = array<i32>} : memref<2x128xf32, #tpu.memory_space<vmem>>, vector<2x128xf32>,
    return
  }
}

</mosaic_0001>

<sc_bundles>
// kernel: gather_offload_async_start.10
scs
__scs_entry_jumppad:
0x0: {  	(pc) =	sbr.rel $0x88, $3  }
0x1: {  	(tag) =	ssettag $0x0;
	lr =	simm.s32 $0x1  }
0x2: {  	[smem:$0x3F8E] =	sst lr;
	_ =	strace $0xD0000000  }
0x3: {  	_ = 	snop  }
0x4: {  	_ = 	snop  }
0x5: {  	_ = 	snop  }
0x6: {  	_ = 	snop  }
0x7: {  	_ = 	snop  }
__scs_overlays_trampoline_lowered:
0x8: {  	[smem:$0x3F9D] =	sst s0  }
0x9: {  	[smem:$0x3F9E] =	sst s1  }
0xa: {  	[smem:$0x3F9F] =	sst s2  }
0xb: {  	[smem:$0x3FA0] =	sst s3  }
0xc: {  	[smem:$0x3FA1] =	sst s4  }
0xd: {  	[smem:$0x3FA2] =	sst s5  }
0xe: {  	[smem:$0x3FA3] =	sst s6  }
0xf: {  	[smem:$0x3FA4] =	sst s7  }
0x10: {  	[smem:$0x3FA5] =	sst s8  }
0x11: {  	[smem:$0x3FA6] =	sst s9;
	s0 =	simm.s32 @!p0 $0x0  }
0x12: {  	s1 =	sld [smem:$0x3F8C];
	s0 =	simm.s32 @p0 $0x1  }
0x13: {  	[smem:$0x3FA7] =	sst s0;
	s0 =	simm.s32 @!p1 $0x0  }
0x14: {  	s2 =	sld [smem:$0x3F8B];
	s0 =	simm.s32 @p1 $0x1  }
0x15: {  	[smem:$0x3FA8] =	sst s0;
	s0 =	simm.s32 @!p2 $0x0  }
0x16: {  	s3 =	sld [smem:$0x3FDB];
	s0 =	simm.s32 @p2 $0x1  }
0x17: {  	s4 =	simm.s32 $0x1BF5;
	[smem:$0x3FAA] =	sst s0  }
0x18: {  	s0 =	sld [smem:$0x3F8D];
	_ =	swait.ge [sflag:s4], $0x0  }
0x19: {  	s7 =	sld [smem:$0x3F8E]  }
0x1a: {  	s8 =	sadd.s32 $0xFFFFE003, lr  }
0x1b: {  	s9 =	sadd.s32 $0xFFFFFEF7, lr;
	s5 =	simm.s32 $0xFFFFFFFF;
	p2 =	slt.u32 s8, $0xFFFFF086  }
0x1c: {  	p1 =	slt.u32 s9, $0xF7A;
	s5 =	simm.s32 @!p2 $0x0  }
0x1d: {  	s5 =	simm.s32 @p1 $0x1;
	p0 =	seq.s32 s7, s2  }
0x1e: {  	s7 =	smul.u32 @!p0 $0xF7A, s2;
	p2 =	seq.s32 @!p0 s5, $0x0  }
0x1f: {  	s9 =	smul.u32 $0xF7A, s1;
	s8 =	simm.s32 @!p0 $0x1BF5;
	p2 =	por !p2, p0  }
0x20: {  	[sflag:s8] =	ssyncset.s32 @!p0 $0xFFFFF086;
	s6 =	sadd.s32 @!p0 s3, s7;
	s7 =	simm.s32 @!p0 $0x108  }
0x21: {  	s3 =	sadd.s32 s3, s9;
	s6 =	sadd.s32 @!p0 $0x88, s6;
	s7 =	simm.s32 @p2 $0x1082  }
0x22: {  	[simem:s7], [sflag:s8] =	dma.local @!p0 [hbm:s6], $0xF7A  }
0x23: {  	s9 =	sor.u32 $0xD0000000, s2;
	s6 =	simm.s32 $0x108;
	_ =	swait.ge @!p0 [sflag:s8], $0x0  }
0x24: {  	s3 =	sadd.s32 $0x88, s3;
	s6 =	simm.s32 @!p1 $0x1082;
	[sflag:s4] =	ssyncset.s32 $0xFFFFF086  }
0x25: {  	[simem:s6], [sflag:s4] =	dma.local [hbm:s3], $0xF7A  }
0x26: {  	[smem:$0x3F8E] =	sst s1;
	(tag) =	ssettag s2;
	_ =	strace s9  }
0x27: {  	s1 =	sld [smem:$0x3F9E]  }
0x28: {  	s2 =	sld [smem:$0x3F9F]  }
0x29: {  	s4 =	sld [smem:$0x3FA1]  }
0x2a: {  	p0 =	seq.s32 s5, $0x0;
	s5 =	sld [smem:$0x3FA2]  }
0x2b: {  	s6 =	sld [smem:$0x3FA3]  }
0x2c: {  	s7 =	sld [smem:$0x3FA4]  }
0x2d: {  	s3 =	simm.s32 $0x108;
	s8 =	sld [smem:$0x3FA5]  }
0x2e: {  	s3 =	simm.s32 @!p0 $0x1082;
	s9 =	sld [smem:$0x3FA6]  }
0x2f: {  	lr =	sadd.s32 s0, s3;
	s0 =	sld [smem:$0x3F9D]  }
0x30: {  	s3 =	sld [smem:$0x3FA0]  }
0x31: {  	[smem:$0x3FA9] =	sst s10  }
0x32: {  	s10 =	sld [smem:$0x3FA7];
	_ =	sdelay $0x3  }
0x33: {  	p0 =	seq.s32 s10, $0x1;
	s10 =	sld [smem:$0x3FA9];
	_ =	sdelay $0x3  }
0x34: {  	[smem:$0x3FA9] =	sst s10  }
0x35: {  	s10 =	sld [smem:$0x3FA8];
	_ =	sdelay $0x3  }
0x36: {  	p1 =	seq.s32 s10, $0x1;
	s10 =	sld [smem:$0x3FA9];
	_ =	sdelay $0x3  }
0x37: {  	[smem:$0x3FA9] =	sst s10  }
0x38: {  	s10 =	sld [smem:$0x3FAA]  }
0x39: {  	_ = 	snop;
	(pc) =	sbr.ind lr, $3  }
0x3a: {  	_ = 	snop  }
0x3b: {  	_ = 	snop  }
0x3c: {  	p2 =	seq.s32 s10, $0x1;
	s10 =	sld [smem:$0x3FA9]  }
0x3d: {  	_ =	shalt  }
0x3e: {  	_ =	shalt  }
0x3f: {  	_ =	shalt  }
0x40: {  	_ =	shalt  }
0x41: {  	_ =	shalt  }
0x42: {  	_ =	shalt  }
0x43: {  	_ =	shalt  }
0x44: {  	_ =	shalt  }
0x45: {  	_ =	shalt  }
0x46: {  	_ =	shalt  }
0x47: {  	_ =	shalt  }
0x48: {  	_ =	shalt  }
0x49: {  	_ =	shalt  }
0x4a: {  	_ =	shalt  }
0x4b: {  	_ =	shalt  }
0x4c: {  	_ =	shalt  }
0x4d: {  	_ =	shalt  }
0x4e: {  	_ =	shalt  }
0x4f: {  	_ =	shalt  }
0x50: {  	_ =	shalt  }
0x51: {  	_ =	shalt  }
0x52: {  	_ =	shalt  }
0x53: {  	_ =	shalt  }
0x54: {  	_ =	shalt  }
0x55: {  	_ =	shalt  }
0x56: {  	_ =	shalt  }
0x57: {  	_ =	shalt  }
0x58: {  	_ =	shalt  }
0x59: {  	_ =	shalt  }
0x5a: {  	_ =	shalt  }
0x5b: {  	_ =	shalt  }
0x5c: {  	_ =	shalt  }
0x5d: {  	_ =	shalt  }
0x5e: {  	_ =	shalt  }
0x5f: {  	_ =	shalt  }
0x60: {  	_ =	shalt  }
0x61: {  	_ =	shalt  }
0x62: {  	_ =	shalt  }
0x63: {  	_ =	shalt  }
0x64: {  	_ =	shalt  }
0x65: {  	_ =	shalt  }
0x66: {  	_ =	shalt  }
0x67: {  	_ =	shalt  }
0x68: {  	_ =	shalt  }
0x69: {  	_ =	shalt  }
0x6a: {  	_ =	shalt  }
0x6b: {  	_ =	shalt  }
0x6c: {  	_ =	shalt  }
0x6d: {  	_ =	shalt  }
0x6e: {  	_ =	shalt  }
0x6f: {  	_ =	shalt  }
0x70: {  	_ =	shalt  }
0x71: {  	_ =	shalt  }
0x72: {  	_ =	shalt  }
0x73: {  	_ =	shalt  }
0x74: {  	_ =	shalt  }
0x75: {  	_ =	shalt  }
0x76: {  	_ =	shalt  }
0x77: {  	_ =	shalt  }
0x78: {  	_ =	shalt  }
0x79: {  	_ =	shalt  }
0x7a: {  	_ =	shalt  }
0x7b: {  	_ =	shalt  }
0x7c: {  	_ =	shalt  }
0x7d: {  	_ =	shalt  }
0x7e: {  	_ =	shalt  }
0x7f: {  	_ =	shalt  }
0x80: {  	_ =	shalt  }
0x81: {  	_ =	shalt  }
0x82: {  	_ =	shalt  }
0x83: {  	_ =	shalt  }
0x84: {  	_ =	shalt  }
0x85: {  	_ =	shalt  }
0x86: {  	_ =	shalt  }
0x87: {  	_ =	shalt  }
.Lfunc_end0:
.L_simem_size_0:
called_computation.12_lowered:
.L_overlay_start_0:
0x88: {  	s0 =	sld [smem:$0x3FD9]  }
0x89: {  	s1 =	sld [smem:$0x3FFE];
	_ =	sdelay $0x3  }
0x8a: {  	s0 =	sadd.s32 s1, s0  }
0x8b: {  	[smem:$0x3FB5] =	sst s0  }
0x8c: {  	_ = 	snop  }
0x8d: {  	(tm) =	ssettm $0x1  }
0x8e: {  	s15 =	sld [smem:$0x3FFB];
	_ =	sdelay $0x3  }
0x8f: {  	_ =	strace s15  }
0x90: {  	s0 =	sld [smem:$0x3FFC];
	_ =	sdelay $0x3  }
0x91: {  	_ =	strace s0  }
0x92: {  	s0 =	sld [smem:$0x3FFD];
	_ =	sdelay $0x3  }
0x93: {  	_ =	strace s0  }
0x94: {  	_ =	strace $0x8FFFFFFF  }
0x95: {  	s16 =	sld [smem:$0x3FDB];
	_ =	sdelay $0x1  }
0x96: {  	s17 =	simm.s32 $_scs_section_size  }
0x97: {  	s2 =	simm.s32 $_size__tile_overlayer_lowered;
	s3 =	simm.s32 $_tile_overlayer_lowered  }
0x98: {  	s20 =	simm.s32 $0x1BFF;
	s19 =	sshll.u32 s3, $0x1;
	s0 =	sadd.s32 s17, s16  }
0x99: {  	s4 =	simm.s32 $0x0;
	s18 =	sshll.u32 s2, $0x1;
	s2 =	sadd.s32 s19, s0  }
0x9a: {  	[timem:s4], [sflag:s20] =	dma.local [hbm:s2], s18  }
0x9b: {  	_ =	swait.ge [sflag:s20], s18  }
0x9c: {  	s1 =	ssub.s32 $0x0, s18;
	[sflag:s20] =	ssyncset.done $0x0  }
0x9d: {  	[sflag:s20] =	ssyncadd.s32 s1;
	_ =	sdelay $0x1  }
0x9e: {  	s21 =	simm.s32 $0x1B8B  }
0x9f: {  	_ =	swait.ge [sflag:s21], $0x1  }
0xa0: {  	[sflag:s21] =	ssyncset.done $0x0  }
0xa1: {  	s23 =	simm.s32 $0x1B8E;
	s22 =	sld [smem:$0x3FFE];
	[sflag:s21] =	ssyncadd.s32 $0xFFFFFFFF  }
0xa2: {  	s24 =	simm.s32 $execute0_lowered;
	[smem:$0x3FD2] =	sst s23  }
0xa3: {  	s2 =	sshll.u32 s24, $0x1;
	_ =	strace $0x80000058;
	[dreg:$0x1] =	wrdreg $0xFFFFFFFF  }
0xa4: {  	s25 =	simm.s32 $_size_execute0_lowered;
	s0 =	sadd.s32 s0, s2;
	[dreg:$0x0] =	wrdreg $0x0  }
0xa5: {  	s2 =	sshll.u32 s25, $0x1;
	[dreg:$0x2] =	wrdreg s0  }
0xa6: {  	[dreg:$0x3] =	wrdreg s2  }
0xa7: {  	[dreg:$0x4] =	wrdreg $0xC0  }
0xa8: {  	_ =	task [dreg:s4], $0x5FFFF  }
0xa9: {  	[dreg:$0x1] =	wrdreg $0xFFFFFFFF  }
0xaa: {  	[dreg:$0x0] =	wrdreg $0x60  }
0xab: {  	[dreg:$0x2] =	wrdreg s22  }
0xac: {  	[dreg:$0x3] =	wrdreg $0xE  }
0xad: {  	_ =	task.clear_ibuf [dreg:s4], $0x4FFFF;
	_ =	strace $0x90000058  }
0xae: {  	s26 =	simm.s32 $0xE;
	_ =	strace $0x8000005A  }
0xaf: {  	_ =	swait.ge [sflag:s26], $0x1  }
0xb0: {  	[sflag:s26] =	ssyncadd.s32 $0xFFFFFFFF  }
0xb1: {  	_ =	strace $0x9000005A  }
0xb2: {  	_ =	sfence  }
0xb3: {  	s28 =	sld [smem:$0x0];
	_ =	sdelay $0x1  }
0xb4: {  	s29 =	srdreg.scid  }
0xb5: {  	s30 =	sshll.u32 s29, $0xD;
	s31 =	sshrl.u32 s29, $0x2  }
0xb6: {  	s1 =	sand.u32 $0x1, s29;
	s2 =	sand.u32 $0x4000, s30;
	s0 =	sadd.s32 s31, s28  }
0xb7: {  	s1 =	sor.u32 s2, s1;
	s0 =	sshll.u32 s0, $0x11  }
0xb8: {  	s0 =	sor.u32 s0, s1  }
0xb9: {  	s0 =	sadd.s32 $0x8F2B, s0  }
0xba: {  	[sflag:s0] =	ssyncadd.remote.s32 $0x1  }
0xbb: {  	_ =	sfence.sel $0xFFFF  }
0xbc: {  	[dreg:$0x0] =	wrdreg $0xFFFFFFFF;
	(pc) =	sbr.abs _section_cstart, $3  }
0xbd: {  	[dreg:$0x1] =	wrdreg $0xFFFFFFFF  }
0xbe: {  	_ =	task.clear_ibuf [dreg:s4], $0x2FFFF;
	_ =	strace $0x9FFFFFFF  }
0xbf: {  	(tm) =	ssettm $0x7FFFFFFF  }
tec
execute0_lowered:
.L_overlay_start_1:
0x0: {  	(tag) =	ssettag $0x1  }
0x1: {  	s0 =	stileid.u32  }
0x2: {  	s1 =	smin.u32 s0, $0x9  }
0x3: {  	s1 =	sadd.s32 s0, s1  }
0x4: {  	s2 =	simm.s32 $0x310;
	p0 =	slt.u32 s0, $0x9;
	s1 =	smul.u32 $0x188, s1  }
0x5: {  	s2 =	simm.s32 @!p0 $0x188  }
0x6: {  	s2 =	sadd.s32 s2, s1  }
0x7: {  	s3 =	smin.u32 s2, $0x2648  }
0x8: {  	s7 =	ssub.s32 s3, s1  }
0x9: {  	p0 =	sgt.s32 s7, $0x0  }
0xa: {  	s7 =	simm.s32 @!p0 $0x0  }
0xb: {  	s31 =	sand.u32 $0xFFF8, s7  }
0xc: {  	s2 =	sshrl.u32 s31, $0x3  }
0xd: {  	s4 =	smul.u32 $0xA73, s2  }
0xe: {  	s9 =	rddreg [dreg:$0x0];
	s6 =	simm.s32 $0x1;
	s11 =	simm.s32 $0x3  }
0xf: {  	s13 =	simm.s32 $0x0;
	s12 =	simm.s32 $0x0;
	s8 =	sshrl.u32 s4, $0x11  }
0x10: {  	s2 =	rddreg [dreg:$0x1];
	_ =	strace $0x80000059;
	s10 =	smul.u32 $0x188, s8  }
.Ltmp0:
0x11: {  	s5 =	sadd.s32 $0x109600, s9;
	[sflag:s6] =	ssyncpa.u1 $0x0;
	(pc) =	sbr.rel .LBB2_1-.Ltmp0, $4  }
0x12: {  	s4 =	sadd.s32 $0x200, s9;
	p0 =	sne.s32 s7, s10;
	s10 =	simm.s32 $0x1  }
0x13: {  	s9 =	sadd.s32 $0x10C600, s9;
	s7 =	simm.s32 $0x2;
	s10 =	simm.s32 @!p0 $0x0  }
0x14: {  	[sflag:s7] =	ssyncpa.u1 $0x0;
	p0 =	por $0x0, $0x0;
	s8 =	sadd.s32 s8, s10  }
0x15: {  	vm0 =	vmmov $0xff;
	vm1 =	vcmask $0x3F20;
	[sflag:s11] =	ssyncpa.u1 $0x0;
	s11 =	smov.u32 s1;
	s10 =	sadd.s32 $0x1, s8  }
.LBB2_6:
0x16: {  	[hbm:s17] =	stream.linear.scatter [tilespmem:s14], [sflag:$0x3], $0x400, $0x38;
	[tilespmem:$0x18B10] =	vst v63  }
.LBB2_7:
0x17: {  	s13 =	sadd.s32 $0x188, s11  }
0x18: {  	s15 =	smov.u32 s1;
	p2 =	slt.s32 s13, s3  }
0x19: {  	s15 =	smov.u32 @p2 s13;
	p2 =	sne.s32 s12, s10  }
.Ltmp1:
0x1a: {  	p1 =	slt.u32 s12, $0x2;
	(pc) =	sbr.rel @!p2 .LBB2_8-.Ltmp1, $4  }
0x1b: {  	s14 =	simm.s32 @!p1 $0x3  }
0x1c: {  	s16 =	sadd.s32 $0x1, s12;
	_ =	swait.ge @!p1 [sflag:s14], $0xC400  }
0x1d: {  	p0 =	por !p0, !p0;
	s13 =	smov.u32 s11;
	[sflag:s14] =	ssyncset.done @!p1 $0x0  }
0x1e: {  	s12 =	smov.u32 s16;
	s11 =	smov.u32 s15;
	[sflag:s14] =	ssyncadd.s32 @!p1 $0xFFFF3C00  }
.LBB2_1:
0x1f: {  	p1 =	sge.u32 s12, s8  }
0x20: {  	s14 =	sxor.u32 @!p1 $0xFFFFFFFF, s12  }
0x21: {  	s14 =	sand.u32 @!p1 $0x1, s14  }
0x22: {  	s14 =	smul.u32 @!p1 $0x620, s14  }
0x23: {  	s31 =	sadd.s32 $0xFFFFFFFF, s12;
	s15 =	sshrl.u32 @!p1 s11, $0x3  }
0x24: {  	s16 =	sand.u32 @!p1 $0x7, s11;
	s15 =	sadd.s32 @!p1 s5, s15;
	s14 =	sshrl.u32 @!p1 s14, $0x2  }
0x25: {  	[tilespmem:s14], [sflag:$0x2] =	stream.linear.gather @!p1 [hbm4b:s15+s16], $0x188, $0x38;
	[tilespmem:$0x18B10] =	vst v63  }
0x26: {  	p1 =	sge.u32 s31, s8  }
.Ltmp2:
0x27: {  	_ = 	snop;
	(pc) =	sbr.rel @p1 .LBB2_7-.Ltmp2, $1  }
0x28: {  	_ =	sdelay $0x3  }
0x29: {  	s14 =	simm.s32 $0x1  }
0x2a: {  	s14 =	simm.s32 @!p0 $0x0  }
0x2b: {  	s15 =	smul.u32 $0x620, s14  }
0x2c: {  	_ =	swait.ge [sflag:s7], $0x188  }
0x2d: {  	[sflag:s7] =	ssyncset.done $0x0;
	s17 =	sshrl.u32 s15, $0x2  }
0x2e: {  	[sflag:s7] =	ssyncadd.s32 $0xFFFFFE78;
	s15 =	sadd.s32 $0x0, s17  }
0x2f: {  	v0 =	vld.msk [tilespmem:s15+$0x0 ss:$0x1], $0xffff;
	_ =	sdelay $0x4  }
0x30: {  	v1 =	vshrl.u32 v0, $0x1  }
0x31: {  	vm2 =	veq.s32 v0, $0x80000000;
	v0 =	vshll.u32 v0, $0xF;
	v1 =	vand.u32 $0x7F80, v1  }
0x32: {  	v0 =	vand.u32 $0x7F8000, v0;
	v1 =	vsel vm2, $0xFFFFFF80, v1  }
0x33: {  	v0 =	vsel vm2, $0xFFFF8000, v0;
	v2 =	vand.u32 $0xFFFFFC00, v1  }
0x34: {  	v1 =	vand.u32 $0x380, v1;
	v0 =	vadd.s32 v0, v2  }
0x35: {  	v0 =	vor.u32 v1, v0  }
0x36: {  	v0 =	vshrl.u32 v0, $0x3  }
0x37: {  	s14 =	smul.u32 $0x31000, s14  }
0x38: {  	s31 =	sand.u32 $0x1, s12  }
0x39: {  	s16 =	smul.u32 $0x620, s31;
	s14 =	sshrl.u32 s14, $0x2  }
0x3a: {  	s19 =	smul.u32 $0x31000, s31;
	s14 =	sor.u32 $0x310, s14  }
0x3b: {  	[tilespmem:s14], [sflag:$0x1] =	stream.indirect_vreg.gather [hbm:s4], $0x80, v0, vm0, $0x38;
	[tilespmem:$0x18B10] =	vst v63  }
0x3c: {  	s18 =	sshrl.u32 s16, $0x2;
	s20 =	sadd.s32 $0x10, s17;
	s15 =	sadd.s32 $0x400, s14  }
0x3d: {  	[tilespmem:s15], [sflag:$0x1] =	stream.indirect_vreg.gather [hbm:s4], $0x80, v0, vm1, $0x38;
	[tilespmem:$0x18B10] =	vst v63  }
0x3e: {  	s16 =	sshrl.u32 s19, $0x2;
	s19 =	smov.u32 s14;
	v0 =	vld.msk [tilespmem:s20+$0x0 ss:$0x1], $0xffff;
	s20 =	simm.s32 $0x80  }
.LBB2_3:
0x3f: {  	p1 =	sne.s32 s20, $0x5C0;
	_ =	sdelay $0x4  }
0x40: {  	v1 =	vshrl.u32 v0, $0x1  }
0x41: {  	vm2 =	veq.s32 v0, $0x80000000;
	v0 =	vshll.u32 v0, $0xF;
	v1 =	vand.u32 $0x7F80, v1  }
0x42: {  	v0 =	vand.u32 $0x7F8000, v0;
	v1 =	vsel vm2, $0xFFFFFF80, v1  }
0x43: {  	v0 =	vsel vm2, $0xFFFF8000, v0;
	v2 =	vand.u32 $0xFFFFFC00, v1  }
0x44: {  	v1 =	vand.u32 $0x380, v1;
	v0 =	vadd.s32 v0, v2  }
0x45: {  	v0 =	vor.u32 v1, v0  }
0x46: {  	v0 =	vshrl.u32 v0, $0x3;
	_ =	sdelay $0x3  }
.Ltmp3:
0x47: {  	s21 =	sshra.s32 s20, $0x2;
	s19 =	sadd.s32 $0x800, s19;
	(pc) =	sbr.rel @p1 .LBB2_3-.Ltmp3, $4  }
0x48: {  	[tilespmem:s19], [sflag:$0x1] =	stream.indirect_vreg.gather [hbm:s4], $0x80, v0, vm0, $0x38;
	[tilespmem:$0x18B10] =	vst v63  }
0x49: {  	s21 =	sadd.s32 s21, s17;
	s22 =	sadd.s32 $0x400, s19  }
0x4a: {  	[tilespmem:s22], [sflag:$0x1] =	stream.indirect_vreg.gather [hbm:s4], $0x80, v0, vm1, $0x38;
	[tilespmem:$0x18B10] =	vst v63  }
0x4b: {  	s20 =	sadd.s32 $0x40, s20;
	v0 =	vld.msk [tilespmem:s21+$0x0 ss:$0x1], $0xffff  }
0x4c: {  	_ =	sdelay $0x3  }
0x4d: {  	v1 =	vshrl.u32 v0, $0x1  }
0x4e: {  	vm2 =	veq.s32 v0, $0x80000000;
	v61 =	vshll.u32 v0, $0xF;
	v1 =	vand.u32 $0x7F80, v1  }
0x4f: {  	v0 =	vand.u32 $0x7F8000, v61;
	v1 =	vsel vm2, $0xFFFFFF80, v1  }
0x50: {  	v0 =	vsel vm2, $0xFFFF8000, v0;
	v2 =	vand.u32 $0xFFFFFC00, v1  }
0x51: {  	v1 =	vand.u32 $0x380, v1;
	v0 =	vadd.s32 v0, v2  }
0x52: {  	v0 =	vor.u32 v1, v0  }
0x53: {  	v0 =	vshrl.u32 v0, $0x3;
	_ =	sdelay $0x3  }
0x54: {  	s17 =	sadd.s32 $0x800, s19  }
0x55: {  	[tilespmem:s17], [sflag:$0x1] =	stream.indirect_vreg.gather [hbm:s4], $0x80, v0, vm0, $0x38;
	[tilespmem:$0x18B10] =	vst v63  }
0x56: {  	s17 =	sadd.s32 $0x400, s17  }
0x57: {  	[tilespmem:s17], [sflag:$0x1] =	stream.indirect_vreg.gather [hbm:s4], $0x80, v0, vm1, $0x38;
	[tilespmem:$0x18B10] =	vst v63  }
0x58: {  	v0 =	vld.msk [tilespmem:s18+$0x180 ss:$0x1], $0xff;
	_ =	sdelay $0x4  }
0x59: {  	v62 =	vshrl.u32 v0, $0x1  }
0x5a: {  	vm2 =	veq.s32 v0, $0x80000000;
	v0 =	vshll.u32 v0, $0xF;
	v1 =	vand.u32 $0x7F80, v62  }
0x5b: {  	v0 =	vand.u32 $0x7F8000, v0;
	v1 =	vsel vm2, $0xFFFFFF80, v1  }
0x5c: {  	v0 =	vsel vm2, $0xFFFF8000, v0;
	v63 =	vand.u32 $0xFFFFFC00, v1  }
0x5d: {  	v1 =	vand.u32 $0x380, v1;
	v0 =	vadd.s32 v0, v63  }
0x5e: {  	v0 =	vor.u32 v1, v0  }
0x5f: {  	v0 =	vshrl.u32 v0, $0x3;
	_ =	sdelay $0x3  }
0x60: {  	s16 =	sadd.s32 $0xC310, s16  }
0x61: {  	[tilespmem:s16], [sflag:$0x1] =	stream.indirect_vreg.gather [hbm:s4], $0x80, v0, vm0, $0x38;
	[tilespmem:$0x18B10] =	vst v63  }
0x62: {  	s13 =	sshll.u32 s13, $0x4;
	_ =	swait.ge [sflag:s6], $0xC400  }
0x63: {  	s13 =	sadd.s32 s13, s9;
	[sflag:s6] =	ssyncset.done $0x0  }
0x64: {  	s17 =	sadd.s32 $0x0, s13;
	s16 =	simm.s32 $0x80;
	[sflag:s6] =	ssyncadd.s32 $0xFFFF3C00  }
.LBB2_5:
0x65: {  	[hbm:s17] =	stream.linear.scatter [tilespmem:s14], [sflag:$0x3], $0x400, $0x38;
	[tilespmem:$0x18B10] =	vst v63  }
0x66: {  	s17 =	smov.u32 s16;
	s14 =	smov.u32 s15;
	p1 =	sne.s32 s16, $0x1800  }
.Ltmp4:
0x67: {  	s16 =	sadd.s32 $0x80, s16;
	(pc) =	sbr.rel @p1 .LBB2_5-.Ltmp4, $2  }
0x68: {  	_ =	sdelay $0x2  }
0x69: {  	s15 =	sadd.s32 $0x400, s15;
	s17 =	sadd.s32 s17, s13  }
.Ltmp5:
0x6a: {  	_ = 	snop;
	(pc) =	sbr.rel .LBB2_6-.Ltmp5, $1  }
0x6b: {  	_ =	sdelay $0x3  }
.LBB2_8:
0x6c: {  	_ =	sfence.sel $0x180000  }
0x6d: {  	s1 =	simm.s32 $0x2;
	[bflag:$0x0] =	sbarrier.arrive $0xFFFF  }
0x6e: {  	s30 =	simm.s32 $0x3;
	[sflag:s1] =	ssyncpa.u1 $0x1  }
0x6f: {  	s31 =	simm.s32 $0x1;
	[sflag:s30] =	ssyncpa.u1 $0x1  }
0x70: {  	[sflag:s31] =	ssyncpa.u1 $0x1  }
0x71: {  	p0 =	sne.s32 s0, $0x0;
	_ =	strace $0x90000059  }
0x72: {  	s0 =	sadd.s32 @!p0 $0x100000, s2;
	[bflag:$0x2] =	sbarrier.arrive $0xFFFF  }
0x73: {  	[sflag:s0] =	ssyncadd.tile.s32 @!p0 $0x1;
	_ =	shalt  }
.Lfunc_end2:
_tile_overlayer_lowered:
.L_overlay_start_2:
0x74: {  	(tag) =	ssettag $0x2  }
0x75: {  	s0 =	rddreg [dreg:$0x0];
	s2 =	stileid.u32  }
0x76: {  	s1 =	rddreg [dreg:$0x1];
	p0 =	sne.s32 s2, $0x0  }
0x77: {  	s3 =	rddreg [dreg:$0x2];
	[bflag:$0x3] =	sbarrier.arrive $0xFFFF;
	s2 =	simm.s32 @!p0 $0x1C01  }
0x78: {  	[timem:s3], [sflag:s2] =	dma.local @!p0 [hbm:s0], s1  }
0x79: {  	s0 =	simm.s32 @!p0 $0x1  }
0x7a: {  	_ =	swait.ge @!p0 [sflag:s0], s1  }
0x7b: {  	s1 =	ssub.s32 @!p0 $0x0, s1;
	[sflag:s0] =	ssyncset.done @!p0 $0x0  }
0x7c: {  	[sflag:s0] =	ssyncadd.s32 @!p0 s1  }
0x7d: {  	[bflag:$0x3] =	sbarrier.arrive $0xFFFF  }
0x7e: {  	_ =	shalt  }

// kernel: gather_offload_async_start.11
scs
__scs_entry_jumppad:
0x0: {  	(pc) =	sbr.rel $0x88, $3  }
0x1: {  	(tag) =	ssettag $0x0;
	lr =	simm.s32 $0x1  }
0x2: {  	[smem:$0x3F8E] =	sst lr;
	_ =	strace $0xD0000000  }
0x3: {  	_ = 	snop  }
0x4: {  	_ = 	snop  }
0x5: {  	_ = 	snop  }
0x6: {  	_ = 	snop  }
0x7: {  	_ = 	snop  }
__scs_overlays_trampoline_lowered:
0x8: {  	[smem:$0x3F9D] =	sst s0  }
0x9: {  	[smem:$0x3F9E] =	sst s1  }
0xa: {  	[smem:$0x3F9F] =	sst s2  }
0xb: {  	[smem:$0x3FA0] =	sst s3  }
0xc: {  	[smem:$0x3FA1] =	sst s4  }
0xd: {  	[smem:$0x3FA2] =	sst s5  }
0xe: {  	[smem:$0x3FA3] =	sst s6  }
0xf: {  	[smem:$0x3FA4] =	sst s7  }
0x10: {  	[smem:$0x3FA5] =	sst s8  }
0x11: {  	[smem:$0x3FA6] =	sst s9;
	s0 =	simm.s32 @!p0 $0x0  }
0x12: {  	s1 =	sld [smem:$0x3F8C];
	s0 =	simm.s32 @p0 $0x1  }
0x13: {  	[smem:$0x3FA7] =	sst s0;
	s0 =	simm.s32 @!p1 $0x0  }
0x14: {  	s2 =	sld [smem:$0x3F8B];
	s0 =	simm.s32 @p1 $0x1  }
0x15: {  	[smem:$0x3FA8] =	sst s0;
	s0 =	simm.s32 @!p2 $0x0  }
0x16: {  	s3 =	sld [smem:$0x3FDB];
	s0 =	simm.s32 @p2 $0x1  }
0x17: {  	s4 =	simm.s32 $0x1BF5;
	[smem:$0x3FAA] =	sst s0  }
0x18: {  	s0 =	sld [smem:$0x3F8D];
	_ =	swait.ge [sflag:s4], $0x0  }
0x19: {  	s7 =	sld [smem:$0x3F8E]  }
0x1a: {  	s8 =	sadd.s32 $0xFFFFE003, lr  }
0x1b: {  	s9 =	sadd.s32 $0xFFFFFEF7, lr;
	s5 =	simm.s32 $0xFFFFFFFF;
	p2 =	slt.u32 s8, $0xFFFFF086  }
0x1c: {  	p1 =	slt.u32 s9, $0xF7A;
	s5 =	simm.s32 @!p2 $0x0  }
0x1d: {  	s5 =	simm.s32 @p1 $0x1;
	p0 =	seq.s32 s7, s2  }
0x1e: {  	s7 =	smul.u32 @!p0 $0xF7A, s2;
	p2 =	seq.s32 @!p0 s5, $0x0  }
0x1f: {  	s9 =	smul.u32 $0xF7A, s1;
	s8 =	simm.s32 @!p0 $0x1BF5;
	p2 =	por !p2, p0  }
0x20: {  	[sflag:s8] =	ssyncset.s32 @!p0 $0xFFFFF086;
	s6 =	sadd.s32 @!p0 s3, s7;
	s7 =	simm.s32 @!p0 $0x108  }
0x21: {  	s3 =	sadd.s32 s3, s9;
	s6 =	sadd.s32 @!p0 $0x88, s6;
	s7 =	simm.s32 @p2 $0x1082  }
0x22: {  	[simem:s7], [sflag:s8] =	dma.local @!p0 [hbm:s6], $0xF7A  }
0x23: {  	s9 =	sor.u32 $0xD0000000, s2;
	s6 =	simm.s32 $0x108;
	_ =	swait.ge @!p0 [sflag:s8], $0x0  }
0x24: {  	s3 =	sadd.s32 $0x88, s3;
	s6 =	simm.s32 @!p1 $0x1082;
	[sflag:s4] =	ssyncset.s32 $0xFFFFF086  }
0x25: {  	[simem:s6], [sflag:s4] =	dma.local [hbm:s3], $0xF7A  }
0x26: {  	[smem:$0x3F8E] =	sst s1;
	(tag) =	ssettag s2;
	_ =	strace s9  }
0x27: {  	s1 =	sld [smem:$0x3F9E]  }
0x28: {  	s2 =	sld [smem:$0x3F9F]  }
0x29: {  	s4 =	sld [smem:$0x3FA1]  }
0x2a: {  	p0 =	seq.s32 s5, $0x0;
	s5 =	sld [smem:$0x3FA2]  }
0x2b: {  	s6 =	sld [smem:$0x3FA3]  }
0x2c: {  	s7 =	sld [smem:$0x3FA4]  }
0x2d: {  	s3 =	simm.s32 $0x108;
	s8 =	sld [smem:$0x3FA5]  }
0x2e: {  	s3 =	simm.s32 @!p0 $0x1082;
	s9 =	sld [smem:$0x3FA6]  }
0x2f: {  	lr =	sadd.s32 s0, s3;
	s0 =	sld [smem:$0x3F9D]  }
0x30: {  	s3 =	sld [smem:$0x3FA0]  }
0x31: {  	[smem:$0x3FA9] =	sst s10  }
0x32: {  	s10 =	sld [smem:$0x3FA7];
	_ =	sdelay $0x3  }
0x33: {  	p0 =	seq.s32 s10, $0x1;
	s10 =	sld [smem:$0x3FA9];
	_ =	sdelay $0x3  }
0x34: {  	[smem:$0x3FA9] =	sst s10  }
0x35: {  	s10 =	sld [smem:$0x3FA8];
	_ =	sdelay $0x3  }
0x36: {  	p1 =	seq.s32 s10, $0x1;
	s10 =	sld [smem:$0x3FA9];
	_ =	sdelay $0x3  }
0x37: {  	[smem:$0x3FA9] =	sst s10  }
0x38: {  	s10 =	sld [smem:$0x3FAA]  }
0x39: {  	_ = 	snop;
	(pc) =	sbr.ind lr, $3  }
0x3a: {  	_ = 	snop  }
0x3b: {  	_ = 	snop  }
0x3c: {  	p2 =	seq.s32 s10, $0x1;
	s10 =	sld [smem:$0x3FA9]  }
0x3d: {  	_ =	shalt  }
0x3e: {  	_ =	shalt  }
0x3f: {  	_ =	shalt  }
0x40: {  	_ =	shalt  }
0x41: {  	_ =	shalt  }
0x42: {  	_ =	shalt  }
0x43: {  	_ =	shalt  }
0x44: {  	_ =	shalt  }
0x45: {  	_ =	shalt  }
0x46: {  	_ =	shalt  }
0x47: {  	_ =	shalt  }
0x48: {  	_ =	shalt  }
0x49: {  	_ =	shalt  }
0x4a: {  	_ =	shalt  }
0x4b: {  	_ =	shalt  }
0x4c: {  	_ =	shalt  }
0x4d: {  	_ =	shalt  }
0x4e: {  	_ =	shalt  }
0x4f: {  	_ =	shalt  }
0x50: {  	_ =	shalt  }
0x51: {  	_ =	shalt  }
0x52: {  	_ =	shalt  }
0x53: {  	_ =	shalt  }
0x54: {  	_ =	shalt  }
0x55: {  	_ =	shalt  }
0x56: {  	_ =	shalt  }
0x57: {  	_ =	shalt  }
0x58: {  	_ =	shalt  }
0x59: {  	_ =	shalt  }
0x5a: {  	_ =	shalt  }
0x5b: {  	_ =	shalt  }
0x5c: {  	_ =	shalt  }
0x5d: {  	_ =	shalt  }
0x5e: {  	_ =	shalt  }
0x5f: {  	_ =	shalt  }
0x60: {  	_ =	shalt  }
0x61: {  	_ =	shalt  }
0x62: {  	_ =	shalt  }
0x63: {  	_ =	shalt  }
0x64: {  	_ =	shalt  }
0x65: {  	_ =	shalt  }
0x66: {  	_ =	shalt  }
0x67: {  	_ =	shalt  }
0x68: {  	_ =	shalt  }
0x69: {  	_ =	shalt  }
0x6a: {  	_ =	shalt  }
0x6b: {  	_ =	shalt  }
0x6c: {  	_ =	shalt  }
0x6d: {  	_ =	shalt  }
0x6e: {  	_ =	shalt  }
0x6f: {  	_ =	shalt  }
0x70: {  	_ =	shalt  }
0x71: {  	_ =	shalt  }
0x72: {  	_ =	shalt  }
0x73: {  	_ =	shalt  }
0x74: {  	_ =	shalt  }
0x75: {  	_ =	shalt  }
0x76: {  	_ =	shalt  }
0x77: {  	_ =	shalt  }
0x78: {  	_ =	shalt  }
0x79: {  	_ =	shalt  }
0x7a: {  	_ =	shalt  }
0x7b: {  	_ =	shalt  }
0x7c: {  	_ =	shalt  }
0x7d: {  	_ =	shalt  }
0x7e: {  	_ =	shalt  }
0x7f: {  	_ =	shalt  }
0x80: {  	_ =	shalt  }
0x81: {  	_ =	shalt  }
0x82: {  	_ =	shalt  }
0x83: {  	_ =	shalt  }
0x84: {  	_ =	shalt  }
0x85: {  	_ =	shalt  }
0x86: {  	_ =	shalt  }
0x87: {  	_ =	shalt  }
.Lfunc_end0:
.L_simem_size_0:
called_computation.13_lowered:
.L_overlay_start_0:
0x88: {  	s0 =	sld [smem:$0x3FD9]  }
0x89: {  	s1 =	sld [smem:$0x3FFE];
	_ =	sdelay $0x3  }
0x8a: {  	s0 =	sadd.s32 s1, s0  }
0x8b: {  	[smem:$0x3FB5] =	sst s0  }
0x8c: {  	_ = 	snop  }
0x8d: {  	(tm) =	ssettm $0x1  }
0x8e: {  	s15 =	sld [smem:$0x3FFB];
	_ =	sdelay $0x3  }
0x8f: {  	_ =	strace s15  }
0x90: {  	s0 =	sld [smem:$0x3FFC];
	_ =	sdelay $0x3  }
0x91: {  	_ =	strace s0  }
0x92: {  	s0 =	sld [smem:$0x3FFD];
	_ =	sdelay $0x3  }
0x93: {  	_ =	strace s0  }
0x94: {  	_ =	strace $0x8FFFFFFF  }
0x95: {  	s16 =	sld [smem:$0x3FDB];
	_ =	sdelay $0x1  }
0x96: {  	s17 =	simm.s32 $_scs_section_size  }
0x97: {  	s2 =	simm.s32 $_size__tile_overlayer_lowered;
	s3 =	simm.s32 $_tile_overlayer_lowered  }
0x98: {  	s20 =	simm.s32 $0x1BFF;
	s19 =	sshll.u32 s3, $0x1;
	s0 =	sadd.s32 s17, s16  }
0x99: {  	s4 =	simm.s32 $0x0;
	s18 =	sshll.u32 s2, $0x1;
	s2 =	sadd.s32 s19, s0  }
0x9a: {  	[timem:s4], [sflag:s20] =	dma.local [hbm:s2], s18  }
0x9b: {  	_ =	swait.ge [sflag:s20], s18  }
0x9c: {  	s1 =	ssub.s32 $0x0, s18;
	[sflag:s20] =	ssyncset.done $0x0  }
0x9d: {  	[sflag:s20] =	ssyncadd.s32 s1;
	_ =	sdelay $0x1  }
0x9e: {  	s21 =	simm.s32 $0x1B8B  }
0x9f: {  	_ =	swait.ge [sflag:s21], $0x1  }
0xa0: {  	[sflag:s21] =	ssyncset.done $0x0  }
0xa1: {  	s23 =	simm.s32 $0x1B8E;
	s22 =	sld [smem:$0x3FFE];
	[sflag:s21] =	ssyncadd.s32 $0xFFFFFFFF  }
0xa2: {  	s24 =	simm.s32 $execute0_lowered;
	[smem:$0x3FD2] =	sst s23  }
0xa3: {  	s2 =	sshll.u32 s24, $0x1;
	_ =	strace $0x8000005B;
	[dreg:$0x1] =	wrdreg $0xFFFFFFFF  }
0xa4: {  	s25 =	simm.s32 $_size_execute0_lowered;
	s0 =	sadd.s32 s0, s2;
	[dreg:$0x0] =	wrdreg $0x0  }
0xa5: {  	s2 =	sshll.u32 s25, $0x1;
	[dreg:$0x2] =	wrdreg s0  }
0xa6: {  	[dreg:$0x3] =	wrdreg s2  }
0xa7: {  	[dreg:$0x4] =	wrdreg $0xC0  }
0xa8: {  	_ =	task [dreg:s4], $0x5FFFF  }
0xa9: {  	[dreg:$0x1] =	wrdreg $0xFFFFFFFF  }
0xaa: {  	[dreg:$0x0] =	wrdreg $0x60  }
0xab: {  	[dreg:$0x2] =	wrdreg s22  }
0xac: {  	[dreg:$0x3] =	wrdreg $0xF  }
0xad: {  	_ =	task.clear_ibuf [dreg:s4], $0x4FFFF;
	_ =	strace $0x9000005B  }
0xae: {  	s26 =	simm.s32 $0xF;
	_ =	strace $0x8000005D  }
0xaf: {  	_ =	swait.ge [sflag:s26], $0x1  }
0xb0: {  	[sflag:s26] =	ssyncadd.s32 $0xFFFFFFFF  }
0xb1: {  	_ =	strace $0x9000005D  }
0xb2: {  	_ =	sfence  }
0xb3: {  	s28 =	sld [smem:$0x0];
	_ =	sdelay $0x1  }
0xb4: {  	s29 =	srdreg.scid  }
0xb5: {  	s30 =	sshll.u32 s29, $0xD;
	s31 =	sshrl.u32 s29, $0x2  }
0xb6: {  	s1 =	sand.u32 $0x1, s29;
	s2 =	sand.u32 $0x4000, s30;
	s0 =	sadd.s32 s31, s28  }
0xb7: {  	s1 =	sor.u32 s2, s1;
	s0 =	sshll.u32 s0, $0x11  }
0xb8: {  	s0 =	sor.u32 s0, s1  }
0xb9: {  	s0 =	sadd.s32 $0x8F2B, s0  }
0xba: {  	[sflag:s0] =	ssyncadd.remote.s32 $0x1  }
0xbb: {  	_ =	sfence.sel $0xFFFF  }
0xbc: {  	[dreg:$0x0] =	wrdreg $0xFFFFFFFF;
	(pc) =	sbr.abs _section_cstart, $3  }
0xbd: {  	[dreg:$0x1] =	wrdreg $0xFFFFFFFF  }
0xbe: {  	_ =	task.clear_ibuf [dreg:s4], $0x2FFFF;
	_ =	strace $0x9FFFFFFF  }
0xbf: {  	(tm) =	ssettm $0x7FFFFFFF  }
tec
execute0_lowered:
.L_overlay_start_1:
0x0: {  	(tag) =	ssettag $0x1  }
0x1: {  	s0 =	stileid.u32  }
0x2: {  	s1 =	smin.u32 s0, $0x9  }
0x3: {  	s1 =	sadd.s32 s0, s1  }
0x4: {  	s2 =	simm.s32 $0x310;
	p0 =	slt.u32 s0, $0x9;
	s1 =	smul.u32 $0x188, s1  }
0x5: {  	s2 =	simm.s32 @!p0 $0x188  }
0x6: {  	s2 =	sadd.s32 s2, s1  }
0x7: {  	s3 =	smin.u32 s2, $0x2648  }
0x8: {  	s7 =	ssub.s32 s3, s1  }
0x9: {  	p0 =	sgt.s32 s7, $0x0  }
0xa: {  	s7 =	simm.s32 @!p0 $0x0  }
0xb: {  	s31 =	sand.u32 $0xFFF8, s7  }
0xc: {  	s2 =	sshrl.u32 s31, $0x3  }
0xd: {  	s4 =	smul.u32 $0xA73, s2  }
0xe: {  	s9 =	rddreg [dreg:$0x0];
	s6 =	simm.s32 $0x1;
	s11 =	simm.s32 $0x3  }
0xf: {  	s13 =	simm.s32 $0x0;
	s12 =	simm.s32 $0x0;
	s8 =	sshrl.u32 s4, $0x11  }
0x10: {  	s2 =	rddreg [dreg:$0x1];
	_ =	strace $0x8000005C;
	s10 =	smul.u32 $0x188, s8  }
.Ltmp0:
0x11: {  	s5 =	sadd.s32 $0x109C00, s9;
	[sflag:s6] =	ssyncpa.u1 $0x0;
	(pc) =	sbr.rel .LBB2_1-.Ltmp0, $4  }
0x12: {  	s4 =	sadd.s32 $0x200, s9;
	p0 =	sne.s32 s7, s10;
	s10 =	simm.s32 $0x1  }
0x13: {  	s9 =	sadd.s32 $0x132C00, s9;
	s7 =	simm.s32 $0x2;
	s10 =	simm.s32 @!p0 $0x0  }
0x14: {  	[sflag:s7] =	ssyncpa.u1 $0x0;
	p0 =	por $0x0, $0x0;
	s8 =	sadd.s32 s8, s10  }
0x15: {  	vm0 =	vmmov $0xff;
	vm1 =	vcmask $0x3F20;
	[sflag:s11] =	ssyncpa.u1 $0x0;
	s11 =	smov.u32 s1;
	s10 =	sadd.s32 $0x1, s8  }
.LBB2_6:
0x16: {  	[hbm:s17] =	stream.linear.scatter [tilespmem:s14], [sflag:$0x3], $0x400, $0x38;
	[tilespmem:$0x18B10] =	vst v63  }
.LBB2_7:
0x17: {  	s13 =	sadd.s32 $0x188, s11  }
0x18: {  	s15 =	smov.u32 s1;
	p2 =	slt.s32 s13, s3  }
0x19: {  	s15 =	smov.u32 @p2 s13;
	p2 =	sne.s32 s12, s10  }
.Ltmp1:
0x1a: {  	p1 =	slt.u32 s12, $0x2;
	(pc) =	sbr.rel @!p2 .LBB2_8-.Ltmp1, $4  }
0x1b: {  	s14 =	simm.s32 @!p1 $0x3  }
0x1c: {  	s16 =	sadd.s32 $0x1, s12;
	_ =	swait.ge @!p1 [sflag:s14], $0xC400  }
0x1d: {  	p0 =	por !p0, !p0;
	s13 =	smov.u32 s11;
	[sflag:s14] =	ssyncset.done @!p1 $0x0  }
0x1e: {  	s12 =	smov.u32 s16;
	s11 =	smov.u32 s15;
	[sflag:s14] =	ssyncadd.s32 @!p1 $0xFFFF3C00  }
.LBB2_1:
0x1f: {  	p1 =	sge.u32 s12, s8  }
0x20: {  	s14 =	sxor.u32 @!p1 $0xFFFFFFFF, s12  }
0x21: {  	s14 =	sand.u32 @!p1 $0x1, s14  }
0x22: {  	s14 =	smul.u32 @!p1 $0x620, s14  }
0x23: {  	s31 =	sadd.s32 $0xFFFFFFFF, s12;
	s15 =	sshrl.u32 @!p1 s11, $0x3  }
0x24: {  	s16 =	sand.u32 @!p1 $0x7, s11;
	s15 =	sadd.s32 @!p1 s5, s15;
	s14 =	sshrl.u32 @!p1 s14, $0x2  }
0x25: {  	[tilespmem:s14], [sflag:$0x2] =	stream.linear.gather @!p1 [hbm4b:s15+s16], $0x188, $0x38;
	[tilespmem:$0x18B10] =	vst v63  }
0x26: {  	p1 =	sge.u32 s31, s8  }
.Ltmp2:
0x27: {  	_ = 	snop;
	(pc) =	sbr.rel @p1 .LBB2_7-.Ltmp2, $1  }
0x28: {  	_ =	sdelay $0x3  }
0x29: {  	s14 =	simm.s32 $0x1  }
0x2a: {  	s14 =	simm.s32 @!p0 $0x0  }
0x2b: {  	s15 =	smul.u32 $0x620, s14  }
0x2c: {  	_ =	swait.ge [sflag:s7], $0x188  }
0x2d: {  	[sflag:s7] =	ssyncset.done $0x0;
	s17 =	sshrl.u32 s15, $0x2  }
0x2e: {  	[sflag:s7] =	ssyncadd.s32 $0xFFFFFE78;
	s15 =	sadd.s32 $0x0, s17  }
0x2f: {  	v0 =	vld.msk [tilespmem:s15+$0x0 ss:$0x1], $0xffff;
	_ =	sdelay $0x4  }
0x30: {  	v1 =	vshrl.u32 v0, $0x1  }
0x31: {  	vm2 =	veq.s32 v0, $0x80000000;
	v0 =	vshll.u32 v0, $0xF;
	v1 =	vand.u32 $0x7F80, v1  }
0x32: {  	v0 =	vand.u32 $0x7F8000, v0;
	v1 =	vsel vm2, $0xFFFFFF80, v1  }
0x33: {  	v0 =	vsel vm2, $0xFFFF8000, v0;
	v2 =	vand.u32 $0xFFFFFC00, v1  }
0x34: {  	v1 =	vand.u32 $0x380, v1;
	v0 =	vadd.s32 v0, v2  }
0x35: {  	v0 =	vor.u32 v1, v0  }
0x36: {  	v0 =	vshrl.u32 v0, $0x3  }
0x37: {  	s14 =	smul.u32 $0x31000, s14  }
0x38: {  	s31 =	sand.u32 $0x1, s12  }
0x39: {  	s16 =	smul.u32 $0x620, s31;
	s14 =	sshrl.u32 s14, $0x2  }
0x3a: {  	s19 =	smul.u32 $0x31000, s31;
	s14 =	sor.u32 $0x310, s14  }
0x3b: {  	[tilespmem:s14], [sflag:$0x1] =	stream.indirect_vreg.gather [hbm:s4], $0x80, v0, vm0, $0x38;
	[tilespmem:$0x18B10] =	vst v63  }
0x3c: {  	s18 =	sshrl.u32 s16, $0x2;
	s20 =	sadd.s32 $0x10, s17;
	s15 =	sadd.s32 $0x400, s14  }
0x3d: {  	[tilespmem:s15], [sflag:$0x1] =	stream.indirect_vreg.gather [hbm:s4], $0x80, v0, vm1, $0x38;
	[tilespmem:$0x18B10] =	vst v63  }
0x3e: {  	s16 =	sshrl.u32 s19, $0x2;
	s19 =	smov.u32 s14;
	v0 =	vld.msk [tilespmem:s20+$0x0 ss:$0x1], $0xffff;
	s20 =	simm.s32 $0x80  }
.LBB2_3:
0x3f: {  	p1 =	sne.s32 s20, $0x5C0;
	_ =	sdelay $0x4  }
0x40: {  	v1 =	vshrl.u32 v0, $0x1  }
0x41: {  	vm2 =	veq.s32 v0, $0x80000000;
	v0 =	vshll.u32 v0, $0xF;
	v1 =	vand.u32 $0x7F80, v1  }
0x42: {  	v0 =	vand.u32 $0x7F8000, v0;
	v1 =	vsel vm2, $0xFFFFFF80, v1  }
0x43: {  	v0 =	vsel vm2, $0xFFFF8000, v0;
	v2 =	vand.u32 $0xFFFFFC00, v1  }
0x44: {  	v1 =	vand.u32 $0x380, v1;
	v0 =	vadd.s32 v0, v2  }
0x45: {  	v0 =	vor.u32 v1, v0  }
0x46: {  	v0 =	vshrl.u32 v0, $0x3;
	_ =	sdelay $0x3  }
.Ltmp3:
0x47: {  	s21 =	sshra.s32 s20, $0x2;
	s19 =	sadd.s32 $0x800, s19;
	(pc) =	sbr.rel @p1 .LBB2_3-.Ltmp3, $4  }
0x48: {  	[tilespmem:s19], [sflag:$0x1] =	stream.indirect_vreg.gather [hbm:s4], $0x80, v0, vm0, $0x38;
	[tilespmem:$0x18B10] =	vst v63  }
0x49: {  	s21 =	sadd.s32 s21, s17;
	s22 =	sadd.s32 $0x400, s19  }
0x4a: {  	[tilespmem:s22], [sflag:$0x1] =	stream.indirect_vreg.gather [hbm:s4], $0x80, v0, vm1, $0x38;
	[tilespmem:$0x18B10] =	vst v63  }
0x4b: {  	s20 =	sadd.s32 $0x40, s20;
	v0 =	vld.msk [tilespmem:s21+$0x0 ss:$0x1], $0xffff  }
0x4c: {  	_ =	sdelay $0x3  }
0x4d: {  	v1 =	vshrl.u32 v0, $0x1  }
0x4e: {  	vm2 =	veq.s32 v0, $0x80000000;
	v61 =	vshll.u32 v0, $0xF;
	v1 =	vand.u32 $0x7F80, v1  }
0x4f: {  	v0 =	vand.u32 $0x7F8000, v61;
	v1 =	vsel vm2, $0xFFFFFF80, v1  }
0x50: {  	v0 =	vsel vm2, $0xFFFF8000, v0;
	v2 =	vand.u32 $0xFFFFFC00, v1  }
0x51: {  	v1 =	vand.u32 $0x380, v1;
	v0 =	vadd.s32 v0, v2  }
0x52: {  	v0 =	vor.u32 v1, v0  }
0x53: {  	v0 =	vshrl.u32 v0, $0x3;
	_ =	sdelay $0x3  }
0x54: {  	s17 =	sadd.s32 $0x800, s19  }
0x55: {  	[tilespmem:s17], [sflag:$0x1] =	stream.indirect_vreg.gather [hbm:s4], $0x80, v0, vm0, $0x38;
	[tilespmem:$0x18B10] =	vst v63  }
0x56: {  	s17 =	sadd.s32 $0x400, s17  }
0x57: {  	[tilespmem:s17], [sflag:$0x1] =	stream.indirect_vreg.gather [hbm:s4], $0x80, v0, vm1, $0x38;
	[tilespmem:$0x18B10] =	vst v63  }
0x58: {  	v0 =	vld.msk [tilespmem:s18+$0x180 ss:$0x1], $0xff;
	_ =	sdelay $0x4  }
0x59: {  	v62 =	vshrl.u32 v0, $0x1  }
0x5a: {  	vm2 =	veq.s32 v0, $0x80000000;
	v0 =	vshll.u32 v0, $0xF;
	v1 =	vand.u32 $0x7F80, v62  }
0x5b: {  	v0 =	vand.u32 $0x7F8000, v0;
	v1 =	vsel vm2, $0xFFFFFF80, v1  }
0x5c: {  	v0 =	vsel vm2, $0xFFFF8000, v0;
	v63 =	vand.u32 $0xFFFFFC00, v1  }
0x5d: {  	v1 =	vand.u32 $0x380, v1;
	v0 =	vadd.s32 v0, v63  }
0x5e: {  	v0 =	vor.u32 v1, v0  }
0x5f: {  	v0 =	vshrl.u32 v0, $0x3;
	_ =	sdelay $0x3  }
0x60: {  	s16 =	sadd.s32 $0xC310, s16  }
0x61: {  	[tilespmem:s16], [sflag:$0x1] =	stream.indirect_vreg.gather [hbm:s4], $0x80, v0, vm0, $0x38;
	[tilespmem:$0x18B10] =	vst v63  }
0x62: {  	s13 =	sshll.u32 s13, $0x4;
	_ =	swait.ge [sflag:s6], $0xC400  }
0x63: {  	s13 =	sadd.s32 s13, s9;
	[sflag:s6] =	ssyncset.done $0x0  }
0x64: {  	s17 =	sadd.s32 $0x0, s13;
	s16 =	simm.s32 $0x80;
	[sflag:s6] =	ssyncadd.s32 $0xFFFF3C00  }
.LBB2_5:
0x65: {  	[hbm:s17] =	stream.linear.scatter [tilespmem:s14], [sflag:$0x3], $0x400, $0x38;
	[tilespmem:$0x18B10] =	vst v63  }
0x66: {  	s17 =	smov.u32 s16;
	s14 =	smov.u32 s15;
	p1 =	sne.s32 s16, $0x1800  }
.Ltmp4:
0x67: {  	s16 =	sadd.s32 $0x80, s16;
	(pc) =	sbr.rel @p1 .LBB2_5-.Ltmp4, $2  }
0x68: {  	_ =	sdelay $0x2  }
0x69: {  	s15 =	sadd.s32 $0x400, s15;
	s17 =	sadd.s32 s17, s13  }
.Ltmp5:
0x6a: {  	_ = 	snop;
	(pc) =	sbr.rel .LBB2_6-.Ltmp5, $1  }
0x6b: {  	_ =	sdelay $0x3  }
.LBB2_8:
0x6c: {  	_ =	sfence.sel $0x180000  }
0x6d: {  	s1 =	simm.s32 $0x2;
	[bflag:$0x0] =	sbarrier.arrive $0xFFFF  }
0x6e: {  	s30 =	simm.s32 $0x3;
	[sflag:s1] =	ssyncpa.u1 $0x1  }
0x6f: {  	s31 =	simm.s32 $0x1;
	[sflag:s30] =	ssyncpa.u1 $0x1  }
0x70: {  	[sflag:s31] =	ssyncpa.u1 $0x1  }
0x71: {  	p0 =	sne.s32 s0, $0x0;
	_ =	strace $0x9000005C  }
0x72: {  	s0 =	sadd.s32 @!p0 $0x100000, s2;
	[bflag:$0x2] =	sbarrier.arrive $0xFFFF  }
0x73: {  	[sflag:s0] =	ssyncadd.tile.s32 @!p0 $0x1;
	_ =	shalt  }
.Lfunc_end2:
_tile_overlayer_lowered:
.L_overlay_start_2:
0x74: {  	(tag) =	ssettag $0x2  }
0x75: {  	s0 =	rddreg [dreg:$0x0];
	s2 =	stileid.u32  }
0x76: {  	s1 =	rddreg [dreg:$0x1];
	p0 =	sne.s32 s2, $0x0  }
0x77: {  	s3 =	rddreg [dreg:$0x2];
	[bflag:$0x3] =	sbarrier.arrive $0xFFFF;
	s2 =	simm.s32 @!p0 $0x1C01  }
0x78: {  	[timem:s3], [sflag:s2] =	dma.local @!p0 [hbm:s0], s1  }
0x79: {  	s0 =	simm.s32 @!p0 $0x1  }
0x7a: {  	_ =	swait.ge @!p0 [sflag:s0], s1  }
0x7b: {  	s1 =	ssub.s32 @!p0 $0x0, s1;
	[sflag:s0] =	ssyncset.done @!p0 $0x0  }
0x7c: {  	[sflag:s0] =	ssyncadd.s32 @!p0 s1  }
0x7d: {  	[bflag:$0x3] =	sbarrier.arrive $0xFFFF  }
0x7e: {  	_ =	shalt  }

// kernel: gather_offload_async_start.1
scs
__scs_entry_jumppad:
0x0: {  	(pc) =	sbr.rel $0x88, $3  }
0x1: {  	(tag) =	ssettag $0x0;
	lr =	simm.s32 $0x1  }
0x2: {  	[smem:$0x3F8E] =	sst lr;
	_ =	strace $0xD0000000  }
0x3: {  	_ = 	snop  }
0x4: {  	_ = 	snop  }
0x5: {  	_ = 	snop  }
0x6: {  	_ = 	snop  }
0x7: {  	_ = 	snop  }
__scs_overlays_trampoline_lowered:
0x8: {  	[smem:$0x3F9D] =	sst s0  }
0x9: {  	[smem:$0x3F9E] =	sst s1  }
0xa: {  	[smem:$0x3F9F] =	sst s2  }
0xb: {  	[smem:$0x3FA0] =	sst s3  }
0xc: {  	[smem:$0x3FA1] =	sst s4  }
0xd: {  	[smem:$0x3FA2] =	sst s5  }
0xe: {  	[smem:$0x3FA3] =	sst s6  }
0xf: {  	[smem:$0x3FA4] =	sst s7  }
0x10: {  	[smem:$0x3FA5] =	sst s8  }
0x11: {  	[smem:$0x3FA6] =	sst s9;
	s0 =	simm.s32 @!p0 $0x0  }
0x12: {  	s1 =	sld [smem:$0x3F8C];
	s0 =	simm.s32 @p0 $0x1  }
0x13: {  	[smem:$0x3FA7] =	sst s0;
	s0 =	simm.s32 @!p1 $0x0  }
0x14: {  	s2 =	sld [smem:$0x3F8B];
	s0 =	simm.s32 @p1 $0x1  }
0x15: {  	[smem:$0x3FA8] =	sst s0;
	s0 =	simm.s32 @!p2 $0x0  }
0x16: {  	s3 =	sld [smem:$0x3FDB];
	s0 =	simm.s32 @p2 $0x1  }
0x17: {  	s4 =	simm.s32 $0x1BF5;
	[smem:$0x3FAA] =	sst s0  }
0x18: {  	s0 =	sld [smem:$0x3F8D];
	_ =	swait.ge [sflag:s4], $0x0  }
0x19: {  	s7 =	sld [smem:$0x3F8E]  }
0x1a: {  	s8 =	sadd.s32 $0xFFFFE003, lr  }
0x1b: {  	s9 =	sadd.s32 $0xFFFFFEF7, lr;
	s5 =	simm.s32 $0xFFFFFFFF;
	p2 =	slt.u32 s8, $0xFFFFF086  }
0x1c: {  	p1 =	slt.u32 s9, $0xF7A;
	s5 =	simm.s32 @!p2 $0x0  }
0x1d: {  	s5 =	simm.s32 @p1 $0x1;
	p0 =	seq.s32 s7, s2  }
0x1e: {  	s7 =	smul.u32 @!p0 $0xF7A, s2;
	p2 =	seq.s32 @!p0 s5, $0x0  }
0x1f: {  	s9 =	smul.u32 $0xF7A, s1;
	s8 =	simm.s32 @!p0 $0x1BF5;
	p2 =	por !p2, p0  }
0x20: {  	[sflag:s8] =	ssyncset.s32 @!p0 $0xFFFFF086;
	s6 =	sadd.s32 @!p0 s3, s7;
	s7 =	simm.s32 @!p0 $0x108  }
0x21: {  	s3 =	sadd.s32 s3, s9;
	s6 =	sadd.s32 @!p0 $0x88, s6;
	s7 =	simm.s32 @p2 $0x1082  }
0x22: {  	[simem:s7], [sflag:s8] =	dma.local @!p0 [hbm:s6], $0xF7A  }
0x23: {  	s9 =	sor.u32 $0xD0000000, s2;
	s6 =	simm.s32 $0x108;
	_ =	swait.ge @!p0 [sflag:s8], $0x0  }
0x24: {  	s3 =	sadd.s32 $0x88, s3;
	s6 =	simm.s32 @!p1 $0x1082;
	[sflag:s4] =	ssyncset.s32 $0xFFFFF086  }
0x25: {  	[simem:s6], [sflag:s4] =	dma.local [hbm:s3], $0xF7A  }
0x26: {  	[smem:$0x3F8E] =	sst s1;
	(tag) =	ssettag s2;
	_ =	strace s9  }
0x27: {  	s1 =	sld [smem:$0x3F9E]  }
0x28: {  	s2 =	sld [smem:$0x3F9F]  }
0x29: {  	s4 =	sld [smem:$0x3FA1]  }
0x2a: {  	p0 =	seq.s32 s5, $0x0;
	s5 =	sld [smem:$0x3FA2]  }
0x2b: {  	s6 =	sld [smem:$0x3FA3]  }
0x2c: {  	s7 =	sld [smem:$0x3FA4]  }
0x2d: {  	s3 =	simm.s32 $0x108;
	s8 =	sld [smem:$0x3FA5]  }
0x2e: {  	s3 =	simm.s32 @!p0 $0x1082;
	s9 =	sld [smem:$0x3FA6]  }
0x2f: {  	lr =	sadd.s32 s0, s3;
	s0 =	sld [smem:$0x3F9D]  }
0x30: {  	s3 =	sld [smem:$0x3FA0]  }
0x31: {  	[smem:$0x3FA9] =	sst s10  }
0x32: {  	s10 =	sld [smem:$0x3FA7];
	_ =	sdelay $0x3  }
0x33: {  	p0 =	seq.s32 s10, $0x1;
	s10 =	sld [smem:$0x3FA9];
	_ =	sdelay $0x3  }
0x34: {  	[smem:$0x3FA9] =	sst s10  }
0x35: {  	s10 =	sld [smem:$0x3FA8];
	_ =	sdelay $0x3  }
0x36: {  	p1 =	seq.s32 s10, $0x1;
	s10 =	sld [smem:$0x3FA9];
	_ =	sdelay $0x3  }
0x37: {  	[smem:$0x3FA9] =	sst s10  }
0x38: {  	s10 =	sld [smem:$0x3FAA]  }
0x39: {  	_ = 	snop;
	(pc) =	sbr.ind lr, $3  }
0x3a: {  	_ = 	snop  }
0x3b: {  	_ = 	snop  }
0x3c: {  	p2 =	seq.s32 s10, $0x1;
	s10 =	sld [smem:$0x3FA9]  }
0x3d: {  	_ =	shalt  }
0x3e: {  	_ =	shalt  }
0x3f: {  	_ =	shalt  }
0x40: {  	_ =	shalt  }
0x41: {  	_ =	shalt  }
0x42: {  	_ =	shalt  }
0x43: {  	_ =	shalt  }
0x44: {  	_ =	shalt  }
0x45: {  	_ =	shalt  }
0x46: {  	_ =	shalt  }
0x47: {  	_ =	shalt  }
0x48: {  	_ =	shalt  }
0x49: {  	_ =	shalt  }
0x4a: {  	_ =	shalt  }
0x4b: {  	_ =	shalt  }
0x4c: {  	_ =	shalt  }
0x4d: {  	_ =	shalt  }
0x4e: {  	_ =	shalt  }
0x4f: {  	_ =	shalt  }
0x50: {  	_ =	shalt  }
0x51: {  	_ =	shalt  }
0x52: {  	_ =	shalt  }
0x53: {  	_ =	shalt  }
0x54: {  	_ =	shalt  }
0x55: {  	_ =	shalt  }
0x56: {  	_ =	shalt  }
0x57: {  	_ =	shalt  }
0x58: {  	_ =	shalt  }
0x59: {  	_ =	shalt  }
0x5a: {  	_ =	shalt  }
0x5b: {  	_ =	shalt  }
0x5c: {  	_ =	shalt  }
0x5d: {  	_ =	shalt  }
0x5e: {  	_ =	shalt  }
0x5f: {  	_ =	shalt  }
0x60: {  	_ =	shalt  }
0x61: {  	_ =	shalt  }
0x62: {  	_ =	shalt  }
0x63: {  	_ =	shalt  }
0x64: {  	_ =	shalt  }
0x65: {  	_ =	shalt  }
0x66: {  	_ =	shalt  }
0x67: {  	_ =	shalt  }
0x68: {  	_ =	shalt  }
0x69: {  	_ =	shalt  }
0x6a: {  	_ =	shalt  }
0x6b: {  	_ =	shalt  }
0x6c: {  	_ =	shalt  }
0x6d: {  	_ =	shalt  }
0x6e: {  	_ =	shalt  }
0x6f: {  	_ =	shalt  }
0x70: {  	_ =	shalt  }
0x71: {  	_ =	shalt  }
0x72: {  	_ =	shalt  }
0x73: {  	_ =	shalt  }
0x74: {  	_ =	shalt  }
0x75: {  	_ =	shalt  }
0x76: {  	_ =	shalt  }
0x77: {  	_ =	shalt  }
0x78: {  	_ =	shalt  }
0x79: {  	_ =	shalt  }
0x7a: {  	_ =	shalt  }
0x7b: {  	_ =	shalt  }
0x7c: {  	_ =	shalt  }
0x7d: {  	_ =	shalt  }
0x7e: {  	_ =	shalt  }
0x7f: {  	_ =	shalt  }
0x80: {  	_ =	shalt  }
0x81: {  	_ =	shalt  }
0x82: {  	_ =	shalt  }
0x83: {  	_ =	shalt  }
0x84: {  	_ =	shalt  }
0x85: {  	_ =	shalt  }
0x86: {  	_ =	shalt  }
0x87: {  	_ =	shalt  }
.Lfunc_end0:
.L_simem_size_0:
called_computation.3_lowered:
.L_overlay_start_0:
0x88: {  	s2 =	sld [smem:$0x3FD9]  }
0x89: {  	s3 =	sld [smem:$0x3FFE];
	_ =	sdelay $0x1  }
0x8a: {  	s1 =	srdreg.scid  }
0x8b: {  	s0 =	sand.u32 $0x1, s1  }
0x8c: {  	s17 =	sshll.u32 s0, $0xA;
	s2 =	sadd.s32 s3, s2  }
0x8d: {  	s2 =	sadd.s32 s2, s17  }
0x8e: {  	[smem:$0x3FB5] =	sst s2  }
0x8f: {  	_ = 	snop  }
0x90: {  	s18 =	sld [smem:$0x3FD0];
	(tm) =	ssettm $0x1  }
0x91: {  	s19 =	sld [smem:$0x3FFB];
	_ =	sdelay $0x3  }
0x92: {  	_ =	strace s19  }
0x93: {  	s2 =	sld [smem:$0x3FFC];
	_ =	sdelay $0x3  }
0x94: {  	_ =	strace s2  }
0x95: {  	s2 =	sld [smem:$0x3FFD];
	_ =	sdelay $0x3  }
0x96: {  	_ =	strace s2  }
0x97: {  	_ =	strace $0x8FFFFFFF  }
0x98: {  	s20 =	sld [smem:$0x3FDB];
	_ =	sdelay $0x1  }
0x99: {  	s4 =	simm.s32 $_scs_section_size  }
0x9a: {  	s5 =	simm.s32 $_size__tile_overlayer_lowered;
	s6 =	simm.s32 $_tile_overlayer_lowered  }
0x9b: {  	s7 =	simm.s32 $0x1BFF;
	s21 =	sshll.u32 s6, $0x1;
	s4 =	sadd.s32 s4, s20  }
0x9c: {  	s22 =	simm.s32 $0x0;
	s5 =	sshll.u32 s5, $0x1;
	s6 =	sadd.s32 s21, s4  }
0x9d: {  	[timem:s22], [sflag:s7] =	dma.local [hbm:s6], s5  }
0x9e: {  	_ =	swait.ge [sflag:s7], s5  }
0x9f: {  	s5 =	ssub.s32 $0x0, s5;
	[sflag:s7] =	ssyncset.done $0x0  }
0xa0: {  	[sflag:s7] =	ssyncadd.s32 s5;
	_ =	sdelay $0x1  }
0xa1: {  	s23 =	simm.s32 $0x1B8B  }
0xa2: {  	_ =	swait.ge [sflag:s23], $0x1  }
0xa3: {  	[sflag:s23] =	ssyncset.done $0x0  }
0xa4: {  	[sflag:s23] =	ssyncadd.s32 $0xFFFFFFFF  }
0xa5: {  	s5 =	sld [smem:$0x0]  }
0xa6: {  	s6 =	sand.u32 $0xFFFFFFFE, s1  }
0xa7: {  	p0 =	sne.s32 s1, s6  }
0xa8: {  	s6 =	sshll.u32 @p0 s6, $0xE  }
0xa9: {  	s6 =	sadd.s32 @p0 $0x11B8D, s6;
	s7 =	sshll.u32 @p0 s5, $0x11  }
0xaa: {  	s6 =	sor.u32 @p0 s7, s6  }
0xab: {  	[sflag:s6] =	ssyncadd.remote.s32 @p0 $0x1;
	_ =	sdelay $0x1  }
0xac: {  	s6 =	simm.s32 @p0 $0x1B8D  }
0xad: {  	_ =	swait.eq @p0 [sflag:s6], $0x1  }
0xae: {  	[sflag:s6] =	ssyncadd.s32 @p0 $0xFFFFFFFF  }
0xaf: {  	s7 =	sshll.u32 @!p0 s1, $0xE  }
0xb0: {  	s7 =	sor.u32 @!p0 $0x4000, s7;
	s6 =	simm.s32 @!p0 $0x1B8D  }
0xb1: {  	s5 =	sshll.u32 @!p0 s5, $0x11;
	s7 =	sadd.s32 @!p0 $0x11B8D, s7;
	_ =	swait.eq @!p0 [sflag:s6], $0x1  }
0xb2: {  	s5 =	sor.u32 @!p0 s5, s7;
	[sflag:s6] =	ssyncadd.s32 @!p0 $0xFFFFFFFF  }
0xb3: {  	s25 =	simm.s32 $0x1B8E;
	s24 =	sld [smem:$0x3FFE];
	[sflag:s5] =	ssyncadd.remote.s32 @!p0 $0x1  }
0xb4: {  	s26 =	simm.s32 $execute0_lowered;
	[smem:$0x3FD2] =	sst s25  }
0xb5: {  	s6 =	sshll.u32 s26, $0x1;
	_ =	strace $0x80000049;
	[dreg:$0x1] =	wrdreg $0xFFFFFFFF  }
0xb6: {  	s28 =	simm.s32 $_size_execute0_lowered;
	s4 =	sadd.s32 s4, s6;
	[dreg:$0x0] =	wrdreg $0x0  }
0xb7: {  	s6 =	sshll.u32 s28, $0x1;
	[dreg:$0x2] =	wrdreg s4  }
0xb8: {  	[dreg:$0x3] =	wrdreg s6  }
0xb9: {  	[dreg:$0x4] =	wrdreg $0xC0  }
0xba: {  	_ =	task [dreg:s22], $0x5FFFF  }
0xbb: {  	[dreg:$0x1] =	wrdreg $0xFFFFFFFF  }
0xbc: {  	[dreg:$0x0] =	wrdreg $0x60  }
0xbd: {  	[dreg:$0x2] =	wrdreg s24  }
0xbe: {  	[dreg:$0x3] =	wrdreg s18  }
0xbf: {  	[dreg:$0x4] =	wrdreg $0xB  }
0xc0: {  	_ =	task.clear_ibuf [dreg:s22], $0x5FFFF;
	_ =	strace $0x90000049  }
0xc1: {  	s29 =	simm.s32 $0xB;
	_ =	strace $0x8000004B  }
0xc2: {  	_ =	swait.ge [sflag:s29], $0x1  }
0xc3: {  	[sflag:s29] =	ssyncadd.s32 $0xFFFFFFFF  }
0xc4: {  	_ =	strace $0x9000004B  }
0xc5: {  	_ =	sfence  }
0xc6: {  	s30 =	sld [smem:$0x0];
	_ =	sdelay $0x2  }
0xc7: {  	s31 =	sshll.u32 s1, $0xD;
	s1 =	sshrl.u32 s1, $0x2  }
0xc8: {  	s4 =	sand.u32 $0x4000, s31;
	s1 =	sadd.s32 s1, s30  }
0xc9: {  	s0 =	sor.u32 s4, s0;
	s1 =	sshll.u32 s1, $0x11  }
0xca: {  	s0 =	sor.u32 s1, s0  }
0xcb: {  	s0 =	sadd.s32 $0x8F2B, s0  }
0xcc: {  	[sflag:s0] =	ssyncadd.remote.s32 $0x1  }
0xcd: {  	_ =	sfence.sel $0xFFFF  }
0xce: {  	[dreg:$0x0] =	wrdreg $0xFFFFFFFF;
	(pc) =	sbr.abs _section_cstart, $3  }
0xcf: {  	[dreg:$0x1] =	wrdreg $0xFFFFFFFF  }
0xd0: {  	_ =	task.clear_ibuf [dreg:s22], $0x2FFFF;
	_ =	strace $0x9FFFFFFF  }
0xd1: {  	(tm) =	ssettm $0x7FFFFFFF  }
tec
execute0_lowered:
.L_overlay_start_1:
0x0: {  	(tag) =	ssettag $0x1  }
0x1: {  	s1 =	srdreg.scid  }
0x2: {  	s6 =	rddreg [dreg:$0x0];
	s0 =	stileid.u32  }
0x3: {  	s9 =	rddreg [dreg:$0x1];
	s4 =	simm.s32 $0x1;
	s5 =	simm.s32 $0x2  }
0x4: {  	s12 =	simm.s32 $0x0;
	s11 =	simm.s32 $0x0;
	s1 =	sshll.u32 s1, $0x7  }
0x5: {  	s2 =	sshll.u32 s0, $0x8;
	s3 =	sand.u32 $0x80, s1;
	s1 =	rddreg [dreg:$0x2]  }
0x6: {  	_ =	strace $0x8000004A;
	s2 =	sor.u32 s2, s3;
	s3 =	sadd.s32 $0x10C800, s6  }
0x7: {  	[sflag:s4] =	ssyncpa.u1 $0x0;
	s6 =	sadd.s32 $0x154800, s6;
	s7 =	ssub.s32 $0x800, s2  }
.Ltmp0:
0x8: {  	s10 =	sshrl.u32 s2, $0x3;
	p0 =	sgt.s32 s7, $0x0;
	(pc) =	sbr.rel .LBB2_1-.Ltmp0, $4  }
0x9: {  	[sflag:s5] =	ssyncpa.u1 $0x0;
	s9 =	sadd.s32 s9, s10;
	s7 =	simm.s32 @!p0 $0x0  }
0xa: {  	s10 =	simm.s32 $0x0;
	s8 =	sand.u32 $0xF80, s7;
	s7 =	simm.s32 $0x3  }
0xb: {  	p0 =	sne.s32 s8, $0x0;
	s8 =	simm.s32 $0x1;
	[sflag:s7] =	ssyncpa.u1 $0x0  }
0xc: {  	vm0 =	vmmov $0xffff;
	v0 =	vlaneseq.u32;
	s8 =	simm.s32 @!p0 $0x0;
	s7 =	simm.s32 @!p0 $0x2;
	p0 =	por $0x0, $0x0  }
.LBB2_4:
0xd: {  	_ =	sdelay $0x3  }
0xe: {  	[tilespmem:s20], [sflag:$0x1] =	stream.indirect_vreg.gather [hbm4b:s3+s10], $0x1, v1, vm0, $0x4038;
	[tilespmem:$0x500] =	vst v63  }
0xf: {  	s14 =	sadd.s32 s16, s14  }
0x10: {  	v1 =	vld.msk [tilespmem:s14+$0x0 ss:$0x1], $0xffff;
	_ =	sdelay $0x4  }
0x11: {  	vm1 =	vgt.s32 v1, $0x0  }
0x12: {  	p1 =	sgt.s32 s17, $0x0;
	v1 =	vnsel vm1, $0x0, v1  }
0x13: {  	s17 =	simm.s32 @!p1 $0x0;
	v1 =	vmin.u32 v1, $0x8FFFF  }
0x14: {  	s26 =	smin.u32 s17, $0x10;
	v2 =	vshll.u32 v1, $0x2  }
0x15: {  	v3 =	vmov s26;
	v1 =	vand.u32 $0x7F, v1;
	v2 =	vand.u32 $0x3FFE00, v2  }
0x16: {  	vm1 =	vgt.u32 v3, v0;
	v1 =	vor.u32 v1, v2  }
0x17: {  	v2 =	vnsel vm1, $0x7FFFFFFF, v1;
	_ =	sdelay $0x1  }
0x18: {  	v3 =	vor.u32 $0x80, v1  }
0x19: {  	(ifvalue) =	ssetifvalue $0x7FFFFFFF;
	v3 =	vnsel vm1, $0x7FFFFFFF, v3  }
0x1a: {  	s28 =	sadd.s32 s16, s15;
	(ifvalue) =	ssetifvalue $0x7FFFFFFF  }
0x1b: {  	v4 =	vor.u32 $0x100, v1;
	[tilespmem:s28], [sflag:$0x1] =	stream.indirect_vreg.gather [hbm4b:s3+s10], $0x1, v2, vm0, $0x4038;
	[tilespmem:$0x500] =	vst v63  }
0x1c: {  	(ifvalue) =	ssetifvalue $0x7FFFFFFF;
	v2 =	vnsel vm1, $0x7FFFFFFF, v4  }
0x1d: {  	s15 =	sadd.s32 $0x80, s28;
	(ifvalue) =	ssetifvalue $0x7FFFFFFF  }
0x1e: {  	v1 =	vor.u32 $0x180, v1;
	[tilespmem:s15], [sflag:$0x1] =	stream.indirect_vreg.gather [hbm4b:s3+s10], $0x1, v3, vm0, $0x4038;
	[tilespmem:$0x500] =	vst v63  }
0x1f: {  	v1 =	vnsel vm1, $0x7FFFFFFF, v1;
	(ifvalue) =	ssetifvalue $0x7FFFFFFF  }
0x20: {  	s29 =	sadd.s32 $0x100, s28;
	(ifvalue) =	ssetifvalue $0x7FFFFFFF  }
0x21: {  	[tilespmem:s29], [sflag:$0x1] =	stream.indirect_vreg.gather [hbm4b:s3+s10], $0x1, v2, vm0, $0x4038;
	[tilespmem:$0x500] =	vst v63  }
0x22: {  	(ifvalue) =	ssetifvalue $0x7FFFFFFF  }
0x23: {  	s30 =	sshll.u32 s12, $0x2;
	s14 =	sadd.s32 $0x180, s28;
	(ifvalue) =	ssetifvalue $0x7FFFFFFF  }
0x24: {  	[tilespmem:s14], [sflag:$0x1] =	stream.indirect_vreg.gather [hbm4b:s3+s10], $0x1, v1, vm0, $0x4038;
	[tilespmem:$0x500] =	vst v63  }
0x25: {  	s31 =	sand.u32 $0x78, s12;
	s14 =	sand.u32 $0x7FFFFE00, s30  }
0x26: {  	_ =	swait.ge [sflag:s4], $0x200;
	s12 =	sor.u32 s31, s14  }
0x27: {  	[sflag:s4] =	ssyncset.done $0x0;
	s12 =	sshrl.u32 s12, $0x3  }
0x28: {  	[sflag:s4] =	ssyncadd.s32 $0xFFFFFE00;
	s12 =	sadd.s32 s6, s12  }
0x29: {  	[hbm:s12] =	stream.linear.scatter [tilespmem:s13], [sflag:$0x3], $0x200, $0x38;
	[tilespmem:$0x500] =	vst v63  }
.LBB2_5:
0x2a: {  	p1 =	slt.u32 s11, $0x2;
	s11 =	sadd.s32 $0x1, s11  }
0x2b: {  	p2 =	sne.s32 s11, s7  }
.Ltmp1:
0x2c: {  	_ = 	snop;
	(pc) =	sbr.rel @!p2 .LBB2_6-.Ltmp1, $4  }
0x2d: {  	s12 =	simm.s32 @!p1 $0x3  }
0x2e: {  	_ =	swait.ge @!p1 [sflag:s12], $0x200  }
0x2f: {  	[sflag:s12] =	ssyncset.done @!p1 $0x0  }
0x30: {  	p0 =	por !p0, !p0;
	[sflag:s12] =	ssyncadd.s32 @!p1 $0xFFFFFE00;
	s12 =	smov.u32 s2  }
.LBB2_1:
0x31: {  	p1 =	sge.u32 s11, s8  }
0x32: {  	s31 =	sadd.s32 $0xFFFFFFFF, s11;
	s13 =	simm.s32 @!p1 $0x0;
	s14 =	simm.s32 @!p1 $0x80  }
0x33: {  	[tilespmem:s14], [sflag:$0x2] =	stream.linear.gather @!p1 [hbm4b:s9+s13], $0x80, $0x38;
	[tilespmem:$0x500] =	vst v63  }
0x34: {  	p1 =	sge.u32 s31, s8  }
.Ltmp2:
0x35: {  	_ = 	snop;
	(pc) =	sbr.rel @p1 .LBB2_5-.Ltmp2, $1  }
0x36: {  	_ =	sdelay $0x3  }
0x37: {  	s13 =	simm.s32 $0x1  }
0x38: {  	_ =	swait.ge [sflag:s5], $0x80;
	s13 =	simm.s32 @!p0 $0x0  }
0x39: {  	[sflag:s5] =	ssyncset.done $0x0;
	s14 =	sshll.u32 s13, $0x7  }
0x3a: {  	[sflag:s5] =	ssyncadd.s32 $0xFFFFFF80;
	s15 =	sadd.s32 $0x0, s14  }
0x3b: {  	v1 =	vld.msk [tilespmem:s15+$0x0 ss:$0x1], $0xffff;
	_ =	sdelay $0x2  }
0x3c: {  	s17 =	ssub.s32 $0x7D0, s12  }
0x3d: {  	p1 =	slt.s32 s17, $0x80  }
0x3e: {  	s17 =	simm.s32 @!p1 $0x80;
	vm1 =	vgt.s32 v1, $0x0  }
0x3f: {  	p1 =	sgt.s32 s17, $0x0;
	s15 =	smov.u32 s17;
	v1 =	vnsel vm1, $0x0, v1  }
0x40: {  	s15 =	simm.s32 @!p1 $0x0;
	v1 =	vmin.u32 v1, $0x8FFFF  }
0x41: {  	s15 =	smin.u32 s15, $0x10;
	v2 =	vshll.u32 v1, $0x2  }
0x42: {  	v3 =	vmov s15;
	v1 =	vand.u32 $0x7F, v1;
	v2 =	vand.u32 $0x3FFE00, v2  }
0x43: {  	vm1 =	vgt.u32 v3, v0;
	v1 =	vor.u32 v1, v2  }
0x44: {  	v2 =	vnsel vm1, $0x7FFFFFFF, v1;
	_ =	sdelay $0x1  }
0x45: {  	s13 =	sshll.u32 s13, $0x9;
	v3 =	vor.u32 $0x80, v1  }
0x46: {  	(ifvalue) =	ssetifvalue $0x7FFFFFFF;
	s15 =	sor.u32 $0x100, s13;
	v3 =	vnsel vm1, $0x7FFFFFFF, v3  }
0x47: {  	(ifvalue) =	ssetifvalue $0x7FFFFFFF;
	s18 =	sadd.s32 $0x0, s15  }
0x48: {  	v4 =	vor.u32 $0x100, v1;
	[tilespmem:s18], [sflag:$0x1] =	stream.indirect_vreg.gather [hbm4b:s3+s10], $0x1, v2, vm0, $0x4038;
	[tilespmem:$0x500] =	vst v63  }
0x49: {  	(ifvalue) =	ssetifvalue $0x7FFFFFFF;
	v2 =	vnsel vm1, $0x7FFFFFFF, v4  }
0x4a: {  	s16 =	sadd.s32 $0x80, s18;
	(ifvalue) =	ssetifvalue $0x7FFFFFFF  }
0x4b: {  	v1 =	vor.u32 $0x180, v1;
	[tilespmem:s16], [sflag:$0x1] =	stream.indirect_vreg.gather [hbm4b:s3+s10], $0x1, v3, vm0, $0x4038;
	[tilespmem:$0x500] =	vst v63  }
0x4c: {  	s30 =	sshll.u32 s11, $0x9;
	s19 =	simm.s32 $0x80;
	v1 =	vnsel vm1, $0x7FFFFFFF, v1;
	(ifvalue) =	ssetifvalue $0x7FFFFFFF  }
0x4d: {  	s13 =	sand.u32 $0x200, s30;
	s31 =	sadd.s32 $0x100, s18;
	(ifvalue) =	ssetifvalue $0x7FFFFFFF  }
0x4e: {  	[tilespmem:s31], [sflag:$0x1] =	stream.indirect_vreg.gather [hbm4b:s3+s10], $0x1, v2, vm0, $0x4038;
	[tilespmem:$0x500] =	vst v63  }
0x4f: {  	s17 =	sadd.s32 $0xFFFFFFF0, s17;
	s13 =	sor.u32 $0x100, s13;
	(ifvalue) =	ssetifvalue $0x7FFFFFFF  }
0x50: {  	s20 =	sadd.s32 $0x180, s18;
	s16 =	simm.s32 $0x10;
	(ifvalue) =	ssetifvalue $0x7FFFFFFF  }
.LBB2_3:
0x51: {  	[tilespmem:s20], [sflag:$0x1] =	stream.indirect_vreg.gather [hbm4b:s3+s10], $0x1, v1, vm0, $0x4038;
	[tilespmem:$0x500] =	vst v63  }
0x52: {  	s18 =	smov.u32 s19  }
0x53: {  	s21 =	sadd.s32 s16, s14;
	s20 =	sshra.s32 s18, $0x2;
	s18 =	sadd.s32 $0x40, s19  }
0x54: {  	p1 =	sne.s32 s19, $0x1C0;
	v1 =	vld.msk [tilespmem:s21+$0x0 ss:$0x1], $0xffff  }
0x55: {  	(ifvalue) =	ssetifvalue $0x7FFFFFFF;
	_ =	sdelay $0x4  }
0x56: {  	vm1 =	vgt.s32 v1, $0x0  }
0x57: {  	p2 =	sgt.s32 s17, $0x0;
	s19 =	smov.u32 s17;
	v1 =	vnsel vm1, $0x0, v1  }
0x58: {  	s19 =	simm.s32 @!p2 $0x0;
	v1 =	vmin.u32 v1, $0x8FFFF  }
0x59: {  	s19 =	smin.u32 s19, $0x10;
	v2 =	vshll.u32 v1, $0x2  }
0x5a: {  	v3 =	vmov s19;
	v1 =	vand.u32 $0x7F, v1;
	v2 =	vand.u32 $0x3FFE00, v2  }
0x5b: {  	vm1 =	vgt.u32 v3, v0;
	v1 =	vor.u32 v1, v2  }
0x5c: {  	v2 =	vnsel vm1, $0x7FFFFFFF, v1;
	v3 =	vor.u32 $0x80, v1;
	v4 =	vor.u32 $0x100, v1  }
0x5d: {  	v1 =	vor.u32 $0x180, v1;
	_ =	sdelay $0x1  }
0x5e: {  	v3 =	vnsel vm1, $0x7FFFFFFF, v3  }
0x5f: {  	s19 =	sadd.s32 s16, s15;
	s16 =	smov.u32 s20;
	(ifvalue) =	ssetifvalue $0x7FFFFFFF  }
0x60: {  	[tilespmem:s19], [sflag:$0x1] =	stream.indirect_vreg.gather [hbm4b:s3+s10], $0x1, v2, vm0, $0x4038;
	[tilespmem:$0x500] =	vst v63  }
0x61: {  	v2 =	vnsel vm1, $0x7FFFFFFF, v4;
	(ifvalue) =	ssetifvalue $0x7FFFFFFF  }
0x62: {  	s20 =	sadd.s32 $0x80, s19;
	(ifvalue) =	ssetifvalue $0x7FFFFFFF  }
0x63: {  	[tilespmem:s20], [sflag:$0x1] =	stream.indirect_vreg.gather [hbm4b:s3+s10], $0x1, v3, vm0, $0x4038;
	[tilespmem:$0x500] =	vst v63  }
.Ltmp3:
0x64: {  	v1 =	vnsel vm1, $0x7FFFFFFF, v1;
	(ifvalue) =	ssetifvalue $0x7FFFFFFF;
	(pc) =	sbr.rel @p1 .LBB2_3-.Ltmp3, $4  }
0x65: {  	s20 =	sadd.s32 $0x100, s19;
	(ifvalue) =	ssetifvalue $0x7FFFFFFF  }
0x66: {  	[tilespmem:s20], [sflag:$0x1] =	stream.indirect_vreg.gather [hbm4b:s3+s10], $0x1, v2, vm0, $0x4038;
	[tilespmem:$0x500] =	vst v63  }
0x67: {  	s17 =	sadd.s32 $0xFFFFFFF0, s17;
	(ifvalue) =	ssetifvalue $0x7FFFFFFF  }
0x68: {  	s20 =	sadd.s32 $0x180, s19;
	s19 =	smov.u32 s18;
	(ifvalue) =	ssetifvalue $0x7FFFFFFF  }
.Ltmp4:
0x69: {  	_ = 	snop;
	(pc) =	sbr.rel .LBB2_4-.Ltmp4, $1  }
0x6a: {  	_ =	sdelay $0x3  }
.LBB2_6:
0x6b: {  	_ =	sfence.sel $0x180000  }
0x6c: {  	s2 =	simm.s32 $0x2;
	[bflag:$0x0] =	sbarrier.arrive $0xFFFF  }
0x6d: {  	s30 =	simm.s32 $0x3;
	[sflag:s2] =	ssyncpa.u1 $0x1  }
0x6e: {  	s31 =	simm.s32 $0x1;
	[sflag:s30] =	ssyncpa.u1 $0x1  }
0x6f: {  	[sflag:s31] =	ssyncpa.u1 $0x1  }
0x70: {  	p0 =	sne.s32 s0, $0x0;
	_ =	strace $0x9000004A  }
0x71: {  	s0 =	sadd.s32 @!p0 $0x100000, s1;
	[bflag:$0x2] =	sbarrier.arrive $0xFFFF  }
0x72: {  	[sflag:s0] =	ssyncadd.tile.s32 @!p0 $0x1;
	_ =	shalt  }
.Lfunc_end2:
_tile_overlayer_lowered:
.L_overlay_start_2:
0x73: {  	(tag) =	ssettag $0x2  }
0x74: {  	s0 =	rddreg [dreg:$0x0];
	s2 =	stileid.u32  }
0x75: {  	s1 =	rddreg [dreg:$0x1];
	p0 =	sne.s32 s2, $0x0  }
0x76: {  	s3 =	rddreg [dreg:$0x2];
	[bflag:$0x3] =	sbarrier.arrive $0xFFFF;
	s2 =	simm.s32 @!p0 $0x1C01  }
0x77: {  	[timem:s3], [sflag:s2] =	dma.local @!p0 [hbm:s0], s1  }
0x78: {  	s0 =	simm.s32 @!p0 $0x1  }
0x79: {  	_ =	swait.ge @!p0 [sflag:s0], s1  }
0x7a: {  	s1 =	ssub.s32 @!p0 $0x0, s1;
	[sflag:s0] =	ssyncset.done @!p0 $0x0  }
0x7b: {  	[sflag:s0] =	ssyncadd.s32 @!p0 s1  }
0x7c: {  	[bflag:$0x3] =	sbarrier.arrive $0xFFFF  }
0x7d: {  	_ =	shalt  }

// kernel: gather_offload_async_start.2
scs
__scs_entry_jumppad:
0x0: {  	(pc) =	sbr.rel $0x88, $3  }
0x1: {  	(tag) =	ssettag $0x0;
	lr =	simm.s32 $0x1  }
0x2: {  	[smem:$0x3F8E] =	sst lr;
	_ =	strace $0xD0000000  }
0x3: {  	_ = 	snop  }
0x4: {  	_ = 	snop  }
0x5: {  	_ = 	snop  }
0x6: {  	_ = 	snop  }
0x7: {  	_ = 	snop  }
__scs_overlays_trampoline_lowered:
0x8: {  	[smem:$0x3F9D] =	sst s0  }
0x9: {  	[smem:$0x3F9E] =	sst s1  }
0xa: {  	[smem:$0x3F9F] =	sst s2  }
0xb: {  	[smem:$0x3FA0] =	sst s3  }
0xc: {  	[smem:$0x3FA1] =	sst s4  }
0xd: {  	[smem:$0x3FA2] =	sst s5  }
0xe: {  	[smem:$0x3FA3] =	sst s6  }
0xf: {  	[smem:$0x3FA4] =	sst s7  }
0x10: {  	[smem:$0x3FA5] =	sst s8  }
0x11: {  	[smem:$0x3FA6] =	sst s9;
	s0 =	simm.s32 @!p0 $0x0  }
0x12: {  	s1 =	sld [smem:$0x3F8C];
	s0 =	simm.s32 @p0 $0x1  }
0x13: {  	[smem:$0x3FA7] =	sst s0;
	s0 =	simm.s32 @!p1 $0x0  }
0x14: {  	s2 =	sld [smem:$0x3F8B];
	s0 =	simm.s32 @p1 $0x1  }
0x15: {  	[smem:$0x3FA8] =	sst s0;
	s0 =	simm.s32 @!p2 $0x0  }
0x16: {  	s3 =	sld [smem:$0x3FDB];
	s0 =	simm.s32 @p2 $0x1  }
0x17: {  	s4 =	simm.s32 $0x1BF5;
	[smem:$0x3FAA] =	sst s0  }
0x18: {  	s0 =	sld [smem:$0x3F8D];
	_ =	swait.ge [sflag:s4], $0x0  }
0x19: {  	s7 =	sld [smem:$0x3F8E]  }
0x1a: {  	s8 =	sadd.s32 $0xFFFFE003, lr  }
0x1b: {  	s9 =	sadd.s32 $0xFFFFFEF7, lr;
	s5 =	simm.s32 $0xFFFFFFFF;
	p2 =	slt.u32 s8, $0xFFFFF086  }
0x1c: {  	p1 =	slt.u32 s9, $0xF7A;
	s5 =	simm.s32 @!p2 $0x0  }
0x1d: {  	s5 =	simm.s32 @p1 $0x1;
	p0 =	seq.s32 s7, s2  }
0x1e: {  	s7 =	smul.u32 @!p0 $0xF7A, s2;
	p2 =	seq.s32 @!p0 s5, $0x0  }
0x1f: {  	s9 =	smul.u32 $0xF7A, s1;
	s8 =	simm.s32 @!p0 $0x1BF5;
	p2 =	por !p2, p0  }
0x20: {  	[sflag:s8] =	ssyncset.s32 @!p0 $0xFFFFF086;
	s6 =	sadd.s32 @!p0 s3, s7;
	s7 =	simm.s32 @!p0 $0x108  }
0x21: {  	s3 =	sadd.s32 s3, s9;
	s6 =	sadd.s32 @!p0 $0x88, s6;
	s7 =	simm.s32 @p2 $0x1082  }
0x22: {  	[simem:s7], [sflag:s8] =	dma.local @!p0 [hbm:s6], $0xF7A  }
0x23: {  	s9 =	sor.u32 $0xD0000000, s2;
	s6 =	simm.s32 $0x108;
	_ =	swait.ge @!p0 [sflag:s8], $0x0  }
0x24: {  	s3 =	sadd.s32 $0x88, s3;
	s6 =	simm.s32 @!p1 $0x1082;
	[sflag:s4] =	ssyncset.s32 $0xFFFFF086  }
0x25: {  	[simem:s6], [sflag:s4] =	dma.local [hbm:s3], $0xF7A  }
0x26: {  	[smem:$0x3F8E] =	sst s1;
	(tag) =	ssettag s2;
	_ =	strace s9  }
0x27: {  	s1 =	sld [smem:$0x3F9E]  }
0x28: {  	s2 =	sld [smem:$0x3F9F]  }
0x29: {  	s4 =	sld [smem:$0x3FA1]  }
0x2a: {  	p0 =	seq.s32 s5, $0x0;
	s5 =	sld [smem:$0x3FA2]  }
0x2b: {  	s6 =	sld [smem:$0x3FA3]  }
0x2c: {  	s7 =	sld [smem:$0x3FA4]  }
0x2d: {  	s3 =	simm.s32 $0x108;
	s8 =	sld [smem:$0x3FA5]  }
0x2e: {  	s3 =	simm.s32 @!p0 $0x1082;
	s9 =	sld [smem:$0x3FA6]  }
0x2f: {  	lr =	sadd.s32 s0, s3;
	s0 =	sld [smem:$0x3F9D]  }
0x30: {  	s3 =	sld [smem:$0x3FA0]  }
0x31: {  	[smem:$0x3FA9] =	sst s10  }
0x32: {  	s10 =	sld [smem:$0x3FA7];
	_ =	sdelay $0x3  }
0x33: {  	p0 =	seq.s32 s10, $0x1;
	s10 =	sld [smem:$0x3FA9];
	_ =	sdelay $0x3  }
0x34: {  	[smem:$0x3FA9] =	sst s10  }
0x35: {  	s10 =	sld [smem:$0x3FA8];
	_ =	sdelay $0x3  }
0x36: {  	p1 =	seq.s32 s10, $0x1;
	s10 =	sld [smem:$0x3FA9];
	_ =	sdelay $0x3  }
0x37: {  	[smem:$0x3FA9] =	sst s10  }
0x38: {  	s10 =	sld [smem:$0x3FAA]  }
0x39: {  	_ = 	snop;
	(pc) =	sbr.ind lr, $3  }
0x3a: {  	_ = 	snop  }
0x3b: {  	_ = 	snop  }
0x3c: {  	p2 =	seq.s32 s10, $0x1;
	s10 =	sld [smem:$0x3FA9]  }
0x3d: {  	_ =	shalt  }
0x3e: {  	_ =	shalt  }
0x3f: {  	_ =	shalt  }
0x40: {  	_ =	shalt  }
0x41: {  	_ =	shalt  }
0x42: {  	_ =	shalt  }
0x43: {  	_ =	shalt  }
0x44: {  	_ =	shalt  }
0x45: {  	_ =	shalt  }
0x46: {  	_ =	shalt  }
0x47: {  	_ =	shalt  }
0x48: {  	_ =	shalt  }
0x49: {  	_ =	shalt  }
0x4a: {  	_ =	shalt  }
0x4b: {  	_ =	shalt  }
0x4c: {  	_ =	shalt  }
0x4d: {  	_ =	shalt  }
0x4e: {  	_ =	shalt  }
0x4f: {  	_ =	shalt  }
0x50: {  	_ =	shalt  }
0x51: {  	_ =	shalt  }
0x52: {  	_ =	shalt  }
0x53: {  	_ =	shalt  }
0x54: {  	_ =	shalt  }
0x55: {  	_ =	shalt  }
0x56: {  	_ =	shalt  }
0x57: {  	_ =	shalt  }
0x58: {  	_ =	shalt  }
0x59: {  	_ =	shalt  }
0x5a: {  	_ =	shalt  }
0x5b: {  	_ =	shalt  }
0x5c: {  	_ =	shalt  }
0x5d: {  	_ =	shalt  }
0x5e: {  	_ =	shalt  }
0x5f: {  	_ =	shalt  }
0x60: {  	_ =	shalt  }
0x61: {  	_ =	shalt  }
0x62: {  	_ =	shalt  }
0x63: {  	_ =	shalt  }
0x64: {  	_ =	shalt  }
0x65: {  	_ =	shalt  }
0x66: {  	_ =	shalt  }
0x67: {  	_ =	shalt  }
0x68: {  	_ =	shalt  }
0x69: {  	_ =	shalt  }
0x6a: {  	_ =	shalt  }
0x6b: {  	_ =	shalt  }
0x6c: {  	_ =	shalt  }
0x6d: {  	_ =	shalt  }
0x6e: {  	_ =	shalt  }
0x6f: {  	_ =	shalt  }
0x70: {  	_ =	shalt  }
0x71: {  	_ =	shalt  }
0x72: {  	_ =	shalt  }
0x73: {  	_ =	shalt  }
0x74: {  	_ =	shalt  }
0x75: {  	_ =	shalt  }
0x76: {  	_ =	shalt  }
0x77: {  	_ =	shalt  }
0x78: {  	_ =	shalt  }
0x79: {  	_ =	shalt  }
0x7a: {  	_ =	shalt  }
0x7b: {  	_ =	shalt  }
0x7c: {  	_ =	shalt  }
0x7d: {  	_ =	shalt  }
0x7e: {  	_ =	shalt  }
0x7f: {  	_ =	shalt  }
0x80: {  	_ =	shalt  }
0x81: {  	_ =	shalt  }
0x82: {  	_ =	shalt  }
0x83: {  	_ =	shalt  }
0x84: {  	_ =	shalt  }
0x85: {  	_ =	shalt  }
0x86: {  	_ =	shalt  }
0x87: {  	_ =	shalt  }
.Lfunc_end0:
.L_simem_size_0:
called_computation.4_lowered:
.L_overlay_start_0:
0x88: {  	s0 =	sld [smem:$0x3FD9]  }
0x89: {  	s1 =	sld [smem:$0x3FFE];
	_ =	sdelay $0x3  }
0x8a: {  	s0 =	sadd.s32 s1, s0  }
0x8b: {  	[smem:$0x3FB5] =	sst s0  }
0x8c: {  	_ = 	snop  }
0x8d: {  	(tm) =	ssettm $0x1  }
0x8e: {  	s15 =	sld [smem:$0x3FFB];
	_ =	sdelay $0x3  }
0x8f: {  	_ =	strace s15  }
0x90: {  	s0 =	sld [smem:$0x3FFC];
	_ =	sdelay $0x3  }
0x91: {  	_ =	strace s0  }
0x92: {  	s0 =	sld [smem:$0x3FFD];
	_ =	sdelay $0x3  }
0x93: {  	_ =	strace s0  }
0x94: {  	_ =	strace $0x8FFFFFFF  }
0x95: {  	s16 =	sld [smem:$0x3FDB];
	_ =	sdelay $0x1  }
0x96: {  	s17 =	simm.s32 $_scs_section_size  }
0x97: {  	s2 =	simm.s32 $_size__tile_overlayer_lowered;
	s3 =	simm.s32 $_tile_overlayer_lowered  }
0x98: {  	s20 =	simm.s32 $0x1BFF;
	s19 =	sshll.u32 s3, $0x1;
	s0 =	sadd.s32 s17, s16  }
0x99: {  	s4 =	simm.s32 $0x0;
	s18 =	sshll.u32 s2, $0x1;
	s2 =	sadd.s32 s19, s0  }
0x9a: {  	[timem:s4], [sflag:s20] =	dma.local [hbm:s2], s18  }
0x9b: {  	_ =	swait.ge [sflag:s20], s18  }
0x9c: {  	s1 =	ssub.s32 $0x0, s18;
	[sflag:s20] =	ssyncset.done $0x0  }
0x9d: {  	[sflag:s20] =	ssyncadd.s32 s1;
	_ =	sdelay $0x1  }
0x9e: {  	s21 =	simm.s32 $0x1B8B  }
0x9f: {  	_ =	swait.ge [sflag:s21], $0x1  }
0xa0: {  	[sflag:s21] =	ssyncset.done $0x0  }
0xa1: {  	s23 =	simm.s32 $0x1B8E;
	s22 =	sld [smem:$0x3FFE];
	[sflag:s21] =	ssyncadd.s32 $0xFFFFFFFF  }
0xa2: {  	s24 =	simm.s32 $execute0_lowered;
	[smem:$0x3FD2] =	sst s23  }
0xa3: {  	s2 =	sshll.u32 s24, $0x1;
	_ =	strace $0x8000006D;
	[dreg:$0x1] =	wrdreg $0xFFFFFFFF  }
0xa4: {  	s25 =	simm.s32 $_size_execute0_lowered;
	s0 =	sadd.s32 s0, s2;
	[dreg:$0x0] =	wrdreg $0x0  }
0xa5: {  	s2 =	sshll.u32 s25, $0x1;
	[dreg:$0x2] =	wrdreg s0  }
0xa6: {  	[dreg:$0x3] =	wrdreg s2  }
0xa7: {  	[dreg:$0x4] =	wrdreg $0xC0  }
0xa8: {  	_ =	task [dreg:s4], $0x5FFFF  }
0xa9: {  	[dreg:$0x1] =	wrdreg $0xFFFFFFFF  }
0xaa: {  	[dreg:$0x0] =	wrdreg $0x60  }
0xab: {  	[dreg:$0x2] =	wrdreg s22  }
0xac: {  	[dreg:$0x3] =	wrdreg $0xC  }
0xad: {  	_ =	task.clear_ibuf [dreg:s4], $0x4FFFF;
	_ =	strace $0x9000006D  }
0xae: {  	s26 =	simm.s32 $0xC;
	_ =	strace $0x8000006F  }
0xaf: {  	_ =	swait.ge [sflag:s26], $0x1  }
0xb0: {  	[sflag:s26] =	ssyncadd.s32 $0xFFFFFFFF  }
0xb1: {  	_ =	strace $0x9000006F  }
0xb2: {  	_ =	sfence  }
0xb3: {  	s28 =	sld [smem:$0x0];
	_ =	sdelay $0x1  }
0xb4: {  	s29 =	srdreg.scid  }
0xb5: {  	s30 =	sshll.u32 s29, $0xD;
	s31 =	sshrl.u32 s29, $0x2  }
0xb6: {  	s1 =	sand.u32 $0x1, s29;
	s2 =	sand.u32 $0x4000, s30;
	s0 =	sadd.s32 s31, s28  }
0xb7: {  	s1 =	sor.u32 s2, s1;
	s0 =	sshll.u32 s0, $0x11  }
0xb8: {  	s0 =	sor.u32 s0, s1  }
0xb9: {  	s0 =	sadd.s32 $0x8F2B, s0  }
0xba: {  	[sflag:s0] =	ssyncadd.remote.s32 $0x1  }
0xbb: {  	_ =	sfence.sel $0xFFFF  }
0xbc: {  	[dreg:$0x0] =	wrdreg $0xFFFFFFFF;
	(pc) =	sbr.abs _section_cstart, $3  }
0xbd: {  	[dreg:$0x1] =	wrdreg $0xFFFFFFFF  }
0xbe: {  	_ =	task.clear_ibuf [dreg:s4], $0x2FFFF;
	_ =	strace $0x9FFFFFFF  }
0xbf: {  	(tm) =	ssettm $0x7FFFFFFF  }
tec
execute0_lowered:
.L_overlay_start_1:
0x0: {  	(tag) =	ssettag $0x1  }
0x1: {  	s0 =	stileid.u32  }
0x2: {  	s1 =	smin.u32 s0, $0x9  }
0x3: {  	s1 =	sadd.s32 s0, s1  }
0x4: {  	s2 =	simm.s32 $0x310;
	p0 =	slt.u32 s0, $0x9;
	s1 =	smul.u32 $0x188, s1  }
0x5: {  	s2 =	simm.s32 @!p0 $0x188  }
0x6: {  	s2 =	sadd.s32 s2, s1  }
0x7: {  	s3 =	smin.u32 s2, $0x2648  }
0x8: {  	s7 =	ssub.s32 s3, s1  }
0x9: {  	p0 =	sgt.s32 s7, $0x0  }
0xa: {  	s7 =	simm.s32 @!p0 $0x0  }
0xb: {  	s31 =	sand.u32 $0xFFF8, s7  }
0xc: {  	s2 =	sshrl.u32 s31, $0x3  }
0xd: {  	s4 =	smul.u32 $0xA73, s2  }
0xe: {  	s9 =	rddreg [dreg:$0x0];
	s6 =	simm.s32 $0x1;
	s11 =	simm.s32 $0x3  }
0xf: {  	s13 =	simm.s32 $0x0;
	s12 =	simm.s32 $0x0;
	s8 =	sshrl.u32 s4, $0x11  }
0x10: {  	s2 =	rddreg [dreg:$0x1];
	_ =	strace $0x8000006E;
	s10 =	smul.u32 $0x188, s8  }
.Ltmp0:
0x11: {  	s5 =	sadd.s32 $0x1AC000, s9;
	[sflag:s6] =	ssyncpa.u1 $0x0;
	(pc) =	sbr.rel .LBB2_1-.Ltmp0, $4  }
0x12: {  	s4 =	sadd.s32 $0x318E00, s9;
	p0 =	sne.s32 s7, s10;
	s10 =	simm.s32 $0x1  }
0x13: {  	s9 =	sadd.s32 $0x163E00, s9;
	s7 =	simm.s32 $0x2;
	s10 =	simm.s32 @!p0 $0x0  }
0x14: {  	[sflag:s7] =	ssyncpa.u1 $0x0;
	p0 =	por $0x0, $0x0;
	s8 =	sadd.s32 s8, s10  }
0x15: {  	vm0 =	vmmov $0xff;
	vm1 =	vcmask $0x3F20;
	[sflag:s11] =	ssyncpa.u1 $0x0;
	s11 =	smov.u32 s1;
	s10 =	sadd.s32 $0x1, s8  }
.LBB2_6:
0x16: {  	[hbm:s17] =	stream.linear.scatter [tilespmem:s14], [sflag:$0x3], $0x400, $0x38;
	[tilespmem:$0x18B10] =	vst v63  }
.LBB2_7:
0x17: {  	s13 =	sadd.s32 $0x188, s11  }
0x18: {  	s15 =	smov.u32 s1;
	p2 =	slt.s32 s13, s3  }
0x19: {  	s15 =	smov.u32 @p2 s13;
	p2 =	sne.s32 s12, s10  }
.Ltmp1:
0x1a: {  	p1 =	slt.u32 s12, $0x2;
	(pc) =	sbr.rel @!p2 .LBB2_8-.Ltmp1, $4  }
0x1b: {  	s14 =	simm.s32 @!p1 $0x3  }
0x1c: {  	s16 =	sadd.s32 $0x1, s12;
	_ =	swait.ge @!p1 [sflag:s14], $0xC400  }
0x1d: {  	p0 =	por !p0, !p0;
	s13 =	smov.u32 s11;
	[sflag:s14] =	ssyncset.done @!p1 $0x0  }
0x1e: {  	s12 =	smov.u32 s16;
	s11 =	smov.u32 s15;
	[sflag:s14] =	ssyncadd.s32 @!p1 $0xFFFF3C00  }
.LBB2_1:
0x1f: {  	p1 =	sge.u32 s12, s8  }
0x20: {  	s14 =	sxor.u32 @!p1 $0xFFFFFFFF, s12  }
0x21: {  	s14 =	sand.u32 @!p1 $0x1, s14  }
0x22: {  	s14 =	smul.u32 @!p1 $0x620, s14  }
0x23: {  	s31 =	sadd.s32 $0xFFFFFFFF, s12;
	s15 =	sshrl.u32 @!p1 s11, $0x3  }
0x24: {  	s16 =	sand.u32 @!p1 $0x7, s11;
	s15 =	sadd.s32 @!p1 s5, s15;
	s14 =	sshrl.u32 @!p1 s14, $0x2  }
0x25: {  	[tilespmem:s14], [sflag:$0x2] =	stream.linear.gather @!p1 [hbm4b:s15+s16], $0x188, $0x38;
	[tilespmem:$0x18B10] =	vst v63  }
0x26: {  	p1 =	sge.u32 s31, s8  }
.Ltmp2:
0x27: {  	_ = 	snop;
	(pc) =	sbr.rel @p1 .LBB2_7-.Ltmp2, $1  }
0x28: {  	_ =	sdelay $0x3  }
0x29: {  	s14 =	simm.s32 $0x1  }
0x2a: {  	s14 =	simm.s32 @!p0 $0x0  }
0x2b: {  	s15 =	smul.u32 $0x620, s14  }
0x2c: {  	_ =	swait.ge [sflag:s7], $0x188  }
0x2d: {  	[sflag:s7] =	ssyncset.done $0x0;
	s17 =	sshrl.u32 s15, $0x2  }
0x2e: {  	[sflag:s7] =	ssyncadd.s32 $0xFFFFFE78;
	s15 =	sadd.s32 $0x0, s17  }
0x2f: {  	v0 =	vld.msk [tilespmem:s15+$0x0 ss:$0x1], $0xffff;
	_ =	sdelay $0x4  }
0x30: {  	v1 =	vshrl.u32 v0, $0x1  }
0x31: {  	vm2 =	veq.s32 v0, $0x80000000;
	v0 =	vshll.u32 v0, $0xF;
	v1 =	vand.u32 $0x7F80, v1  }
0x32: {  	v0 =	vand.u32 $0x7F8000, v0;
	v1 =	vsel vm2, $0xFFFFFF80, v1  }
0x33: {  	v0 =	vsel vm2, $0xFFFF8000, v0;
	v2 =	vand.u32 $0xFFFFFC00, v1  }
0x34: {  	v1 =	vand.u32 $0x380, v1;
	v0 =	vadd.s32 v0, v2  }
0x35: {  	v0 =	vor.u32 v1, v0  }
0x36: {  	v0 =	vshrl.u32 v0, $0x3  }
0x37: {  	s14 =	smul.u32 $0x31000, s14  }
0x38: {  	s31 =	sand.u32 $0x1, s12  }
0x39: {  	s16 =	smul.u32 $0x620, s31;
	s14 =	sshrl.u32 s14, $0x2  }
0x3a: {  	s19 =	smul.u32 $0x31000, s31;
	s14 =	sor.u32 $0x310, s14  }
0x3b: {  	[tilespmem:s14], [sflag:$0x1] =	stream.indirect_vreg.gather [hbm:s4], $0x80, v0, vm0, $0x38;
	[tilespmem:$0x18B10] =	vst v63  }
0x3c: {  	s18 =	sshrl.u32 s16, $0x2;
	s20 =	sadd.s32 $0x10, s17;
	s15 =	sadd.s32 $0x400, s14  }
0x3d: {  	[tilespmem:s15], [sflag:$0x1] =	stream.indirect_vreg.gather [hbm:s4], $0x80, v0, vm1, $0x38;
	[tilespmem:$0x18B10] =	vst v63  }
0x3e: {  	s16 =	sshrl.u32 s19, $0x2;
	s19 =	smov.u32 s14;
	v0 =	vld.msk [tilespmem:s20+$0x0 ss:$0x1], $0xffff;
	s20 =	simm.s32 $0x80  }
.LBB2_3:
0x3f: {  	p1 =	sne.s32 s20, $0x5C0;
	_ =	sdelay $0x4  }
0x40: {  	v1 =	vshrl.u32 v0, $0x1  }
0x41: {  	vm2 =	veq.s32 v0, $0x80000000;
	v0 =	vshll.u32 v0, $0xF;
	v1 =	vand.u32 $0x7F80, v1  }
0x42: {  	v0 =	vand.u32 $0x7F8000, v0;
	v1 =	vsel vm2, $0xFFFFFF80, v1  }
0x43: {  	v0 =	vsel vm2, $0xFFFF8000, v0;
	v2 =	vand.u32 $0xFFFFFC00, v1  }
0x44: {  	v1 =	vand.u32 $0x380, v1;
	v0 =	vadd.s32 v0, v2  }
0x45: {  	v0 =	vor.u32 v1, v0  }
0x46: {  	v0 =	vshrl.u32 v0, $0x3;
	_ =	sdelay $0x3  }
.Ltmp3:
0x47: {  	s21 =	sshra.s32 s20, $0x2;
	s19 =	sadd.s32 $0x800, s19;
	(pc) =	sbr.rel @p1 .LBB2_3-.Ltmp3, $4  }
0x48: {  	[tilespmem:s19], [sflag:$0x1] =	stream.indirect_vreg.gather [hbm:s4], $0x80, v0, vm0, $0x38;
	[tilespmem:$0x18B10] =	vst v63  }
0x49: {  	s21 =	sadd.s32 s21, s17;
	s22 =	sadd.s32 $0x400, s19  }
0x4a: {  	[tilespmem:s22], [sflag:$0x1] =	stream.indirect_vreg.gather [hbm:s4], $0x80, v0, vm1, $0x38;
	[tilespmem:$0x18B10] =	vst v63  }
0x4b: {  	s20 =	sadd.s32 $0x40, s20;
	v0 =	vld.msk [tilespmem:s21+$0x0 ss:$0x1], $0xffff  }
0x4c: {  	_ =	sdelay $0x3  }
0x4d: {  	v1 =	vshrl.u32 v0, $0x1  }
0x4e: {  	vm2 =	veq.s32 v0, $0x80000000;
	v61 =	vshll.u32 v0, $0xF;
	v1 =	vand.u32 $0x7F80, v1  }
0x4f: {  	v0 =	vand.u32 $0x7F8000, v61;
	v1 =	vsel vm2, $0xFFFFFF80, v1  }
0x50: {  	v0 =	vsel vm2, $0xFFFF8000, v0;
	v2 =	vand.u32 $0xFFFFFC00, v1  }
0x51: {  	v1 =	vand.u32 $0x380, v1;
	v0 =	vadd.s32 v0, v2  }
0x52: {  	v0 =	vor.u32 v1, v0  }
0x53: {  	v0 =	vshrl.u32 v0, $0x3;
	_ =	sdelay $0x3  }
0x54: {  	s17 =	sadd.s32 $0x800, s19  }
0x55: {  	[tilespmem:s17], [sflag:$0x1] =	stream.indirect_vreg.gather [hbm:s4], $0x80, v0, vm0, $0x38;
	[tilespmem:$0x18B10] =	vst v63  }
0x56: {  	s17 =	sadd.s32 $0x400, s17  }
0x57: {  	[tilespmem:s17], [sflag:$0x1] =	stream.indirect_vreg.gather [hbm:s4], $0x80, v0, vm1, $0x38;
	[tilespmem:$0x18B10] =	vst v63  }
0x58: {  	v0 =	vld.msk [tilespmem:s18+$0x180 ss:$0x1], $0xff;
	_ =	sdelay $0x4  }
0x59: {  	v62 =	vshrl.u32 v0, $0x1  }
0x5a: {  	vm2 =	veq.s32 v0, $0x80000000;
	v0 =	vshll.u32 v0, $0xF;
	v1 =	vand.u32 $0x7F80, v62  }
0x5b: {  	v0 =	vand.u32 $0x7F8000, v0;
	v1 =	vsel vm2, $0xFFFFFF80, v1  }
0x5c: {  	v0 =	vsel vm2, $0xFFFF8000, v0;
	v63 =	vand.u32 $0xFFFFFC00, v1  }
0x5d: {  	v1 =	vand.u32 $0x380, v1;
	v0 =	vadd.s32 v0, v63  }
0x5e: {  	v0 =	vor.u32 v1, v0  }
0x5f: {  	v0 =	vshrl.u32 v0, $0x3;
	_ =	sdelay $0x3  }
0x60: {  	s16 =	sadd.s32 $0xC310, s16  }
0x61: {  	[tilespmem:s16], [sflag:$0x1] =	stream.indirect_vreg.gather [hbm:s4], $0x80, v0, vm0, $0x38;
	[tilespmem:$0x18B10] =	vst v63  }
0x62: {  	s13 =	sshll.u32 s13, $0x4;
	_ =	swait.ge [sflag:s6], $0xC400  }
0x63: {  	s13 =	sadd.s32 s13, s9;
	[sflag:s6] =	ssyncset.done $0x0  }
0x64: {  	s17 =	sadd.s32 $0x0, s13;
	s16 =	simm.s32 $0x80;
	[sflag:s6] =	ssyncadd.s32 $0xFFFF3C00  }
.LBB2_5:
0x65: {  	[hbm:s17] =	stream.linear.scatter [tilespmem:s14], [sflag:$0x3], $0x400, $0x38;
	[tilespmem:$0x18B10] =	vst v63  }
0x66: {  	s17 =	smov.u32 s16;
	s14 =	smov.u32 s15;
	p1 =	sne.s32 s16, $0x1800  }
.Ltmp4:
0x67: {  	s16 =	sadd.s32 $0x80, s16;
	(pc) =	sbr.rel @p1 .LBB2_5-.Ltmp4, $2  }
0x68: {  	_ =	sdelay $0x2  }
0x69: {  	s15 =	sadd.s32 $0x400, s15;
	s17 =	sadd.s32 s17, s13  }
.Ltmp5:
0x6a: {  	_ = 	snop;
	(pc) =	sbr.rel .LBB2_6-.Ltmp5, $1  }
0x6b: {  	_ =	sdelay $0x3  }
.LBB2_8:
0x6c: {  	_ =	sfence.sel $0x180000  }
0x6d: {  	s1 =	simm.s32 $0x2;
	[bflag:$0x0] =	sbarrier.arrive $0xFFFF  }
0x6e: {  	s30 =	simm.s32 $0x3;
	[sflag:s1] =	ssyncpa.u1 $0x1  }
0x6f: {  	s31 =	simm.s32 $0x1;
	[sflag:s30] =	ssyncpa.u1 $0x1  }
0x70: {  	[sflag:s31] =	ssyncpa.u1 $0x1  }
0x71: {  	p0 =	sne.s32 s0, $0x0;
	_ =	strace $0x9000006E  }
0x72: {  	s0 =	sadd.s32 @!p0 $0x100000, s2;
	[bflag:$0x2] =	sbarrier.arrive $0xFFFF  }
0x73: {  	[sflag:s0] =	ssyncadd.tile.s32 @!p0 $0x1;
	_ =	shalt  }
.Lfunc_end2:
_tile_overlayer_lowered:
.L_overlay_start_2:
0x74: {  	(tag) =	ssettag $0x2  }
0x75: {  	s0 =	rddreg [dreg:$0x0];
	s2 =	stileid.u32  }
0x76: {  	s1 =	rddreg [dreg:$0x1];
	p0 =	sne.s32 s2, $0x0  }
0x77: {  	s3 =	rddreg [dreg:$0x2];
	[bflag:$0x3] =	sbarrier.arrive $0xFFFF;
	s2 =	simm.s32 @!p0 $0x1C01  }
0x78: {  	[timem:s3], [sflag:s2] =	dma.local @!p0 [hbm:s0], s1  }
0x79: {  	s0 =	simm.s32 @!p0 $0x1  }
0x7a: {  	_ =	swait.ge @!p0 [sflag:s0], s1  }
0x7b: {  	s1 =	ssub.s32 @!p0 $0x0, s1;
	[sflag:s0] =	ssyncset.done @!p0 $0x0  }
0x7c: {  	[sflag:s0] =	ssyncadd.s32 @!p0 s1  }
0x7d: {  	[bflag:$0x3] =	sbarrier.arrive $0xFFFF  }
0x7e: {  	_ =	shalt  }

// kernel: gather_offload_async_start.3
scs
__scs_entry_jumppad:
0x0: {  	(pc) =	sbr.rel $0x88, $3  }
0x1: {  	(tag) =	ssettag $0x0;
	lr =	simm.s32 $0x1  }
0x2: {  	[smem:$0x3F8E] =	sst lr;
	_ =	strace $0xD0000000  }
0x3: {  	_ = 	snop  }
0x4: {  	_ = 	snop  }
0x5: {  	_ = 	snop  }
0x6: {  	_ = 	snop  }
0x7: {  	_ = 	snop  }
__scs_overlays_trampoline_lowered:
0x8: {  	[smem:$0x3F9D] =	sst s0  }
0x9: {  	[smem:$0x3F9E] =	sst s1  }
0xa: {  	[smem:$0x3F9F] =	sst s2  }
0xb: {  	[smem:$0x3FA0] =	sst s3  }
0xc: {  	[smem:$0x3FA1] =	sst s4  }
0xd: {  	[smem:$0x3FA2] =	sst s5  }
0xe: {  	[smem:$0x3FA3] =	sst s6  }
0xf: {  	[smem:$0x3FA4] =	sst s7  }
0x10: {  	[smem:$0x3FA5] =	sst s8  }
0x11: {  	[smem:$0x3FA6] =	sst s9;
	s0 =	simm.s32 @!p0 $0x0  }
0x12: {  	s1 =	sld [smem:$0x3F8C];
	s0 =	simm.s32 @p0 $0x1  }
0x13: {  	[smem:$0x3FA7] =	sst s0;
	s0 =	simm.s32 @!p1 $0x0  }
0x14: {  	s2 =	sld [smem:$0x3F8B];
	s0 =	simm.s32 @p1 $0x1  }
0x15: {  	[smem:$0x3FA8] =	sst s0;
	s0 =	simm.s32 @!p2 $0x0  }
0x16: {  	s3 =	sld [smem:$0x3FDB];
	s0 =	simm.s32 @p2 $0x1  }
0x17: {  	s4 =	simm.s32 $0x1BF5;
	[smem:$0x3FAA] =	sst s0  }
0x18: {  	s0 =	sld [smem:$0x3F8D];
	_ =	swait.ge [sflag:s4], $0x0  }
0x19: {  	s7 =	sld [smem:$0x3F8E]  }
0x1a: {  	s8 =	sadd.s32 $0xFFFFE003, lr  }
0x1b: {  	s9 =	sadd.s32 $0xFFFFFEF7, lr;
	s5 =	simm.s32 $0xFFFFFFFF;
	p2 =	slt.u32 s8, $0xFFFFF086  }
0x1c: {  	p1 =	slt.u32 s9, $0xF7A;
	s5 =	simm.s32 @!p2 $0x0  }
0x1d: {  	s5 =	simm.s32 @p1 $0x1;
	p0 =	seq.s32 s7, s2  }
0x1e: {  	s7 =	smul.u32 @!p0 $0xF7A, s2;
	p2 =	seq.s32 @!p0 s5, $0x0  }
0x1f: {  	s9 =	smul.u32 $0xF7A, s1;
	s8 =	simm.s32 @!p0 $0x1BF5;
	p2 =	por !p2, p0  }
0x20: {  	[sflag:s8] =	ssyncset.s32 @!p0 $0xFFFFF086;
	s6 =	sadd.s32 @!p0 s3, s7;
	s7 =	simm.s32 @!p0 $0x108  }
0x21: {  	s3 =	sadd.s32 s3, s9;
	s6 =	sadd.s32 @!p0 $0x88, s6;
	s7 =	simm.s32 @p2 $0x1082  }
0x22: {  	[simem:s7], [sflag:s8] =	dma.local @!p0 [hbm:s6], $0xF7A  }
0x23: {  	s9 =	sor.u32 $0xD0000000, s2;
	s6 =	simm.s32 $0x108;
	_ =	swait.ge @!p0 [sflag:s8], $0x0  }
0x24: {  	s3 =	sadd.s32 $0x88, s3;
	s6 =	simm.s32 @!p1 $0x1082;
	[sflag:s4] =	ssyncset.s32 $0xFFFFF086  }
0x25: {  	[simem:s6], [sflag:s4] =	dma.local [hbm:s3], $0xF7A  }
0x26: {  	[smem:$0x3F8E] =	sst s1;
	(tag) =	ssettag s2;
	_ =	strace s9  }
0x27: {  	s1 =	sld [smem:$0x3F9E]  }
0x28: {  	s2 =	sld [smem:$0x3F9F]  }
0x29: {  	s4 =	sld [smem:$0x3FA1]  }
0x2a: {  	p0 =	seq.s32 s5, $0x0;
	s5 =	sld [smem:$0x3FA2]  }
0x2b: {  	s6 =	sld [smem:$0x3FA3]  }
0x2c: {  	s7 =	sld [smem:$0x3FA4]  }
0x2d: {  	s3 =	simm.s32 $0x108;
	s8 =	sld [smem:$0x3FA5]  }
0x2e: {  	s3 =	simm.s32 @!p0 $0x1082;
	s9 =	sld [smem:$0x3FA6]  }
0x2f: {  	lr =	sadd.s32 s0, s3;
	s0 =	sld [smem:$0x3F9D]  }
0x30: {  	s3 =	sld [smem:$0x3FA0]  }
0x31: {  	[smem:$0x3FA9] =	sst s10  }
0x32: {  	s10 =	sld [smem:$0x3FA7];
	_ =	sdelay $0x3  }
0x33: {  	p0 =	seq.s32 s10, $0x1;
	s10 =	sld [smem:$0x3FA9];
	_ =	sdelay $0x3  }
0x34: {  	[smem:$0x3FA9] =	sst s10  }
0x35: {  	s10 =	sld [smem:$0x3FA8];
	_ =	sdelay $0x3  }
0x36: {  	p1 =	seq.s32 s10, $0x1;
	s10 =	sld [smem:$0x3FA9];
	_ =	sdelay $0x3  }
0x37: {  	[smem:$0x3FA9] =	sst s10  }
0x38: {  	s10 =	sld [smem:$0x3FAA]  }
0x39: {  	_ = 	snop;
	(pc) =	sbr.ind lr, $3  }
0x3a: {  	_ = 	snop  }
0x3b: {  	_ = 	snop  }
0x3c: {  	p2 =	seq.s32 s10, $0x1;
	s10 =	sld [smem:$0x3FA9]  }
0x3d: {  	_ =	shalt  }
0x3e: {  	_ =	shalt  }
0x3f: {  	_ =	shalt  }
0x40: {  	_ =	shalt  }
0x41: {  	_ =	shalt  }
0x42: {  	_ =	shalt  }
0x43: {  	_ =	shalt  }
0x44: {  	_ =	shalt  }
0x45: {  	_ =	shalt  }
0x46: {  	_ =	shalt  }
0x47: {  	_ =	shalt  }
0x48: {  	_ =	shalt  }
0x49: {  	_ =	shalt  }
0x4a: {  	_ =	shalt  }
0x4b: {  	_ =	shalt  }
0x4c: {  	_ =	shalt  }
0x4d: {  	_ =	shalt  }
0x4e: {  	_ =	shalt  }
0x4f: {  	_ =	shalt  }
0x50: {  	_ =	shalt  }
0x51: {  	_ =	shalt  }
0x52: {  	_ =	shalt  }
0x53: {  	_ =	shalt  }
0x54: {  	_ =	shalt  }
0x55: {  	_ =	shalt  }
0x56: {  	_ =	shalt  }
0x57: {  	_ =	shalt  }
0x58: {  	_ =	shalt  }
0x59: {  	_ =	shalt  }
0x5a: {  	_ =	shalt  }
0x5b: {  	_ =	shalt  }
0x5c: {  	_ =	shalt  }
0x5d: {  	_ =	shalt  }
0x5e: {  	_ =	shalt  }
0x5f: {  	_ =	shalt  }
0x60: {  	_ =	shalt  }
0x61: {  	_ =	shalt  }
0x62: {  	_ =	shalt  }
0x63: {  	_ =	shalt  }
0x64: {  	_ =	shalt  }
0x65: {  	_ =	shalt  }
0x66: {  	_ =	shalt  }
0x67: {  	_ =	shalt  }
0x68: {  	_ =	shalt  }
0x69: {  	_ =	shalt  }
0x6a: {  	_ =	shalt  }
0x6b: {  	_ =	shalt  }
0x6c: {  	_ =	shalt  }
0x6d: {  	_ =	shalt  }
0x6e: {  	_ =	shalt  }
0x6f: {  	_ =	shalt  }
0x70: {  	_ =	shalt  }
0x71: {  	_ =	shalt  }
0x72: {  	_ =	shalt  }
0x73: {  	_ =	shalt  }
0x74: {  	_ =	shalt  }
0x75: {  	_ =	shalt  }
0x76: {  	_ =	shalt  }
0x77: {  	_ =	shalt  }
0x78: {  	_ =	shalt  }
0x79: {  	_ =	shalt  }
0x7a: {  	_ =	shalt  }
0x7b: {  	_ =	shalt  }
0x7c: {  	_ =	shalt  }
0x7d: {  	_ =	shalt  }
0x7e: {  	_ =	shalt  }
0x7f: {  	_ =	shalt  }
0x80: {  	_ =	shalt  }
0x81: {  	_ =	shalt  }
0x82: {  	_ =	shalt  }
0x83: {  	_ =	shalt  }
0x84: {  	_ =	shalt  }
0x85: {  	_ =	shalt  }
0x86: {  	_ =	shalt  }
0x87: {  	_ =	shalt  }
.Lfunc_end0:
.L_simem_size_0:
called_computation.5_lowered:
.L_overlay_start_0:
0x88: {  	s0 =	sld [smem:$0x3FD9]  }
0x89: {  	s1 =	sld [smem:$0x3FFE];
	_ =	sdelay $0x3  }
0x8a: {  	s0 =	sadd.s32 s1, s0  }
0x8b: {  	[smem:$0x3FB5] =	sst s0  }
0x8c: {  	_ = 	snop  }
0x8d: {  	(tm) =	ssettm $0x1  }
0x8e: {  	s15 =	sld [smem:$0x3FFB];
	_ =	sdelay $0x3  }
0x8f: {  	_ =	strace s15  }
0x90: {  	s0 =	sld [smem:$0x3FFC];
	_ =	sdelay $0x3  }
0x91: {  	_ =	strace s0  }
0x92: {  	s0 =	sld [smem:$0x3FFD];
	_ =	sdelay $0x3  }
0x93: {  	_ =	strace s0  }
0x94: {  	_ =	strace $0x8FFFFFFF  }
0x95: {  	s16 =	sld [smem:$0x3FDB];
	_ =	sdelay $0x1  }
0x96: {  	s17 =	simm.s32 $_scs_section_size  }
0x97: {  	s2 =	simm.s32 $_size__tile_overlayer_lowered;
	s3 =	simm.s32 $_tile_overlayer_lowered  }
0x98: {  	s20 =	simm.s32 $0x1BFF;
	s19 =	sshll.u32 s3, $0x1;
	s0 =	sadd.s32 s17, s16  }
0x99: {  	s4 =	simm.s32 $0x0;
	s18 =	sshll.u32 s2, $0x1;
	s2 =	sadd.s32 s19, s0  }
0x9a: {  	[timem:s4], [sflag:s20] =	dma.local [hbm:s2], s18  }
0x9b: {  	_ =	swait.ge [sflag:s20], s18  }
0x9c: {  	s1 =	ssub.s32 $0x0, s18;
	[sflag:s20] =	ssyncset.done $0x0  }
0x9d: {  	[sflag:s20] =	ssyncadd.s32 s1;
	_ =	sdelay $0x1  }
0x9e: {  	s21 =	simm.s32 $0x1B8B  }
0x9f: {  	_ =	swait.ge [sflag:s21], $0x1  }
0xa0: {  	[sflag:s21] =	ssyncset.done $0x0  }
0xa1: {  	s23 =	simm.s32 $0x1B8E;
	s22 =	sld [smem:$0x3FFE];
	[sflag:s21] =	ssyncadd.s32 $0xFFFFFFFF  }
0xa2: {  	s24 =	simm.s32 $execute0_lowered;
	[smem:$0x3FD2] =	sst s23  }
0xa3: {  	s2 =	sshll.u32 s24, $0x1;
	_ =	strace $0x8000006A;
	[dreg:$0x1] =	wrdreg $0xFFFFFFFF  }
0xa4: {  	s25 =	simm.s32 $_size_execute0_lowered;
	s0 =	sadd.s32 s0, s2;
	[dreg:$0x0] =	wrdreg $0x0  }
0xa5: {  	s2 =	sshll.u32 s25, $0x1;
	[dreg:$0x2] =	wrdreg s0  }
0xa6: {  	[dreg:$0x3] =	wrdreg s2  }
0xa7: {  	[dreg:$0x4] =	wrdreg $0xC0  }
0xa8: {  	_ =	task [dreg:s4], $0x5FFFF  }
0xa9: {  	[dreg:$0x1] =	wrdreg $0xFFFFFFFF  }
0xaa: {  	[dreg:$0x0] =	wrdreg $0x60  }
0xab: {  	[dreg:$0x2] =	wrdreg s22  }
0xac: {  	[dreg:$0x3] =	wrdreg $0x9  }
0xad: {  	_ =	task.clear_ibuf [dreg:s4], $0x4FFFF;
	_ =	strace $0x9000006A  }
0xae: {  	s26 =	simm.s32 $0x9;
	_ =	strace $0x8000006C  }
0xaf: {  	_ =	swait.ge [sflag:s26], $0x1  }
0xb0: {  	[sflag:s26] =	ssyncadd.s32 $0xFFFFFFFF  }
0xb1: {  	_ =	strace $0x9000006C  }
0xb2: {  	_ =	sfence  }
0xb3: {  	s28 =	sld [smem:$0x0];
	_ =	sdelay $0x1  }
0xb4: {  	s29 =	srdreg.scid  }
0xb5: {  	s30 =	sshll.u32 s29, $0xD;
	s31 =	sshrl.u32 s29, $0x2  }
0xb6: {  	s1 =	sand.u32 $0x1, s29;
	s2 =	sand.u32 $0x4000, s30;
	s0 =	sadd.s32 s31, s28  }
0xb7: {  	s1 =	sor.u32 s2, s1;
	s0 =	sshll.u32 s0, $0x11  }
0xb8: {  	s0 =	sor.u32 s0, s1  }
0xb9: {  	s0 =	sadd.s32 $0x8F2B, s0  }
0xba: {  	[sflag:s0] =	ssyncadd.remote.s32 $0x1  }
0xbb: {  	_ =	sfence.sel $0xFFFF  }
0xbc: {  	[dreg:$0x0] =	wrdreg $0xFFFFFFFF;
	(pc) =	sbr.abs _section_cstart, $3  }
0xbd: {  	[dreg:$0x1] =	wrdreg $0xFFFFFFFF  }
0xbe: {  	_ =	task.clear_ibuf [dreg:s4], $0x2FFFF;
	_ =	strace $0x9FFFFFFF  }
0xbf: {  	(tm) =	ssettm $0x7FFFFFFF  }
tec
execute0_lowered:
.L_overlay_start_1:
0x0: {  	(tag) =	ssettag $0x1  }
0x1: {  	s0 =	stileid.u32  }
0x2: {  	s1 =	smin.u32 s0, $0x9  }
0x3: {  	s1 =	sadd.s32 s0, s1  }
0x4: {  	s2 =	simm.s32 $0x310;
	p0 =	slt.u32 s0, $0x9;
	s1 =	smul.u32 $0x188, s1  }
0x5: {  	s2 =	simm.s32 @!p0 $0x188  }
0x6: {  	s2 =	sadd.s32 s2, s1  }
0x7: {  	s3 =	smin.u32 s2, $0x2648  }
0x8: {  	s7 =	ssub.s32 s3, s1  }
0x9: {  	p0 =	sgt.s32 s7, $0x0  }
0xa: {  	s7 =	simm.s32 @!p0 $0x0  }
0xb: {  	s31 =	sand.u32 $0xFFF8, s7  }
0xc: {  	s2 =	sshrl.u32 s31, $0x3  }
0xd: {  	s4 =	smul.u32 $0xA73, s2  }
0xe: {  	s9 =	rddreg [dreg:$0x0];
	s6 =	simm.s32 $0x1;
	s11 =	simm.s32 $0x3  }
0xf: {  	s13 =	simm.s32 $0x0;
	s12 =	simm.s32 $0x0;
	s8 =	sshrl.u32 s4, $0x11  }
0x10: {  	s2 =	rddreg [dreg:$0x1];
	_ =	strace $0x8000006B;
	s10 =	smul.u32 $0x188, s8  }
.Ltmp0:
0x11: {  	s5 =	sadd.s32 $0x10AE00, s9;
	[sflag:s6] =	ssyncpa.u1 $0x0;
	(pc) =	sbr.rel .LBB2_1-.Ltmp0, $4  }
0x12: {  	s4 =	sadd.s32 $0x318E00, s9;
	p0 =	sne.s32 s7, s10;
	s10 =	simm.s32 $0x1  }
0x13: {  	s9 =	sadd.s32 $0x1FF200, s9;
	s7 =	simm.s32 $0x2;
	s10 =	simm.s32 @!p0 $0x0  }
0x14: {  	[sflag:s7] =	ssyncpa.u1 $0x0;
	p0 =	por $0x0, $0x0;
	s8 =	sadd.s32 s8, s10  }
0x15: {  	vm0 =	vmmov $0xff;
	vm1 =	vcmask $0x3F20;
	[sflag:s11] =	ssyncpa.u1 $0x0;
	s11 =	smov.u32 s1;
	s10 =	sadd.s32 $0x1, s8  }
.LBB2_6:
0x16: {  	[hbm:s17] =	stream.linear.scatter [tilespmem:s14], [sflag:$0x3], $0x400, $0x38;
	[tilespmem:$0x18B10] =	vst v63  }
.LBB2_7:
0x17: {  	s13 =	sadd.s32 $0x188, s11  }
0x18: {  	s15 =	smov.u32 s1;
	p2 =	slt.s32 s13, s3  }
0x19: {  	s15 =	smov.u32 @p2 s13;
	p2 =	sne.s32 s12, s10  }
.Ltmp1:
0x1a: {  	p1 =	slt.u32 s12, $0x2;
	(pc) =	sbr.rel @!p2 .LBB2_8-.Ltmp1, $4  }
0x1b: {  	s14 =	simm.s32 @!p1 $0x3  }
0x1c: {  	s16 =	sadd.s32 $0x1, s12;
	_ =	swait.ge @!p1 [sflag:s14], $0xC400  }
0x1d: {  	p0 =	por !p0, !p0;
	s13 =	smov.u32 s11;
	[sflag:s14] =	ssyncset.done @!p1 $0x0  }
0x1e: {  	s12 =	smov.u32 s16;
	s11 =	smov.u32 s15;
	[sflag:s14] =	ssyncadd.s32 @!p1 $0xFFFF3C00  }
.LBB2_1:
0x1f: {  	p1 =	sge.u32 s12, s8  }
0x20: {  	s14 =	sxor.u32 @!p1 $0xFFFFFFFF, s12  }
0x21: {  	s14 =	sand.u32 @!p1 $0x1, s14  }
0x22: {  	s14 =	smul.u32 @!p1 $0x620, s14  }
0x23: {  	s31 =	sadd.s32 $0xFFFFFFFF, s12;
	s15 =	sshrl.u32 @!p1 s11, $0x3  }
0x24: {  	s16 =	sand.u32 @!p1 $0x7, s11;
	s15 =	sadd.s32 @!p1 s5, s15;
	s14 =	sshrl.u32 @!p1 s14, $0x2  }
0x25: {  	[tilespmem:s14], [sflag:$0x2] =	stream.linear.gather @!p1 [hbm4b:s15+s16], $0x188, $0x38;
	[tilespmem:$0x18B10] =	vst v63  }
0x26: {  	p1 =	sge.u32 s31, s8  }
.Ltmp2:
0x27: {  	_ = 	snop;
	(pc) =	sbr.rel @p1 .LBB2_7-.Ltmp2, $1  }
0x28: {  	_ =	sdelay $0x3  }
0x29: {  	s14 =	simm.s32 $0x1  }
0x2a: {  	s14 =	simm.s32 @!p0 $0x0  }
0x2b: {  	s15 =	smul.u32 $0x620, s14  }
0x2c: {  	_ =	swait.ge [sflag:s7], $0x188  }
0x2d: {  	[sflag:s7] =	ssyncset.done $0x0;
	s17 =	sshrl.u32 s15, $0x2  }
0x2e: {  	[sflag:s7] =	ssyncadd.s32 $0xFFFFFE78;
	s15 =	sadd.s32 $0x0, s17  }
0x2f: {  	v0 =	vld.msk [tilespmem:s15+$0x0 ss:$0x1], $0xffff;
	_ =	sdelay $0x4  }
0x30: {  	v1 =	vshrl.u32 v0, $0x1  }
0x31: {  	vm2 =	veq.s32 v0, $0x80000000;
	v0 =	vshll.u32 v0, $0xF;
	v1 =	vand.u32 $0x7F80, v1  }
0x32: {  	v0 =	vand.u32 $0x7F8000, v0;
	v1 =	vsel vm2, $0xFFFFFF80, v1  }
0x33: {  	v0 =	vsel vm2, $0xFFFF8000, v0;
	v2 =	vand.u32 $0xFFFFFC00, v1  }
0x34: {  	v1 =	vand.u32 $0x380, v1;
	v0 =	vadd.s32 v0, v2  }
0x35: {  	v0 =	vor.u32 v1, v0  }
0x36: {  	v0 =	vshrl.u32 v0, $0x3  }
0x37: {  	s14 =	smul.u32 $0x31000, s14  }
0x38: {  	s31 =	sand.u32 $0x1, s12  }
0x39: {  	s16 =	smul.u32 $0x620, s31;
	s14 =	sshrl.u32 s14, $0x2  }
0x3a: {  	s19 =	smul.u32 $0x31000, s31;
	s14 =	sor.u32 $0x310, s14  }
0x3b: {  	[tilespmem:s14], [sflag:$0x1] =	stream.indirect_vreg.gather [hbm:s4], $0x80, v0, vm0, $0x38;
	[tilespmem:$0x18B10] =	vst v63  }
0x3c: {  	s18 =	sshrl.u32 s16, $0x2;
	s20 =	sadd.s32 $0x10, s17;
	s15 =	sadd.s32 $0x400, s14  }
0x3d: {  	[tilespmem:s15], [sflag:$0x1] =	stream.indirect_vreg.gather [hbm:s4], $0x80, v0, vm1, $0x38;
	[tilespmem:$0x18B10] =	vst v63  }
0x3e: {  	s16 =	sshrl.u32 s19, $0x2;
	s19 =	smov.u32 s14;
	v0 =	vld.msk [tilespmem:s20+$0x0 ss:$0x1], $0xffff;
	s20 =	simm.s32 $0x80  }
.LBB2_3:
0x3f: {  	p1 =	sne.s32 s20, $0x5C0;
	_ =	sdelay $0x4  }
0x40: {  	v1 =	vshrl.u32 v0, $0x1  }
0x41: {  	vm2 =	veq.s32 v0, $0x80000000;
	v0 =	vshll.u32 v0, $0xF;
	v1 =	vand.u32 $0x7F80, v1  }
0x42: {  	v0 =	vand.u32 $0x7F8000, v0;
	v1 =	vsel vm2, $0xFFFFFF80, v1  }
0x43: {  	v0 =	vsel vm2, $0xFFFF8000, v0;
	v2 =	vand.u32 $0xFFFFFC00, v1  }
0x44: {  	v1 =	vand.u32 $0x380, v1;
	v0 =	vadd.s32 v0, v2  }
0x45: {  	v0 =	vor.u32 v1, v0  }
0x46: {  	v0 =	vshrl.u32 v0, $0x3;
	_ =	sdelay $0x3  }
.Ltmp3:
0x47: {  	s21 =	sshra.s32 s20, $0x2;
	s19 =	sadd.s32 $0x800, s19;
	(pc) =	sbr.rel @p1 .LBB2_3-.Ltmp3, $4  }
0x48: {  	[tilespmem:s19], [sflag:$0x1] =	stream.indirect_vreg.gather [hbm:s4], $0x80, v0, vm0, $0x38;
	[tilespmem:$0x18B10] =	vst v63  }
0x49: {  	s21 =	sadd.s32 s21, s17;
	s22 =	sadd.s32 $0x400, s19  }
0x4a: {  	[tilespmem:s22], [sflag:$0x1] =	stream.indirect_vreg.gather [hbm:s4], $0x80, v0, vm1, $0x38;
	[tilespmem:$0x18B10] =	vst v63  }
0x4b: {  	s20 =	sadd.s32 $0x40, s20;
	v0 =	vld.msk [tilespmem:s21+$0x0 ss:$0x1], $0xffff  }
0x4c: {  	_ =	sdelay $0x3  }
0x4d: {  	v1 =	vshrl.u32 v0, $0x1  }
0x4e: {  	vm2 =	veq.s32 v0, $0x80000000;
	v61 =	vshll.u32 v0, $0xF;
	v1 =	vand.u32 $0x7F80, v1  }
0x4f: {  	v0 =	vand.u32 $0x7F8000, v61;
	v1 =	vsel vm2, $0xFFFFFF80, v1  }
0x50: {  	v0 =	vsel vm2, $0xFFFF8000, v0;
	v2 =	vand.u32 $0xFFFFFC00, v1  }
0x51: {  	v1 =	vand.u32 $0x380, v1;
	v0 =	vadd.s32 v0, v2  }
0x52: {  	v0 =	vor.u32 v1, v0  }
0x53: {  	v0 =	vshrl.u32 v0, $0x3;
	_ =	sdelay $0x3  }
0x54: {  	s17 =	sadd.s32 $0x800, s19  }
0x55: {  	[tilespmem:s17], [sflag:$0x1] =	stream.indirect_vreg.gather [hbm:s4], $0x80, v0, vm0, $0x38;
	[tilespmem:$0x18B10] =	vst v63  }
0x56: {  	s17 =	sadd.s32 $0x400, s17  }
0x57: {  	[tilespmem:s17], [sflag:$0x1] =	stream.indirect_vreg.gather [hbm:s4], $0x80, v0, vm1, $0x38;
	[tilespmem:$0x18B10] =	vst v63  }
0x58: {  	v0 =	vld.msk [tilespmem:s18+$0x180 ss:$0x1], $0xff;
	_ =	sdelay $0x4  }
0x59: {  	v62 =	vshrl.u32 v0, $0x1  }
0x5a: {  	vm2 =	veq.s32 v0, $0x80000000;
	v0 =	vshll.u32 v0, $0xF;
	v1 =	vand.u32 $0x7F80, v62  }
0x5b: {  	v0 =	vand.u32 $0x7F8000, v0;
	v1 =	vsel vm2, $0xFFFFFF80, v1  }
0x5c: {  	v0 =	vsel vm2, $0xFFFF8000, v0;
	v63 =	vand.u32 $0xFFFFFC00, v1  }
0x5d: {  	v1 =	vand.u32 $0x380, v1;
	v0 =	vadd.s32 v0, v63  }
0x5e: {  	v0 =	vor.u32 v1, v0  }
0x5f: {  	v0 =	vshrl.u32 v0, $0x3;
	_ =	sdelay $0x3  }
0x60: {  	s16 =	sadd.s32 $0xC310, s16  }
0x61: {  	[tilespmem:s16], [sflag:$0x1] =	stream.indirect_vreg.gather [hbm:s4], $0x80, v0, vm0, $0x38;
	[tilespmem:$0x18B10] =	vst v63  }
0x62: {  	s13 =	sshll.u32 s13, $0x4;
	_ =	swait.ge [sflag:s6], $0xC400  }
0x63: {  	s13 =	sadd.s32 s13, s9;
	[sflag:s6] =	ssyncset.done $0x0  }
0x64: {  	s17 =	sadd.s32 $0x0, s13;
	s16 =	simm.s32 $0x80;
	[sflag:s6] =	ssyncadd.s32 $0xFFFF3C00  }
.LBB2_5:
0x65: {  	[hbm:s17] =	stream.linear.scatter [tilespmem:s14], [sflag:$0x3], $0x400, $0x38;
	[tilespmem:$0x18B10] =	vst v63  }
0x66: {  	s17 =	smov.u32 s16;
	s14 =	smov.u32 s15;
	p1 =	sne.s32 s16, $0x1800  }
.Ltmp4:
0x67: {  	s16 =	sadd.s32 $0x80, s16;
	(pc) =	sbr.rel @p1 .LBB2_5-.Ltmp4, $2  }
0x68: {  	_ =	sdelay $0x2  }
0x69: {  	s15 =	sadd.s32 $0x400, s15;
	s17 =	sadd.s32 s17, s13  }
.Ltmp5:
0x6a: {  	_ = 	snop;
	(pc) =	sbr.rel .LBB2_6-.Ltmp5, $1  }
0x6b: {  	_ =	sdelay $0x3  }
.LBB2_8:
0x6c: {  	_ =	sfence.sel $0x180000  }
0x6d: {  	s1 =	simm.s32 $0x2;
	[bflag:$0x0] =	sbarrier.arrive $0xFFFF  }
0x6e: {  	s30 =	simm.s32 $0x3;
	[sflag:s1] =	ssyncpa.u1 $0x1  }
0x6f: {  	s31 =	simm.s32 $0x1;
	[sflag:s30] =	ssyncpa.u1 $0x1  }
0x70: {  	[sflag:s31] =	ssyncpa.u1 $0x1  }
0x71: {  	p0 =	sne.s32 s0, $0x0;
	_ =	strace $0x9000006B  }
0x72: {  	s0 =	sadd.s32 @!p0 $0x100000, s2;
	[bflag:$0x2] =	sbarrier.arrive $0xFFFF  }
0x73: {  	[sflag:s0] =	ssyncadd.tile.s32 @!p0 $0x1;
	_ =	shalt  }
.Lfunc_end2:
_tile_overlayer_lowered:
.L_overlay_start_2:
0x74: {  	(tag) =	ssettag $0x2  }
0x75: {  	s0 =	rddreg [dreg:$0x0];
	s2 =	stileid.u32  }
0x76: {  	s1 =	rddreg [dreg:$0x1];
	p0 =	sne.s32 s2, $0x0  }
0x77: {  	s3 =	rddreg [dreg:$0x2];
	[bflag:$0x3] =	sbarrier.arrive $0xFFFF;
	s2 =	simm.s32 @!p0 $0x1C01  }
0x78: {  	[timem:s3], [sflag:s2] =	dma.local @!p0 [hbm:s0], s1  }
0x79: {  	s0 =	simm.s32 @!p0 $0x1  }
0x7a: {  	_ =	swait.ge @!p0 [sflag:s0], s1  }
0x7b: {  	s1 =	ssub.s32 @!p0 $0x0, s1;
	[sflag:s0] =	ssyncset.done @!p0 $0x0  }
0x7c: {  	[sflag:s0] =	ssyncadd.s32 @!p0 s1  }
0x7d: {  	[bflag:$0x3] =	sbarrier.arrive $0xFFFF  }
0x7e: {  	_ =	shalt  }

// kernel: gather_offload_async_start.4
scs
__scs_entry_jumppad:
0x0: {  	(pc) =	sbr.rel $0x88, $3  }
0x1: {  	(tag) =	ssettag $0x0;
	lr =	simm.s32 $0x1  }
0x2: {  	[smem:$0x3F8E] =	sst lr;
	_ =	strace $0xD0000000  }
0x3: {  	_ = 	snop  }
0x4: {  	_ = 	snop  }
0x5: {  	_ = 	snop  }
0x6: {  	_ = 	snop  }
0x7: {  	_ = 	snop  }
__scs_overlays_trampoline_lowered:
0x8: {  	[smem:$0x3F9D] =	sst s0  }
0x9: {  	[smem:$0x3F9E] =	sst s1  }
0xa: {  	[smem:$0x3F9F] =	sst s2  }
0xb: {  	[smem:$0x3FA0] =	sst s3  }
0xc: {  	[smem:$0x3FA1] =	sst s4  }
0xd: {  	[smem:$0x3FA2] =	sst s5  }
0xe: {  	[smem:$0x3FA3] =	sst s6  }
0xf: {  	[smem:$0x3FA4] =	sst s7  }
0x10: {  	[smem:$0x3FA5] =	sst s8  }
0x11: {  	[smem:$0x3FA6] =	sst s9;
	s0 =	simm.s32 @!p0 $0x0  }
0x12: {  	s1 =	sld [smem:$0x3F8C];
	s0 =	simm.s32 @p0 $0x1  }
0x13: {  	[smem:$0x3FA7] =	sst s0;
	s0 =	simm.s32 @!p1 $0x0  }
0x14: {  	s2 =	sld [smem:$0x3F8B];
	s0 =	simm.s32 @p1 $0x1  }
0x15: {  	[smem:$0x3FA8] =	sst s0;
	s0 =	simm.s32 @!p2 $0x0  }
0x16: {  	s3 =	sld [smem:$0x3FDB];
	s0 =	simm.s32 @p2 $0x1  }
0x17: {  	s4 =	simm.s32 $0x1BF5;
	[smem:$0x3FAA] =	sst s0  }
0x18: {  	s0 =	sld [smem:$0x3F8D];
	_ =	swait.ge [sflag:s4], $0x0  }
0x19: {  	s7 =	sld [smem:$0x3F8E]  }
0x1a: {  	s8 =	sadd.s32 $0xFFFFE003, lr  }
0x1b: {  	s9 =	sadd.s32 $0xFFFFFEF7, lr;
	s5 =	simm.s32 $0xFFFFFFFF;
	p2 =	slt.u32 s8, $0xFFFFF086  }
0x1c: {  	p1 =	slt.u32 s9, $0xF7A;
	s5 =	simm.s32 @!p2 $0x0  }
0x1d: {  	s5 =	simm.s32 @p1 $0x1;
	p0 =	seq.s32 s7, s2  }
0x1e: {  	s7 =	smul.u32 @!p0 $0xF7A, s2;
	p2 =	seq.s32 @!p0 s5, $0x0  }
0x1f: {  	s9 =	smul.u32 $0xF7A, s1;
	s8 =	simm.s32 @!p0 $0x1BF5;
	p2 =	por !p2, p0  }
0x20: {  	[sflag:s8] =	ssyncset.s32 @!p0 $0xFFFFF086;
	s6 =	sadd.s32 @!p0 s3, s7;
	s7 =	simm.s32 @!p0 $0x108  }
0x21: {  	s3 =	sadd.s32 s3, s9;
	s6 =	sadd.s32 @!p0 $0x88, s6;
	s7 =	simm.s32 @p2 $0x1082  }
0x22: {  	[simem:s7], [sflag:s8] =	dma.local @!p0 [hbm:s6], $0xF7A  }
0x23: {  	s9 =	sor.u32 $0xD0000000, s2;
	s6 =	simm.s32 $0x108;
	_ =	swait.ge @!p0 [sflag:s8], $0x0  }
0x24: {  	s3 =	sadd.s32 $0x88, s3;
	s6 =	simm.s32 @!p1 $0x1082;
	[sflag:s4] =	ssyncset.s32 $0xFFFFF086  }
0x25: {  	[simem:s6], [sflag:s4] =	dma.local [hbm:s3], $0xF7A  }
0x26: {  	[smem:$0x3F8E] =	sst s1;
	(tag) =	ssettag s2;
	_ =	strace s9  }
0x27: {  	s1 =	sld [smem:$0x3F9E]  }
0x28: {  	s2 =	sld [smem:$0x3F9F]  }
0x29: {  	s4 =	sld [smem:$0x3FA1]  }
0x2a: {  	p0 =	seq.s32 s5, $0x0;
	s5 =	sld [smem:$0x3FA2]  }
0x2b: {  	s6 =	sld [smem:$0x3FA3]  }
0x2c: {  	s7 =	sld [smem:$0x3FA4]  }
0x2d: {  	s3 =	simm.s32 $0x108;
	s8 =	sld [smem:$0x3FA5]  }
0x2e: {  	s3 =	simm.s32 @!p0 $0x1082;
	s9 =	sld [smem:$0x3FA6]  }
0x2f: {  	lr =	sadd.s32 s0, s3;
	s0 =	sld [smem:$0x3F9D]  }
0x30: {  	s3 =	sld [smem:$0x3FA0]  }
0x31: {  	[smem:$0x3FA9] =	sst s10  }
0x32: {  	s10 =	sld [smem:$0x3FA7];
	_ =	sdelay $0x3  }
0x33: {  	p0 =	seq.s32 s10, $0x1;
	s10 =	sld [smem:$0x3FA9];
	_ =	sdelay $0x3  }
0x34: {  	[smem:$0x3FA9] =	sst s10  }
0x35: {  	s10 =	sld [smem:$0x3FA8];
	_ =	sdelay $0x3  }
0x36: {  	p1 =	seq.s32 s10, $0x1;
	s10 =	sld [smem:$0x3FA9];
	_ =	sdelay $0x3  }
0x37: {  	[smem:$0x3FA9] =	sst s10  }
0x38: {  	s10 =	sld [smem:$0x3FAA]  }
0x39: {  	_ = 	snop;
	(pc) =	sbr.ind lr, $3  }
0x3a: {  	_ = 	snop  }
0x3b: {  	_ = 	snop  }
0x3c: {  	p2 =	seq.s32 s10, $0x1;
	s10 =	sld [smem:$0x3FA9]  }
0x3d: {  	_ =	shalt  }
0x3e: {  	_ =	shalt  }
0x3f: {  	_ =	shalt  }
0x40: {  	_ =	shalt  }
0x41: {  	_ =	shalt  }
0x42: {  	_ =	shalt  }
0x43: {  	_ =	shalt  }
0x44: {  	_ =	shalt  }
0x45: {  	_ =	shalt  }
0x46: {  	_ =	shalt  }
0x47: {  	_ =	shalt  }
0x48: {  	_ =	shalt  }
0x49: {  	_ =	shalt  }
0x4a: {  	_ =	shalt  }
0x4b: {  	_ =	shalt  }
0x4c: {  	_ =	shalt  }
0x4d: {  	_ =	shalt  }
0x4e: {  	_ =	shalt  }
0x4f: {  	_ =	shalt  }
0x50: {  	_ =	shalt  }
0x51: {  	_ =	shalt  }
0x52: {  	_ =	shalt  }
0x53: {  	_ =	shalt  }
0x54: {  	_ =	shalt  }
0x55: {  	_ =	shalt  }
0x56: {  	_ =	shalt  }
0x57: {  	_ =	shalt  }
0x58: {  	_ =	shalt  }
0x59: {  	_ =	shalt  }
0x5a: {  	_ =	shalt  }
0x5b: {  	_ =	shalt  }
0x5c: {  	_ =	shalt  }
0x5d: {  	_ =	shalt  }
0x5e: {  	_ =	shalt  }
0x5f: {  	_ =	shalt  }
0x60: {  	_ =	shalt  }
0x61: {  	_ =	shalt  }
0x62: {  	_ =	shalt  }
0x63: {  	_ =	shalt  }
0x64: {  	_ =	shalt  }
0x65: {  	_ =	shalt  }
0x66: {  	_ =	shalt  }
0x67: {  	_ =	shalt  }
0x68: {  	_ =	shalt  }
0x69: {  	_ =	shalt  }
0x6a: {  	_ =	shalt  }
0x6b: {  	_ =	shalt  }
0x6c: {  	_ =	shalt  }
0x6d: {  	_ =	shalt  }
0x6e: {  	_ =	shalt  }
0x6f: {  	_ =	shalt  }
0x70: {  	_ =	shalt  }
0x71: {  	_ =	shalt  }
0x72: {  	_ =	shalt  }
0x73: {  	_ =	shalt  }
0x74: {  	_ =	shalt  }
0x75: {  	_ =	shalt  }
0x76: {  	_ =	shalt  }
0x77: {  	_ =	shalt  }
0x78: {  	_ =	shalt  }
0x79: {  	_ =	shalt  }
0x7a: {  	_ =	shalt  }
0x7b: {  	_ =	shalt  }
0x7c: {  	_ =	shalt  }
0x7d: {  	_ =	shalt  }
0x7e: {  	_ =	shalt  }
0x7f: {  	_ =	shalt  }
0x80: {  	_ =	shalt  }
0x81: {  	_ =	shalt  }
0x82: {  	_ =	shalt  }
0x83: {  	_ =	shalt  }
0x84: {  	_ =	shalt  }
0x85: {  	_ =	shalt  }
0x86: {  	_ =	shalt  }
0x87: {  	_ =	shalt  }
.Lfunc_end0:
.L_simem_size_0:
called_computation.6_lowered:
.L_overlay_start_0:
0x88: {  	s0 =	sld [smem:$0x3FD9]  }
0x89: {  	s1 =	sld [smem:$0x3FFE];
	_ =	sdelay $0x3  }
0x8a: {  	s0 =	sadd.s32 s1, s0  }
0x8b: {  	[smem:$0x3FB5] =	sst s0  }
0x8c: {  	_ = 	snop  }
0x8d: {  	(tm) =	ssettm $0x1  }
0x8e: {  	s15 =	sld [smem:$0x3FFB];
	_ =	sdelay $0x3  }
0x8f: {  	_ =	strace s15  }
0x90: {  	s0 =	sld [smem:$0x3FFC];
	_ =	sdelay $0x3  }
0x91: {  	_ =	strace s0  }
0x92: {  	s0 =	sld [smem:$0x3FFD];
	_ =	sdelay $0x3  }
0x93: {  	_ =	strace s0  }
0x94: {  	_ =	strace $0x8FFFFFFF  }
0x95: {  	s16 =	sld [smem:$0x3FDB];
	_ =	sdelay $0x1  }
0x96: {  	s17 =	simm.s32 $_scs_section_size  }
0x97: {  	s2 =	simm.s32 $_size__tile_overlayer_lowered;
	s3 =	simm.s32 $_tile_overlayer_lowered  }
0x98: {  	s20 =	simm.s32 $0x1BFF;
	s19 =	sshll.u32 s3, $0x1;
	s0 =	sadd.s32 s17, s16  }
0x99: {  	s4 =	simm.s32 $0x0;
	s18 =	sshll.u32 s2, $0x1;
	s2 =	sadd.s32 s19, s0  }
0x9a: {  	[timem:s4], [sflag:s20] =	dma.local [hbm:s2], s18  }
0x9b: {  	_ =	swait.ge [sflag:s20], s18  }
0x9c: {  	s1 =	ssub.s32 $0x0, s18;
	[sflag:s20] =	ssyncset.done $0x0  }
0x9d: {  	[sflag:s20] =	ssyncadd.s32 s1;
	_ =	sdelay $0x1  }
0x9e: {  	s21 =	simm.s32 $0x1B8B  }
0x9f: {  	_ =	swait.ge [sflag:s21], $0x1  }
0xa0: {  	[sflag:s21] =	ssyncset.done $0x0  }
0xa1: {  	s23 =	simm.s32 $0x1B8E;
	s22 =	sld [smem:$0x3FFE];
	[sflag:s21] =	ssyncadd.s32 $0xFFFFFFFF  }
0xa2: {  	s24 =	simm.s32 $execute0_lowered;
	[smem:$0x3FD2] =	sst s23  }
0xa3: {  	s2 =	sshll.u32 s24, $0x1;
	_ =	strace $0x80000064;
	[dreg:$0x1] =	wrdreg $0xFFFFFFFF  }
0xa4: {  	s25 =	simm.s32 $_size_execute0_lowered;
	s0 =	sadd.s32 s0, s2;
	[dreg:$0x0] =	wrdreg $0x0  }
0xa5: {  	s2 =	sshll.u32 s25, $0x1;
	[dreg:$0x2] =	wrdreg s0  }
0xa6: {  	[dreg:$0x3] =	wrdreg s2  }
0xa7: {  	[dreg:$0x4] =	wrdreg $0xC0  }
0xa8: {  	_ =	task [dreg:s4], $0x5FFFF  }
0xa9: {  	[dreg:$0x1] =	wrdreg $0xFFFFFFFF  }
0xaa: {  	[dreg:$0x0] =	wrdreg $0x60  }
0xab: {  	[dreg:$0x2] =	wrdreg s22  }
0xac: {  	[dreg:$0x3] =	wrdreg $0xA  }
0xad: {  	_ =	task.clear_ibuf [dreg:s4], $0x4FFFF;
	_ =	strace $0x90000064  }
0xae: {  	s26 =	simm.s32 $0xA;
	_ =	strace $0x80000066  }
0xaf: {  	_ =	swait.ge [sflag:s26], $0x1  }
0xb0: {  	[sflag:s26] =	ssyncadd.s32 $0xFFFFFFFF  }
0xb1: {  	_ =	strace $0x90000066  }
0xb2: {  	_ =	sfence  }
0xb3: {  	s28 =	sld [smem:$0x0];
	_ =	sdelay $0x1  }
0xb4: {  	s29 =	srdreg.scid  }
0xb5: {  	s30 =	sshll.u32 s29, $0xD;
	s31 =	sshrl.u32 s29, $0x2  }
0xb6: {  	s1 =	sand.u32 $0x1, s29;
	s2 =	sand.u32 $0x4000, s30;
	s0 =	sadd.s32 s31, s28  }
0xb7: {  	s1 =	sor.u32 s2, s1;
	s0 =	sshll.u32 s0, $0x11  }
0xb8: {  	s0 =	sor.u32 s0, s1  }
0xb9: {  	s0 =	sadd.s32 $0x8F2B, s0  }
0xba: {  	[sflag:s0] =	ssyncadd.remote.s32 $0x1  }
0xbb: {  	_ =	sfence.sel $0xFFFF  }
0xbc: {  	[dreg:$0x0] =	wrdreg $0xFFFFFFFF;
	(pc) =	sbr.abs _section_cstart, $3  }
0xbd: {  	[dreg:$0x1] =	wrdreg $0xFFFFFFFF  }
0xbe: {  	_ =	task.clear_ibuf [dreg:s4], $0x2FFFF;
	_ =	strace $0x9FFFFFFF  }
0xbf: {  	(tm) =	ssettm $0x7FFFFFFF  }
tec
execute0_lowered:
.L_overlay_start_1:
0x0: {  	(tag) =	ssettag $0x1  }
0x1: {  	s0 =	stileid.u32  }
0x2: {  	s1 =	smin.u32 s0, $0x9  }
0x3: {  	s1 =	sadd.s32 s0, s1  }
0x4: {  	s2 =	simm.s32 $0x310;
	p0 =	slt.u32 s0, $0x9;
	s1 =	smul.u32 $0x188, s1  }
0x5: {  	s2 =	simm.s32 @!p0 $0x188  }
0x6: {  	s2 =	sadd.s32 s2, s1  }
0x7: {  	s3 =	smin.u32 s2, $0x2648  }
0x8: {  	s7 =	ssub.s32 s3, s1  }
0x9: {  	p0 =	sgt.s32 s7, $0x0  }
0xa: {  	s7 =	simm.s32 @!p0 $0x0  }
0xb: {  	s31 =	sand.u32 $0xFFF8, s7  }
0xc: {  	s2 =	sshrl.u32 s31, $0x3  }
0xd: {  	s4 =	smul.u32 $0xA73, s2  }
0xe: {  	s9 =	rddreg [dreg:$0x0];
	s6 =	simm.s32 $0x1;
	s11 =	simm.s32 $0x3  }
0xf: {  	s13 =	simm.s32 $0x0;
	s12 =	simm.s32 $0x0;
	s8 =	sshrl.u32 s4, $0x11  }
0x10: {  	s2 =	rddreg [dreg:$0x1];
	_ =	strace $0x80000065;
	s10 =	smul.u32 $0x188, s8  }
.Ltmp0:
0x11: {  	s5 =	sadd.s32 $0x100C00, s9;
	[sflag:s6] =	ssyncpa.u1 $0x0;
	(pc) =	sbr.rel .LBB2_1-.Ltmp0, $4  }
0x12: {  	s4 =	sadd.s32 $0x318E00, s9;
	p0 =	sne.s32 s7, s10;
	s10 =	simm.s32 $0x1  }
0x13: {  	s9 =	sadd.s32 $0x1B2600, s9;
	s7 =	simm.s32 $0x2;
	s10 =	simm.s32 @!p0 $0x0  }
0x14: {  	[sflag:s7] =	ssyncpa.u1 $0x0;
	p0 =	por $0x0, $0x0;
	s8 =	sadd.s32 s8, s10  }
0x15: {  	vm0 =	vmmov $0xff;
	vm1 =	vcmask $0x3F20;
	[sflag:s11] =	ssyncpa.u1 $0x0;
	s11 =	smov.u32 s1;
	s10 =	sadd.s32 $0x1, s8  }
.LBB2_6:
0x16: {  	[hbm:s17] =	stream.linear.scatter [tilespmem:s14], [sflag:$0x3], $0x400, $0x38;
	[tilespmem:$0x18B10] =	vst v63  }
.LBB2_7:
0x17: {  	s13 =	sadd.s32 $0x188, s11  }
0x18: {  	s15 =	smov.u32 s1;
	p2 =	slt.s32 s13, s3  }
0x19: {  	s15 =	smov.u32 @p2 s13;
	p2 =	sne.s32 s12, s10  }
.Ltmp1:
0x1a: {  	p1 =	slt.u32 s12, $0x2;
	(pc) =	sbr.rel @!p2 .LBB2_8-.Ltmp1, $4  }
0x1b: {  	s14 =	simm.s32 @!p1 $0x3  }
0x1c: {  	s16 =	sadd.s32 $0x1, s12;
	_ =	swait.ge @!p1 [sflag:s14], $0xC400  }
0x1d: {  	p0 =	por !p0, !p0;
	s13 =	smov.u32 s11;
	[sflag:s14] =	ssyncset.done @!p1 $0x0  }
0x1e: {  	s12 =	smov.u32 s16;
	s11 =	smov.u32 s15;
	[sflag:s14] =	ssyncadd.s32 @!p1 $0xFFFF3C00  }
.LBB2_1:
0x1f: {  	p1 =	sge.u32 s12, s8  }
0x20: {  	s14 =	sxor.u32 @!p1 $0xFFFFFFFF, s12  }
0x21: {  	s14 =	sand.u32 @!p1 $0x1, s14  }
0x22: {  	s14 =	smul.u32 @!p1 $0x620, s14  }
0x23: {  	s31 =	sadd.s32 $0xFFFFFFFF, s12;
	s15 =	sshrl.u32 @!p1 s11, $0x3  }
0x24: {  	s16 =	sand.u32 @!p1 $0x7, s11;
	s15 =	sadd.s32 @!p1 s5, s15;
	s14 =	sshrl.u32 @!p1 s14, $0x2  }
0x25: {  	[tilespmem:s14], [sflag:$0x2] =	stream.linear.gather @!p1 [hbm4b:s15+s16], $0x188, $0x38;
	[tilespmem:$0x18B10] =	vst v63  }
0x26: {  	p1 =	sge.u32 s31, s8  }
.Ltmp2:
0x27: {  	_ = 	snop;
	(pc) =	sbr.rel @p1 .LBB2_7-.Ltmp2, $1  }
0x28: {  	_ =	sdelay $0x3  }
0x29: {  	s14 =	simm.s32 $0x1  }
0x2a: {  	s14 =	simm.s32 @!p0 $0x0  }
0x2b: {  	s15 =	smul.u32 $0x620, s14  }
0x2c: {  	_ =	swait.ge [sflag:s7], $0x188  }
0x2d: {  	[sflag:s7] =	ssyncset.done $0x0;
	s17 =	sshrl.u32 s15, $0x2  }
0x2e: {  	[sflag:s7] =	ssyncadd.s32 $0xFFFFFE78;
	s15 =	sadd.s32 $0x0, s17  }
0x2f: {  	v0 =	vld.msk [tilespmem:s15+$0x0 ss:$0x1], $0xffff;
	_ =	sdelay $0x4  }
0x30: {  	v1 =	vshrl.u32 v0, $0x1  }
0x31: {  	vm2 =	veq.s32 v0, $0x80000000;
	v0 =	vshll.u32 v0, $0xF;
	v1 =	vand.u32 $0x7F80, v1  }
0x32: {  	v0 =	vand.u32 $0x7F8000, v0;
	v1 =	vsel vm2, $0xFFFFFF80, v1  }
0x33: {  	v0 =	vsel vm2, $0xFFFF8000, v0;
	v2 =	vand.u32 $0xFFFFFC00, v1  }
0x34: {  	v1 =	vand.u32 $0x380, v1;
	v0 =	vadd.s32 v0, v2  }
0x35: {  	v0 =	vor.u32 v1, v0  }
0x36: {  	v0 =	vshrl.u32 v0, $0x3  }
0x37: {  	s14 =	smul.u32 $0x31000, s14  }
0x38: {  	s31 =	sand.u32 $0x1, s12  }
0x39: {  	s16 =	smul.u32 $0x620, s31;
	s14 =	sshrl.u32 s14, $0x2  }
0x3a: {  	s19 =	smul.u32 $0x31000, s31;
	s14 =	sor.u32 $0x310, s14  }
0x3b: {  	[tilespmem:s14], [sflag:$0x1] =	stream.indirect_vreg.gather [hbm:s4], $0x80, v0, vm0, $0x38;
	[tilespmem:$0x18B10] =	vst v63  }
0x3c: {  	s18 =	sshrl.u32 s16, $0x2;
	s20 =	sadd.s32 $0x10, s17;
	s15 =	sadd.s32 $0x400, s14  }
0x3d: {  	[tilespmem:s15], [sflag:$0x1] =	stream.indirect_vreg.gather [hbm:s4], $0x80, v0, vm1, $0x38;
	[tilespmem:$0x18B10] =	vst v63  }
0x3e: {  	s16 =	sshrl.u32 s19, $0x2;
	s19 =	smov.u32 s14;
	v0 =	vld.msk [tilespmem:s20+$0x0 ss:$0x1], $0xffff;
	s20 =	simm.s32 $0x80  }
.LBB2_3:
0x3f: {  	p1 =	sne.s32 s20, $0x5C0;
	_ =	sdelay $0x4  }
0x40: {  	v1 =	vshrl.u32 v0, $0x1  }
0x41: {  	vm2 =	veq.s32 v0, $0x80000000;
	v0 =	vshll.u32 v0, $0xF;
	v1 =	vand.u32 $0x7F80, v1  }
0x42: {  	v0 =	vand.u32 $0x7F8000, v0;
	v1 =	vsel vm2, $0xFFFFFF80, v1  }
0x43: {  	v0 =	vsel vm2, $0xFFFF8000, v0;
	v2 =	vand.u32 $0xFFFFFC00, v1  }
0x44: {  	v1 =	vand.u32 $0x380, v1;
	v0 =	vadd.s32 v0, v2  }
0x45: {  	v0 =	vor.u32 v1, v0  }
0x46: {  	v0 =	vshrl.u32 v0, $0x3;
	_ =	sdelay $0x3  }
.Ltmp3:
0x47: {  	s21 =	sshra.s32 s20, $0x2;
	s19 =	sadd.s32 $0x800, s19;
	(pc) =	sbr.rel @p1 .LBB2_3-.Ltmp3, $4  }
0x48: {  	[tilespmem:s19], [sflag:$0x1] =	stream.indirect_vreg.gather [hbm:s4], $0x80, v0, vm0, $0x38;
	[tilespmem:$0x18B10] =	vst v63  }
0x49: {  	s21 =	sadd.s32 s21, s17;
	s22 =	sadd.s32 $0x400, s19  }
0x4a: {  	[tilespmem:s22], [sflag:$0x1] =	stream.indirect_vreg.gather [hbm:s4], $0x80, v0, vm1, $0x38;
	[tilespmem:$0x18B10] =	vst v63  }
0x4b: {  	s20 =	sadd.s32 $0x40, s20;
	v0 =	vld.msk [tilespmem:s21+$0x0 ss:$0x1], $0xffff  }
0x4c: {  	_ =	sdelay $0x3  }
0x4d: {  	v1 =	vshrl.u32 v0, $0x1  }
0x4e: {  	vm2 =	veq.s32 v0, $0x80000000;
	v61 =	vshll.u32 v0, $0xF;
	v1 =	vand.u32 $0x7F80, v1  }
0x4f: {  	v0 =	vand.u32 $0x7F8000, v61;
	v1 =	vsel vm2, $0xFFFFFF80, v1  }
0x50: {  	v0 =	vsel vm2, $0xFFFF8000, v0;
	v2 =	vand.u32 $0xFFFFFC00, v1  }
0x51: {  	v1 =	vand.u32 $0x380, v1;
	v0 =	vadd.s32 v0, v2  }
0x52: {  	v0 =	vor.u32 v1, v0  }
0x53: {  	v0 =	vshrl.u32 v0, $0x3;
	_ =	sdelay $0x3  }
0x54: {  	s17 =	sadd.s32 $0x800, s19  }
0x55: {  	[tilespmem:s17], [sflag:$0x1] =	stream.indirect_vreg.gather [hbm:s4], $0x80, v0, vm0, $0x38;
	[tilespmem:$0x18B10] =	vst v63  }
0x56: {  	s17 =	sadd.s32 $0x400, s17  }
0x57: {  	[tilespmem:s17], [sflag:$0x1] =	stream.indirect_vreg.gather [hbm:s4], $0x80, v0, vm1, $0x38;
	[tilespmem:$0x18B10] =	vst v63  }
0x58: {  	v0 =	vld.msk [tilespmem:s18+$0x180 ss:$0x1], $0xff;
	_ =	sdelay $0x4  }
0x59: {  	v62 =	vshrl.u32 v0, $0x1  }
0x5a: {  	vm2 =	veq.s32 v0, $0x80000000;
	v0 =	vshll.u32 v0, $0xF;
	v1 =	vand.u32 $0x7F80, v62  }
0x5b: {  	v0 =	vand.u32 $0x7F8000, v0;
	v1 =	vsel vm2, $0xFFFFFF80, v1  }
0x5c: {  	v0 =	vsel vm2, $0xFFFF8000, v0;
	v63 =	vand.u32 $0xFFFFFC00, v1  }
0x5d: {  	v1 =	vand.u32 $0x380, v1;
	v0 =	vadd.s32 v0, v63  }
0x5e: {  	v0 =	vor.u32 v1, v0  }
0x5f: {  	v0 =	vshrl.u32 v0, $0x3;
	_ =	sdelay $0x3  }
0x60: {  	s16 =	sadd.s32 $0xC310, s16  }
0x61: {  	[tilespmem:s16], [sflag:$0x1] =	stream.indirect_vreg.gather [hbm:s4], $0x80, v0, vm0, $0x38;
	[tilespmem:$0x18B10] =	vst v63  }
0x62: {  	s13 =	sshll.u32 s13, $0x4;
	_ =	swait.ge [sflag:s6], $0xC400  }
0x63: {  	s13 =	sadd.s32 s13, s9;
	[sflag:s6] =	ssyncset.done $0x0  }
0x64: {  	s17 =	sadd.s32 $0x0, s13;
	s16 =	simm.s32 $0x80;
	[sflag:s6] =	ssyncadd.s32 $0xFFFF3C00  }
.LBB2_5:
0x65: {  	[hbm:s17] =	stream.linear.scatter [tilespmem:s14], [sflag:$0x3], $0x400, $0x38;
	[tilespmem:$0x18B10] =	vst v63  }
0x66: {  	s17 =	smov.u32 s16;
	s14 =	smov.u32 s15;
	p1 =	sne.s32 s16, $0x1800  }
.Ltmp4:
0x67: {  	s16 =	sadd.s32 $0x80, s16;
	(pc) =	sbr.rel @p1 .LBB2_5-.Ltmp4, $2  }
0x68: {  	_ =	sdelay $0x2  }
0x69: {  	s15 =	sadd.s32 $0x400, s15;
	s17 =	sadd.s32 s17, s13  }
.Ltmp5:
0x6a: {  	_ = 	snop;
	(pc) =	sbr.rel .LBB2_6-.Ltmp5, $1  }
0x6b: {  	_ =	sdelay $0x3  }
.LBB2_8:
0x6c: {  	_ =	sfence.sel $0x180000  }
0x6d: {  	s1 =	simm.s32 $0x2;
	[bflag:$0x0] =	sbarrier.arrive $0xFFFF  }
0x6e: {  	s30 =	simm.s32 $0x3;
	[sflag:s1] =	ssyncpa.u1 $0x1  }
0x6f: {  	s31 =	simm.s32 $0x1;
	[sflag:s30] =	ssyncpa.u1 $0x1  }
0x70: {  	[sflag:s31] =	ssyncpa.u1 $0x1  }
0x71: {  	p0 =	sne.s32 s0, $0x0;
	_ =	strace $0x90000065  }
0x72: {  	s0 =	sadd.s32 @!p0 $0x100000, s2;
	[bflag:$0x2] =	sbarrier.arrive $0xFFFF  }
0x73: {  	[sflag:s0] =	ssyncadd.tile.s32 @!p0 $0x1;
	_ =	shalt  }
.Lfunc_end2:
_tile_overlayer_lowered:
.L_overlay_start_2:
0x74: {  	(tag) =	ssettag $0x2  }
0x75: {  	s0 =	rddreg [dreg:$0x0];
	s2 =	stileid.u32  }
0x76: {  	s1 =	rddreg [dreg:$0x1];
	p0 =	sne.s32 s2, $0x0  }
0x77: {  	s3 =	rddreg [dreg:$0x2];
	[bflag:$0x3] =	sbarrier.arrive $0xFFFF;
	s2 =	simm.s32 @!p0 $0x1C01  }
0x78: {  	[timem:s3], [sflag:s2] =	dma.local @!p0 [hbm:s0], s1  }
0x79: {  	s0 =	simm.s32 @!p0 $0x1  }
0x7a: {  	_ =	swait.ge @!p0 [sflag:s0], s1  }
0x7b: {  	s1 =	ssub.s32 @!p0 $0x0, s1;
	[sflag:s0] =	ssyncset.done @!p0 $0x0  }
0x7c: {  	[sflag:s0] =	ssyncadd.s32 @!p0 s1  }
0x7d: {  	[bflag:$0x3] =	sbarrier.arrive $0xFFFF  }
0x7e: {  	_ =	shalt  }

// kernel: gather_offload_async_start.5
scs
__scs_entry_jumppad:
0x0: {  	(pc) =	sbr.rel $0x88, $3  }
0x1: {  	(tag) =	ssettag $0x0;
	lr =	simm.s32 $0x1  }
0x2: {  	[smem:$0x3F8E] =	sst lr;
	_ =	strace $0xD0000000  }
0x3: {  	_ = 	snop  }
0x4: {  	_ = 	snop  }
0x5: {  	_ = 	snop  }
0x6: {  	_ = 	snop  }
0x7: {  	_ = 	snop  }
__scs_overlays_trampoline_lowered:
0x8: {  	[smem:$0x3F9D] =	sst s0  }
0x9: {  	[smem:$0x3F9E] =	sst s1  }
0xa: {  	[smem:$0x3F9F] =	sst s2  }
0xb: {  	[smem:$0x3FA0] =	sst s3  }
0xc: {  	[smem:$0x3FA1] =	sst s4  }
0xd: {  	[smem:$0x3FA2] =	sst s5  }
0xe: {  	[smem:$0x3FA3] =	sst s6  }
0xf: {  	[smem:$0x3FA4] =	sst s7  }
0x10: {  	[smem:$0x3FA5] =	sst s8  }
0x11: {  	[smem:$0x3FA6] =	sst s9;
	s0 =	simm.s32 @!p0 $0x0  }
0x12: {  	s1 =	sld [smem:$0x3F8C];
	s0 =	simm.s32 @p0 $0x1  }
0x13: {  	[smem:$0x3FA7] =	sst s0;
	s0 =	simm.s32 @!p1 $0x0  }
0x14: {  	s2 =	sld [smem:$0x3F8B];
	s0 =	simm.s32 @p1 $0x1  }
0x15: {  	[smem:$0x3FA8] =	sst s0;
	s0 =	simm.s32 @!p2 $0x0  }
0x16: {  	s3 =	sld [smem:$0x3FDB];
	s0 =	simm.s32 @p2 $0x1  }
0x17: {  	s4 =	simm.s32 $0x1BF5;
	[smem:$0x3FAA] =	sst s0  }
0x18: {  	s0 =	sld [smem:$0x3F8D];
	_ =	swait.ge [sflag:s4], $0x0  }
0x19: {  	s7 =	sld [smem:$0x3F8E]  }
0x1a: {  	s8 =	sadd.s32 $0xFFFFE003, lr  }
0x1b: {  	s9 =	sadd.s32 $0xFFFFFEF7, lr;
	s5 =	simm.s32 $0xFFFFFFFF;
	p2 =	slt.u32 s8, $0xFFFFF086  }
0x1c: {  	p1 =	slt.u32 s9, $0xF7A;
	s5 =	simm.s32 @!p2 $0x0  }
0x1d: {  	s5 =	simm.s32 @p1 $0x1;
	p0 =	seq.s32 s7, s2  }
0x1e: {  	s7 =	smul.u32 @!p0 $0xF7A, s2;
	p2 =	seq.s32 @!p0 s5, $0x0  }
0x1f: {  	s9 =	smul.u32 $0xF7A, s1;
	s8 =	simm.s32 @!p0 $0x1BF5;
	p2 =	por !p2, p0  }
0x20: {  	[sflag:s8] =	ssyncset.s32 @!p0 $0xFFFFF086;
	s6 =	sadd.s32 @!p0 s3, s7;
	s7 =	simm.s32 @!p0 $0x108  }
0x21: {  	s3 =	sadd.s32 s3, s9;
	s6 =	sadd.s32 @!p0 $0x88, s6;
	s7 =	simm.s32 @p2 $0x1082  }
0x22: {  	[simem:s7], [sflag:s8] =	dma.local @!p0 [hbm:s6], $0xF7A  }
0x23: {  	s9 =	sor.u32 $0xD0000000, s2;
	s6 =	simm.s32 $0x108;
	_ =	swait.ge @!p0 [sflag:s8], $0x0  }
0x24: {  	s3 =	sadd.s32 $0x88, s3;
	s6 =	simm.s32 @!p1 $0x1082;
	[sflag:s4] =	ssyncset.s32 $0xFFFFF086  }
0x25: {  	[simem:s6], [sflag:s4] =	dma.local [hbm:s3], $0xF7A  }
0x26: {  	[smem:$0x3F8E] =	sst s1;
	(tag) =	ssettag s2;
	_ =	strace s9  }
0x27: {  	s1 =	sld [smem:$0x3F9E]  }
0x28: {  	s2 =	sld [smem:$0x3F9F]  }
0x29: {  	s4 =	sld [smem:$0x3FA1]  }
0x2a: {  	p0 =	seq.s32 s5, $0x0;
	s5 =	sld [smem:$0x3FA2]  }
0x2b: {  	s6 =	sld [smem:$0x3FA3]  }
0x2c: {  	s7 =	sld [smem:$0x3FA4]  }
0x2d: {  	s3 =	simm.s32 $0x108;
	s8 =	sld [smem:$0x3FA5]  }
0x2e: {  	s3 =	simm.s32 @!p0 $0x1082;
	s9 =	sld [smem:$0x3FA6]  }
0x2f: {  	lr =	sadd.s32 s0, s3;
	s0 =	sld [smem:$0x3F9D]  }
0x30: {  	s3 =	sld [smem:$0x3FA0]  }
0x31: {  	[smem:$0x3FA9] =	sst s10  }
0x32: {  	s10 =	sld [smem:$0x3FA7];
	_ =	sdelay $0x3  }
0x33: {  	p0 =	seq.s32 s10, $0x1;
	s10 =	sld [smem:$0x3FA9];
	_ =	sdelay $0x3  }
0x34: {  	[smem:$0x3FA9] =	sst s10  }
0x35: {  	s10 =	sld [smem:$0x3FA8];
	_ =	sdelay $0x3  }
0x36: {  	p1 =	seq.s32 s10, $0x1;
	s10 =	sld [smem:$0x3FA9];
	_ =	sdelay $0x3  }
0x37: {  	[smem:$0x3FA9] =	sst s10  }
0x38: {  	s10 =	sld [smem:$0x3FAA]  }
0x39: {  	_ = 	snop;
	(pc) =	sbr.ind lr, $3  }
0x3a: {  	_ = 	snop  }
0x3b: {  	_ = 	snop  }
0x3c: {  	p2 =	seq.s32 s10, $0x1;
	s10 =	sld [smem:$0x3FA9]  }
0x3d: {  	_ =	shalt  }
0x3e: {  	_ =	shalt  }
0x3f: {  	_ =	shalt  }
0x40: {  	_ =	shalt  }
0x41: {  	_ =	shalt  }
0x42: {  	_ =	shalt  }
0x43: {  	_ =	shalt  }
0x44: {  	_ =	shalt  }
0x45: {  	_ =	shalt  }
0x46: {  	_ =	shalt  }
0x47: {  	_ =	shalt  }
0x48: {  	_ =	shalt  }
0x49: {  	_ =	shalt  }
0x4a: {  	_ =	shalt  }
0x4b: {  	_ =	shalt  }
0x4c: {  	_ =	shalt  }
0x4d: {  	_ =	shalt  }
0x4e: {  	_ =	shalt  }
0x4f: {  	_ =	shalt  }
0x50: {  	_ =	shalt  }
0x51: {  	_ =	shalt  }
0x52: {  	_ =	shalt  }
0x53: {  	_ =	shalt  }
0x54: {  	_ =	shalt  }
0x55: {  	_ =	shalt  }
0x56: {  	_ =	shalt  }
0x57: {  	_ =	shalt  }
0x58: {  	_ =	shalt  }
0x59: {  	_ =	shalt  }
0x5a: {  	_ =	shalt  }
0x5b: {  	_ =	shalt  }
0x5c: {  	_ =	shalt  }
0x5d: {  	_ =	shalt  }
0x5e: {  	_ =	shalt  }
0x5f: {  	_ =	shalt  }
0x60: {  	_ =	shalt  }
0x61: {  	_ =	shalt  }
0x62: {  	_ =	shalt  }
0x63: {  	_ =	shalt  }
0x64: {  	_ =	shalt  }
0x65: {  	_ =	shalt  }
0x66: {  	_ =	shalt  }
0x67: {  	_ =	shalt  }
0x68: {  	_ =	shalt  }
0x69: {  	_ =	shalt  }
0x6a: {  	_ =	shalt  }
0x6b: {  	_ =	shalt  }
0x6c: {  	_ =	shalt  }
0x6d: {  	_ =	shalt  }
0x6e: {  	_ =	shalt  }
0x6f: {  	_ =	shalt  }
0x70: {  	_ =	shalt  }
0x71: {  	_ =	shalt  }
0x72: {  	_ =	shalt  }
0x73: {  	_ =	shalt  }
0x74: {  	_ =	shalt  }
0x75: {  	_ =	shalt  }
0x76: {  	_ =	shalt  }
0x77: {  	_ =	shalt  }
0x78: {  	_ =	shalt  }
0x79: {  	_ =	shalt  }
0x7a: {  	_ =	shalt  }
0x7b: {  	_ =	shalt  }
0x7c: {  	_ =	shalt  }
0x7d: {  	_ =	shalt  }
0x7e: {  	_ =	shalt  }
0x7f: {  	_ =	shalt  }
0x80: {  	_ =	shalt  }
0x81: {  	_ =	shalt  }
0x82: {  	_ =	shalt  }
0x83: {  	_ =	shalt  }
0x84: {  	_ =	shalt  }
0x85: {  	_ =	shalt  }
0x86: {  	_ =	shalt  }
0x87: {  	_ =	shalt  }
.Lfunc_end0:
.L_simem_size_0:
called_computation.7_lowered:
.L_overlay_start_0:
0x88: {  	s0 =	sld [smem:$0x3FD9]  }
0x89: {  	s1 =	sld [smem:$0x3FFE];
	_ =	sdelay $0x3  }
0x8a: {  	s0 =	sadd.s32 s1, s0  }
0x8b: {  	[smem:$0x3FB5] =	sst s0  }
0x8c: {  	_ = 	snop  }
0x8d: {  	(tm) =	ssettm $0x1  }
0x8e: {  	s15 =	sld [smem:$0x3FFB];
	_ =	sdelay $0x3  }
0x8f: {  	_ =	strace s15  }
0x90: {  	s0 =	sld [smem:$0x3FFC];
	_ =	sdelay $0x3  }
0x91: {  	_ =	strace s0  }
0x92: {  	s0 =	sld [smem:$0x3FFD];
	_ =	sdelay $0x3  }
0x93: {  	_ =	strace s0  }
0x94: {  	_ =	strace $0x8FFFFFFF  }
0x95: {  	s16 =	sld [smem:$0x3FDB];
	_ =	sdelay $0x1  }
0x96: {  	s17 =	simm.s32 $_scs_section_size  }
0x97: {  	s2 =	simm.s32 $_size__tile_overlayer_lowered;
	s3 =	simm.s32 $_tile_overlayer_lowered  }
0x98: {  	s20 =	simm.s32 $0x1BFF;
	s19 =	sshll.u32 s3, $0x1;
	s0 =	sadd.s32 s17, s16  }
0x99: {  	s4 =	simm.s32 $0x0;
	s18 =	sshll.u32 s2, $0x1;
	s2 =	sadd.s32 s19, s0  }
0x9a: {  	[timem:s4], [sflag:s20] =	dma.local [hbm:s2], s18  }
0x9b: {  	_ =	swait.ge [sflag:s20], s18  }
0x9c: {  	s1 =	ssub.s32 $0x0, s18;
	[sflag:s20] =	ssyncset.done $0x0  }
0x9d: {  	[sflag:s20] =	ssyncadd.s32 s1;
	_ =	sdelay $0x1  }
0x9e: {  	s21 =	simm.s32 $0x1B8B  }
0x9f: {  	_ =	swait.ge [sflag:s21], $0x1  }
0xa0: {  	[sflag:s21] =	ssyncset.done $0x0  }
0xa1: {  	s23 =	simm.s32 $0x1B8E;
	s22 =	sld [smem:$0x3FFE];
	[sflag:s21] =	ssyncadd.s32 $0xFFFFFFFF  }
0xa2: {  	s24 =	simm.s32 $execute0_lowered;
	[smem:$0x3FD2] =	sst s23  }
0xa3: {  	s2 =	sshll.u32 s24, $0x1;
	_ =	strace $0x80000067;
	[dreg:$0x1] =	wrdreg $0xFFFFFFFF  }
0xa4: {  	s25 =	simm.s32 $_size_execute0_lowered;
	s0 =	sadd.s32 s0, s2;
	[dreg:$0x0] =	wrdreg $0x0  }
0xa5: {  	s2 =	sshll.u32 s25, $0x1;
	[dreg:$0x2] =	wrdreg s0  }
0xa6: {  	[dreg:$0x3] =	wrdreg s2  }
0xa7: {  	[dreg:$0x4] =	wrdreg $0xC0  }
0xa8: {  	_ =	task [dreg:s4], $0x5FFFF  }
0xa9: {  	[dreg:$0x1] =	wrdreg $0xFFFFFFFF  }
0xaa: {  	[dreg:$0x0] =	wrdreg $0x60  }
0xab: {  	[dreg:$0x2] =	wrdreg s22  }
0xac: {  	[dreg:$0x3] =	wrdreg $0xB  }
0xad: {  	_ =	task.clear_ibuf [dreg:s4], $0x4FFFF;
	_ =	strace $0x90000067  }
0xae: {  	s26 =	simm.s32 $0xB;
	_ =	strace $0x80000069  }
0xaf: {  	_ =	swait.ge [sflag:s26], $0x1  }
0xb0: {  	[sflag:s26] =	ssyncadd.s32 $0xFFFFFFFF  }
0xb1: {  	_ =	strace $0x90000069  }
0xb2: {  	_ =	sfence  }
0xb3: {  	s28 =	sld [smem:$0x0];
	_ =	sdelay $0x1  }
0xb4: {  	s29 =	srdreg.scid  }
0xb5: {  	s30 =	sshll.u32 s29, $0xD;
	s31 =	sshrl.u32 s29, $0x2  }
0xb6: {  	s1 =	sand.u32 $0x1, s29;
	s2 =	sand.u32 $0x4000, s30;
	s0 =	sadd.s32 s31, s28  }
0xb7: {  	s1 =	sor.u32 s2, s1;
	s0 =	sshll.u32 s0, $0x11  }
0xb8: {  	s0 =	sor.u32 s0, s1  }
0xb9: {  	s0 =	sadd.s32 $0x8F2B, s0  }
0xba: {  	[sflag:s0] =	ssyncadd.remote.s32 $0x1  }
0xbb: {  	_ =	sfence.sel $0xFFFF  }
0xbc: {  	[dreg:$0x0] =	wrdreg $0xFFFFFFFF;
	(pc) =	sbr.abs _section_cstart, $3  }
0xbd: {  	[dreg:$0x1] =	wrdreg $0xFFFFFFFF  }
0xbe: {  	_ =	task.clear_ibuf [dreg:s4], $0x2FFFF;
	_ =	strace $0x9FFFFFFF  }
0xbf: {  	(tm) =	ssettm $0x7FFFFFFF  }
tec
execute0_lowered:
.L_overlay_start_1:
0x0: {  	(tag) =	ssettag $0x1  }
0x1: {  	s0 =	stileid.u32  }
0x2: {  	s1 =	smin.u32 s0, $0x9  }
0x3: {  	s1 =	sadd.s32 s0, s1  }
0x4: {  	s2 =	simm.s32 $0x310;
	p0 =	slt.u32 s0, $0x9;
	s1 =	smul.u32 $0x188, s1  }
0x5: {  	s2 =	simm.s32 @!p0 $0x188  }
0x6: {  	s2 =	sadd.s32 s2, s1  }
0x7: {  	s3 =	smin.u32 s2, $0x2648  }
0x8: {  	s7 =	ssub.s32 s3, s1  }
0x9: {  	p0 =	sgt.s32 s7, $0x0  }
0xa: {  	s7 =	simm.s32 @!p0 $0x0  }
0xb: {  	s31 =	sand.u32 $0xFFF8, s7  }
0xc: {  	s2 =	sshrl.u32 s31, $0x3  }
0xd: {  	s4 =	smul.u32 $0xA73, s2  }
0xe: {  	s9 =	rddreg [dreg:$0x0];
	s6 =	simm.s32 $0x1;
	s11 =	simm.s32 $0x3  }
0xf: {  	s13 =	simm.s32 $0x0;
	s12 =	simm.s32 $0x0;
	s8 =	sshrl.u32 s4, $0x11  }
0x10: {  	s2 =	rddreg [dreg:$0x1];
	_ =	strace $0x80000068;
	s10 =	smul.u32 $0x188, s8  }
.Ltmp0:
0x11: {  	s5 =	sadd.s32 $0x101200, s9;
	[sflag:s6] =	ssyncpa.u1 $0x0;
	(pc) =	sbr.rel .LBB2_1-.Ltmp0, $4  }
0x12: {  	s4 =	sadd.s32 $0x318E00, s9;
	p0 =	sne.s32 s7, s10;
	s10 =	simm.s32 $0x1  }
0x13: {  	s9 =	sadd.s32 $0x1D8C00, s9;
	s7 =	simm.s32 $0x2;
	s10 =	simm.s32 @!p0 $0x0  }
0x14: {  	[sflag:s7] =	ssyncpa.u1 $0x0;
	p0 =	por $0x0, $0x0;
	s8 =	sadd.s32 s8, s10  }
0x15: {  	vm0 =	vmmov $0xff;
	vm1 =	vcmask $0x3F20;
	[sflag:s11] =	ssyncpa.u1 $0x0;
	s11 =	smov.u32 s1;
	s10 =	sadd.s32 $0x1, s8  }
.LBB2_6:
0x16: {  	[hbm:s17] =	stream.linear.scatter [tilespmem:s14], [sflag:$0x3], $0x400, $0x38;
	[tilespmem:$0x18B10] =	vst v63  }
.LBB2_7:
0x17: {  	s13 =	sadd.s32 $0x188, s11  }
0x18: {  	s15 =	smov.u32 s1;
	p2 =	slt.s32 s13, s3  }
0x19: {  	s15 =	smov.u32 @p2 s13;
	p2 =	sne.s32 s12, s10  }
.Ltmp1:
0x1a: {  	p1 =	slt.u32 s12, $0x2;
	(pc) =	sbr.rel @!p2 .LBB2_8-.Ltmp1, $4  }
0x1b: {  	s14 =	simm.s32 @!p1 $0x3  }
0x1c: {  	s16 =	sadd.s32 $0x1, s12;
	_ =	swait.ge @!p1 [sflag:s14], $0xC400  }
0x1d: {  	p0 =	por !p0, !p0;
	s13 =	smov.u32 s11;
	[sflag:s14] =	ssyncset.done @!p1 $0x0  }
0x1e: {  	s12 =	smov.u32 s16;
	s11 =	smov.u32 s15;
	[sflag:s14] =	ssyncadd.s32 @!p1 $0xFFFF3C00  }
.LBB2_1:
0x1f: {  	p1 =	sge.u32 s12, s8  }
0x20: {  	s14 =	sxor.u32 @!p1 $0xFFFFFFFF, s12  }
0x21: {  	s14 =	sand.u32 @!p1 $0x1, s14  }
0x22: {  	s14 =	smul.u32 @!p1 $0x620, s14  }
0x23: {  	s31 =	sadd.s32 $0xFFFFFFFF, s12;
	s15 =	sshrl.u32 @!p1 s11, $0x3  }
0x24: {  	s16 =	sand.u32 @!p1 $0x7, s11;
	s15 =	sadd.s32 @!p1 s5, s15;
	s14 =	sshrl.u32 @!p1 s14, $0x2  }
0x25: {  	[tilespmem:s14], [sflag:$0x2] =	stream.linear.gather @!p1 [hbm4b:s15+s16], $0x188, $0x38;
	[tilespmem:$0x18B10] =	vst v63  }
0x26: {  	p1 =	sge.u32 s31, s8  }
.Ltmp2:
0x27: {  	_ = 	snop;
	(pc) =	sbr.rel @p1 .LBB2_7-.Ltmp2, $1  }
0x28: {  	_ =	sdelay $0x3  }
0x29: {  	s14 =	simm.s32 $0x1  }
0x2a: {  	s14 =	simm.s32 @!p0 $0x0  }
0x2b: {  	s15 =	smul.u32 $0x620, s14  }
0x2c: {  	_ =	swait.ge [sflag:s7], $0x188  }
0x2d: {  	[sflag:s7] =	ssyncset.done $0x0;
	s17 =	sshrl.u32 s15, $0x2  }
0x2e: {  	[sflag:s7] =	ssyncadd.s32 $0xFFFFFE78;
	s15 =	sadd.s32 $0x0, s17  }
0x2f: {  	v0 =	vld.msk [tilespmem:s15+$0x0 ss:$0x1], $0xffff;
	_ =	sdelay $0x4  }
0x30: {  	v1 =	vshrl.u32 v0, $0x1  }
0x31: {  	vm2 =	veq.s32 v0, $0x80000000;
	v0 =	vshll.u32 v0, $0xF;
	v1 =	vand.u32 $0x7F80, v1  }
0x32: {  	v0 =	vand.u32 $0x7F8000, v0;
	v1 =	vsel vm2, $0xFFFFFF80, v1  }
0x33: {  	v0 =	vsel vm2, $0xFFFF8000, v0;
	v2 =	vand.u32 $0xFFFFFC00, v1  }
0x34: {  	v1 =	vand.u32 $0x380, v1;
	v0 =	vadd.s32 v0, v2  }
0x35: {  	v0 =	vor.u32 v1, v0  }
0x36: {  	v0 =	vshrl.u32 v0, $0x3  }
0x37: {  	s14 =	smul.u32 $0x31000, s14  }
0x38: {  	s31 =	sand.u32 $0x1, s12  }
0x39: {  	s16 =	smul.u32 $0x620, s31;
	s14 =	sshrl.u32 s14, $0x2  }
0x3a: {  	s19 =	smul.u32 $0x31000, s31;
	s14 =	sor.u32 $0x310, s14  }
0x3b: {  	[tilespmem:s14], [sflag:$0x1] =	stream.indirect_vreg.gather [hbm:s4], $0x80, v0, vm0, $0x38;
	[tilespmem:$0x18B10] =	vst v63  }
0x3c: {  	s18 =	sshrl.u32 s16, $0x2;
	s20 =	sadd.s32 $0x10, s17;
	s15 =	sadd.s32 $0x400, s14  }
0x3d: {  	[tilespmem:s15], [sflag:$0x1] =	stream.indirect_vreg.gather [hbm:s4], $0x80, v0, vm1, $0x38;
	[tilespmem:$0x18B10] =	vst v63  }
0x3e: {  	s16 =	sshrl.u32 s19, $0x2;
	s19 =	smov.u32 s14;
	v0 =	vld.msk [tilespmem:s20+$0x0 ss:$0x1], $0xffff;
	s20 =	simm.s32 $0x80  }
.LBB2_3:
0x3f: {  	p1 =	sne.s32 s20, $0x5C0;
	_ =	sdelay $0x4  }
0x40: {  	v1 =	vshrl.u32 v0, $0x1  }
0x41: {  	vm2 =	veq.s32 v0, $0x80000000;
	v0 =	vshll.u32 v0, $0xF;
	v1 =	vand.u32 $0x7F80, v1  }
0x42: {  	v0 =	vand.u32 $0x7F8000, v0;
	v1 =	vsel vm2, $0xFFFFFF80, v1  }
0x43: {  	v0 =	vsel vm2, $0xFFFF8000, v0;
	v2 =	vand.u32 $0xFFFFFC00, v1  }
0x44: {  	v1 =	vand.u32 $0x380, v1;
	v0 =	vadd.s32 v0, v2  }
0x45: {  	v0 =	vor.u32 v1, v0  }
0x46: {  	v0 =	vshrl.u32 v0, $0x3;
	_ =	sdelay $0x3  }
.Ltmp3:
0x47: {  	s21 =	sshra.s32 s20, $0x2;
	s19 =	sadd.s32 $0x800, s19;
	(pc) =	sbr.rel @p1 .LBB2_3-.Ltmp3, $4  }
0x48: {  	[tilespmem:s19], [sflag:$0x1] =	stream.indirect_vreg.gather [hbm:s4], $0x80, v0, vm0, $0x38;
	[tilespmem:$0x18B10] =	vst v63  }
0x49: {  	s21 =	sadd.s32 s21, s17;
	s22 =	sadd.s32 $0x400, s19  }
0x4a: {  	[tilespmem:s22], [sflag:$0x1] =	stream.indirect_vreg.gather [hbm:s4], $0x80, v0, vm1, $0x38;
	[tilespmem:$0x18B10] =	vst v63  }
0x4b: {  	s20 =	sadd.s32 $0x40, s20;
	v0 =	vld.msk [tilespmem:s21+$0x0 ss:$0x1], $0xffff  }
0x4c: {  	_ =	sdelay $0x3  }
0x4d: {  	v1 =	vshrl.u32 v0, $0x1  }
0x4e: {  	vm2 =	veq.s32 v0, $0x80000000;
	v61 =	vshll.u32 v0, $0xF;
	v1 =	vand.u32 $0x7F80, v1  }
0x4f: {  	v0 =	vand.u32 $0x7F8000, v61;
	v1 =	vsel vm2, $0xFFFFFF80, v1  }
0x50: {  	v0 =	vsel vm2, $0xFFFF8000, v0;
	v2 =	vand.u32 $0xFFFFFC00, v1  }
0x51: {  	v1 =	vand.u32 $0x380, v1;
	v0 =	vadd.s32 v0, v2  }
0x52: {  	v0 =	vor.u32 v1, v0  }
0x53: {  	v0 =	vshrl.u32 v0, $0x3;
	_ =	sdelay $0x3  }
0x54: {  	s17 =	sadd.s32 $0x800, s19  }
0x55: {  	[tilespmem:s17], [sflag:$0x1] =	stream.indirect_vreg.gather [hbm:s4], $0x80, v0, vm0, $0x38;
	[tilespmem:$0x18B10] =	vst v63  }
0x56: {  	s17 =	sadd.s32 $0x400, s17  }
0x57: {  	[tilespmem:s17], [sflag:$0x1] =	stream.indirect_vreg.gather [hbm:s4], $0x80, v0, vm1, $0x38;
	[tilespmem:$0x18B10] =	vst v63  }
0x58: {  	v0 =	vld.msk [tilespmem:s18+$0x180 ss:$0x1], $0xff;
	_ =	sdelay $0x4  }
0x59: {  	v62 =	vshrl.u32 v0, $0x1  }
0x5a: {  	vm2 =	veq.s32 v0, $0x80000000;
	v0 =	vshll.u32 v0, $0xF;
	v1 =	vand.u32 $0x7F80, v62  }
0x5b: {  	v0 =	vand.u32 $0x7F8000, v0;
	v1 =	vsel vm2, $0xFFFFFF80, v1  }
0x5c: {  	v0 =	vsel vm2, $0xFFFF8000, v0;
	v63 =	vand.u32 $0xFFFFFC00, v1  }
0x5d: {  	v1 =	vand.u32 $0x380, v1;
	v0 =	vadd.s32 v0, v63  }
0x5e: {  	v0 =	vor.u32 v1, v0  }
0x5f: {  	v0 =	vshrl.u32 v0, $0x3;
	_ =	sdelay $0x3  }
0x60: {  	s16 =	sadd.s32 $0xC310, s16  }
0x61: {  	[tilespmem:s16], [sflag:$0x1] =	stream.indirect_vreg.gather [hbm:s4], $0x80, v0, vm0, $0x38;
	[tilespmem:$0x18B10] =	vst v63  }
0x62: {  	s13 =	sshll.u32 s13, $0x4;
	_ =	swait.ge [sflag:s6], $0xC400  }
0x63: {  	s13 =	sadd.s32 s13, s9;
	[sflag:s6] =	ssyncset.done $0x0  }
0x64: {  	s17 =	sadd.s32 $0x0, s13;
	s16 =	simm.s32 $0x80;
	[sflag:s6] =	ssyncadd.s32 $0xFFFF3C00  }
.LBB2_5:
0x65: {  	[hbm:s17] =	stream.linear.scatter [tilespmem:s14], [sflag:$0x3], $0x400, $0x38;
	[tilespmem:$0x18B10] =	vst v63  }
0x66: {  	s17 =	smov.u32 s16;
	s14 =	smov.u32 s15;
	p1 =	sne.s32 s16, $0x1800  }
.Ltmp4:
0x67: {  	s16 =	sadd.s32 $0x80, s16;
	(pc) =	sbr.rel @p1 .LBB2_5-.Ltmp4, $2  }
0x68: {  	_ =	sdelay $0x2  }
0x69: {  	s15 =	sadd.s32 $0x400, s15;
	s17 =	sadd.s32 s17, s13  }
.Ltmp5:
0x6a: {  	_ = 	snop;
	(pc) =	sbr.rel .LBB2_6-.Ltmp5, $1  }
0x6b: {  	_ =	sdelay $0x3  }
.LBB2_8:
0x6c: {  	_ =	sfence.sel $0x180000  }
0x6d: {  	s1 =	simm.s32 $0x2;
	[bflag:$0x0] =	sbarrier.arrive $0xFFFF  }
0x6e: {  	s30 =	simm.s32 $0x3;
	[sflag:s1] =	ssyncpa.u1 $0x1  }
0x6f: {  	s31 =	simm.s32 $0x1;
	[sflag:s30] =	ssyncpa.u1 $0x1  }
0x70: {  	[sflag:s31] =	ssyncpa.u1 $0x1  }
0x71: {  	p0 =	sne.s32 s0, $0x0;
	_ =	strace $0x90000068  }
0x72: {  	s0 =	sadd.s32 @!p0 $0x100000, s2;
	[bflag:$0x2] =	sbarrier.arrive $0xFFFF  }
0x73: {  	[sflag:s0] =	ssyncadd.tile.s32 @!p0 $0x1;
	_ =	shalt  }
.Lfunc_end2:
_tile_overlayer_lowered:
.L_overlay_start_2:
0x74: {  	(tag) =	ssettag $0x2  }
0x75: {  	s0 =	rddreg [dreg:$0x0];
	s2 =	stileid.u32  }
0x76: {  	s1 =	rddreg [dreg:$0x1];
	p0 =	sne.s32 s2, $0x0  }
0x77: {  	s3 =	rddreg [dreg:$0x2];
	[bflag:$0x3] =	sbarrier.arrive $0xFFFF;
	s2 =	simm.s32 @!p0 $0x1C01  }
0x78: {  	[timem:s3], [sflag:s2] =	dma.local @!p0 [hbm:s0], s1  }
0x79: {  	s0 =	simm.s32 @!p0 $0x1  }
0x7a: {  	_ =	swait.ge @!p0 [sflag:s0], s1  }
0x7b: {  	s1 =	ssub.s32 @!p0 $0x0, s1;
	[sflag:s0] =	ssyncset.done @!p0 $0x0  }
0x7c: {  	[sflag:s0] =	ssyncadd.s32 @!p0 s1  }
0x7d: {  	[bflag:$0x3] =	sbarrier.arrive $0xFFFF  }
0x7e: {  	_ =	shalt  }

// kernel: gather_offload_async_start.6
scs
__scs_entry_jumppad:
0x0: {  	(pc) =	sbr.rel $0x88, $3  }
0x1: {  	(tag) =	ssettag $0x0;
	lr =	simm.s32 $0x1  }
0x2: {  	[smem:$0x3F8E] =	sst lr;
	_ =	strace $0xD0000000  }
0x3: {  	_ = 	snop  }
0x4: {  	_ = 	snop  }
0x5: {  	_ = 	snop  }
0x6: {  	_ = 	snop  }
0x7: {  	_ = 	snop  }
__scs_overlays_trampoline_lowered:
0x8: {  	[smem:$0x3F9D] =	sst s0  }
0x9: {  	[smem:$0x3F9E] =	sst s1  }
0xa: {  	[smem:$0x3F9F] =	sst s2  }
0xb: {  	[smem:$0x3FA0] =	sst s3  }
0xc: {  	[smem:$0x3FA1] =	sst s4  }
0xd: {  	[smem:$0x3FA2] =	sst s5  }
0xe: {  	[smem:$0x3FA3] =	sst s6  }
0xf: {  	[smem:$0x3FA4] =	sst s7  }
0x10: {  	[smem:$0x3FA5] =	sst s8  }
0x11: {  	[smem:$0x3FA6] =	sst s9;
	s0 =	simm.s32 @!p0 $0x0  }
0x12: {  	s1 =	sld [smem:$0x3F8C];
	s0 =	simm.s32 @p0 $0x1  }
0x13: {  	[smem:$0x3FA7] =	sst s0;
	s0 =	simm.s32 @!p1 $0x0  }
0x14: {  	s2 =	sld [smem:$0x3F8B];
	s0 =	simm.s32 @p1 $0x1  }
0x15: {  	[smem:$0x3FA8] =	sst s0;
	s0 =	simm.s32 @!p2 $0x0  }
0x16: {  	s3 =	sld [smem:$0x3FDB];
	s0 =	simm.s32 @p2 $0x1  }
0x17: {  	s4 =	simm.s32 $0x1BF5;
	[smem:$0x3FAA] =	sst s0  }
0x18: {  	s0 =	sld [smem:$0x3F8D];
	_ =	swait.ge [sflag:s4], $0x0  }
0x19: {  	s7 =	sld [smem:$0x3F8E]  }
0x1a: {  	s8 =	sadd.s32 $0xFFFFE003, lr  }
0x1b: {  	s9 =	sadd.s32 $0xFFFFFEF7, lr;
	s5 =	simm.s32 $0xFFFFFFFF;
	p2 =	slt.u32 s8, $0xFFFFF086  }
0x1c: {  	p1 =	slt.u32 s9, $0xF7A;
	s5 =	simm.s32 @!p2 $0x0  }
0x1d: {  	s5 =	simm.s32 @p1 $0x1;
	p0 =	seq.s32 s7, s2  }
0x1e: {  	s7 =	smul.u32 @!p0 $0xF7A, s2;
	p2 =	seq.s32 @!p0 s5, $0x0  }
0x1f: {  	s9 =	smul.u32 $0xF7A, s1;
	s8 =	simm.s32 @!p0 $0x1BF5;
	p2 =	por !p2, p0  }
0x20: {  	[sflag:s8] =	ssyncset.s32 @!p0 $0xFFFFF086;
	s6 =	sadd.s32 @!p0 s3, s7;
	s7 =	simm.s32 @!p0 $0x108  }
0x21: {  	s3 =	sadd.s32 s3, s9;
	s6 =	sadd.s32 @!p0 $0x88, s6;
	s7 =	simm.s32 @p2 $0x1082  }
0x22: {  	[simem:s7], [sflag:s8] =	dma.local @!p0 [hbm:s6], $0xF7A  }
0x23: {  	s9 =	sor.u32 $0xD0000000, s2;
	s6 =	simm.s32 $0x108;
	_ =	swait.ge @!p0 [sflag:s8], $0x0  }
0x24: {  	s3 =	sadd.s32 $0x88, s3;
	s6 =	simm.s32 @!p1 $0x1082;
	[sflag:s4] =	ssyncset.s32 $0xFFFFF086  }
0x25: {  	[simem:s6], [sflag:s4] =	dma.local [hbm:s3], $0xF7A  }
0x26: {  	[smem:$0x3F8E] =	sst s1;
	(tag) =	ssettag s2;
	_ =	strace s9  }
0x27: {  	s1 =	sld [smem:$0x3F9E]  }
0x28: {  	s2 =	sld [smem:$0x3F9F]  }
0x29: {  	s4 =	sld [smem:$0x3FA1]  }
0x2a: {  	p0 =	seq.s32 s5, $0x0;
	s5 =	sld [smem:$0x3FA2]  }
0x2b: {  	s6 =	sld [smem:$0x3FA3]  }
0x2c: {  	s7 =	sld [smem:$0x3FA4]  }
0x2d: {  	s3 =	simm.s32 $0x108;
	s8 =	sld [smem:$0x3FA5]  }
0x2e: {  	s3 =	simm.s32 @!p0 $0x1082;
	s9 =	sld [smem:$0x3FA6]  }
0x2f: {  	lr =	sadd.s32 s0, s3;
	s0 =	sld [smem:$0x3F9D]  }
0x30: {  	s3 =	sld [smem:$0x3FA0]  }
0x31: {  	[smem:$0x3FA9] =	sst s10  }
0x32: {  	s10 =	sld [smem:$0x3FA7];
	_ =	sdelay $0x3  }
0x33: {  	p0 =	seq.s32 s10, $0x1;
	s10 =	sld [smem:$0x3FA9];
	_ =	sdelay $0x3  }
0x34: {  	[smem:$0x3FA9] =	sst s10  }
0x35: {  	s10 =	sld [smem:$0x3FA8];
	_ =	sdelay $0x3  }
0x36: {  	p1 =	seq.s32 s10, $0x1;
	s10 =	sld [smem:$0x3FA9];
	_ =	sdelay $0x3  }
0x37: {  	[smem:$0x3FA9] =	sst s10  }
0x38: {  	s10 =	sld [smem:$0x3FAA]  }
0x39: {  	_ = 	snop;
	(pc) =	sbr.ind lr, $3  }
0x3a: {  	_ = 	snop  }
0x3b: {  	_ = 	snop  }
0x3c: {  	p2 =	seq.s32 s10, $0x1;
	s10 =	sld [smem:$0x3FA9]  }
0x3d: {  	_ =	shalt  }
0x3e: {  	_ =	shalt  }
0x3f: {  	_ =	shalt  }
0x40: {  	_ =	shalt  }
0x41: {  	_ =	shalt  }
0x42: {  	_ =	shalt  }
0x43: {  	_ =	shalt  }
0x44: {  	_ =	shalt  }
0x45: {  	_ =	shalt  }
0x46: {  	_ =	shalt  }
0x47: {  	_ =	shalt  }
0x48: {  	_ =	shalt  }
0x49: {  	_ =	shalt  }
0x4a: {  	_ =	shalt  }
0x4b: {  	_ =	shalt  }
0x4c: {  	_ =	shalt  }
0x4d: {  	_ =	shalt  }
0x4e: {  	_ =	shalt  }
0x4f: {  	_ =	shalt  }
0x50: {  	_ =	shalt  }
0x51: {  	_ =	shalt  }
0x52: {  	_ =	shalt  }
0x53: {  	_ =	shalt  }
0x54: {  	_ =	shalt  }
0x55: {  	_ =	shalt  }
0x56: {  	_ =	shalt  }
0x57: {  	_ =	shalt  }
0x58: {  	_ =	shalt  }
0x59: {  	_ =	shalt  }
0x5a: {  	_ =	shalt  }
0x5b: {  	_ =	shalt  }
0x5c: {  	_ =	shalt  }
0x5d: {  	_ =	shalt  }
0x5e: {  	_ =	shalt  }
0x5f: {  	_ =	shalt  }
0x60: {  	_ =	shalt  }
0x61: {  	_ =	shalt  }
0x62: {  	_ =	shalt  }
0x63: {  	_ =	shalt  }
0x64: {  	_ =	shalt  }
0x65: {  	_ =	shalt  }
0x66: {  	_ =	shalt  }
0x67: {  	_ =	shalt  }
0x68: {  	_ =	shalt  }
0x69: {  	_ =	shalt  }
0x6a: {  	_ =	shalt  }
0x6b: {  	_ =	shalt  }
0x6c: {  	_ =	shalt  }
0x6d: {  	_ =	shalt  }
0x6e: {  	_ =	shalt  }
0x6f: {  	_ =	shalt  }
0x70: {  	_ =	shalt  }
0x71: {  	_ =	shalt  }
0x72: {  	_ =	shalt  }
0x73: {  	_ =	shalt  }
0x74: {  	_ =	shalt  }
0x75: {  	_ =	shalt  }
0x76: {  	_ =	shalt  }
0x77: {  	_ =	shalt  }
0x78: {  	_ =	shalt  }
0x79: {  	_ =	shalt  }
0x7a: {  	_ =	shalt  }
0x7b: {  	_ =	shalt  }
0x7c: {  	_ =	shalt  }
0x7d: {  	_ =	shalt  }
0x7e: {  	_ =	shalt  }
0x7f: {  	_ =	shalt  }
0x80: {  	_ =	shalt  }
0x81: {  	_ =	shalt  }
0x82: {  	_ =	shalt  }
0x83: {  	_ =	shalt  }
0x84: {  	_ =	shalt  }
0x85: {  	_ =	shalt  }
0x86: {  	_ =	shalt  }
0x87: {  	_ =	shalt  }
.Lfunc_end0:
.L_simem_size_0:
called_computation.8_lowered:
.L_overlay_start_0:
0x88: {  	s2 =	sld [smem:$0x3FD9]  }
0x89: {  	s3 =	sld [smem:$0x3FFE];
	_ =	sdelay $0x1  }
0x8a: {  	s1 =	srdreg.scid  }
0x8b: {  	s0 =	sand.u32 $0x1, s1  }
0x8c: {  	s17 =	sshll.u32 s0, $0xA;
	s2 =	sadd.s32 s3, s2  }
0x8d: {  	s2 =	sadd.s32 s2, s17  }
0x8e: {  	[smem:$0x3FB5] =	sst s2  }
0x8f: {  	_ = 	snop  }
0x90: {  	(tm) =	ssettm $0x1  }
0x91: {  	s18 =	sld [smem:$0x3FFB];
	_ =	sdelay $0x3  }
0x92: {  	_ =	strace s18  }
0x93: {  	s2 =	sld [smem:$0x3FFC];
	_ =	sdelay $0x3  }
0x94: {  	_ =	strace s2  }
0x95: {  	s2 =	sld [smem:$0x3FFD];
	_ =	sdelay $0x3  }
0x96: {  	_ =	strace s2  }
0x97: {  	_ =	strace $0x8FFFFFFF  }
0x98: {  	s19 =	sld [smem:$0x3FDB];
	_ =	sdelay $0x1  }
0x99: {  	s20 =	simm.s32 $_scs_section_size  }
0x9a: {  	s4 =	simm.s32 $_size__tile_overlayer_lowered;
	s5 =	simm.s32 $_tile_overlayer_lowered  }
0x9b: {  	s6 =	simm.s32 $0x1BFF;
	s21 =	sshll.u32 s5, $0x1;
	s3 =	sadd.s32 s20, s19  }
0x9c: {  	s22 =	simm.s32 $0x0;
	s4 =	sshll.u32 s4, $0x1;
	s5 =	sadd.s32 s21, s3  }
0x9d: {  	[timem:s22], [sflag:s6] =	dma.local [hbm:s5], s4  }
0x9e: {  	_ =	swait.ge [sflag:s6], s4  }
0x9f: {  	s4 =	ssub.s32 $0x0, s4;
	[sflag:s6] =	ssyncset.done $0x0  }
0xa0: {  	[sflag:s6] =	ssyncadd.s32 s4;
	_ =	sdelay $0x1  }
0xa1: {  	s23 =	simm.s32 $0x1B8B  }
0xa2: {  	_ =	swait.ge [sflag:s23], $0x1  }
0xa3: {  	[sflag:s23] =	ssyncset.done $0x0  }
0xa4: {  	[sflag:s23] =	ssyncadd.s32 $0xFFFFFFFF  }
0xa5: {  	s4 =	sld [smem:$0x0]  }
0xa6: {  	s5 =	sand.u32 $0xFFFFFFFE, s1  }
0xa7: {  	p0 =	sne.s32 s1, s5  }
0xa8: {  	s5 =	sshll.u32 @p0 s5, $0xE  }
0xa9: {  	s5 =	sadd.s32 @p0 $0x11B8D, s5;
	s6 =	sshll.u32 @p0 s4, $0x11  }
0xaa: {  	s5 =	sor.u32 @p0 s6, s5  }
0xab: {  	[sflag:s5] =	ssyncadd.remote.s32 @p0 $0x1;
	_ =	sdelay $0x1  }
0xac: {  	s5 =	simm.s32 @p0 $0x1B8D  }
0xad: {  	_ =	swait.eq @p0 [sflag:s5], $0x1  }
0xae: {  	[sflag:s5] =	ssyncadd.s32 @p0 $0xFFFFFFFF  }
0xaf: {  	s6 =	sshll.u32 @!p0 s1, $0xE  }
0xb0: {  	s6 =	sor.u32 @!p0 $0x4000, s6;
	s5 =	simm.s32 @!p0 $0x1B8D  }
0xb1: {  	s4 =	sshll.u32 @!p0 s4, $0x11;
	s6 =	sadd.s32 @!p0 $0x11B8D, s6;
	_ =	swait.eq @!p0 [sflag:s5], $0x1  }
0xb2: {  	s4 =	sor.u32 @!p0 s4, s6;
	[sflag:s5] =	ssyncadd.s32 @!p0 $0xFFFFFFFF  }
0xb3: {  	s25 =	simm.s32 $0x1B8E;
	s24 =	sld [smem:$0x3FFE];
	[sflag:s4] =	ssyncadd.remote.s32 @!p0 $0x1  }
0xb4: {  	s26 =	simm.s32 $execute0_lowered;
	[smem:$0x3FD2] =	sst s25  }
0xb5: {  	s5 =	sshll.u32 s26, $0x1;
	_ =	strace $0x8000004C;
	[dreg:$0x1] =	wrdreg $0xFFFFFFFF  }
0xb6: {  	s28 =	simm.s32 $_size_execute0_lowered;
	s3 =	sadd.s32 s3, s5;
	[dreg:$0x0] =	wrdreg $0x0  }
0xb7: {  	s5 =	sshll.u32 s28, $0x1;
	[dreg:$0x2] =	wrdreg s3  }
0xb8: {  	[dreg:$0x3] =	wrdreg s5  }
0xb9: {  	[dreg:$0x4] =	wrdreg $0xC0  }
0xba: {  	_ =	task [dreg:s22], $0x5FFFF  }
0xbb: {  	[dreg:$0x1] =	wrdreg $0xFFFFFFFF  }
0xbc: {  	[dreg:$0x0] =	wrdreg $0x60  }
0xbd: {  	[dreg:$0x2] =	wrdreg s24  }
0xbe: {  	[dreg:$0x3] =	wrdreg $0xC  }
0xbf: {  	_ =	task.clear_ibuf [dreg:s22], $0x4FFFF;
	_ =	strace $0x9000004C  }
0xc0: {  	s29 =	simm.s32 $0xC;
	_ =	strace $0x8000004E  }
0xc1: {  	_ =	swait.ge [sflag:s29], $0x1  }
0xc2: {  	[sflag:s29] =	ssyncadd.s32 $0xFFFFFFFF  }
0xc3: {  	_ =	strace $0x9000004E  }
0xc4: {  	_ =	sfence  }
0xc5: {  	s30 =	sld [smem:$0x0];
	_ =	sdelay $0x2  }
0xc6: {  	s31 =	sshll.u32 s1, $0xD;
	s1 =	sshrl.u32 s1, $0x2  }
0xc7: {  	s4 =	sand.u32 $0x4000, s31;
	s1 =	sadd.s32 s1, s30  }
0xc8: {  	s0 =	sor.u32 s4, s0;
	s1 =	sshll.u32 s1, $0x11  }
0xc9: {  	s0 =	sor.u32 s1, s0  }
0xca: {  	s0 =	sadd.s32 $0x8F2B, s0  }
0xcb: {  	[sflag:s0] =	ssyncadd.remote.s32 $0x1  }
0xcc: {  	_ =	sfence.sel $0xFFFF  }
0xcd: {  	[dreg:$0x0] =	wrdreg $0xFFFFFFFF;
	(pc) =	sbr.abs _section_cstart, $3  }
0xce: {  	[dreg:$0x1] =	wrdreg $0xFFFFFFFF  }
0xcf: {  	_ =	task.clear_ibuf [dreg:s22], $0x2FFFF;
	_ =	strace $0x9FFFFFFF  }
0xd0: {  	(tm) =	ssettm $0x7FFFFFFF  }
0xd1: {  	_ =	shalt  }
tec
execute0_lowered:
.L_overlay_start_1:
0x0: {  	(tag) =	ssettag $0x1  }
0x1: {  	s1 =	srdreg.scid  }
0x2: {  	s0 =	stileid.u32;
	s8 =	rddreg [dreg:$0x0]  }
0x3: {  	s4 =	simm.s32 $0x1;
	s5 =	simm.s32 $0x2;
	s10 =	simm.s32 $0x0  }
0x4: {  	s12 =	simm.s32 $0x0;
	s11 =	simm.s32 $0x0;
	s1 =	sshll.u32 s1, $0x7  }
0x5: {  	s2 =	sshll.u32 s0, $0x8;
	s3 =	sand.u32 $0x80, s1;
	s1 =	rddreg [dreg:$0x1]  }
0x6: {  	_ =	strace $0x8000004D;
	s2 =	sor.u32 s2, s3;
	s3 =	sadd.s32 $0xC4200, s8  }
0x7: {  	[sflag:s4] =	ssyncpa.u1 $0x0;
	s6 =	ssub.s32 $0x800, s2;
	s7 =	sshrl.u32 s2, $0x3  }
.Ltmp0:
0x8: {  	[sflag:s5] =	ssyncpa.u1 $0x0;
	p0 =	sgt.s32 s6, $0x0;
	(pc) =	sbr.rel .LBB2_1-.Ltmp0, $4  }
0x9: {  	s9 =	sadd.s32 s7, s8;
	s7 =	simm.s32 $0x1;
	s6 =	simm.s32 @!p0 $0x0  }
0xa: {  	s8 =	sadd.s32 $0x154C00, s8;
	s31 =	sand.u32 $0xF80, s6;
	s6 =	simm.s32 $0x3  }
0xb: {  	s9 =	sadd.s32 $0x10C600, s9;
	p0 =	sne.s32 s31, $0x0;
	[sflag:s6] =	ssyncpa.u1 $0x0  }
0xc: {  	vm0 =	vmmov $0xffff;
	v0 =	vlaneseq.u32;
	s7 =	simm.s32 @!p0 $0x0;
	s6 =	simm.s32 @!p0 $0x2;
	p0 =	por $0x0, $0x0  }
.LBB2_4:
0xd: {  	_ =	sdelay $0x3  }
0xe: {  	[tilespmem:s20], [sflag:$0x1] =	stream.indirect_vreg.gather [hbm4b:s3+s10], $0x1, v1, vm0, $0x4038;
	[tilespmem:$0x500] =	vst v63  }
0xf: {  	s14 =	sadd.s32 s16, s14  }
0x10: {  	v1 =	vld.msk [tilespmem:s14+$0x0 ss:$0x1], $0xffff;
	_ =	sdelay $0x4  }
0x11: {  	vm1 =	vgt.s32 v1, $0x0  }
0x12: {  	p1 =	sgt.s32 s17, $0x0;
	v1 =	vnsel vm1, $0x0, v1  }
0x13: {  	s17 =	simm.s32 @!p1 $0x0;
	v1 =	vmin.u32 v1, $0x8FFFF  }
0x14: {  	s26 =	smin.u32 s17, $0x10;
	v2 =	vshll.u32 v1, $0x2  }
0x15: {  	v3 =	vmov s26;
	v1 =	vand.u32 $0x7F, v1;
	v2 =	vand.u32 $0x3FFE00, v2  }
0x16: {  	vm1 =	vgt.u32 v3, v0;
	v1 =	vor.u32 v1, v2  }
0x17: {  	v2 =	vnsel vm1, $0x7FFFFFFF, v1;
	_ =	sdelay $0x1  }
0x18: {  	v3 =	vor.u32 $0x80, v1  }
0x19: {  	(ifvalue) =	ssetifvalue $0x7FFFFFFF;
	v3 =	vnsel vm1, $0x7FFFFFFF, v3  }
0x1a: {  	s28 =	sadd.s32 s16, s15;
	(ifvalue) =	ssetifvalue $0x7FFFFFFF  }
0x1b: {  	v4 =	vor.u32 $0x100, v1;
	[tilespmem:s28], [sflag:$0x1] =	stream.indirect_vreg.gather [hbm4b:s3+s10], $0x1, v2, vm0, $0x4038;
	[tilespmem:$0x500] =	vst v63  }
0x1c: {  	(ifvalue) =	ssetifvalue $0x7FFFFFFF;
	v2 =	vnsel vm1, $0x7FFFFFFF, v4  }
0x1d: {  	s15 =	sadd.s32 $0x80, s28;
	(ifvalue) =	ssetifvalue $0x7FFFFFFF  }
0x1e: {  	v1 =	vor.u32 $0x180, v1;
	[tilespmem:s15], [sflag:$0x1] =	stream.indirect_vreg.gather [hbm4b:s3+s10], $0x1, v3, vm0, $0x4038;
	[tilespmem:$0x500] =	vst v63  }
0x1f: {  	v1 =	vnsel vm1, $0x7FFFFFFF, v1;
	(ifvalue) =	ssetifvalue $0x7FFFFFFF  }
0x20: {  	s29 =	sadd.s32 $0x100, s28;
	(ifvalue) =	ssetifvalue $0x7FFFFFFF  }
0x21: {  	[tilespmem:s29], [sflag:$0x1] =	stream.indirect_vreg.gather [hbm4b:s3+s10], $0x1, v2, vm0, $0x4038;
	[tilespmem:$0x500] =	vst v63  }
0x22: {  	(ifvalue) =	ssetifvalue $0x7FFFFFFF  }
0x23: {  	s30 =	sshll.u32 s12, $0x2;
	s14 =	sadd.s32 $0x180, s28;
	(ifvalue) =	ssetifvalue $0x7FFFFFFF  }
0x24: {  	[tilespmem:s14], [sflag:$0x1] =	stream.indirect_vreg.gather [hbm4b:s3+s10], $0x1, v1, vm0, $0x4038;
	[tilespmem:$0x500] =	vst v63  }
0x25: {  	s31 =	sand.u32 $0x78, s12;
	s14 =	sand.u32 $0x7FFFFE00, s30  }
0x26: {  	_ =	swait.ge [sflag:s4], $0x200;
	s12 =	sor.u32 s31, s14  }
0x27: {  	[sflag:s4] =	ssyncset.done $0x0;
	s12 =	sshrl.u32 s12, $0x3  }
0x28: {  	[sflag:s4] =	ssyncadd.s32 $0xFFFFFE00;
	s12 =	sadd.s32 s8, s12  }
0x29: {  	[hbm:s12] =	stream.linear.scatter [tilespmem:s13], [sflag:$0x3], $0x200, $0x38;
	[tilespmem:$0x500] =	vst v63  }
.LBB2_5:
0x2a: {  	p1 =	slt.u32 s11, $0x2;
	s11 =	sadd.s32 $0x1, s11  }
0x2b: {  	p2 =	sne.s32 s11, s6  }
.Ltmp1:
0x2c: {  	_ = 	snop;
	(pc) =	sbr.rel @!p2 .LBB2_6-.Ltmp1, $4  }
0x2d: {  	s12 =	simm.s32 @!p1 $0x3  }
0x2e: {  	_ =	swait.ge @!p1 [sflag:s12], $0x200  }
0x2f: {  	[sflag:s12] =	ssyncset.done @!p1 $0x0  }
0x30: {  	p0 =	por !p0, !p0;
	[sflag:s12] =	ssyncadd.s32 @!p1 $0xFFFFFE00;
	s12 =	smov.u32 s2  }
.LBB2_1:
0x31: {  	p1 =	sge.u32 s11, s7  }
0x32: {  	s31 =	sadd.s32 $0xFFFFFFFF, s11;
	s13 =	simm.s32 @!p1 $0x0;
	s14 =	simm.s32 @!p1 $0x80  }
0x33: {  	[tilespmem:s14], [sflag:$0x2] =	stream.linear.gather @!p1 [hbm4b:s9+s13], $0x80, $0x38;
	[tilespmem:$0x500] =	vst v63  }
0x34: {  	p1 =	sge.u32 s31, s7  }
.Ltmp2:
0x35: {  	_ = 	snop;
	(pc) =	sbr.rel @p1 .LBB2_5-.Ltmp2, $1  }
0x36: {  	_ =	sdelay $0x3  }
0x37: {  	s13 =	simm.s32 $0x1  }
0x38: {  	_ =	swait.ge [sflag:s5], $0x80;
	s13 =	simm.s32 @!p0 $0x0  }
0x39: {  	[sflag:s5] =	ssyncset.done $0x0;
	s14 =	sshll.u32 s13, $0x7  }
0x3a: {  	[sflag:s5] =	ssyncadd.s32 $0xFFFFFF80;
	s15 =	sadd.s32 $0x0, s14  }
0x3b: {  	v1 =	vld.msk [tilespmem:s15+$0x0 ss:$0x1], $0xffff;
	_ =	sdelay $0x2  }
0x3c: {  	s17 =	ssub.s32 $0x7D0, s12  }
0x3d: {  	p1 =	slt.s32 s17, $0x80  }
0x3e: {  	s17 =	simm.s32 @!p1 $0x80;
	vm1 =	vgt.s32 v1, $0x0  }
0x3f: {  	p1 =	sgt.s32 s17, $0x0;
	s15 =	smov.u32 s17;
	v1 =	vnsel vm1, $0x0, v1  }
0x40: {  	s15 =	simm.s32 @!p1 $0x0;
	v1 =	vmin.u32 v1, $0x8FFFF  }
0x41: {  	s15 =	smin.u32 s15, $0x10;
	v2 =	vshll.u32 v1, $0x2  }
0x42: {  	v3 =	vmov s15;
	v1 =	vand.u32 $0x7F, v1;
	v2 =	vand.u32 $0x3FFE00, v2  }
0x43: {  	vm1 =	vgt.u32 v3, v0;
	v1 =	vor.u32 v1, v2  }
0x44: {  	v2 =	vnsel vm1, $0x7FFFFFFF, v1;
	_ =	sdelay $0x1  }
0x45: {  	s13 =	sshll.u32 s13, $0x9;
	v3 =	vor.u32 $0x80, v1  }
0x46: {  	(ifvalue) =	ssetifvalue $0x7FFFFFFF;
	s15 =	sor.u32 $0x100, s13;
	v3 =	vnsel vm1, $0x7FFFFFFF, v3  }
0x47: {  	(ifvalue) =	ssetifvalue $0x7FFFFFFF;
	s18 =	sadd.s32 $0x0, s15  }
0x48: {  	v4 =	vor.u32 $0x100, v1;
	[tilespmem:s18], [sflag:$0x1] =	stream.indirect_vreg.gather [hbm4b:s3+s10], $0x1, v2, vm0, $0x4038;
	[tilespmem:$0x500] =	vst v63  }
0x49: {  	(ifvalue) =	ssetifvalue $0x7FFFFFFF;
	v2 =	vnsel vm1, $0x7FFFFFFF, v4  }
0x4a: {  	s16 =	sadd.s32 $0x80, s18;
	(ifvalue) =	ssetifvalue $0x7FFFFFFF  }
0x4b: {  	v1 =	vor.u32 $0x180, v1;
	[tilespmem:s16], [sflag:$0x1] =	stream.indirect_vreg.gather [hbm4b:s3+s10], $0x1, v3, vm0, $0x4038;
	[tilespmem:$0x500] =	vst v63  }
0x4c: {  	s30 =	sshll.u32 s11, $0x9;
	s19 =	simm.s32 $0x80;
	v1 =	vnsel vm1, $0x7FFFFFFF, v1;
	(ifvalue) =	ssetifvalue $0x7FFFFFFF  }
0x4d: {  	s13 =	sand.u32 $0x200, s30;
	s31 =	sadd.s32 $0x100, s18;
	(ifvalue) =	ssetifvalue $0x7FFFFFFF  }
0x4e: {  	[tilespmem:s31], [sflag:$0x1] =	stream.indirect_vreg.gather [hbm4b:s3+s10], $0x1, v2, vm0, $0x4038;
	[tilespmem:$0x500] =	vst v63  }
0x4f: {  	s17 =	sadd.s32 $0xFFFFFFF0, s17;
	s13 =	sor.u32 $0x100, s13;
	(ifvalue) =	ssetifvalue $0x7FFFFFFF  }
0x50: {  	s20 =	sadd.s32 $0x180, s18;
	s16 =	simm.s32 $0x10;
	(ifvalue) =	ssetifvalue $0x7FFFFFFF  }
.LBB2_3:
0x51: {  	[tilespmem:s20], [sflag:$0x1] =	stream.indirect_vreg.gather [hbm4b:s3+s10], $0x1, v1, vm0, $0x4038;
	[tilespmem:$0x500] =	vst v63  }
0x52: {  	s18 =	smov.u32 s19  }
0x53: {  	s21 =	sadd.s32 s16, s14;
	s20 =	sshra.s32 s18, $0x2;
	s18 =	sadd.s32 $0x40, s19  }
0x54: {  	p1 =	sne.s32 s19, $0x1C0;
	v1 =	vld.msk [tilespmem:s21+$0x0 ss:$0x1], $0xffff  }
0x55: {  	(ifvalue) =	ssetifvalue $0x7FFFFFFF;
	_ =	sdelay $0x4  }
0x56: {  	vm1 =	vgt.s32 v1, $0x0  }
0x57: {  	p2 =	sgt.s32 s17, $0x0;
	s19 =	smov.u32 s17;
	v1 =	vnsel vm1, $0x0, v1  }
0x58: {  	s19 =	simm.s32 @!p2 $0x0;
	v1 =	vmin.u32 v1, $0x8FFFF  }
0x59: {  	s19 =	smin.u32 s19, $0x10;
	v2 =	vshll.u32 v1, $0x2  }
0x5a: {  	v3 =	vmov s19;
	v1 =	vand.u32 $0x7F, v1;
	v2 =	vand.u32 $0x3FFE00, v2  }
0x5b: {  	vm1 =	vgt.u32 v3, v0;
	v1 =	vor.u32 v1, v2  }
0x5c: {  	v2 =	vnsel vm1, $0x7FFFFFFF, v1;
	v3 =	vor.u32 $0x80, v1;
	v4 =	vor.u32 $0x100, v1  }
0x5d: {  	v1 =	vor.u32 $0x180, v1;
	_ =	sdelay $0x1  }
0x5e: {  	v3 =	vnsel vm1, $0x7FFFFFFF, v3  }
0x5f: {  	s19 =	sadd.s32 s16, s15;
	s16 =	smov.u32 s20;
	(ifvalue) =	ssetifvalue $0x7FFFFFFF  }
0x60: {  	[tilespmem:s19], [sflag:$0x1] =	stream.indirect_vreg.gather [hbm4b:s3+s10], $0x1, v2, vm0, $0x4038;
	[tilespmem:$0x500] =	vst v63  }
0x61: {  	v2 =	vnsel vm1, $0x7FFFFFFF, v4;
	(ifvalue) =	ssetifvalue $0x7FFFFFFF  }
0x62: {  	s20 =	sadd.s32 $0x80, s19;
	(ifvalue) =	ssetifvalue $0x7FFFFFFF  }
0x63: {  	[tilespmem:s20], [sflag:$0x1] =	stream.indirect_vreg.gather [hbm4b:s3+s10], $0x1, v3, vm0, $0x4038;
	[tilespmem:$0x500] =	vst v63  }
.Ltmp3:
0x64: {  	v1 =	vnsel vm1, $0x7FFFFFFF, v1;
	(ifvalue) =	ssetifvalue $0x7FFFFFFF;
	(pc) =	sbr.rel @p1 .LBB2_3-.Ltmp3, $4  }
0x65: {  	s20 =	sadd.s32 $0x100, s19;
	(ifvalue) =	ssetifvalue $0x7FFFFFFF  }
0x66: {  	[tilespmem:s20], [sflag:$0x1] =	stream.indirect_vreg.gather [hbm4b:s3+s10], $0x1, v2, vm0, $0x4038;
	[tilespmem:$0x500] =	vst v63  }
0x67: {  	s17 =	sadd.s32 $0xFFFFFFF0, s17;
	(ifvalue) =	ssetifvalue $0x7FFFFFFF  }
0x68: {  	s20 =	sadd.s32 $0x180, s19;
	s19 =	smov.u32 s18;
	(ifvalue) =	ssetifvalue $0x7FFFFFFF  }
.Ltmp4:
0x69: {  	_ = 	snop;
	(pc) =	sbr.rel .LBB2_4-.Ltmp4, $1  }
0x6a: {  	_ =	sdelay $0x3  }
.LBB2_6:
0x6b: {  	_ =	sfence.sel $0x180000  }
0x6c: {  	s2 =	simm.s32 $0x2;
	[bflag:$0x0] =	sbarrier.arrive $0xFFFF  }
0x6d: {  	s30 =	simm.s32 $0x3;
	[sflag:s2] =	ssyncpa.u1 $0x1  }
0x6e: {  	s31 =	simm.s32 $0x1;
	[sflag:s30] =	ssyncpa.u1 $0x1  }
0x6f: {  	[sflag:s31] =	ssyncpa.u1 $0x1  }
0x70: {  	p0 =	sne.s32 s0, $0x0;
	_ =	strace $0x9000004D  }
0x71: {  	s0 =	sadd.s32 @!p0 $0x100000, s1;
	[bflag:$0x2] =	sbarrier.arrive $0xFFFF  }
0x72: {  	[sflag:s0] =	ssyncadd.tile.s32 @!p0 $0x1;
	_ =	shalt  }
.Lfunc_end2:
_tile_overlayer_lowered:
.L_overlay_start_2:
0x73: {  	(tag) =	ssettag $0x2  }
0x74: {  	s0 =	rddreg [dreg:$0x0];
	s2 =	stileid.u32  }
0x75: {  	s1 =	rddreg [dreg:$0x1];
	p0 =	sne.s32 s2, $0x0  }
0x76: {  	s3 =	rddreg [dreg:$0x2];
	[bflag:$0x3] =	sbarrier.arrive $0xFFFF;
	s2 =	simm.s32 @!p0 $0x1C01  }
0x77: {  	[timem:s3], [sflag:s2] =	dma.local @!p0 [hbm:s0], s1  }
0x78: {  	s0 =	simm.s32 @!p0 $0x1  }
0x79: {  	_ =	swait.ge @!p0 [sflag:s0], s1  }
0x7a: {  	s1 =	ssub.s32 @!p0 $0x0, s1;
	[sflag:s0] =	ssyncset.done @!p0 $0x0  }
0x7b: {  	[sflag:s0] =	ssyncadd.s32 @!p0 s1  }
0x7c: {  	[bflag:$0x3] =	sbarrier.arrive $0xFFFF  }
0x7d: {  	_ =	shalt  }

// kernel: gather_offload_async_start.7
scs
__scs_entry_jumppad:
0x0: {  	(pc) =	sbr.rel $0x88, $3  }
0x1: {  	(tag) =	ssettag $0x0;
	lr =	simm.s32 $0x1  }
0x2: {  	[smem:$0x3F8E] =	sst lr;
	_ =	strace $0xD0000000  }
0x3: {  	_ = 	snop  }
0x4: {  	_ = 	snop  }
0x5: {  	_ = 	snop  }
0x6: {  	_ = 	snop  }
0x7: {  	_ = 	snop  }
__scs_overlays_trampoline_lowered:
0x8: {  	[smem:$0x3F9D] =	sst s0  }
0x9: {  	[smem:$0x3F9E] =	sst s1  }
0xa: {  	[smem:$0x3F9F] =	sst s2  }
0xb: {  	[smem:$0x3FA0] =	sst s3  }
0xc: {  	[smem:$0x3FA1] =	sst s4  }
0xd: {  	[smem:$0x3FA2] =	sst s5  }
0xe: {  	[smem:$0x3FA3] =	sst s6  }
0xf: {  	[smem:$0x3FA4] =	sst s7  }
0x10: {  	[smem:$0x3FA5] =	sst s8  }
0x11: {  	[smem:$0x3FA6] =	sst s9;
	s0 =	simm.s32 @!p0 $0x0  }
0x12: {  	s1 =	sld [smem:$0x3F8C];
	s0 =	simm.s32 @p0 $0x1  }
0x13: {  	[smem:$0x3FA7] =	sst s0;
	s0 =	simm.s32 @!p1 $0x0  }
0x14: {  	s2 =	sld [smem:$0x3F8B];
	s0 =	simm.s32 @p1 $0x1  }
0x15: {  	[smem:$0x3FA8] =	sst s0;
	s0 =	simm.s32 @!p2 $0x0  }
0x16: {  	s3 =	sld [smem:$0x3FDB];
	s0 =	simm.s32 @p2 $0x1  }
0x17: {  	s4 =	simm.s32 $0x1BF5;
	[smem:$0x3FAA] =	sst s0  }
0x18: {  	s0 =	sld [smem:$0x3F8D];
	_ =	swait.ge [sflag:s4], $0x0  }
0x19: {  	s7 =	sld [smem:$0x3F8E]  }
0x1a: {  	s8 =	sadd.s32 $0xFFFFE003, lr  }
0x1b: {  	s9 =	sadd.s32 $0xFFFFFEF7, lr;
	s5 =	simm.s32 $0xFFFFFFFF;
	p2 =	slt.u32 s8, $0xFFFFF086  }
0x1c: {  	p1 =	slt.u32 s9, $0xF7A;
	s5 =	simm.s32 @!p2 $0x0  }
0x1d: {  	s5 =	simm.s32 @p1 $0x1;
	p0 =	seq.s32 s7, s2  }
0x1e: {  	s7 =	smul.u32 @!p0 $0xF7A, s2;
	p2 =	seq.s32 @!p0 s5, $0x0  }
0x1f: {  	s9 =	smul.u32 $0xF7A, s1;
	s8 =	simm.s32 @!p0 $0x1BF5;
	p2 =	por !p2, p0  }
0x20: {  	[sflag:s8] =	ssyncset.s32 @!p0 $0xFFFFF086;
	s6 =	sadd.s32 @!p0 s3, s7;
	s7 =	simm.s32 @!p0 $0x108  }
0x21: {  	s3 =	sadd.s32 s3, s9;
	s6 =	sadd.s32 @!p0 $0x88, s6;
	s7 =	simm.s32 @p2 $0x1082  }
0x22: {  	[simem:s7], [sflag:s8] =	dma.local @!p0 [hbm:s6], $0xF7A  }
0x23: {  	s9 =	sor.u32 $0xD0000000, s2;
	s6 =	simm.s32 $0x108;
	_ =	swait.ge @!p0 [sflag:s8], $0x0  }
0x24: {  	s3 =	sadd.s32 $0x88, s3;
	s6 =	simm.s32 @!p1 $0x1082;
	[sflag:s4] =	ssyncset.s32 $0xFFFFF086  }
0x25: {  	[simem:s6], [sflag:s4] =	dma.local [hbm:s3], $0xF7A  }
0x26: {  	[smem:$0x3F8E] =	sst s1;
	(tag) =	ssettag s2;
	_ =	strace s9  }
0x27: {  	s1 =	sld [smem:$0x3F9E]  }
0x28: {  	s2 =	sld [smem:$0x3F9F]  }
0x29: {  	s4 =	sld [smem:$0x3FA1]  }
0x2a: {  	p0 =	seq.s32 s5, $0x0;
	s5 =	sld [smem:$0x3FA2]  }
0x2b: {  	s6 =	sld [smem:$0x3FA3]  }
0x2c: {  	s7 =	sld [smem:$0x3FA4]  }
0x2d: {  	s3 =	simm.s32 $0x108;
	s8 =	sld [smem:$0x3FA5]  }
0x2e: {  	s3 =	simm.s32 @!p0 $0x1082;
	s9 =	sld [smem:$0x3FA6]  }
0x2f: {  	lr =	sadd.s32 s0, s3;
	s0 =	sld [smem:$0x3F9D]  }
0x30: {  	s3 =	sld [smem:$0x3FA0]  }
0x31: {  	[smem:$0x3FA9] =	sst s10  }
0x32: {  	s10 =	sld [smem:$0x3FA7];
	_ =	sdelay $0x3  }
0x33: {  	p0 =	seq.s32 s10, $0x1;
	s10 =	sld [smem:$0x3FA9];
	_ =	sdelay $0x3  }
0x34: {  	[smem:$0x3FA9] =	sst s10  }
0x35: {  	s10 =	sld [smem:$0x3FA8];
	_ =	sdelay $0x3  }
0x36: {  	p1 =	seq.s32 s10, $0x1;
	s10 =	sld [smem:$0x3FA9];
	_ =	sdelay $0x3  }
0x37: {  	[smem:$0x3FA9] =	sst s10  }
0x38: {  	s10 =	sld [smem:$0x3FAA]  }
0x39: {  	_ = 	snop;
	(pc) =	sbr.ind lr, $3  }
0x3a: {  	_ = 	snop  }
0x3b: {  	_ = 	snop  }
0x3c: {  	p2 =	seq.s32 s10, $0x1;
	s10 =	sld [smem:$0x3FA9]  }
0x3d: {  	_ =	shalt  }
0x3e: {  	_ =	shalt  }
0x3f: {  	_ =	shalt  }
0x40: {  	_ =	shalt  }
0x41: {  	_ =	shalt  }
0x42: {  	_ =	shalt  }
0x43: {  	_ =	shalt  }
0x44: {  	_ =	shalt  }
0x45: {  	_ =	shalt  }
0x46: {  	_ =	shalt  }
0x47: {  	_ =	shalt  }
0x48: {  	_ =	shalt  }
0x49: {  	_ =	shalt  }
0x4a: {  	_ =	shalt  }
0x4b: {  	_ =	shalt  }
0x4c: {  	_ =	shalt  }
0x4d: {  	_ =	shalt  }
0x4e: {  	_ =	shalt  }
0x4f: {  	_ =	shalt  }
0x50: {  	_ =	shalt  }
0x51: {  	_ =	shalt  }
0x52: {  	_ =	shalt  }
0x53: {  	_ =	shalt  }
0x54: {  	_ =	shalt  }
0x55: {  	_ =	shalt  }
0x56: {  	_ =	shalt  }
0x57: {  	_ =	shalt  }
0x58: {  	_ =	shalt  }
0x59: {  	_ =	shalt  }
0x5a: {  	_ =	shalt  }
0x5b: {  	_ =	shalt  }
0x5c: {  	_ =	shalt  }
0x5d: {  	_ =	shalt  }
0x5e: {  	_ =	shalt  }
0x5f: {  	_ =	shalt  }
0x60: {  	_ =	shalt  }
0x61: {  	_ =	shalt  }
0x62: {  	_ =	shalt  }
0x63: {  	_ =	shalt  }
0x64: {  	_ =	shalt  }
0x65: {  	_ =	shalt  }
0x66: {  	_ =	shalt  }
0x67: {  	_ =	shalt  }
0x68: {  	_ =	shalt  }
0x69: {  	_ =	shalt  }
0x6a: {  	_ =	shalt  }
0x6b: {  	_ =	shalt  }
0x6c: {  	_ =	shalt  }
0x6d: {  	_ =	shalt  }
0x6e: {  	_ =	shalt  }
0x6f: {  	_ =	shalt  }
0x70: {  	_ =	shalt  }
0x71: {  	_ =	shalt  }
0x72: {  	_ =	shalt  }
0x73: {  	_ =	shalt  }
0x74: {  	_ =	shalt  }
0x75: {  	_ =	shalt  }
0x76: {  	_ =	shalt  }
0x77: {  	_ =	shalt  }
0x78: {  	_ =	shalt  }
0x79: {  	_ =	shalt  }
0x7a: {  	_ =	shalt  }
0x7b: {  	_ =	shalt  }
0x7c: {  	_ =	shalt  }
0x7d: {  	_ =	shalt  }
0x7e: {  	_ =	shalt  }
0x7f: {  	_ =	shalt  }
0x80: {  	_ =	shalt  }
0x81: {  	_ =	shalt  }
0x82: {  	_ =	shalt  }
0x83: {  	_ =	shalt  }
0x84: {  	_ =	shalt  }
0x85: {  	_ =	shalt  }
0x86: {  	_ =	shalt  }
0x87: {  	_ =	shalt  }
.Lfunc_end0:
.L_simem_size_0:
called_computation.9_lowered:
.L_overlay_start_0:
0x88: {  	s2 =	sld [smem:$0x3FD9]  }
0x89: {  	s3 =	sld [smem:$0x3FFE];
	_ =	sdelay $0x1  }
0x8a: {  	s1 =	srdreg.scid  }
0x8b: {  	s0 =	sand.u32 $0x1, s1  }
0x8c: {  	s17 =	sshll.u32 s0, $0xA;
	s2 =	sadd.s32 s3, s2  }
0x8d: {  	s2 =	sadd.s32 s2, s17  }
0x8e: {  	[smem:$0x3FB5] =	sst s2  }
0x8f: {  	_ = 	snop  }
0x90: {  	(tm) =	ssettm $0x1  }
0x91: {  	s18 =	sld [smem:$0x3FFB];
	_ =	sdelay $0x3  }
0x92: {  	_ =	strace s18  }
0x93: {  	s2 =	sld [smem:$0x3FFC];
	_ =	sdelay $0x3  }
0x94: {  	_ =	strace s2  }
0x95: {  	s2 =	sld [smem:$0x3FFD];
	_ =	sdelay $0x3  }
0x96: {  	_ =	strace s2  }
0x97: {  	_ =	strace $0x8FFFFFFF  }
0x98: {  	s19 =	sld [smem:$0x3FDB];
	_ =	sdelay $0x1  }
0x99: {  	s20 =	simm.s32 $_scs_section_size  }
0x9a: {  	s4 =	simm.s32 $_size__tile_overlayer_lowered;
	s5 =	simm.s32 $_tile_overlayer_lowered  }
0x9b: {  	s6 =	simm.s32 $0x1BFF;
	s21 =	sshll.u32 s5, $0x1;
	s3 =	sadd.s32 s20, s19  }
0x9c: {  	s22 =	simm.s32 $0x0;
	s4 =	sshll.u32 s4, $0x1;
	s5 =	sadd.s32 s21, s3  }
0x9d: {  	[timem:s22], [sflag:s6] =	dma.local [hbm:s5], s4  }
0x9e: {  	_ =	swait.ge [sflag:s6], s4  }
0x9f: {  	s4 =	ssub.s32 $0x0, s4;
	[sflag:s6] =	ssyncset.done $0x0  }
0xa0: {  	[sflag:s6] =	ssyncadd.s32 s4;
	_ =	sdelay $0x1  }
0xa1: {  	s23 =	simm.s32 $0x1B8B  }
0xa2: {  	_ =	swait.ge [sflag:s23], $0x1  }
0xa3: {  	[sflag:s23] =	ssyncset.done $0x0  }
0xa4: {  	[sflag:s23] =	ssyncadd.s32 $0xFFFFFFFF  }
0xa5: {  	s4 =	sld [smem:$0x0]  }
0xa6: {  	s5 =	sand.u32 $0xFFFFFFFE, s1  }
0xa7: {  	p0 =	sne.s32 s1, s5  }
0xa8: {  	s5 =	sshll.u32 @p0 s5, $0xE  }
0xa9: {  	s5 =	sadd.s32 @p0 $0x11B8D, s5;
	s6 =	sshll.u32 @p0 s4, $0x11  }
0xaa: {  	s5 =	sor.u32 @p0 s6, s5  }
0xab: {  	[sflag:s5] =	ssyncadd.remote.s32 @p0 $0x1;
	_ =	sdelay $0x1  }
0xac: {  	s5 =	simm.s32 @p0 $0x1B8D  }
0xad: {  	_ =	swait.eq @p0 [sflag:s5], $0x1  }
0xae: {  	[sflag:s5] =	ssyncadd.s32 @p0 $0xFFFFFFFF  }
0xaf: {  	s6 =	sshll.u32 @!p0 s1, $0xE  }
0xb0: {  	s6 =	sor.u32 @!p0 $0x4000, s6;
	s5 =	simm.s32 @!p0 $0x1B8D  }
0xb1: {  	s4 =	sshll.u32 @!p0 s4, $0x11;
	s6 =	sadd.s32 @!p0 $0x11B8D, s6;
	_ =	swait.eq @!p0 [sflag:s5], $0x1  }
0xb2: {  	s4 =	sor.u32 @!p0 s4, s6;
	[sflag:s5] =	ssyncadd.s32 @!p0 $0xFFFFFFFF  }
0xb3: {  	s25 =	simm.s32 $0x1B8E;
	s24 =	sld [smem:$0x3FFE];
	[sflag:s4] =	ssyncadd.remote.s32 @!p0 $0x1  }
0xb4: {  	s26 =	simm.s32 $execute0_lowered;
	[smem:$0x3FD2] =	sst s25  }
0xb5: {  	s5 =	sshll.u32 s26, $0x1;
	_ =	strace $0x8000004F;
	[dreg:$0x1] =	wrdreg $0xFFFFFFFF  }
0xb6: {  	s28 =	simm.s32 $_size_execute0_lowered;
	s3 =	sadd.s32 s3, s5;
	[dreg:$0x0] =	wrdreg $0x0  }
0xb7: {  	s5 =	sshll.u32 s28, $0x1;
	[dreg:$0x2] =	wrdreg s3  }
0xb8: {  	[dreg:$0x3] =	wrdreg s5  }
0xb9: {  	[dreg:$0x4] =	wrdreg $0xC0  }
0xba: {  	_ =	task [dreg:s22], $0x5FFFF  }
0xbb: {  	[dreg:$0x1] =	wrdreg $0xFFFFFFFF  }
0xbc: {  	[dreg:$0x0] =	wrdreg $0x60  }
0xbd: {  	[dreg:$0x2] =	wrdreg s24  }
0xbe: {  	[dreg:$0x3] =	wrdreg $0xD  }
0xbf: {  	_ =	task.clear_ibuf [dreg:s22], $0x4FFFF;
	_ =	strace $0x9000004F  }
0xc0: {  	s29 =	simm.s32 $0xD;
	_ =	strace $0x80000051  }
0xc1: {  	_ =	swait.ge [sflag:s29], $0x1  }
0xc2: {  	[sflag:s29] =	ssyncadd.s32 $0xFFFFFFFF  }
0xc3: {  	_ =	strace $0x90000051  }
0xc4: {  	_ =	sfence  }
0xc5: {  	s30 =	sld [smem:$0x0];
	_ =	sdelay $0x2  }
0xc6: {  	s31 =	sshll.u32 s1, $0xD;
	s1 =	sshrl.u32 s1, $0x2  }
0xc7: {  	s4 =	sand.u32 $0x4000, s31;
	s1 =	sadd.s32 s1, s30  }
0xc8: {  	s0 =	sor.u32 s4, s0;
	s1 =	sshll.u32 s1, $0x11  }
0xc9: {  	s0 =	sor.u32 s1, s0  }
0xca: {  	s0 =	sadd.s32 $0x8F2B, s0  }
0xcb: {  	[sflag:s0] =	ssyncadd.remote.s32 $0x1  }
0xcc: {  	_ =	sfence.sel $0xFFFF  }
0xcd: {  	[dreg:$0x0] =	wrdreg $0xFFFFFFFF;
	(pc) =	sbr.abs _section_cstart, $3  }
0xce: {  	[dreg:$0x1] =	wrdreg $0xFFFFFFFF  }
0xcf: {  	_ =	task.clear_ibuf [dreg:s22], $0x2FFFF;
	_ =	strace $0x9FFFFFFF  }
0xd0: {  	(tm) =	ssettm $0x7FFFFFFF  }
0xd1: {  	_ =	shalt  }
tec
execute0_lowered:
.L_overlay_start_1:
0x0: {  	(tag) =	ssettag $0x1  }
0x1: {  	s1 =	srdreg.scid  }
0x2: {  	s0 =	stileid.u32;
	s8 =	rddreg [dreg:$0x0]  }
0x3: {  	s4 =	simm.s32 $0x1;
	s5 =	simm.s32 $0x2;
	s10 =	simm.s32 $0x0  }
0x4: {  	s12 =	simm.s32 $0x0;
	s11 =	simm.s32 $0x0;
	s1 =	sshll.u32 s1, $0x7  }
0x5: {  	s2 =	sshll.u32 s0, $0x8;
	s3 =	sand.u32 $0x80, s1;
	s1 =	rddreg [dreg:$0x1]  }
0x6: {  	_ =	strace $0x80000050;
	s2 =	sor.u32 s2, s3;
	s3 =	sadd.s32 $0x24200, s8  }
0x7: {  	[sflag:s4] =	ssyncpa.u1 $0x0;
	s6 =	ssub.s32 $0x800, s2;
	s7 =	sshrl.u32 s2, $0x3  }
.Ltmp0:
0x8: {  	[sflag:s5] =	ssyncpa.u1 $0x0;
	p0 =	sgt.s32 s6, $0x0;
	(pc) =	sbr.rel .LBB2_1-.Ltmp0, $4  }
0x9: {  	s9 =	sadd.s32 s7, s8;
	s7 =	simm.s32 $0x1;
	s6 =	simm.s32 @!p0 $0x0  }
0xa: {  	s8 =	sadd.s32 $0x6C200, s8;
	s31 =	sand.u32 $0xF80, s6;
	s6 =	simm.s32 $0x3  }
0xb: {  	s9 =	sadd.s32 $0x10C600, s9;
	p0 =	sne.s32 s31, $0x0;
	[sflag:s6] =	ssyncpa.u1 $0x0  }
0xc: {  	vm0 =	vmmov $0xffff;
	v0 =	vlaneseq.u32;
	s7 =	simm.s32 @!p0 $0x0;
	s6 =	simm.s32 @!p0 $0x2;
	p0 =	por $0x0, $0x0  }
.LBB2_4:
0xd: {  	_ =	sdelay $0x3  }
0xe: {  	[tilespmem:s20], [sflag:$0x1] =	stream.indirect_vreg.gather [hbm4b:s3+s10], $0x1, v1, vm0, $0x4038;
	[tilespmem:$0x500] =	vst v63  }
0xf: {  	s14 =	sadd.s32 s16, s14  }
0x10: {  	v1 =	vld.msk [tilespmem:s14+$0x0 ss:$0x1], $0xffff;
	_ =	sdelay $0x4  }
0x11: {  	vm1 =	vgt.s32 v1, $0x0  }
0x12: {  	p1 =	sgt.s32 s17, $0x0;
	v1 =	vnsel vm1, $0x0, v1  }
0x13: {  	s17 =	simm.s32 @!p1 $0x0;
	v1 =	vmin.u32 v1, $0x8FFFF  }
0x14: {  	s26 =	smin.u32 s17, $0x10;
	v2 =	vshll.u32 v1, $0x2  }
0x15: {  	v3 =	vmov s26;
	v1 =	vand.u32 $0x7F, v1;
	v2 =	vand.u32 $0x3FFE00, v2  }
0x16: {  	vm1 =	vgt.u32 v3, v0;
	v1 =	vor.u32 v1, v2  }
0x17: {  	v2 =	vnsel vm1, $0x7FFFFFFF, v1;
	_ =	sdelay $0x1  }
0x18: {  	v3 =	vor.u32 $0x80, v1  }
0x19: {  	(ifvalue) =	ssetifvalue $0x7FFFFFFF;
	v3 =	vnsel vm1, $0x7FFFFFFF, v3  }
0x1a: {  	s28 =	sadd.s32 s16, s15;
	(ifvalue) =	ssetifvalue $0x7FFFFFFF  }
0x1b: {  	v4 =	vor.u32 $0x100, v1;
	[tilespmem:s28], [sflag:$0x1] =	stream.indirect_vreg.gather [hbm4b:s3+s10], $0x1, v2, vm0, $0x4038;
	[tilespmem:$0x500] =	vst v63  }
0x1c: {  	(ifvalue) =	ssetifvalue $0x7FFFFFFF;
	v2 =	vnsel vm1, $0x7FFFFFFF, v4  }
0x1d: {  	s15 =	sadd.s32 $0x80, s28;
	(ifvalue) =	ssetifvalue $0x7FFFFFFF  }
0x1e: {  	v1 =	vor.u32 $0x180, v1;
	[tilespmem:s15], [sflag:$0x1] =	stream.indirect_vreg.gather [hbm4b:s3+s10], $0x1, v3, vm0, $0x4038;
	[tilespmem:$0x500] =	vst v63  }
0x1f: {  	v1 =	vnsel vm1, $0x7FFFFFFF, v1;
	(ifvalue) =	ssetifvalue $0x7FFFFFFF  }
0x20: {  	s29 =	sadd.s32 $0x100, s28;
	(ifvalue) =	ssetifvalue $0x7FFFFFFF  }
0x21: {  	[tilespmem:s29], [sflag:$0x1] =	stream.indirect_vreg.gather [hbm4b:s3+s10], $0x1, v2, vm0, $0x4038;
	[tilespmem:$0x500] =	vst v63  }
0x22: {  	(ifvalue) =	ssetifvalue $0x7FFFFFFF  }
0x23: {  	s30 =	sshll.u32 s12, $0x2;
	s14 =	sadd.s32 $0x180, s28;
	(ifvalue) =	ssetifvalue $0x7FFFFFFF  }
0x24: {  	[tilespmem:s14], [sflag:$0x1] =	stream.indirect_vreg.gather [hbm4b:s3+s10], $0x1, v1, vm0, $0x4038;
	[tilespmem:$0x500] =	vst v63  }
0x25: {  	s31 =	sand.u32 $0x78, s12;
	s14 =	sand.u32 $0x7FFFFE00, s30  }
0x26: {  	_ =	swait.ge [sflag:s4], $0x200;
	s12 =	sor.u32 s31, s14  }
0x27: {  	[sflag:s4] =	ssyncset.done $0x0;
	s12 =	sshrl.u32 s12, $0x3  }
0x28: {  	[sflag:s4] =	ssyncadd.s32 $0xFFFFFE00;
	s12 =	sadd.s32 s8, s12  }
0x29: {  	[hbm:s12] =	stream.linear.scatter [tilespmem:s13], [sflag:$0x3], $0x200, $0x38;
	[tilespmem:$0x500] =	vst v63  }
.LBB2_5:
0x2a: {  	p1 =	slt.u32 s11, $0x2;
	s11 =	sadd.s32 $0x1, s11  }
0x2b: {  	p2 =	sne.s32 s11, s6  }
.Ltmp1:
0x2c: {  	_ = 	snop;
	(pc) =	sbr.rel @!p2 .LBB2_6-.Ltmp1, $4  }
0x2d: {  	s12 =	simm.s32 @!p1 $0x3  }
0x2e: {  	_ =	swait.ge @!p1 [sflag:s12], $0x200  }
0x2f: {  	[sflag:s12] =	ssyncset.done @!p1 $0x0  }
0x30: {  	p0 =	por !p0, !p0;
	[sflag:s12] =	ssyncadd.s32 @!p1 $0xFFFFFE00;
	s12 =	smov.u32 s2  }
.LBB2_1:
0x31: {  	p1 =	sge.u32 s11, s7  }
0x32: {  	s31 =	sadd.s32 $0xFFFFFFFF, s11;
	s13 =	simm.s32 @!p1 $0x0;
	s14 =	simm.s32 @!p1 $0x80  }
0x33: {  	[tilespmem:s14], [sflag:$0x2] =	stream.linear.gather @!p1 [hbm4b:s9+s13], $0x80, $0x38;
	[tilespmem:$0x500] =	vst v63  }
0x34: {  	p1 =	sge.u32 s31, s7  }
.Ltmp2:
0x35: {  	_ = 	snop;
	(pc) =	sbr.rel @p1 .LBB2_5-.Ltmp2, $1  }
0x36: {  	_ =	sdelay $0x3  }
0x37: {  	s13 =	simm.s32 $0x1  }
0x38: {  	_ =	swait.ge [sflag:s5], $0x80;
	s13 =	simm.s32 @!p0 $0x0  }
0x39: {  	[sflag:s5] =	ssyncset.done $0x0;
	s14 =	sshll.u32 s13, $0x7  }
0x3a: {  	[sflag:s5] =	ssyncadd.s32 $0xFFFFFF80;
	s15 =	sadd.s32 $0x0, s14  }
0x3b: {  	v1 =	vld.msk [tilespmem:s15+$0x0 ss:$0x1], $0xffff;
	_ =	sdelay $0x2  }
0x3c: {  	s17 =	ssub.s32 $0x7D0, s12  }
0x3d: {  	p1 =	slt.s32 s17, $0x80  }
0x3e: {  	s17 =	simm.s32 @!p1 $0x80;
	vm1 =	vgt.s32 v1, $0x0  }
0x3f: {  	p1 =	sgt.s32 s17, $0x0;
	s15 =	smov.u32 s17;
	v1 =	vnsel vm1, $0x0, v1  }
0x40: {  	s15 =	simm.s32 @!p1 $0x0;
	v1 =	vmin.u32 v1, $0x8FFFF  }
0x41: {  	s15 =	smin.u32 s15, $0x10;
	v2 =	vshll.u32 v1, $0x2  }
0x42: {  	v3 =	vmov s15;
	v1 =	vand.u32 $0x7F, v1;
	v2 =	vand.u32 $0x3FFE00, v2  }
0x43: {  	vm1 =	vgt.u32 v3, v0;
	v1 =	vor.u32 v1, v2  }
0x44: {  	v2 =	vnsel vm1, $0x7FFFFFFF, v1;
	_ =	sdelay $0x1  }
0x45: {  	s13 =	sshll.u32 s13, $0x9;
	v3 =	vor.u32 $0x80, v1  }
0x46: {  	(ifvalue) =	ssetifvalue $0x7FFFFFFF;
	s15 =	sor.u32 $0x100, s13;
	v3 =	vnsel vm1, $0x7FFFFFFF, v3  }
0x47: {  	(ifvalue) =	ssetifvalue $0x7FFFFFFF;
	s18 =	sadd.s32 $0x0, s15  }
0x48: {  	v4 =	vor.u32 $0x100, v1;
	[tilespmem:s18], [sflag:$0x1] =	stream.indirect_vreg.gather [hbm4b:s3+s10], $0x1, v2, vm0, $0x4038;
	[tilespmem:$0x500] =	vst v63  }
0x49: {  	(ifvalue) =	ssetifvalue $0x7FFFFFFF;
	v2 =	vnsel vm1, $0x7FFFFFFF, v4  }
0x4a: {  	s16 =	sadd.s32 $0x80, s18;
	(ifvalue) =	ssetifvalue $0x7FFFFFFF  }
0x4b: {  	v1 =	vor.u32 $0x180, v1;
	[tilespmem:s16], [sflag:$0x1] =	stream.indirect_vreg.gather [hbm4b:s3+s10], $0x1, v3, vm0, $0x4038;
	[tilespmem:$0x500] =	vst v63  }
0x4c: {  	s30 =	sshll.u32 s11, $0x9;
	s19 =	simm.s32 $0x80;
	v1 =	vnsel vm1, $0x7FFFFFFF, v1;
	(ifvalue) =	ssetifvalue $0x7FFFFFFF  }
0x4d: {  	s13 =	sand.u32 $0x200, s30;
	s31 =	sadd.s32 $0x100, s18;
	(ifvalue) =	ssetifvalue $0x7FFFFFFF  }
0x4e: {  	[tilespmem:s31], [sflag:$0x1] =	stream.indirect_vreg.gather [hbm4b:s3+s10], $0x1, v2, vm0, $0x4038;
	[tilespmem:$0x500] =	vst v63  }
0x4f: {  	s17 =	sadd.s32 $0xFFFFFFF0, s17;
	s13 =	sor.u32 $0x100, s13;
	(ifvalue) =	ssetifvalue $0x7FFFFFFF  }
0x50: {  	s20 =	sadd.s32 $0x180, s18;
	s16 =	simm.s32 $0x10;
	(ifvalue) =	ssetifvalue $0x7FFFFFFF  }
.LBB2_3:
0x51: {  	[tilespmem:s20], [sflag:$0x1] =	stream.indirect_vreg.gather [hbm4b:s3+s10], $0x1, v1, vm0, $0x4038;
	[tilespmem:$0x500] =	vst v63  }
0x52: {  	s18 =	smov.u32 s19  }
0x53: {  	s21 =	sadd.s32 s16, s14;
	s20 =	sshra.s32 s18, $0x2;
	s18 =	sadd.s32 $0x40, s19  }
0x54: {  	p1 =	sne.s32 s19, $0x1C0;
	v1 =	vld.msk [tilespmem:s21+$0x0 ss:$0x1], $0xffff  }
0x55: {  	(ifvalue) =	ssetifvalue $0x7FFFFFFF;
	_ =	sdelay $0x4  }
0x56: {  	vm1 =	vgt.s32 v1, $0x0  }
0x57: {  	p2 =	sgt.s32 s17, $0x0;
	s19 =	smov.u32 s17;
	v1 =	vnsel vm1, $0x0, v1  }
0x58: {  	s19 =	simm.s32 @!p2 $0x0;
	v1 =	vmin.u32 v1, $0x8FFFF  }
0x59: {  	s19 =	smin.u32 s19, $0x10;
	v2 =	vshll.u32 v1, $0x2  }
0x5a: {  	v3 =	vmov s19;
	v1 =	vand.u32 $0x7F, v1;
	v2 =	vand.u32 $0x3FFE00, v2  }
0x5b: {  	vm1 =	vgt.u32 v3, v0;
	v1 =	vor.u32 v1, v2  }
0x5c: {  	v2 =	vnsel vm1, $0x7FFFFFFF, v1;
	v3 =	vor.u32 $0x80, v1;
	v4 =	vor.u32 $0x100, v1  }
0x5d: {  	v1 =	vor.u32 $0x180, v1;
	_ =	sdelay $0x1  }
0x5e: {  	v3 =	vnsel vm1, $0x7FFFFFFF, v3  }
0x5f: {  	s19 =	sadd.s32 s16, s15;
	s16 =	smov.u32 s20;
	(ifvalue) =	ssetifvalue $0x7FFFFFFF  }
0x60: {  	[tilespmem:s19], [sflag:$0x1] =	stream.indirect_vreg.gather [hbm4b:s3+s10], $0x1, v2, vm0, $0x4038;
	[tilespmem:$0x500] =	vst v63  }
0x61: {  	v2 =	vnsel vm1, $0x7FFFFFFF, v4;
	(ifvalue) =	ssetifvalue $0x7FFFFFFF  }
0x62: {  	s20 =	sadd.s32 $0x80, s19;
	(ifvalue) =	ssetifvalue $0x7FFFFFFF  }
0x63: {  	[tilespmem:s20], [sflag:$0x1] =	stream.indirect_vreg.gather [hbm4b:s3+s10], $0x1, v3, vm0, $0x4038;
	[tilespmem:$0x500] =	vst v63  }
.Ltmp3:
0x64: {  	v1 =	vnsel vm1, $0x7FFFFFFF, v1;
	(ifvalue) =	ssetifvalue $0x7FFFFFFF;
	(pc) =	sbr.rel @p1 .LBB2_3-.Ltmp3, $4  }
0x65: {  	s20 =	sadd.s32 $0x100, s19;
	(ifvalue) =	ssetifvalue $0x7FFFFFFF  }
0x66: {  	[tilespmem:s20], [sflag:$0x1] =	stream.indirect_vreg.gather [hbm4b:s3+s10], $0x1, v2, vm0, $0x4038;
	[tilespmem:$0x500] =	vst v63  }
0x67: {  	s17 =	sadd.s32 $0xFFFFFFF0, s17;
	(ifvalue) =	ssetifvalue $0x7FFFFFFF  }
0x68: {  	s20 =	sadd.s32 $0x180, s19;
	s19 =	smov.u32 s18;
	(ifvalue) =	ssetifvalue $0x7FFFFFFF  }
.Ltmp4:
0x69: {  	_ = 	snop;
	(pc) =	sbr.rel .LBB2_4-.Ltmp4, $1  }
0x6a: {  	_ =	sdelay $0x3  }
.LBB2_6:
0x6b: {  	_ =	sfence.sel $0x180000  }
0x6c: {  	s2 =	simm.s32 $0x2;
	[bflag:$0x0] =	sbarrier.arrive $0xFFFF  }
0x6d: {  	s30 =	simm.s32 $0x3;
	[sflag:s2] =	ssyncpa.u1 $0x1  }
0x6e: {  	s31 =	simm.s32 $0x1;
	[sflag:s30] =	ssyncpa.u1 $0x1  }
0x6f: {  	[sflag:s31] =	ssyncpa.u1 $0x1  }
0x70: {  	p0 =	sne.s32 s0, $0x0;
	_ =	strace $0x90000050  }
0x71: {  	s0 =	sadd.s32 @!p0 $0x100000, s1;
	[bflag:$0x2] =	sbarrier.arrive $0xFFFF  }
0x72: {  	[sflag:s0] =	ssyncadd.tile.s32 @!p0 $0x1;
	_ =	shalt  }
.Lfunc_end2:
_tile_overlayer_lowered:
.L_overlay_start_2:
0x73: {  	(tag) =	ssettag $0x2  }
0x74: {  	s0 =	rddreg [dreg:$0x0];
	s2 =	stileid.u32  }
0x75: {  	s1 =	rddreg [dreg:$0x1];
	p0 =	sne.s32 s2, $0x0  }
0x76: {  	s3 =	rddreg [dreg:$0x2];
	[bflag:$0x3] =	sbarrier.arrive $0xFFFF;
	s2 =	simm.s32 @!p0 $0x1C01  }
0x77: {  	[timem:s3], [sflag:s2] =	dma.local @!p0 [hbm:s0], s1  }
0x78: {  	s0 =	simm.s32 @!p0 $0x1  }
0x79: {  	_ =	swait.ge @!p0 [sflag:s0], s1  }
0x7a: {  	s1 =	ssub.s32 @!p0 $0x0, s1;
	[sflag:s0] =	ssyncset.done @!p0 $0x0  }
0x7b: {  	[sflag:s0] =	ssyncadd.s32 @!p0 s1  }
0x7c: {  	[bflag:$0x3] =	sbarrier.arrive $0xFFFF  }
0x7d: {  	_ =	shalt  }

// kernel: gather_offload_async_start.8
scs
__scs_entry_jumppad:
0x0: {  	(pc) =	sbr.rel $0x88, $3  }
0x1: {  	(tag) =	ssettag $0x0;
	lr =	simm.s32 $0x1  }
0x2: {  	[smem:$0x3F8E] =	sst lr;
	_ =	strace $0xD0000000  }
0x3: {  	_ = 	snop  }
0x4: {  	_ = 	snop  }
0x5: {  	_ = 	snop  }
0x6: {  	_ = 	snop  }
0x7: {  	_ = 	snop  }
__scs_overlays_trampoline_lowered:
0x8: {  	[smem:$0x3F9D] =	sst s0  }
0x9: {  	[smem:$0x3F9E] =	sst s1  }
0xa: {  	[smem:$0x3F9F] =	sst s2  }
0xb: {  	[smem:$0x3FA0] =	sst s3  }
0xc: {  	[smem:$0x3FA1] =	sst s4  }
0xd: {  	[smem:$0x3FA2] =	sst s5  }
0xe: {  	[smem:$0x3FA3] =	sst s6  }
0xf: {  	[smem:$0x3FA4] =	sst s7  }
0x10: {  	[smem:$0x3FA5] =	sst s8  }
0x11: {  	[smem:$0x3FA6] =	sst s9;
	s0 =	simm.s32 @!p0 $0x0  }
0x12: {  	s1 =	sld [smem:$0x3F8C];
	s0 =	simm.s32 @p0 $0x1  }
0x13: {  	[smem:$0x3FA7] =	sst s0;
	s0 =	simm.s32 @!p1 $0x0  }
0x14: {  	s2 =	sld [smem:$0x3F8B];
	s0 =	simm.s32 @p1 $0x1  }
0x15: {  	[smem:$0x3FA8] =	sst s0;
	s0 =	simm.s32 @!p2 $0x0  }
0x16: {  	s3 =	sld [smem:$0x3FDB];
	s0 =	simm.s32 @p2 $0x1  }
0x17: {  	s4 =	simm.s32 $0x1BF5;
	[smem:$0x3FAA] =	sst s0  }
0x18: {  	s0 =	sld [smem:$0x3F8D];
	_ =	swait.ge [sflag:s4], $0x0  }
0x19: {  	s7 =	sld [smem:$0x3F8E]  }
0x1a: {  	s8 =	sadd.s32 $0xFFFFE003, lr  }
0x1b: {  	s9 =	sadd.s32 $0xFFFFFEF7, lr;
	s5 =	simm.s32 $0xFFFFFFFF;
	p2 =	slt.u32 s8, $0xFFFFF086  }
0x1c: {  	p1 =	slt.u32 s9, $0xF7A;
	s5 =	simm.s32 @!p2 $0x0  }
0x1d: {  	s5 =	simm.s32 @p1 $0x1;
	p0 =	seq.s32 s7, s2  }
0x1e: {  	s7 =	smul.u32 @!p0 $0xF7A, s2;
	p2 =	seq.s32 @!p0 s5, $0x0  }
0x1f: {  	s9 =	smul.u32 $0xF7A, s1;
	s8 =	simm.s32 @!p0 $0x1BF5;
	p2 =	por !p2, p0  }
0x20: {  	[sflag:s8] =	ssyncset.s32 @!p0 $0xFFFFF086;
	s6 =	sadd.s32 @!p0 s3, s7;
	s7 =	simm.s32 @!p0 $0x108  }
0x21: {  	s3 =	sadd.s32 s3, s9;
	s6 =	sadd.s32 @!p0 $0x88, s6;
	s7 =	simm.s32 @p2 $0x1082  }
0x22: {  	[simem:s7], [sflag:s8] =	dma.local @!p0 [hbm:s6], $0xF7A  }
0x23: {  	s9 =	sor.u32 $0xD0000000, s2;
	s6 =	simm.s32 $0x108;
	_ =	swait.ge @!p0 [sflag:s8], $0x0  }
0x24: {  	s3 =	sadd.s32 $0x88, s3;
	s6 =	simm.s32 @!p1 $0x1082;
	[sflag:s4] =	ssyncset.s32 $0xFFFFF086  }
0x25: {  	[simem:s6], [sflag:s4] =	dma.local [hbm:s3], $0xF7A  }
0x26: {  	[smem:$0x3F8E] =	sst s1;
	(tag) =	ssettag s2;
	_ =	strace s9  }
0x27: {  	s1 =	sld [smem:$0x3F9E]  }
0x28: {  	s2 =	sld [smem:$0x3F9F]  }
0x29: {  	s4 =	sld [smem:$0x3FA1]  }
0x2a: {  	p0 =	seq.s32 s5, $0x0;
	s5 =	sld [smem:$0x3FA2]  }
0x2b: {  	s6 =	sld [smem:$0x3FA3]  }
0x2c: {  	s7 =	sld [smem:$0x3FA4]  }
0x2d: {  	s3 =	simm.s32 $0x108;
	s8 =	sld [smem:$0x3FA5]  }
0x2e: {  	s3 =	simm.s32 @!p0 $0x1082;
	s9 =	sld [smem:$0x3FA6]  }
0x2f: {  	lr =	sadd.s32 s0, s3;
	s0 =	sld [smem:$0x3F9D]  }
0x30: {  	s3 =	sld [smem:$0x3FA0]  }
0x31: {  	[smem:$0x3FA9] =	sst s10  }
0x32: {  	s10 =	sld [smem:$0x3FA7];
	_ =	sdelay $0x3  }
0x33: {  	p0 =	seq.s32 s10, $0x1;
	s10 =	sld [smem:$0x3FA9];
	_ =	sdelay $0x3  }
0x34: {  	[smem:$0x3FA9] =	sst s10  }
0x35: {  	s10 =	sld [smem:$0x3FA8];
	_ =	sdelay $0x3  }
0x36: {  	p1 =	seq.s32 s10, $0x1;
	s10 =	sld [smem:$0x3FA9];
	_ =	sdelay $0x3  }
0x37: {  	[smem:$0x3FA9] =	sst s10  }
0x38: {  	s10 =	sld [smem:$0x3FAA]  }
0x39: {  	_ = 	snop;
	(pc) =	sbr.ind lr, $3  }
0x3a: {  	_ = 	snop  }
0x3b: {  	_ = 	snop  }
0x3c: {  	p2 =	seq.s32 s10, $0x1;
	s10 =	sld [smem:$0x3FA9]  }
0x3d: {  	_ =	shalt  }
0x3e: {  	_ =	shalt  }
0x3f: {  	_ =	shalt  }
0x40: {  	_ =	shalt  }
0x41: {  	_ =	shalt  }
0x42: {  	_ =	shalt  }
0x43: {  	_ =	shalt  }
0x44: {  	_ =	shalt  }
0x45: {  	_ =	shalt  }
0x46: {  	_ =	shalt  }
0x47: {  	_ =	shalt  }
0x48: {  	_ =	shalt  }
0x49: {  	_ =	shalt  }
0x4a: {  	_ =	shalt  }
0x4b: {  	_ =	shalt  }
0x4c: {  	_ =	shalt  }
0x4d: {  	_ =	shalt  }
0x4e: {  	_ =	shalt  }
0x4f: {  	_ =	shalt  }
0x50: {  	_ =	shalt  }
0x51: {  	_ =	shalt  }
0x52: {  	_ =	shalt  }
0x53: {  	_ =	shalt  }
0x54: {  	_ =	shalt  }
0x55: {  	_ =	shalt  }
0x56: {  	_ =	shalt  }
0x57: {  	_ =	shalt  }
0x58: {  	_ =	shalt  }
0x59: {  	_ =	shalt  }
0x5a: {  	_ =	shalt  }
0x5b: {  	_ =	shalt  }
0x5c: {  	_ =	shalt  }
0x5d: {  	_ =	shalt  }
0x5e: {  	_ =	shalt  }
0x5f: {  	_ =	shalt  }
0x60: {  	_ =	shalt  }
0x61: {  	_ =	shalt  }
0x62: {  	_ =	shalt  }
0x63: {  	_ =	shalt  }
0x64: {  	_ =	shalt  }
0x65: {  	_ =	shalt  }
0x66: {  	_ =	shalt  }
0x67: {  	_ =	shalt  }
0x68: {  	_ =	shalt  }
0x69: {  	_ =	shalt  }
0x6a: {  	_ =	shalt  }
0x6b: {  	_ =	shalt  }
0x6c: {  	_ =	shalt  }
0x6d: {  	_ =	shalt  }
0x6e: {  	_ =	shalt  }
0x6f: {  	_ =	shalt  }
0x70: {  	_ =	shalt  }
0x71: {  	_ =	shalt  }
0x72: {  	_ =	shalt  }
0x73: {  	_ =	shalt  }
0x74: {  	_ =	shalt  }
0x75: {  	_ =	shalt  }
0x76: {  	_ =	shalt  }
0x77: {  	_ =	shalt  }
0x78: {  	_ =	shalt  }
0x79: {  	_ =	shalt  }
0x7a: {  	_ =	shalt  }
0x7b: {  	_ =	shalt  }
0x7c: {  	_ =	shalt  }
0x7d: {  	_ =	shalt  }
0x7e: {  	_ =	shalt  }
0x7f: {  	_ =	shalt  }
0x80: {  	_ =	shalt  }
0x81: {  	_ =	shalt  }
0x82: {  	_ =	shalt  }
0x83: {  	_ =	shalt  }
0x84: {  	_ =	shalt  }
0x85: {  	_ =	shalt  }
0x86: {  	_ =	shalt  }
0x87: {  	_ =	shalt  }
.Lfunc_end0:
.L_simem_size_0:
called_computation.10_lowered:
.L_overlay_start_0:
0x88: {  	s0 =	sld [smem:$0x3FD9]  }
0x89: {  	s1 =	sld [smem:$0x3FFE];
	_ =	sdelay $0x3  }
0x8a: {  	s0 =	sadd.s32 s1, s0  }
0x8b: {  	[smem:$0x3FB5] =	sst s0  }
0x8c: {  	_ = 	snop  }
0x8d: {  	(tm) =	ssettm $0x1  }
0x8e: {  	s15 =	sld [smem:$0x3FFB];
	_ =	sdelay $0x3  }
0x8f: {  	_ =	strace s15  }
0x90: {  	s0 =	sld [smem:$0x3FFC];
	_ =	sdelay $0x3  }
0x91: {  	_ =	strace s0  }
0x92: {  	s0 =	sld [smem:$0x3FFD];
	_ =	sdelay $0x3  }
0x93: {  	_ =	strace s0  }
0x94: {  	_ =	strace $0x8FFFFFFF  }
0x95: {  	s16 =	sld [smem:$0x3FDB];
	_ =	sdelay $0x1  }
0x96: {  	s17 =	simm.s32 $_scs_section_size  }
0x97: {  	s2 =	simm.s32 $_size__tile_overlayer_lowered;
	s3 =	simm.s32 $_tile_overlayer_lowered  }
0x98: {  	s20 =	simm.s32 $0x1BFF;
	s19 =	sshll.u32 s3, $0x1;
	s0 =	sadd.s32 s17, s16  }
0x99: {  	s4 =	simm.s32 $0x0;
	s18 =	sshll.u32 s2, $0x1;
	s2 =	sadd.s32 s19, s0  }
0x9a: {  	[timem:s4], [sflag:s20] =	dma.local [hbm:s2], s18  }
0x9b: {  	_ =	swait.ge [sflag:s20], s18  }
0x9c: {  	s1 =	ssub.s32 $0x0, s18;
	[sflag:s20] =	ssyncset.done $0x0  }
0x9d: {  	[sflag:s20] =	ssyncadd.s32 s1;
	_ =	sdelay $0x1  }
0x9e: {  	s21 =	simm.s32 $0x1B8B  }
0x9f: {  	_ =	swait.ge [sflag:s21], $0x1  }
0xa0: {  	[sflag:s21] =	ssyncset.done $0x0  }
0xa1: {  	s23 =	simm.s32 $0x1B8E;
	s22 =	sld [smem:$0x3FFE];
	[sflag:s21] =	ssyncadd.s32 $0xFFFFFFFF  }
0xa2: {  	s24 =	simm.s32 $execute0_lowered;
	[smem:$0x3FD2] =	sst s23  }
0xa3: {  	s2 =	sshll.u32 s24, $0x1;
	_ =	strace $0x80000061;
	[dreg:$0x1] =	wrdreg $0xFFFFFFFF  }
0xa4: {  	s25 =	simm.s32 $_size_execute0_lowered;
	s0 =	sadd.s32 s0, s2;
	[dreg:$0x0] =	wrdreg $0x0  }
0xa5: {  	s2 =	sshll.u32 s25, $0x1;
	[dreg:$0x2] =	wrdreg s0  }
0xa6: {  	[dreg:$0x3] =	wrdreg s2  }
0xa7: {  	[dreg:$0x4] =	wrdreg $0xC0  }
0xa8: {  	_ =	task [dreg:s4], $0x5FFFF  }
0xa9: {  	[dreg:$0x1] =	wrdreg $0xFFFFFFFF  }
0xaa: {  	[dreg:$0x0] =	wrdreg $0x60  }
0xab: {  	[dreg:$0x2] =	wrdreg s22  }
0xac: {  	[dreg:$0x3] =	wrdreg $0xC  }
0xad: {  	_ =	task.clear_ibuf [dreg:s4], $0x4FFFF;
	_ =	strace $0x90000061  }
0xae: {  	s26 =	simm.s32 $0xC;
	_ =	strace $0x80000063  }
0xaf: {  	_ =	swait.ge [sflag:s26], $0x1  }
0xb0: {  	[sflag:s26] =	ssyncadd.s32 $0xFFFFFFFF  }
0xb1: {  	_ =	strace $0x90000063  }
0xb2: {  	_ =	sfence  }
0xb3: {  	s28 =	sld [smem:$0x0];
	_ =	sdelay $0x1  }
0xb4: {  	s29 =	srdreg.scid  }
0xb5: {  	s30 =	sshll.u32 s29, $0xD;
	s31 =	sshrl.u32 s29, $0x2  }
0xb6: {  	s1 =	sand.u32 $0x1, s29;
	s2 =	sand.u32 $0x4000, s30;
	s0 =	sadd.s32 s31, s28  }
0xb7: {  	s1 =	sor.u32 s2, s1;
	s0 =	sshll.u32 s0, $0x11  }
0xb8: {  	s0 =	sor.u32 s0, s1  }
0xb9: {  	s0 =	sadd.s32 $0x8F2B, s0  }
0xba: {  	[sflag:s0] =	ssyncadd.remote.s32 $0x1  }
0xbb: {  	_ =	sfence.sel $0xFFFF  }
0xbc: {  	[dreg:$0x0] =	wrdreg $0xFFFFFFFF;
	(pc) =	sbr.abs _section_cstart, $3  }
0xbd: {  	[dreg:$0x1] =	wrdreg $0xFFFFFFFF  }
0xbe: {  	_ =	task.clear_ibuf [dreg:s4], $0x2FFFF;
	_ =	strace $0x9FFFFFFF  }
0xbf: {  	(tm) =	ssettm $0x7FFFFFFF  }
tec
execute0_lowered:
.L_overlay_start_1:
0x0: {  	(tag) =	ssettag $0x1  }
0x1: {  	s0 =	stileid.u32  }
0x2: {  	s1 =	smin.u32 s0, $0x9  }
0x3: {  	s1 =	sadd.s32 s0, s1  }
0x4: {  	s2 =	simm.s32 $0x310;
	p0 =	slt.u32 s0, $0x9;
	s1 =	smul.u32 $0x188, s1  }
0x5: {  	s2 =	simm.s32 @!p0 $0x188  }
0x6: {  	s2 =	sadd.s32 s2, s1  }
0x7: {  	s3 =	smin.u32 s2, $0x2648  }
0x8: {  	s7 =	ssub.s32 s3, s1  }
0x9: {  	p0 =	sgt.s32 s7, $0x0  }
0xa: {  	s7 =	simm.s32 @!p0 $0x0  }
0xb: {  	s31 =	sand.u32 $0xFFF8, s7  }
0xc: {  	s2 =	sshrl.u32 s31, $0x3  }
0xd: {  	s4 =	smul.u32 $0xA73, s2  }
0xe: {  	s9 =	rddreg [dreg:$0x0];
	s6 =	simm.s32 $0x1;
	s11 =	simm.s32 $0x3  }
0xf: {  	s13 =	simm.s32 $0x0;
	s12 =	simm.s32 $0x0;
	s8 =	sshrl.u32 s4, $0x11  }
0x10: {  	s2 =	rddreg [dreg:$0x1];
	_ =	strace $0x80000062;
	s10 =	smul.u32 $0x188, s8  }
.Ltmp0:
0x11: {  	s5 =	sadd.s32 $0x10A800, s9;
	[sflag:s6] =	ssyncpa.u1 $0x0;
	(pc) =	sbr.rel .LBB2_1-.Ltmp0, $4  }
0x12: {  	s4 =	sadd.s32 $0x200, s9;
	p0 =	sne.s32 s7, s10;
	s10 =	simm.s32 $0x1  }
0x13: {  	s9 =	sadd.s32 $0x17F800, s9;
	s7 =	simm.s32 $0x2;
	s10 =	simm.s32 @!p0 $0x0  }
0x14: {  	[sflag:s7] =	ssyncpa.u1 $0x0;
	p0 =	por $0x0, $0x0;
	s8 =	sadd.s32 s8, s10  }
0x15: {  	vm0 =	vmmov $0xff;
	vm1 =	vcmask $0x3F20;
	[sflag:s11] =	ssyncpa.u1 $0x0;
	s11 =	smov.u32 s1;
	s10 =	sadd.s32 $0x1, s8  }
.LBB2_6:
0x16: {  	[hbm:s17] =	stream.linear.scatter [tilespmem:s14], [sflag:$0x3], $0x400, $0x38;
	[tilespmem:$0x18B10] =	vst v63  }
.LBB2_7:
0x17: {  	s13 =	sadd.s32 $0x188, s11  }
0x18: {  	s15 =	smov.u32 s1;
	p2 =	slt.s32 s13, s3  }
0x19: {  	s15 =	smov.u32 @p2 s13;
	p2 =	sne.s32 s12, s10  }
.Ltmp1:
0x1a: {  	p1 =	slt.u32 s12, $0x2;
	(pc) =	sbr.rel @!p2 .LBB2_8-.Ltmp1, $4  }
0x1b: {  	s14 =	simm.s32 @!p1 $0x3  }
0x1c: {  	s16 =	sadd.s32 $0x1, s12;
	_ =	swait.ge @!p1 [sflag:s14], $0xC400  }
0x1d: {  	p0 =	por !p0, !p0;
	s13 =	smov.u32 s11;
	[sflag:s14] =	ssyncset.done @!p1 $0x0  }
0x1e: {  	s12 =	smov.u32 s16;
	s11 =	smov.u32 s15;
	[sflag:s14] =	ssyncadd.s32 @!p1 $0xFFFF3C00  }
.LBB2_1:
0x1f: {  	p1 =	sge.u32 s12, s8  }
0x20: {  	s14 =	sxor.u32 @!p1 $0xFFFFFFFF, s12  }
0x21: {  	s14 =	sand.u32 @!p1 $0x1, s14  }
0x22: {  	s14 =	smul.u32 @!p1 $0x620, s14  }
0x23: {  	s31 =	sadd.s32 $0xFFFFFFFF, s12;
	s15 =	sshrl.u32 @!p1 s11, $0x3  }
0x24: {  	s16 =	sand.u32 @!p1 $0x7, s11;
	s15 =	sadd.s32 @!p1 s5, s15;
	s14 =	sshrl.u32 @!p1 s14, $0x2  }
0x25: {  	[tilespmem:s14], [sflag:$0x2] =	stream.linear.gather @!p1 [hbm4b:s15+s16], $0x188, $0x38;
	[tilespmem:$0x18B10] =	vst v63  }
0x26: {  	p1 =	sge.u32 s31, s8  }
.Ltmp2:
0x27: {  	_ = 	snop;
	(pc) =	sbr.rel @p1 .LBB2_7-.Ltmp2, $1  }
0x28: {  	_ =	sdelay $0x3  }
0x29: {  	s14 =	simm.s32 $0x1  }
0x2a: {  	s14 =	simm.s32 @!p0 $0x0  }
0x2b: {  	s15 =	smul.u32 $0x620, s14  }
0x2c: {  	_ =	swait.ge [sflag:s7], $0x188  }
0x2d: {  	[sflag:s7] =	ssyncset.done $0x0;
	s17 =	sshrl.u32 s15, $0x2  }
0x2e: {  	[sflag:s7] =	ssyncadd.s32 $0xFFFFFE78;
	s15 =	sadd.s32 $0x0, s17  }
0x2f: {  	v0 =	vld.msk [tilespmem:s15+$0x0 ss:$0x1], $0xffff;
	_ =	sdelay $0x4  }
0x30: {  	v1 =	vshrl.u32 v0, $0x1  }
0x31: {  	vm2 =	veq.s32 v0, $0x80000000;
	v0 =	vshll.u32 v0, $0xF;
	v1 =	vand.u32 $0x7F80, v1  }
0x32: {  	v0 =	vand.u32 $0x7F8000, v0;
	v1 =	vsel vm2, $0xFFFFFF80, v1  }
0x33: {  	v0 =	vsel vm2, $0xFFFF8000, v0;
	v2 =	vand.u32 $0xFFFFFC00, v1  }
0x34: {  	v1 =	vand.u32 $0x380, v1;
	v0 =	vadd.s32 v0, v2  }
0x35: {  	v0 =	vor.u32 v1, v0  }
0x36: {  	v0 =	vshrl.u32 v0, $0x3  }
0x37: {  	s14 =	smul.u32 $0x31000, s14  }
0x38: {  	s31 =	sand.u32 $0x1, s12  }
0x39: {  	s16 =	smul.u32 $0x620, s31;
	s14 =	sshrl.u32 s14, $0x2  }
0x3a: {  	s19 =	smul.u32 $0x31000, s31;
	s14 =	sor.u32 $0x310, s14  }
0x3b: {  	[tilespmem:s14], [sflag:$0x1] =	stream.indirect_vreg.gather [hbm:s4], $0x80, v0, vm0, $0x38;
	[tilespmem:$0x18B10] =	vst v63  }
0x3c: {  	s18 =	sshrl.u32 s16, $0x2;
	s20 =	sadd.s32 $0x10, s17;
	s15 =	sadd.s32 $0x400, s14  }
0x3d: {  	[tilespmem:s15], [sflag:$0x1] =	stream.indirect_vreg.gather [hbm:s4], $0x80, v0, vm1, $0x38;
	[tilespmem:$0x18B10] =	vst v63  }
0x3e: {  	s16 =	sshrl.u32 s19, $0x2;
	s19 =	smov.u32 s14;
	v0 =	vld.msk [tilespmem:s20+$0x0 ss:$0x1], $0xffff;
	s20 =	simm.s32 $0x80  }
.LBB2_3:
0x3f: {  	p1 =	sne.s32 s20, $0x5C0;
	_ =	sdelay $0x4  }
0x40: {  	v1 =	vshrl.u32 v0, $0x1  }
0x41: {  	vm2 =	veq.s32 v0, $0x80000000;
	v0 =	vshll.u32 v0, $0xF;
	v1 =	vand.u32 $0x7F80, v1  }
0x42: {  	v0 =	vand.u32 $0x7F8000, v0;
	v1 =	vsel vm2, $0xFFFFFF80, v1  }
0x43: {  	v0 =	vsel vm2, $0xFFFF8000, v0;
	v2 =	vand.u32 $0xFFFFFC00, v1  }
0x44: {  	v1 =	vand.u32 $0x380, v1;
	v0 =	vadd.s32 v0, v2  }
0x45: {  	v0 =	vor.u32 v1, v0  }
0x46: {  	v0 =	vshrl.u32 v0, $0x3;
	_ =	sdelay $0x3  }
.Ltmp3:
0x47: {  	s21 =	sshra.s32 s20, $0x2;
	s19 =	sadd.s32 $0x800, s19;
	(pc) =	sbr.rel @p1 .LBB2_3-.Ltmp3, $4  }
0x48: {  	[tilespmem:s19], [sflag:$0x1] =	stream.indirect_vreg.gather [hbm:s4], $0x80, v0, vm0, $0x38;
	[tilespmem:$0x18B10] =	vst v63  }
0x49: {  	s21 =	sadd.s32 s21, s17;
	s22 =	sadd.s32 $0x400, s19  }
0x4a: {  	[tilespmem:s22], [sflag:$0x1] =	stream.indirect_vreg.gather [hbm:s4], $0x80, v0, vm1, $0x38;
	[tilespmem:$0x18B10] =	vst v63  }
0x4b: {  	s20 =	sadd.s32 $0x40, s20;
	v0 =	vld.msk [tilespmem:s21+$0x0 ss:$0x1], $0xffff  }
0x4c: {  	_ =	sdelay $0x3  }
0x4d: {  	v1 =	vshrl.u32 v0, $0x1  }
0x4e: {  	vm2 =	veq.s32 v0, $0x80000000;
	v61 =	vshll.u32 v0, $0xF;
	v1 =	vand.u32 $0x7F80, v1  }
0x4f: {  	v0 =	vand.u32 $0x7F8000, v61;
	v1 =	vsel vm2, $0xFFFFFF80, v1  }
0x50: {  	v0 =	vsel vm2, $0xFFFF8000, v0;
	v2 =	vand.u32 $0xFFFFFC00, v1  }
0x51: {  	v1 =	vand.u32 $0x380, v1;
	v0 =	vadd.s32 v0, v2  }
0x52: {  	v0 =	vor.u32 v1, v0  }
0x53: {  	v0 =	vshrl.u32 v0, $0x3;
	_ =	sdelay $0x3  }
0x54: {  	s17 =	sadd.s32 $0x800, s19  }
0x55: {  	[tilespmem:s17], [sflag:$0x1] =	stream.indirect_vreg.gather [hbm:s4], $0x80, v0, vm0, $0x38;
	[tilespmem:$0x18B10] =	vst v63  }
0x56: {  	s17 =	sadd.s32 $0x400, s17  }
0x57: {  	[tilespmem:s17], [sflag:$0x1] =	stream.indirect_vreg.gather [hbm:s4], $0x80, v0, vm1, $0x38;
	[tilespmem:$0x18B10] =	vst v63  }
0x58: {  	v0 =	vld.msk [tilespmem:s18+$0x180 ss:$0x1], $0xff;
	_ =	sdelay $0x4  }
0x59: {  	v62 =	vshrl.u32 v0, $0x1  }
0x5a: {  	vm2 =	veq.s32 v0, $0x80000000;
	v0 =	vshll.u32 v0, $0xF;
	v1 =	vand.u32 $0x7F80, v62  }
0x5b: {  	v0 =	vand.u32 $0x7F8000, v0;
	v1 =	vsel vm2, $0xFFFFFF80, v1  }
0x5c: {  	v0 =	vsel vm2, $0xFFFF8000, v0;
	v63 =	vand.u32 $0xFFFFFC00, v1  }
0x5d: {  	v1 =	vand.u32 $0x380, v1;
	v0 =	vadd.s32 v0, v63  }
0x5e: {  	v0 =	vor.u32 v1, v0  }
0x5f: {  	v0 =	vshrl.u32 v0, $0x3;
	_ =	sdelay $0x3  }
0x60: {  	s16 =	sadd.s32 $0xC310, s16  }
0x61: {  	[tilespmem:s16], [sflag:$0x1] =	stream.indirect_vreg.gather [hbm:s4], $0x80, v0, vm0, $0x38;
	[tilespmem:$0x18B10] =	vst v63  }
0x62: {  	s13 =	sshll.u32 s13, $0x4;
	_ =	swait.ge [sflag:s6], $0xC400  }
0x63: {  	s13 =	sadd.s32 s13, s9;
	[sflag:s6] =	ssyncset.done $0x0  }
0x64: {  	s17 =	sadd.s32 $0x0, s13;
	s16 =	simm.s32 $0x80;
	[sflag:s6] =	ssyncadd.s32 $0xFFFF3C00  }
.LBB2_5:
0x65: {  	[hbm:s17] =	stream.linear.scatter [tilespmem:s14], [sflag:$0x3], $0x400, $0x38;
	[tilespmem:$0x18B10] =	vst v63  }
0x66: {  	s17 =	smov.u32 s16;
	s14 =	smov.u32 s15;
	p1 =	sne.s32 s16, $0x1800  }
.Ltmp4:
0x67: {  	s16 =	sadd.s32 $0x80, s16;
	(pc) =	sbr.rel @p1 .LBB2_5-.Ltmp4, $2  }
0x68: {  	_ =	sdelay $0x2  }
0x69: {  	s15 =	sadd.s32 $0x400, s15;
	s17 =	sadd.s32 s17, s13  }
.Ltmp5:
0x6a: {  	_ = 	snop;
	(pc) =	sbr.rel .LBB2_6-.Ltmp5, $1  }
0x6b: {  	_ =	sdelay $0x3  }
.LBB2_8:
0x6c: {  	_ =	sfence.sel $0x180000  }
0x6d: {  	s1 =	simm.s32 $0x2;
	[bflag:$0x0] =	sbarrier.arrive $0xFFFF  }
0x6e: {  	s30 =	simm.s32 $0x3;
	[sflag:s1] =	ssyncpa.u1 $0x1  }
0x6f: {  	s31 =	simm.s32 $0x1;
	[sflag:s30] =	ssyncpa.u1 $0x1  }
0x70: {  	[sflag:s31] =	ssyncpa.u1 $0x1  }
0x71: {  	p0 =	sne.s32 s0, $0x0;
	_ =	strace $0x90000062  }
0x72: {  	s0 =	sadd.s32 @!p0 $0x100000, s2;
	[bflag:$0x2] =	sbarrier.arrive $0xFFFF  }
0x73: {  	[sflag:s0] =	ssyncadd.tile.s32 @!p0 $0x1;
	_ =	shalt  }
.Lfunc_end2:
_tile_overlayer_lowered:
.L_overlay_start_2:
0x74: {  	(tag) =	ssettag $0x2  }
0x75: {  	s0 =	rddreg [dreg:$0x0];
	s2 =	stileid.u32  }
0x76: {  	s1 =	rddreg [dreg:$0x1];
	p0 =	sne.s32 s2, $0x0  }
0x77: {  	s3 =	rddreg [dreg:$0x2];
	[bflag:$0x3] =	sbarrier.arrive $0xFFFF;
	s2 =	simm.s32 @!p0 $0x1C01  }
0x78: {  	[timem:s3], [sflag:s2] =	dma.local @!p0 [hbm:s0], s1  }
0x79: {  	s0 =	simm.s32 @!p0 $0x1  }
0x7a: {  	_ =	swait.ge @!p0 [sflag:s0], s1  }
0x7b: {  	s1 =	ssub.s32 @!p0 $0x0, s1;
	[sflag:s0] =	ssyncset.done @!p0 $0x0  }
0x7c: {  	[sflag:s0] =	ssyncadd.s32 @!p0 s1  }
0x7d: {  	[bflag:$0x3] =	sbarrier.arrive $0xFFFF  }
0x7e: {  	_ =	shalt  }

// kernel: gather_offload_async_start.9
scs
__scs_entry_jumppad:
0x0: {  	(pc) =	sbr.rel $0x88, $3  }
0x1: {  	(tag) =	ssettag $0x0;
	lr =	simm.s32 $0x1  }
0x2: {  	[smem:$0x3F8E] =	sst lr;
	_ =	strace $0xD0000000  }
0x3: {  	_ = 	snop  }
0x4: {  	_ = 	snop  }
0x5: {  	_ = 	snop  }
0x6: {  	_ = 	snop  }
0x7: {  	_ = 	snop  }
__scs_overlays_trampoline_lowered:
0x8: {  	[smem:$0x3F9D] =	sst s0  }
0x9: {  	[smem:$0x3F9E] =	sst s1  }
0xa: {  	[smem:$0x3F9F] =	sst s2  }
0xb: {  	[smem:$0x3FA0] =	sst s3  }
0xc: {  	[smem:$0x3FA1] =	sst s4  }
0xd: {  	[smem:$0x3FA2] =	sst s5  }
0xe: {  	[smem:$0x3FA3] =	sst s6  }
0xf: {  	[smem:$0x3FA4] =	sst s7  }
0x10: {  	[smem:$0x3FA5] =	sst s8  }
0x11: {  	[smem:$0x3FA6] =	sst s9;
	s0 =	simm.s32 @!p0 $0x0  }
0x12: {  	s1 =	sld [smem:$0x3F8C];
	s0 =	simm.s32 @p0 $0x1  }
0x13: {  	[smem:$0x3FA7] =	sst s0;
	s0 =	simm.s32 @!p1 $0x0  }
0x14: {  	s2 =	sld [smem:$0x3F8B];
	s0 =	simm.s32 @p1 $0x1  }
0x15: {  	[smem:$0x3FA8] =	sst s0;
	s0 =	simm.s32 @!p2 $0x0  }
0x16: {  	s3 =	sld [smem:$0x3FDB];
	s0 =	simm.s32 @p2 $0x1  }
0x17: {  	s4 =	simm.s32 $0x1BF5;
	[smem:$0x3FAA] =	sst s0  }
0x18: {  	s0 =	sld [smem:$0x3F8D];
	_ =	swait.ge [sflag:s4], $0x0  }
0x19: {  	s7 =	sld [smem:$0x3F8E]  }
0x1a: {  	s8 =	sadd.s32 $0xFFFFE003, lr  }
0x1b: {  	s9 =	sadd.s32 $0xFFFFFEF7, lr;
	s5 =	simm.s32 $0xFFFFFFFF;
	p2 =	slt.u32 s8, $0xFFFFF086  }
0x1c: {  	p1 =	slt.u32 s9, $0xF7A;
	s5 =	simm.s32 @!p2 $0x0  }
0x1d: {  	s5 =	simm.s32 @p1 $0x1;
	p0 =	seq.s32 s7, s2  }
0x1e: {  	s7 =	smul.u32 @!p0 $0xF7A, s2;
	p2 =	seq.s32 @!p0 s5, $0x0  }
0x1f: {  	s9 =	smul.u32 $0xF7A, s1;
	s8 =	simm.s32 @!p0 $0x1BF5;
	p2 =	por !p2, p0  }
0x20: {  	[sflag:s8] =	ssyncset.s32 @!p0 $0xFFFFF086;
	s6 =	sadd.s32 @!p0 s3, s7;
	s7 =	simm.s32 @!p0 $0x108  }
0x21: {  	s3 =	sadd.s32 s3, s9;
	s6 =	sadd.s32 @!p0 $0x88, s6;
	s7 =	simm.s32 @p2 $0x1082  }
0x22: {  	[simem:s7], [sflag:s8] =	dma.local @!p0 [hbm:s6], $0xF7A  }
0x23: {  	s9 =	sor.u32 $0xD0000000, s2;
	s6 =	simm.s32 $0x108;
	_ =	swait.ge @!p0 [sflag:s8], $0x0  }
0x24: {  	s3 =	sadd.s32 $0x88, s3;
	s6 =	simm.s32 @!p1 $0x1082;
	[sflag:s4] =	ssyncset.s32 $0xFFFFF086  }
0x25: {  	[simem:s6], [sflag:s4] =	dma.local [hbm:s3], $0xF7A  }
0x26: {  	[smem:$0x3F8E] =	sst s1;
	(tag) =	ssettag s2;
	_ =	strace s9  }
0x27: {  	s1 =	sld [smem:$0x3F9E]  }
0x28: {  	s2 =	sld [smem:$0x3F9F]  }
0x29: {  	s4 =	sld [smem:$0x3FA1]  }
0x2a: {  	p0 =	seq.s32 s5, $0x0;
	s5 =	sld [smem:$0x3FA2]  }
0x2b: {  	s6 =	sld [smem:$0x3FA3]  }
0x2c: {  	s7 =	sld [smem:$0x3FA4]  }
0x2d: {  	s3 =	simm.s32 $0x108;
	s8 =	sld [smem:$0x3FA5]  }
0x2e: {  	s3 =	simm.s32 @!p0 $0x1082;
	s9 =	sld [smem:$0x3FA6]  }
0x2f: {  	lr =	sadd.s32 s0, s3;
	s0 =	sld [smem:$0x3F9D]  }
0x30: {  	s3 =	sld [smem:$0x3FA0]  }
0x31: {  	[smem:$0x3FA9] =	sst s10  }
0x32: {  	s10 =	sld [smem:$0x3FA7];
	_ =	sdelay $0x3  }
0x33: {  	p0 =	seq.s32 s10, $0x1;
	s10 =	sld [smem:$0x3FA9];
	_ =	sdelay $0x3  }
0x34: {  	[smem:$0x3FA9] =	sst s10  }
0x35: {  	s10 =	sld [smem:$0x3FA8];
	_ =	sdelay $0x3  }
0x36: {  	p1 =	seq.s32 s10, $0x1;
	s10 =	sld [smem:$0x3FA9];
	_ =	sdelay $0x3  }
0x37: {  	[smem:$0x3FA9] =	sst s10  }
0x38: {  	s10 =	sld [smem:$0x3FAA]  }
0x39: {  	_ = 	snop;
	(pc) =	sbr.ind lr, $3  }
0x3a: {  	_ = 	snop  }
0x3b: {  	_ = 	snop  }
0x3c: {  	p2 =	seq.s32 s10, $0x1;
	s10 =	sld [smem:$0x3FA9]  }
0x3d: {  	_ =	shalt  }
0x3e: {  	_ =	shalt  }
0x3f: {  	_ =	shalt  }
0x40: {  	_ =	shalt  }
0x41: {  	_ =	shalt  }
0x42: {  	_ =	shalt  }
0x43: {  	_ =	shalt  }
0x44: {  	_ =	shalt  }
0x45: {  	_ =	shalt  }
0x46: {  	_ =	shalt  }
0x47: {  	_ =	shalt  }
0x48: {  	_ =	shalt  }
0x49: {  	_ =	shalt  }
0x4a: {  	_ =	shalt  }
0x4b: {  	_ =	shalt  }
0x4c: {  	_ =	shalt  }
0x4d: {  	_ =	shalt  }
0x4e: {  	_ =	shalt  }
0x4f: {  	_ =	shalt  }
0x50: {  	_ =	shalt  }
0x51: {  	_ =	shalt  }
0x52: {  	_ =	shalt  }
0x53: {  	_ =	shalt  }
0x54: {  	_ =	shalt  }
0x55: {  	_ =	shalt  }
0x56: {  	_ =	shalt  }
0x57: {  	_ =	shalt  }
0x58: {  	_ =	shalt  }
0x59: {  	_ =	shalt  }
0x5a: {  	_ =	shalt  }
0x5b: {  	_ =	shalt  }
0x5c: {  	_ =	shalt  }
0x5d: {  	_ =	shalt  }
0x5e: {  	_ =	shalt  }
0x5f: {  	_ =	shalt  }
0x60: {  	_ =	shalt  }
0x61: {  	_ =	shalt  }
0x62: {  	_ =	shalt  }
0x63: {  	_ =	shalt  }
0x64: {  	_ =	shalt  }
0x65: {  	_ =	shalt  }
0x66: {  	_ =	shalt  }
0x67: {  	_ =	shalt  }
0x68: {  	_ =	shalt  }
0x69: {  	_ =	shalt  }
0x6a: {  	_ =	shalt  }
0x6b: {  	_ =	shalt  }
0x6c: {  	_ =	shalt  }
0x6d: {  	_ =	shalt  }
0x6e: {  	_ =	shalt  }
0x6f: {  	_ =	shalt  }
0x70: {  	_ =	shalt  }
0x71: {  	_ =	shalt  }
0x72: {  	_ =	shalt  }
0x73: {  	_ =	shalt  }
0x74: {  	_ =	shalt  }
0x75: {  	_ =	shalt  }
0x76: {  	_ =	shalt  }
0x77: {  	_ =	shalt  }
0x78: {  	_ =	shalt  }
0x79: {  	_ =	shalt  }
0x7a: {  	_ =	shalt  }
0x7b: {  	_ =	shalt  }
0x7c: {  	_ =	shalt  }
0x7d: {  	_ =	shalt  }
0x7e: {  	_ =	shalt  }
0x7f: {  	_ =	shalt  }
0x80: {  	_ =	shalt  }
0x81: {  	_ =	shalt  }
0x82: {  	_ =	shalt  }
0x83: {  	_ =	shalt  }
0x84: {  	_ =	shalt  }
0x85: {  	_ =	shalt  }
0x86: {  	_ =	shalt  }
0x87: {  	_ =	shalt  }
.Lfunc_end0:
.L_simem_size_0:
called_computation.11_lowered:
.L_overlay_start_0:
0x88: {  	s0 =	sld [smem:$0x3FD9]  }
0x89: {  	s1 =	sld [smem:$0x3FFE];
	_ =	sdelay $0x3  }
0x8a: {  	s0 =	sadd.s32 s1, s0  }
0x8b: {  	[smem:$0x3FB5] =	sst s0  }
0x8c: {  	_ = 	snop  }
0x8d: {  	(tm) =	ssettm $0x1  }
0x8e: {  	s15 =	sld [smem:$0x3FFB];
	_ =	sdelay $0x3  }
0x8f: {  	_ =	strace s15  }
0x90: {  	s0 =	sld [smem:$0x3FFC];
	_ =	sdelay $0x3  }
0x91: {  	_ =	strace s0  }
0x92: {  	s0 =	sld [smem:$0x3FFD];
	_ =	sdelay $0x3  }
0x93: {  	_ =	strace s0  }
0x94: {  	_ =	strace $0x8FFFFFFF  }
0x95: {  	s16 =	sld [smem:$0x3FDB];
	_ =	sdelay $0x1  }
0x96: {  	s17 =	simm.s32 $_scs_section_size  }
0x97: {  	s2 =	simm.s32 $_size__tile_overlayer_lowered;
	s3 =	simm.s32 $_tile_overlayer_lowered  }
0x98: {  	s20 =	simm.s32 $0x1BFF;
	s19 =	sshll.u32 s3, $0x1;
	s0 =	sadd.s32 s17, s16  }
0x99: {  	s4 =	simm.s32 $0x0;
	s18 =	sshll.u32 s2, $0x1;
	s2 =	sadd.s32 s19, s0  }
0x9a: {  	[timem:s4], [sflag:s20] =	dma.local [hbm:s2], s18  }
0x9b: {  	_ =	swait.ge [sflag:s20], s18  }
0x9c: {  	s1 =	ssub.s32 $0x0, s18;
	[sflag:s20] =	ssyncset.done $0x0  }
0x9d: {  	[sflag:s20] =	ssyncadd.s32 s1;
	_ =	sdelay $0x1  }
0x9e: {  	s21 =	simm.s32 $0x1B8B  }
0x9f: {  	_ =	swait.ge [sflag:s21], $0x1  }
0xa0: {  	[sflag:s21] =	ssyncset.done $0x0  }
0xa1: {  	s23 =	simm.s32 $0x1B8E;
	s22 =	sld [smem:$0x3FFE];
	[sflag:s21] =	ssyncadd.s32 $0xFFFFFFFF  }
0xa2: {  	s24 =	simm.s32 $execute0_lowered;
	[smem:$0x3FD2] =	sst s23  }
0xa3: {  	s2 =	sshll.u32 s24, $0x1;
	_ =	strace $0x8000005E;
	[dreg:$0x1] =	wrdreg $0xFFFFFFFF  }
0xa4: {  	s25 =	simm.s32 $_size_execute0_lowered;
	s0 =	sadd.s32 s0, s2;
	[dreg:$0x0] =	wrdreg $0x0  }
0xa5: {  	s2 =	sshll.u32 s25, $0x1;
	[dreg:$0x2] =	wrdreg s0  }
0xa6: {  	[dreg:$0x3] =	wrdreg s2  }
0xa7: {  	[dreg:$0x4] =	wrdreg $0xC0  }
0xa8: {  	_ =	task [dreg:s4], $0x5FFFF  }
0xa9: {  	[dreg:$0x1] =	wrdreg $0xFFFFFFFF  }
0xaa: {  	[dreg:$0x0] =	wrdreg $0x60  }
0xab: {  	[dreg:$0x2] =	wrdreg s22  }
0xac: {  	[dreg:$0x3] =	wrdreg $0xD  }
0xad: {  	_ =	task.clear_ibuf [dreg:s4], $0x4FFFF;
	_ =	strace $0x9000005E  }
0xae: {  	s26 =	simm.s32 $0xD;
	_ =	strace $0x80000060  }
0xaf: {  	_ =	swait.ge [sflag:s26], $0x1  }
0xb0: {  	[sflag:s26] =	ssyncadd.s32 $0xFFFFFFFF  }
0xb1: {  	_ =	strace $0x90000060  }
0xb2: {  	_ =	sfence  }
0xb3: {  	s28 =	sld [smem:$0x0];
	_ =	sdelay $0x1  }
0xb4: {  	s29 =	srdreg.scid  }
0xb5: {  	s30 =	sshll.u32 s29, $0xD;
	s31 =	sshrl.u32 s29, $0x2  }
0xb6: {  	s1 =	sand.u32 $0x1, s29;
	s2 =	sand.u32 $0x4000, s30;
	s0 =	sadd.s32 s31, s28  }
0xb7: {  	s1 =	sor.u32 s2, s1;
	s0 =	sshll.u32 s0, $0x11  }
0xb8: {  	s0 =	sor.u32 s0, s1  }
0xb9: {  	s0 =	sadd.s32 $0x8F2B, s0  }
0xba: {  	[sflag:s0] =	ssyncadd.remote.s32 $0x1  }
0xbb: {  	_ =	sfence.sel $0xFFFF  }
0xbc: {  	[dreg:$0x0] =	wrdreg $0xFFFFFFFF;
	(pc) =	sbr.abs _section_cstart, $3  }
0xbd: {  	[dreg:$0x1] =	wrdreg $0xFFFFFFFF  }
0xbe: {  	_ =	task.clear_ibuf [dreg:s4], $0x2FFFF;
	_ =	strace $0x9FFFFFFF  }
0xbf: {  	(tm) =	ssettm $0x7FFFFFFF  }
tec
execute0_lowered:
.L_overlay_start_1:
0x0: {  	(tag) =	ssettag $0x1  }
0x1: {  	s0 =	stileid.u32  }
0x2: {  	s1 =	smin.u32 s0, $0x9  }
0x3: {  	s1 =	sadd.s32 s0, s1  }
0x4: {  	s2 =	simm.s32 $0x310;
	p0 =	slt.u32 s0, $0x9;
	s1 =	smul.u32 $0x188, s1  }
0x5: {  	s2 =	simm.s32 @!p0 $0x188  }
0x6: {  	s2 =	sadd.s32 s2, s1  }
0x7: {  	s3 =	smin.u32 s2, $0x2648  }
0x8: {  	s7 =	ssub.s32 s3, s1  }
0x9: {  	p0 =	sgt.s32 s7, $0x0  }
0xa: {  	s7 =	simm.s32 @!p0 $0x0  }
0xb: {  	s31 =	sand.u32 $0xFFF8, s7  }
0xc: {  	s2 =	sshrl.u32 s31, $0x3  }
0xd: {  	s4 =	smul.u32 $0xA73, s2  }
0xe: {  	s9 =	rddreg [dreg:$0x0];
	s6 =	simm.s32 $0x1;
	s11 =	simm.s32 $0x3  }
0xf: {  	s13 =	simm.s32 $0x0;
	s12 =	simm.s32 $0x0;
	s8 =	sshrl.u32 s4, $0x11  }
0x10: {  	s2 =	rddreg [dreg:$0x1];
	_ =	strace $0x8000005F;
	s10 =	smul.u32 $0x188, s8  }
.Ltmp0:
0x11: {  	s5 =	sadd.s32 $0x10A200, s9;
	[sflag:s6] =	ssyncpa.u1 $0x0;
	(pc) =	sbr.rel .LBB2_1-.Ltmp0, $4  }
0x12: {  	s4 =	sadd.s32 $0x200, s9;
	p0 =	sne.s32 s7, s10;
	s10 =	simm.s32 $0x1  }
0x13: {  	s9 =	sadd.s32 $0x159200, s9;
	s7 =	simm.s32 $0x2;
	s10 =	simm.s32 @!p0 $0x0  }
0x14: {  	[sflag:s7] =	ssyncpa.u1 $0x0;
	p0 =	por $0x0, $0x0;
	s8 =	sadd.s32 s8, s10  }
0x15: {  	vm0 =	vmmov $0xff;
	vm1 =	vcmask $0x3F20;
	[sflag:s11] =	ssyncpa.u1 $0x0;
	s11 =	smov.u32 s1;
	s10 =	sadd.s32 $0x1, s8  }
.LBB2_6:
0x16: {  	[hbm:s17] =	stream.linear.scatter [tilespmem:s14], [sflag:$0x3], $0x400, $0x38;
	[tilespmem:$0x18B10] =	vst v63  }
.LBB2_7:
0x17: {  	s13 =	sadd.s32 $0x188, s11  }
0x18: {  	s15 =	smov.u32 s1;
	p2 =	slt.s32 s13, s3  }
0x19: {  	s15 =	smov.u32 @p2 s13;
	p2 =	sne.s32 s12, s10  }
.Ltmp1:
0x1a: {  	p1 =	slt.u32 s12, $0x2;
	(pc) =	sbr.rel @!p2 .LBB2_8-.Ltmp1, $4  }
0x1b: {  	s14 =	simm.s32 @!p1 $0x3  }
0x1c: {  	s16 =	sadd.s32 $0x1, s12;
	_ =	swait.ge @!p1 [sflag:s14], $0xC400  }
0x1d: {  	p0 =	por !p0, !p0;
	s13 =	smov.u32 s11;
	[sflag:s14] =	ssyncset.done @!p1 $0x0  }
0x1e: {  	s12 =	smov.u32 s16;
	s11 =	smov.u32 s15;
	[sflag:s14] =	ssyncadd.s32 @!p1 $0xFFFF3C00  }
.LBB2_1:
0x1f: {  	p1 =	sge.u32 s12, s8  }
0x20: {  	s14 =	sxor.u32 @!p1 $0xFFFFFFFF, s12  }
0x21: {  	s14 =	sand.u32 @!p1 $0x1, s14  }
0x22: {  	s14 =	smul.u32 @!p1 $0x620, s14  }
0x23: {  	s31 =	sadd.s32 $0xFFFFFFFF, s12;
	s15 =	sshrl.u32 @!p1 s11, $0x3  }
0x24: {  	s16 =	sand.u32 @!p1 $0x7, s11;
	s15 =	sadd.s32 @!p1 s5, s15;
	s14 =	sshrl.u32 @!p1 s14, $0x2  }
0x25: {  	[tilespmem:s14], [sflag:$0x2] =	stream.linear.gather @!p1 [hbm4b:s15+s16], $0x188, $0x38;
	[tilespmem:$0x18B10] =	vst v63  }
0x26: {  	p1 =	sge.u32 s31, s8  }
.Ltmp2:
0x27: {  	_ = 	snop;
	(pc) =	sbr.rel @p1 .LBB2_7-.Ltmp2, $1  }
0x28: {  	_ =	sdelay $0x3  }
0x29: {  	s14 =	simm.s32 $0x1  }
0x2a: {  	s14 =	simm.s32 @!p0 $0x0  }
0x2b: {  	s15 =	smul.u32 $0x620, s14  }
0x2c: {  	_ =	swait.ge [sflag:s7], $0x188  }
0x2d: {  	[sflag:s7] =	ssyncset.done $0x0;
	s17 =	sshrl.u32 s15, $0x2  }
0x2e: {  	[sflag:s7] =	ssyncadd.s32 $0xFFFFFE78;
	s15 =	sadd.s32 $0x0, s17  }
0x2f: {  	v0 =	vld.msk [tilespmem:s15+$0x0 ss:$0x1], $0xffff;
	_ =	sdelay $0x4  }
0x30: {  	v1 =	vshrl.u32 v0, $0x1  }
0x31: {  	vm2 =	veq.s32 v0, $0x80000000;
	v0 =	vshll.u32 v0, $0xF;
	v1 =	vand.u32 $0x7F80, v1  }
0x32: {  	v0 =	vand.u32 $0x7F8000, v0;
	v1 =	vsel vm2, $0xFFFFFF80, v1  }
0x33: {  	v0 =	vsel vm2, $0xFFFF8000, v0;
	v2 =	vand.u32 $0xFFFFFC00, v1  }
0x34: {  	v1 =	vand.u32 $0x380, v1;
	v0 =	vadd.s32 v0, v2  }
0x35: {  	v0 =	vor.u32 v1, v0  }
0x36: {  	v0 =	vshrl.u32 v0, $0x3  }
0x37: {  	s14 =	smul.u32 $0x31000, s14  }
0x38: {  	s31 =	sand.u32 $0x1, s12  }
0x39: {  	s16 =	smul.u32 $0x620, s31;
	s14 =	sshrl.u32 s14, $0x2  }
0x3a: {  	s19 =	smul.u32 $0x31000, s31;
	s14 =	sor.u32 $0x310, s14  }
0x3b: {  	[tilespmem:s14], [sflag:$0x1] =	stream.indirect_vreg.gather [hbm:s4], $0x80, v0, vm0, $0x38;
	[tilespmem:$0x18B10] =	vst v63  }
0x3c: {  	s18 =	sshrl.u32 s16, $0x2;
	s20 =	sadd.s32 $0x10, s17;
	s15 =	sadd.s32 $0x400, s14  }
0x3d: {  	[tilespmem:s15], [sflag:$0x1] =	stream.indirect_vreg.gather [hbm:s4], $0x80, v0, vm1, $0x38;
	[tilespmem:$0x18B10] =	vst v63  }
0x3e: {  	s16 =	sshrl.u32 s19, $0x2;
	s19 =	smov.u32 s14;
	v0 =	vld.msk [tilespmem:s20+$0x0 ss:$0x1], $0xffff;
	s20 =	simm.s32 $0x80  }
.LBB2_3:
0x3f: {  	p1 =	sne.s32 s20, $0x5C0;
	_ =	sdelay $0x4  }
0x40: {  	v1 =	vshrl.u32 v0, $0x1  }
0x41: {  	vm2 =	veq.s32 v0, $0x80000000;
	v0 =	vshll.u32 v0, $0xF;
	v1 =	vand.u32 $0x7F80, v1  }
0x42: {  	v0 =	vand.u32 $0x7F8000, v0;
	v1 =	vsel vm2, $0xFFFFFF80, v1  }
0x43: {  	v0 =	vsel vm2, $0xFFFF8000, v0;
	v2 =	vand.u32 $0xFFFFFC00, v1  }
0x44: {  	v1 =	vand.u32 $0x380, v1;
	v0 =	vadd.s32 v0, v2  }
0x45: {  	v0 =	vor.u32 v1, v0  }
0x46: {  	v0 =	vshrl.u32 v0, $0x3;
	_ =	sdelay $0x3  }
.Ltmp3:
0x47: {  	s21 =	sshra.s32 s20, $0x2;
	s19 =	sadd.s32 $0x800, s19;
	(pc) =	sbr.rel @p1 .LBB2_3-.Ltmp3, $4  }
0x48: {  	[tilespmem:s19], [sflag:$0x1] =	stream.indirect_vreg.gather [hbm:s4], $0x80, v0, vm0, $0x38;
	[tilespmem:$0x18B10] =	vst v63  }
0x49: {  	s21 =	sadd.s32 s21, s17;
	s22 =	sadd.s32 $0x400, s19  }
0x4a: {  	[tilespmem:s22], [sflag:$0x1] =	stream.indirect_vreg.gather [hbm:s4], $0x80, v0, vm1, $0x38;
	[tilespmem:$0x18B10] =	vst v63  }
0x4b: {  	s20 =	sadd.s32 $0x40, s20;
	v0 =	vld.msk [tilespmem:s21+$0x0 ss:$0x1], $0xffff  }
0x4c: {  	_ =	sdelay $0x3  }
0x4d: {  	v1 =	vshrl.u32 v0, $0x1  }
0x4e: {  	vm2 =	veq.s32 v0, $0x80000000;
	v61 =	vshll.u32 v0, $0xF;
	v1 =	vand.u32 $0x7F80, v1  }
0x4f: {  	v0 =	vand.u32 $0x7F8000, v61;
	v1 =	vsel vm2, $0xFFFFFF80, v1  }
0x50: {  	v0 =	vsel vm2, $0xFFFF8000, v0;
	v2 =	vand.u32 $0xFFFFFC00, v1  }
0x51: {  	v1 =	vand.u32 $0x380, v1;
	v0 =	vadd.s32 v0, v2  }
0x52: {  	v0 =	vor.u32 v1, v0  }
0x53: {  	v0 =	vshrl.u32 v0, $0x3;
	_ =	sdelay $0x3  }
0x54: {  	s17 =	sadd.s32 $0x800, s19  }
0x55: {  	[tilespmem:s17], [sflag:$0x1] =	stream.indirect_vreg.gather [hbm:s4], $0x80, v0, vm0, $0x38;
	[tilespmem:$0x18B10] =	vst v63  }
0x56: {  	s17 =	sadd.s32 $0x400, s17  }
0x57: {  	[tilespmem:s17], [sflag:$0x1] =	stream.indirect_vreg.gather [hbm:s4], $0x80, v0, vm1, $0x38;
	[tilespmem:$0x18B10] =	vst v63  }
0x58: {  	v0 =	vld.msk [tilespmem:s18+$0x180 ss:$0x1], $0xff;
	_ =	sdelay $0x4  }
0x59: {  	v62 =	vshrl.u32 v0, $0x1  }
0x5a: {  	vm2 =	veq.s32 v0, $0x80000000;
	v0 =	vshll.u32 v0, $0xF;
	v1 =	vand.u32 $0x7F80, v62  }
0x5b: {  	v0 =	vand.u32 $0x7F8000, v0;
	v1 =	vsel vm2, $0xFFFFFF80, v1  }
0x5c: {  	v0 =	vsel vm2, $0xFFFF8000, v0;
	v63 =	vand.u32 $0xFFFFFC00, v1  }
0x5d: {  	v1 =	vand.u32 $0x380, v1;
	v0 =	vadd.s32 v0, v63  }
0x5e: {  	v0 =	vor.u32 v1, v0  }
0x5f: {  	v0 =	vshrl.u32 v0, $0x3;
	_ =	sdelay $0x3  }
0x60: {  	s16 =	sadd.s32 $0xC310, s16  }
0x61: {  	[tilespmem:s16], [sflag:$0x1] =	stream.indirect_vreg.gather [hbm:s4], $0x80, v0, vm0, $0x38;
	[tilespmem:$0x18B10] =	vst v63  }
0x62: {  	s13 =	sshll.u32 s13, $0x4;
	_ =	swait.ge [sflag:s6], $0xC400  }
0x63: {  	s13 =	sadd.s32 s13, s9;
	[sflag:s6] =	ssyncset.done $0x0  }
0x64: {  	s17 =	sadd.s32 $0x0, s13;
	s16 =	simm.s32 $0x80;
	[sflag:s6] =	ssyncadd.s32 $0xFFFF3C00  }
.LBB2_5:
0x65: {  	[hbm:s17] =	stream.linear.scatter [tilespmem:s14], [sflag:$0x3], $0x400, $0x38;
	[tilespmem:$0x18B10] =	vst v63  }
0x66: {  	s17 =	smov.u32 s16;
	s14 =	smov.u32 s15;
	p1 =	sne.s32 s16, $0x1800  }
.Ltmp4:
0x67: {  	s16 =	sadd.s32 $0x80, s16;
	(pc) =	sbr.rel @p1 .LBB2_5-.Ltmp4, $2  }
0x68: {  	_ =	sdelay $0x2  }
0x69: {  	s15 =	sadd.s32 $0x400, s15;
	s17 =	sadd.s32 s17, s13  }
.Ltmp5:
0x6a: {  	_ = 	snop;
	(pc) =	sbr.rel .LBB2_6-.Ltmp5, $1  }
0x6b: {  	_ =	sdelay $0x3  }
.LBB2_8:
0x6c: {  	_ =	sfence.sel $0x180000  }
0x6d: {  	s1 =	simm.s32 $0x2;
	[bflag:$0x0] =	sbarrier.arrive $0xFFFF  }
0x6e: {  	s30 =	simm.s32 $0x3;
	[sflag:s1] =	ssyncpa.u1 $0x1  }
0x6f: {  	s31 =	simm.s32 $0x1;
	[sflag:s30] =	ssyncpa.u1 $0x1  }
0x70: {  	[sflag:s31] =	ssyncpa.u1 $0x1  }
0x71: {  	p0 =	sne.s32 s0, $0x0;
	_ =	strace $0x9000005F  }
0x72: {  	s0 =	sadd.s32 @!p0 $0x100000, s2;
	[bflag:$0x2] =	sbarrier.arrive $0xFFFF  }
0x73: {  	[sflag:s0] =	ssyncadd.tile.s32 @!p0 $0x1;
	_ =	shalt  }
.Lfunc_end2:
_tile_overlayer_lowered:
.L_overlay_start_2:
0x74: {  	(tag) =	ssettag $0x2  }
0x75: {  	s0 =	rddreg [dreg:$0x0];
	s2 =	stileid.u32  }
0x76: {  	s1 =	rddreg [dreg:$0x1];
	p0 =	sne.s32 s2, $0x0  }
0x77: {  	s3 =	rddreg [dreg:$0x2];
	[bflag:$0x3] =	sbarrier.arrive $0xFFFF;
	s2 =	simm.s32 @!p0 $0x1C01  }
0x78: {  	[timem:s3], [sflag:s2] =	dma.local @!p0 [hbm:s0], s1  }
0x79: {  	s0 =	simm.s32 @!p0 $0x1  }
0x7a: {  	_ =	swait.ge @!p0 [sflag:s0], s1  }
0x7b: {  	s1 =	ssub.s32 @!p0 $0x0, s1;
	[sflag:s0] =	ssyncset.done @!p0 $0x0  }
0x7c: {  	[sflag:s0] =	ssyncadd.s32 @!p0 s1  }
0x7d: {  	[bflag:$0x3] =	sbarrier.arrive $0xFFFF  }
0x7e: {  	_ =	shalt  }

// kernel: gather_offload_async_start
scs
__scs_entry_jumppad:
0x0: {  	(pc) =	sbr.rel $0x88, $3  }
0x1: {  	(tag) =	ssettag $0x0;
	lr =	simm.s32 $0x1  }
0x2: {  	[smem:$0x3F8E] =	sst lr;
	_ =	strace $0xD0000000  }
0x3: {  	_ = 	snop  }
0x4: {  	_ = 	snop  }
0x5: {  	_ = 	snop  }
0x6: {  	_ = 	snop  }
0x7: {  	_ = 	snop  }
__scs_overlays_trampoline_lowered:
0x8: {  	[smem:$0x3F9D] =	sst s0  }
0x9: {  	[smem:$0x3F9E] =	sst s1  }
0xa: {  	[smem:$0x3F9F] =	sst s2  }
0xb: {  	[smem:$0x3FA0] =	sst s3  }
0xc: {  	[smem:$0x3FA1] =	sst s4  }
0xd: {  	[smem:$0x3FA2] =	sst s5  }
0xe: {  	[smem:$0x3FA3] =	sst s6  }
0xf: {  	[smem:$0x3FA4] =	sst s7  }
0x10: {  	[smem:$0x3FA5] =	sst s8  }
0x11: {  	[smem:$0x3FA6] =	sst s9;
	s0 =	simm.s32 @!p0 $0x0  }
0x12: {  	s1 =	sld [smem:$0x3F8C];
	s0 =	simm.s32 @p0 $0x1  }
0x13: {  	[smem:$0x3FA7] =	sst s0;
	s0 =	simm.s32 @!p1 $0x0  }
0x14: {  	s2 =	sld [smem:$0x3F8B];
	s0 =	simm.s32 @p1 $0x1  }
0x15: {  	[smem:$0x3FA8] =	sst s0;
	s0 =	simm.s32 @!p2 $0x0  }
0x16: {  	s3 =	sld [smem:$0x3FDB];
	s0 =	simm.s32 @p2 $0x1  }
0x17: {  	s4 =	simm.s32 $0x1BF5;
	[smem:$0x3FAA] =	sst s0  }
0x18: {  	s0 =	sld [smem:$0x3F8D];
	_ =	swait.ge [sflag:s4], $0x0  }
0x19: {  	s7 =	sld [smem:$0x3F8E]  }
0x1a: {  	s8 =	sadd.s32 $0xFFFFE003, lr  }
0x1b: {  	s9 =	sadd.s32 $0xFFFFFEF7, lr;
	s5 =	simm.s32 $0xFFFFFFFF;
	p2 =	slt.u32 s8, $0xFFFFF086  }
0x1c: {  	p1 =	slt.u32 s9, $0xF7A;
	s5 =	simm.s32 @!p2 $0x0  }
0x1d: {  	s5 =	simm.s32 @p1 $0x1;
	p0 =	seq.s32 s7, s2  }
0x1e: {  	s7 =	smul.u32 @!p0 $0xF7A, s2;
	p2 =	seq.s32 @!p0 s5, $0x0  }
0x1f: {  	s9 =	smul.u32 $0xF7A, s1;
	s8 =	simm.s32 @!p0 $0x1BF5;
	p2 =	por !p2, p0  }
0x20: {  	[sflag:s8] =	ssyncset.s32 @!p0 $0xFFFFF086;
	s6 =	sadd.s32 @!p0 s3, s7;
	s7 =	simm.s32 @!p0 $0x108  }
0x21: {  	s3 =	sadd.s32 s3, s9;
	s6 =	sadd.s32 @!p0 $0x88, s6;
	s7 =	simm.s32 @p2 $0x1082  }
0x22: {  	[simem:s7], [sflag:s8] =	dma.local @!p0 [hbm:s6], $0xF7A  }
0x23: {  	s9 =	sor.u32 $0xD0000000, s2;
	s6 =	simm.s32 $0x108;
	_ =	swait.ge @!p0 [sflag:s8], $0x0  }
0x24: {  	s3 =	sadd.s32 $0x88, s3;
	s6 =	simm.s32 @!p1 $0x1082;
	[sflag:s4] =	ssyncset.s32 $0xFFFFF086  }
0x25: {  	[simem:s6], [sflag:s4] =	dma.local [hbm:s3], $0xF7A  }
0x26: {  	[smem:$0x3F8E] =	sst s1;
	(tag) =	ssettag s2;
	_ =	strace s9  }
0x27: {  	s1 =	sld [smem:$0x3F9E]  }
0x28: {  	s2 =	sld [smem:$0x3F9F]  }
0x29: {  	s4 =	sld [smem:$0x3FA1]  }
0x2a: {  	p0 =	seq.s32 s5, $0x0;
	s5 =	sld [smem:$0x3FA2]  }
0x2b: {  	s6 =	sld [smem:$0x3FA3]  }
0x2c: {  	s7 =	sld [smem:$0x3FA4]  }
0x2d: {  	s3 =	simm.s32 $0x108;
	s8 =	sld [smem:$0x3FA5]  }
0x2e: {  	s3 =	simm.s32 @!p0 $0x1082;
	s9 =	sld [smem:$0x3FA6]  }
0x2f: {  	lr =	sadd.s32 s0, s3;
	s0 =	sld [smem:$0x3F9D]  }
0x30: {  	s3 =	sld [smem:$0x3FA0]  }
0x31: {  	[smem:$0x3FA9] =	sst s10  }
0x32: {  	s10 =	sld [smem:$0x3FA7];
	_ =	sdelay $0x3  }
0x33: {  	p0 =	seq.s32 s10, $0x1;
	s10 =	sld [smem:$0x3FA9];
	_ =	sdelay $0x3  }
0x34: {  	[smem:$0x3FA9] =	sst s10  }
0x35: {  	s10 =	sld [smem:$0x3FA8];
	_ =	sdelay $0x3  }
0x36: {  	p1 =	seq.s32 s10, $0x1;
	s10 =	sld [smem:$0x3FA9];
	_ =	sdelay $0x3  }
0x37: {  	[smem:$0x3FA9] =	sst s10  }
0x38: {  	s10 =	sld [smem:$0x3FAA]  }
0x39: {  	_ = 	snop;
	(pc) =	sbr.ind lr, $3  }
0x3a: {  	_ = 	snop  }
0x3b: {  	_ = 	snop  }
0x3c: {  	p2 =	seq.s32 s10, $0x1;
	s10 =	sld [smem:$0x3FA9]  }
0x3d: {  	_ =	shalt  }
0x3e: {  	_ =	shalt  }
0x3f: {  	_ =	shalt  }
0x40: {  	_ =	shalt  }
0x41: {  	_ =	shalt  }
0x42: {  	_ =	shalt  }
0x43: {  	_ =	shalt  }
0x44: {  	_ =	shalt  }
0x45: {  	_ =	shalt  }
0x46: {  	_ =	shalt  }
0x47: {  	_ =	shalt  }
0x48: {  	_ =	shalt  }
0x49: {  	_ =	shalt  }
0x4a: {  	_ =	shalt  }
0x4b: {  	_ =	shalt  }
0x4c: {  	_ =	shalt  }
0x4d: {  	_ =	shalt  }
0x4e: {  	_ =	shalt  }
0x4f: {  	_ =	shalt  }
0x50: {  	_ =	shalt  }
0x51: {  	_ =	shalt  }
0x52: {  	_ =	shalt  }
0x53: {  	_ =	shalt  }
0x54: {  	_ =	shalt  }
0x55: {  	_ =	shalt  }
0x56: {  	_ =	shalt  }
0x57: {  	_ =	shalt  }
0x58: {  	_ =	shalt  }
0x59: {  	_ =	shalt  }
0x5a: {  	_ =	shalt  }
0x5b: {  	_ =	shalt  }
0x5c: {  	_ =	shalt  }
0x5d: {  	_ =	shalt  }
0x5e: {  	_ =	shalt  }
0x5f: {  	_ =	shalt  }
0x60: {  	_ =	shalt  }
0x61: {  	_ =	shalt  }
0x62: {  	_ =	shalt  }
0x63: {  	_ =	shalt  }
0x64: {  	_ =	shalt  }
0x65: {  	_ =	shalt  }
0x66: {  	_ =	shalt  }
0x67: {  	_ =	shalt  }
0x68: {  	_ =	shalt  }
0x69: {  	_ =	shalt  }
0x6a: {  	_ =	shalt  }
0x6b: {  	_ =	shalt  }
0x6c: {  	_ =	shalt  }
0x6d: {  	_ =	shalt  }
0x6e: {  	_ =	shalt  }
0x6f: {  	_ =	shalt  }
0x70: {  	_ =	shalt  }
0x71: {  	_ =	shalt  }
0x72: {  	_ =	shalt  }
0x73: {  	_ =	shalt  }
0x74: {  	_ =	shalt  }
0x75: {  	_ =	shalt  }
0x76: {  	_ =	shalt  }
0x77: {  	_ =	shalt  }
0x78: {  	_ =	shalt  }
0x79: {  	_ =	shalt  }
0x7a: {  	_ =	shalt  }
0x7b: {  	_ =	shalt  }
0x7c: {  	_ =	shalt  }
0x7d: {  	_ =	shalt  }
0x7e: {  	_ =	shalt  }
0x7f: {  	_ =	shalt  }
0x80: {  	_ =	shalt  }
0x81: {  	_ =	shalt  }
0x82: {  	_ =	shalt  }
0x83: {  	_ =	shalt  }
0x84: {  	_ =	shalt  }
0x85: {  	_ =	shalt  }
0x86: {  	_ =	shalt  }
0x87: {  	_ =	shalt  }
.Lfunc_end0:
.L_simem_size_0:
called_computation.2_lowered:
.L_overlay_start_0:
0x88: {  	s2 =	sld [smem:$0x3FD9]  }
0x89: {  	s3 =	sld [smem:$0x3FFE];
	_ =	sdelay $0x1  }
0x8a: {  	s1 =	srdreg.scid  }
0x8b: {  	s0 =	sand.u32 $0x1, s1  }
0x8c: {  	s17 =	sshll.u32 s0, $0xA;
	s2 =	sadd.s32 s3, s2  }
0x8d: {  	s2 =	sadd.s32 s2, s17  }
0x8e: {  	[smem:$0x3FB5] =	sst s2  }
0x8f: {  	_ = 	snop  }
0x90: {  	s2 =	sld [smem:$0x3FD0];
	(tm) =	ssettm $0x1  }
0x91: {  	s18 =	sld [smem:$0x3FFB];
	_ =	sdelay $0x3  }
0x92: {  	_ =	strace s18  }
0x93: {  	s3 =	sld [smem:$0x3FFC];
	_ =	sdelay $0x3  }
0x94: {  	_ =	strace s3  }
0x95: {  	s3 =	sld [smem:$0x3FFD];
	_ =	sdelay $0x3  }
0x96: {  	_ =	strace s3  }
0x97: {  	_ =	strace $0x8FFFFFFF  }
0x98: {  	s19 =	sld [smem:$0x3FDB];
	_ =	sdelay $0x1  }
0x99: {  	s4 =	simm.s32 $_scs_section_size  }
0x9a: {  	s5 =	simm.s32 $_size__tile_overlayer_lowered;
	s6 =	simm.s32 $_tile_overlayer_lowered  }
0x9b: {  	s22 =	simm.s32 $0x1BFF;
	s21 =	sshll.u32 s6, $0x1;
	s3 =	sadd.s32 s4, s19  }
0x9c: {  	s7 =	simm.s32 $0x0;
	s20 =	sshll.u32 s5, $0x1;
	s5 =	sadd.s32 s21, s3  }
0x9d: {  	[timem:s7], [sflag:s22] =	dma.local [hbm:s5], s20  }
0x9e: {  	_ =	swait.ge [sflag:s22], s20  }
0x9f: {  	s4 =	ssub.s32 $0x0, s20;
	[sflag:s22] =	ssyncset.done $0x0  }
0xa0: {  	[sflag:s22] =	ssyncadd.s32 s4;
	_ =	sdelay $0x1  }
0xa1: {  	s23 =	simm.s32 $0x1B8B  }
0xa2: {  	_ =	swait.ge [sflag:s23], $0x1  }
0xa3: {  	[sflag:s23] =	ssyncset.done $0x0  }
0xa4: {  	s25 =	simm.s32 $0x1B8E;
	s24 =	sld [smem:$0x3FFE];
	[sflag:s23] =	ssyncadd.s32 $0xFFFFFFFF  }
0xa5: {  	s26 =	simm.s32 $execute0_lowered;
	[smem:$0x3FD2] =	sst s25  }
0xa6: {  	s5 =	sshll.u32 s26, $0x1;
	_ =	strace $0x80000046;
	[dreg:$0x1] =	wrdreg $0xFFFFFFFF  }
0xa7: {  	s28 =	simm.s32 $_size_execute0_lowered;
	s3 =	sadd.s32 s3, s5;
	[dreg:$0x0] =	wrdreg $0x0  }
0xa8: {  	s5 =	sshll.u32 s28, $0x1;
	[dreg:$0x2] =	wrdreg s3  }
0xa9: {  	[dreg:$0x3] =	wrdreg s5  }
0xaa: {  	[dreg:$0x4] =	wrdreg $0xC0  }
0xab: {  	_ =	task [dreg:s7], $0x5FFFF  }
0xac: {  	[dreg:$0x1] =	wrdreg $0xFFFFFFFF  }
0xad: {  	[dreg:$0x0] =	wrdreg $0x60  }
0xae: {  	[dreg:$0x2] =	wrdreg s24  }
0xaf: {  	[dreg:$0x3] =	wrdreg s2  }
0xb0: {  	[dreg:$0x4] =	wrdreg $0xA  }
0xb1: {  	_ =	task.clear_ibuf [dreg:s7], $0x5FFFF;
	_ =	strace $0x90000046  }
0xb2: {  	s29 =	simm.s32 $0xA;
	_ =	strace $0x80000048  }
0xb3: {  	_ =	swait.ge [sflag:s29], $0x1  }
0xb4: {  	[sflag:s29] =	ssyncadd.s32 $0xFFFFFFFF  }
0xb5: {  	_ =	strace $0x90000048  }
0xb6: {  	_ =	sfence  }
0xb7: {  	s30 =	sld [smem:$0x0];
	_ =	sdelay $0x2  }
0xb8: {  	s31 =	sshll.u32 s1, $0xD;
	s1 =	sshrl.u32 s1, $0x2  }
0xb9: {  	s3 =	sand.u32 $0x4000, s31;
	s1 =	sadd.s32 s1, s30  }
0xba: {  	s0 =	sor.u32 s3, s0;
	s1 =	sshll.u32 s1, $0x11  }
0xbb: {  	s0 =	sor.u32 s1, s0  }
0xbc: {  	s0 =	sadd.s32 $0x8F2B, s0  }
0xbd: {  	[sflag:s0] =	ssyncadd.remote.s32 $0x1  }
0xbe: {  	_ =	sfence.sel $0xFFFF  }
0xbf: {  	[dreg:$0x0] =	wrdreg $0xFFFFFFFF;
	(pc) =	sbr.abs _section_cstart, $3  }
0xc0: {  	[dreg:$0x1] =	wrdreg $0xFFFFFFFF  }
0xc1: {  	_ =	task.clear_ibuf [dreg:s7], $0x2FFFF;
	_ =	strace $0x9FFFFFFF  }
0xc2: {  	(tm) =	ssettm $0x7FFFFFFF  }
0xc3: {  	_ =	shalt  }
tec
execute0_lowered:
.L_overlay_start_1:
0x0: {  	(tag) =	ssettag $0x1  }
0x1: {  	s1 =	srdreg.scid  }
0x2: {  	s6 =	rddreg [dreg:$0x0];
	s0 =	stileid.u32  }
0x3: {  	s9 =	rddreg [dreg:$0x1];
	s4 =	simm.s32 $0x1;
	s5 =	simm.s32 $0x2  }
0x4: {  	s12 =	simm.s32 $0x0;
	s11 =	simm.s32 $0x0;
	s1 =	sshll.u32 s1, $0x7  }
0x5: {  	s2 =	sshll.u32 s0, $0x8;
	s3 =	sand.u32 $0x80, s1;
	s1 =	rddreg [dreg:$0x2]  }
0x6: {  	_ =	strace $0x80000047;
	s2 =	sor.u32 s2, s3;
	s3 =	sadd.s32 $0xC4200, s6  }
0x7: {  	[sflag:s4] =	ssyncpa.u1 $0x0;
	s6 =	sadd.s32 $0x10C200, s6;
	s7 =	ssub.s32 $0x800, s2  }
.Ltmp0:
0x8: {  	s10 =	sshrl.u32 s2, $0x3;
	p0 =	sgt.s32 s7, $0x0;
	(pc) =	sbr.rel .LBB2_1-.Ltmp0, $4  }
0x9: {  	[sflag:s5] =	ssyncpa.u1 $0x0;
	s9 =	sadd.s32 s9, s10;
	s7 =	simm.s32 @!p0 $0x0  }
0xa: {  	s10 =	simm.s32 $0x0;
	s8 =	sand.u32 $0xF80, s7;
	s7 =	simm.s32 $0x3  }
0xb: {  	p0 =	sne.s32 s8, $0x0;
	s8 =	simm.s32 $0x1;
	[sflag:s7] =	ssyncpa.u1 $0x0  }
0xc: {  	vm0 =	vmmov $0xffff;
	v0 =	vlaneseq.u32;
	s8 =	simm.s32 @!p0 $0x0;
	s7 =	simm.s32 @!p0 $0x2;
	p0 =	por $0x0, $0x0  }
.LBB2_4:
0xd: {  	_ =	sdelay $0x3  }
0xe: {  	[tilespmem:s20], [sflag:$0x1] =	stream.indirect_vreg.gather [hbm4b:s3+s10], $0x1, v1, vm0, $0x4038;
	[tilespmem:$0x500] =	vst v63  }
0xf: {  	s14 =	sadd.s32 s16, s14  }
0x10: {  	v1 =	vld.msk [tilespmem:s14+$0x0 ss:$0x1], $0xffff;
	_ =	sdelay $0x4  }
0x11: {  	vm1 =	vgt.s32 v1, $0x0  }
0x12: {  	p1 =	sgt.s32 s17, $0x0;
	v1 =	vnsel vm1, $0x0, v1  }
0x13: {  	s17 =	simm.s32 @!p1 $0x0;
	v1 =	vmin.u32 v1, $0x8FFFF  }
0x14: {  	s26 =	smin.u32 s17, $0x10;
	v2 =	vshll.u32 v1, $0x2  }
0x15: {  	v3 =	vmov s26;
	v1 =	vand.u32 $0x7F, v1;
	v2 =	vand.u32 $0x3FFE00, v2  }
0x16: {  	vm1 =	vgt.u32 v3, v0;
	v1 =	vor.u32 v1, v2  }
0x17: {  	v2 =	vnsel vm1, $0x7FFFFFFF, v1;
	_ =	sdelay $0x1  }
0x18: {  	v3 =	vor.u32 $0x80, v1  }
0x19: {  	(ifvalue) =	ssetifvalue $0x7FFFFFFF;
	v3 =	vnsel vm1, $0x7FFFFFFF, v3  }
0x1a: {  	s28 =	sadd.s32 s16, s15;
	(ifvalue) =	ssetifvalue $0x7FFFFFFF  }
0x1b: {  	v4 =	vor.u32 $0x100, v1;
	[tilespmem:s28], [sflag:$0x1] =	stream.indirect_vreg.gather [hbm4b:s3+s10], $0x1, v2, vm0, $0x4038;
	[tilespmem:$0x500] =	vst v63  }
0x1c: {  	(ifvalue) =	ssetifvalue $0x7FFFFFFF;
	v2 =	vnsel vm1, $0x7FFFFFFF, v4  }
0x1d: {  	s15 =	sadd.s32 $0x80, s28;
	(ifvalue) =	ssetifvalue $0x7FFFFFFF  }
0x1e: {  	v1 =	vor.u32 $0x180, v1;
	[tilespmem:s15], [sflag:$0x1] =	stream.indirect_vreg.gather [hbm4b:s3+s10], $0x1, v3, vm0, $0x4038;
	[tilespmem:$0x500] =	vst v63  }
0x1f: {  	v1 =	vnsel vm1, $0x7FFFFFFF, v1;
	(ifvalue) =	ssetifvalue $0x7FFFFFFF  }
0x20: {  	s29 =	sadd.s32 $0x100, s28;
	(ifvalue) =	ssetifvalue $0x7FFFFFFF  }
0x21: {  	[tilespmem:s29], [sflag:$0x1] =	stream.indirect_vreg.gather [hbm4b:s3+s10], $0x1, v2, vm0, $0x4038;
	[tilespmem:$0x500] =	vst v63  }
0x22: {  	(ifvalue) =	ssetifvalue $0x7FFFFFFF  }
0x23: {  	s30 =	sshll.u32 s12, $0x2;
	s14 =	sadd.s32 $0x180, s28;
	(ifvalue) =	ssetifvalue $0x7FFFFFFF  }
0x24: {  	[tilespmem:s14], [sflag:$0x1] =	stream.indirect_vreg.gather [hbm4b:s3+s10], $0x1, v1, vm0, $0x4038;
	[tilespmem:$0x500] =	vst v63  }
0x25: {  	s31 =	sand.u32 $0x78, s12;
	s14 =	sand.u32 $0x7FFFFE00, s30  }
0x26: {  	_ =	swait.ge [sflag:s4], $0x200;
	s12 =	sor.u32 s31, s14  }
0x27: {  	[sflag:s4] =	ssyncset.done $0x0;
	s12 =	sshrl.u32 s12, $0x3  }
0x28: {  	[sflag:s4] =	ssyncadd.s32 $0xFFFFFE00;
	s12 =	sadd.s32 s6, s12  }
0x29: {  	[hbm:s12] =	stream.linear.scatter [tilespmem:s13], [sflag:$0x3], $0x200, $0x38;
	[tilespmem:$0x500] =	vst v63  }
.LBB2_5:
0x2a: {  	p1 =	slt.u32 s11, $0x2;
	s11 =	sadd.s32 $0x1, s11  }
0x2b: {  	p2 =	sne.s32 s11, s7  }
.Ltmp1:
0x2c: {  	_ = 	snop;
	(pc) =	sbr.rel @!p2 .LBB2_6-.Ltmp1, $4  }
0x2d: {  	s12 =	simm.s32 @!p1 $0x3  }
0x2e: {  	_ =	swait.ge @!p1 [sflag:s12], $0x200  }
0x2f: {  	[sflag:s12] =	ssyncset.done @!p1 $0x0  }
0x30: {  	p0 =	por !p0, !p0;
	[sflag:s12] =	ssyncadd.s32 @!p1 $0xFFFFFE00;
	s12 =	smov.u32 s2  }
.LBB2_1:
0x31: {  	p1 =	sge.u32 s11, s8  }
0x32: {  	s31 =	sadd.s32 $0xFFFFFFFF, s11;
	s13 =	simm.s32 @!p1 $0x0;
	s14 =	simm.s32 @!p1 $0x80  }
0x33: {  	[tilespmem:s14], [sflag:$0x2] =	stream.linear.gather @!p1 [hbm4b:s9+s13], $0x80, $0x38;
	[tilespmem:$0x500] =	vst v63  }
0x34: {  	p1 =	sge.u32 s31, s8  }
.Ltmp2:
0x35: {  	_ = 	snop;
	(pc) =	sbr.rel @p1 .LBB2_5-.Ltmp2, $1  }
0x36: {  	_ =	sdelay $0x3  }
0x37: {  	s13 =	simm.s32 $0x1  }
0x38: {  	_ =	swait.ge [sflag:s5], $0x80;
	s13 =	simm.s32 @!p0 $0x0  }
0x39: {  	[sflag:s5] =	ssyncset.done $0x0;
	s14 =	sshll.u32 s13, $0x7  }
0x3a: {  	[sflag:s5] =	ssyncadd.s32 $0xFFFFFF80;
	s15 =	sadd.s32 $0x0, s14  }
0x3b: {  	v1 =	vld.msk [tilespmem:s15+$0x0 ss:$0x1], $0xffff;
	_ =	sdelay $0x2  }
0x3c: {  	s17 =	ssub.s32 $0x7D0, s12  }
0x3d: {  	p1 =	slt.s32 s17, $0x80  }
0x3e: {  	s17 =	simm.s32 @!p1 $0x80;
	vm1 =	vgt.s32 v1, $0x0  }
0x3f: {  	p1 =	sgt.s32 s17, $0x0;
	s15 =	smov.u32 s17;
	v1 =	vnsel vm1, $0x0, v1  }
0x40: {  	s15 =	simm.s32 @!p1 $0x0;
	v1 =	vmin.u32 v1, $0x8FFFF  }
0x41: {  	s15 =	smin.u32 s15, $0x10;
	v2 =	vshll.u32 v1, $0x2  }
0x42: {  	v3 =	vmov s15;
	v1 =	vand.u32 $0x7F, v1;
	v2 =	vand.u32 $0x3FFE00, v2  }
0x43: {  	vm1 =	vgt.u32 v3, v0;
	v1 =	vor.u32 v1, v2  }
0x44: {  	v2 =	vnsel vm1, $0x7FFFFFFF, v1;
	_ =	sdelay $0x1  }
0x45: {  	s13 =	sshll.u32 s13, $0x9;
	v3 =	vor.u32 $0x80, v1  }
0x46: {  	(ifvalue) =	ssetifvalue $0x7FFFFFFF;
	s15 =	sor.u32 $0x100, s13;
	v3 =	vnsel vm1, $0x7FFFFFFF, v3  }
0x47: {  	(ifvalue) =	ssetifvalue $0x7FFFFFFF;
	s18 =	sadd.s32 $0x0, s15  }
0x48: {  	v4 =	vor.u32 $0x100, v1;
	[tilespmem:s18], [sflag:$0x1] =	stream.indirect_vreg.gather [hbm4b:s3+s10], $0x1, v2, vm0, $0x4038;
	[tilespmem:$0x500] =	vst v63  }
0x49: {  	(ifvalue) =	ssetifvalue $0x7FFFFFFF;
	v2 =	vnsel vm1, $0x7FFFFFFF, v4  }
0x4a: {  	s16 =	sadd.s32 $0x80, s18;
	(ifvalue) =	ssetifvalue $0x7FFFFFFF  }
0x4b: {  	v1 =	vor.u32 $0x180, v1;
	[tilespmem:s16], [sflag:$0x1] =	stream.indirect_vreg.gather [hbm4b:s3+s10], $0x1, v3, vm0, $0x4038;
	[tilespmem:$0x500] =	vst v63  }
0x4c: {  	s30 =	sshll.u32 s11, $0x9;
	s19 =	simm.s32 $0x80;
	v1 =	vnsel vm1, $0x7FFFFFFF, v1;
	(ifvalue) =	ssetifvalue $0x7FFFFFFF  }
0x4d: {  	s13 =	sand.u32 $0x200, s30;
	s31 =	sadd.s32 $0x100, s18;
	(ifvalue) =	ssetifvalue $0x7FFFFFFF  }
0x4e: {  	[tilespmem:s31], [sflag:$0x1] =	stream.indirect_vreg.gather [hbm4b:s3+s10], $0x1, v2, vm0, $0x4038;
	[tilespmem:$0x500] =	vst v63  }
0x4f: {  	s17 =	sadd.s32 $0xFFFFFFF0, s17;
	s13 =	sor.u32 $0x100, s13;
	(ifvalue) =	ssetifvalue $0x7FFFFFFF  }
0x50: {  	s20 =	sadd.s32 $0x180, s18;
	s16 =	simm.s32 $0x10;
	(ifvalue) =	ssetifvalue $0x7FFFFFFF  }
.LBB2_3:
0x51: {  	[tilespmem:s20], [sflag:$0x1] =	stream.indirect_vreg.gather [hbm4b:s3+s10], $0x1, v1, vm0, $0x4038;
	[tilespmem:$0x500] =	vst v63  }
0x52: {  	s18 =	smov.u32 s19  }
0x53: {  	s21 =	sadd.s32 s16, s14;
	s20 =	sshra.s32 s18, $0x2;
	s18 =	sadd.s32 $0x40, s19  }
0x54: {  	p1 =	sne.s32 s19, $0x1C0;
	v1 =	vld.msk [tilespmem:s21+$0x0 ss:$0x1], $0xffff  }
0x55: {  	(ifvalue) =	ssetifvalue $0x7FFFFFFF;
	_ =	sdelay $0x4  }
0x56: {  	vm1 =	vgt.s32 v1, $0x0  }
0x57: {  	p2 =	sgt.s32 s17, $0x0;
	s19 =	smov.u32 s17;
	v1 =	vnsel vm1, $0x0, v1  }
0x58: {  	s19 =	simm.s32 @!p2 $0x0;
	v1 =	vmin.u32 v1, $0x8FFFF  }
0x59: {  	s19 =	smin.u32 s19, $0x10;
	v2 =	vshll.u32 v1, $0x2  }
0x5a: {  	v3 =	vmov s19;
	v1 =	vand.u32 $0x7F, v1;
	v2 =	vand.u32 $0x3FFE00, v2  }
0x5b: {  	vm1 =	vgt.u32 v3, v0;
	v1 =	vor.u32 v1, v2  }
0x5c: {  	v2 =	vnsel vm1, $0x7FFFFFFF, v1;
	v3 =	vor.u32 $0x80, v1;
	v4 =	vor.u32 $0x100, v1  }
0x5d: {  	v1 =	vor.u32 $0x180, v1;
	_ =	sdelay $0x1  }
0x5e: {  	v3 =	vnsel vm1, $0x7FFFFFFF, v3  }
0x5f: {  	s19 =	sadd.s32 s16, s15;
	s16 =	smov.u32 s20;
	(ifvalue) =	ssetifvalue $0x7FFFFFFF  }
0x60: {  	[tilespmem:s19], [sflag:$0x1] =	stream.indirect_vreg.gather [hbm4b:s3+s10], $0x1, v2, vm0, $0x4038;
	[tilespmem:$0x500] =	vst v63  }
0x61: {  	v2 =	vnsel vm1, $0x7FFFFFFF, v4;
	(ifvalue) =	ssetifvalue $0x7FFFFFFF  }
0x62: {  	s20 =	sadd.s32 $0x80, s19;
	(ifvalue) =	ssetifvalue $0x7FFFFFFF  }
0x63: {  	[tilespmem:s20], [sflag:$0x1] =	stream.indirect_vreg.gather [hbm4b:s3+s10], $0x1, v3, vm0, $0x4038;
	[tilespmem:$0x500] =	vst v63  }
.Ltmp3:
0x64: {  	v1 =	vnsel vm1, $0x7FFFFFFF, v1;
	(ifvalue) =	ssetifvalue $0x7FFFFFFF;
	(pc) =	sbr.rel @p1 .LBB2_3-.Ltmp3, $4  }
0x65: {  	s20 =	sadd.s32 $0x100, s19;
	(ifvalue) =	ssetifvalue $0x7FFFFFFF  }
0x66: {  	[tilespmem:s20], [sflag:$0x1] =	stream.indirect_vreg.gather [hbm4b:s3+s10], $0x1, v2, vm0, $0x4038;
	[tilespmem:$0x500] =	vst v63  }
0x67: {  	s17 =	sadd.s32 $0xFFFFFFF0, s17;
	(ifvalue) =	ssetifvalue $0x7FFFFFFF  }
0x68: {  	s20 =	sadd.s32 $0x180, s19;
	s19 =	smov.u32 s18;
	(ifvalue) =	ssetifvalue $0x7FFFFFFF  }
.Ltmp4:
0x69: {  	_ = 	snop;
	(pc) =	sbr.rel .LBB2_4-.Ltmp4, $1  }
0x6a: {  	_ =	sdelay $0x3  }
.LBB2_6:
0x6b: {  	_ =	sfence.sel $0x180000  }
0x6c: {  	s2 =	simm.s32 $0x2;
	[bflag:$0x0] =	sbarrier.arrive $0xFFFF  }
0x6d: {  	s30 =	simm.s32 $0x3;
	[sflag:s2] =	ssyncpa.u1 $0x1  }
0x6e: {  	s31 =	simm.s32 $0x1;
	[sflag:s30] =	ssyncpa.u1 $0x1  }
0x6f: {  	[sflag:s31] =	ssyncpa.u1 $0x1  }
0x70: {  	p0 =	sne.s32 s0, $0x0;
	_ =	strace $0x90000047  }
0x71: {  	s0 =	sadd.s32 @!p0 $0x100000, s1;
	[bflag:$0x2] =	sbarrier.arrive $0xFFFF  }
0x72: {  	[sflag:s0] =	ssyncadd.tile.s32 @!p0 $0x1;
	_ =	shalt  }
.Lfunc_end2:
_tile_overlayer_lowered:
.L_overlay_start_2:
0x73: {  	(tag) =	ssettag $0x2  }
0x74: {  	s0 =	rddreg [dreg:$0x0];
	s2 =	stileid.u32  }
0x75: {  	s1 =	rddreg [dreg:$0x1];
	p0 =	sne.s32 s2, $0x0  }
0x76: {  	s3 =	rddreg [dreg:$0x2];
	[bflag:$0x3] =	sbarrier.arrive $0xFFFF;
	s2 =	simm.s32 @!p0 $0x1C01  }
0x77: {  	[timem:s3], [sflag:s2] =	dma.local @!p0 [hbm:s0], s1  }
0x78: {  	s0 =	simm.s32 @!p0 $0x1  }
0x79: {  	_ =	swait.ge @!p0 [sflag:s0], s1  }
0x7a: {  	s1 =	ssub.s32 @!p0 $0x0, s1;
	[sflag:s0] =	ssyncset.done @!p0 $0x0  }
0x7b: {  	[sflag:s0] =	ssyncadd.s32 @!p0 s1  }
0x7c: {  	[bflag:$0x3] =	sbarrier.arrive $0xFFFF  }
0x7d: {  	_ =	shalt  }

// kernel: sparse-core-data-format-call.1.cloned.1.call-start
scs
called_computation.1_lowered:
.L_overlay_start_0:
0x0: {  	s2 =	sld [smem:$0x3FD9]  }
0x1: {  	s3 =	sld [smem:$0x3FFE];
	_ =	sdelay $0x1  }
0x2: {  	s1 =	srdreg.scid  }
0x3: {  	s0 =	sand.u32 $0x1, s1  }
0x4: {  	s18 =	sshll.u32 s0, $0xA;
	s2 =	sadd.s32 s3, s2  }
0x5: {  	s2 =	sadd.s32 s2, s18  }
0x6: {  	[smem:$0x3FB5] =	sst s2  }
0x7: {  	_ = 	snop  }
0x8: {  	(tm) =	ssettm $0x1  }
0x9: {  	s19 =	sld [smem:$0x3FFB];
	_ =	sdelay $0x3  }
0xa: {  	_ =	strace s19  }
0xb: {  	s2 =	sld [smem:$0x3FFC];
	_ =	sdelay $0x3  }
0xc: {  	_ =	strace s2  }
0xd: {  	s2 =	sld [smem:$0x3FFD];
	_ =	sdelay $0x3  }
0xe: {  	_ =	strace s2  }
0xf: {  	_ =	strace $0x8FFFFFFF  }
0x10: {  	s20 =	sld [smem:$0x3FDB];
	_ =	sdelay $0x1  }
0x11: {  	s21 =	simm.s32 $_scs_section_size  }
0x12: {  	s4 =	simm.s32 $_size__tile_overlayer_lowered;
	s5 =	simm.s32 $_tile_overlayer_lowered  }
0x13: {  	s6 =	simm.s32 $0x1BFF;
	s22 =	sshll.u32 s5, $0x1;
	s3 =	sadd.s32 s21, s20  }
0x14: {  	s23 =	simm.s32 $0x0;
	s4 =	sshll.u32 s4, $0x1;
	s5 =	sadd.s32 s22, s3  }
0x15: {  	[timem:s23], [sflag:s6] =	dma.local [hbm:s5], s4  }
0x16: {  	_ =	swait.ge [sflag:s6], s4  }
0x17: {  	s4 =	ssub.s32 $0x0, s4;
	[sflag:s6] =	ssyncset.done $0x0  }
0x18: {  	[sflag:s6] =	ssyncadd.s32 s4;
	_ =	sdelay $0x1  }
0x19: {  	s24 =	simm.s32 $0x1B8B  }
0x1a: {  	_ =	swait.ge [sflag:s24], $0x1  }
0x1b: {  	[sflag:s24] =	ssyncset.done $0x0  }
0x1c: {  	[sflag:s24] =	ssyncadd.s32 $0xFFFFFFFF  }
0x1d: {  	s4 =	sld [smem:$0x0]  }
0x1e: {  	s5 =	sand.u32 $0xFFFFFFFE, s1  }
0x1f: {  	p0 =	sne.s32 s1, s5  }
0x20: {  	s5 =	sshll.u32 @p0 s5, $0xE  }
0x21: {  	s5 =	sadd.s32 @p0 $0x11B8D, s5;
	s6 =	sshll.u32 @p0 s4, $0x11  }
0x22: {  	s5 =	sor.u32 @p0 s6, s5  }
0x23: {  	[sflag:s5] =	ssyncadd.remote.s32 @p0 $0x1;
	_ =	sdelay $0x1  }
0x24: {  	s5 =	simm.s32 @p0 $0x1B8D  }
0x25: {  	_ =	swait.eq @p0 [sflag:s5], $0x1  }
0x26: {  	[sflag:s5] =	ssyncadd.s32 @p0 $0xFFFFFFFF  }
0x27: {  	s6 =	sshll.u32 @!p0 s1, $0xE  }
0x28: {  	s6 =	sor.u32 @!p0 $0x4000, s6;
	s5 =	simm.s32 @!p0 $0x1B8D  }
0x29: {  	s4 =	sshll.u32 @!p0 s4, $0x11;
	s6 =	sadd.s32 @!p0 $0x11B8D, s6;
	_ =	swait.eq @!p0 [sflag:s5], $0x1  }
0x2a: {  	s4 =	sor.u32 @!p0 s4, s6;
	[sflag:s5] =	ssyncadd.s32 @!p0 $0xFFFFFFFF  }
0x2b: {  	s26 =	simm.s32 $0x1B8E;
	s25 =	sld [smem:$0x3FFE];
	[sflag:s4] =	ssyncadd.remote.s32 @!p0 $0x1  }
0x2c: {  	s27 =	simm.s32 $execute0_lowered;
	[smem:$0x3FD2] =	sst s26  }
0x2d: {  	s5 =	sshll.u32 s27, $0x1;
	_ =	strace $0x80000052;
	[dreg:$0x1] =	wrdreg $0xFFFFFFFF  }
0x2e: {  	s28 =	simm.s32 $_size_execute0_lowered;
	s3 =	sadd.s32 s3, s5;
	[dreg:$0x0] =	wrdreg $0x0  }
0x2f: {  	s5 =	sshll.u32 s28, $0x1;
	[dreg:$0x2] =	wrdreg s3  }
0x30: {  	[dreg:$0x3] =	wrdreg s5  }
0x31: {  	[dreg:$0x4] =	wrdreg $0xC0  }
0x32: {  	_ =	task [dreg:s23], $0x5FFFF  }
0x33: {  	[dreg:$0x1] =	wrdreg $0xFFFFFFFF  }
0x34: {  	[dreg:$0x0] =	wrdreg $0x60  }
0x35: {  	[dreg:$0x2] =	wrdreg s25  }
0x36: {  	[dreg:$0x3] =	wrdreg $0x9  }
0x37: {  	_ =	task.clear_ibuf [dreg:s23], $0x4FFFF;
	_ =	strace $0x90000052  }
0x38: {  	s29 =	simm.s32 $0x9;
	_ =	strace $0x80000054  }
0x39: {  	_ =	swait.ge [sflag:s29], $0x1  }
0x3a: {  	[sflag:s29] =	ssyncadd.s32 $0xFFFFFFFF  }
0x3b: {  	_ =	strace $0x90000054  }
0x3c: {  	_ =	sfence  }
0x3d: {  	s30 =	sld [smem:$0x0];
	_ =	sdelay $0x2  }
0x3e: {  	s31 =	sshll.u32 s1, $0xD;
	s1 =	sshrl.u32 s1, $0x2  }
0x3f: {  	s4 =	sand.u32 $0x4000, s31;
	s1 =	sadd.s32 s1, s30  }
0x40: {  	s0 =	sor.u32 s4, s0;
	s1 =	sshll.u32 s1, $0x11  }
0x41: {  	s0 =	sor.u32 s1, s0  }
0x42: {  	s0 =	sadd.s32 $0x8F2B, s0  }
0x43: {  	[sflag:s0] =	ssyncadd.remote.s32 $0x1  }
0x44: {  	_ =	sfence.sel $0xFFFF  }
0x45: {  	[dreg:$0x0] =	wrdreg $0xFFFFFFFF;
	(pc) =	sbr.abs _section_cstart, $3  }
0x46: {  	[dreg:$0x1] =	wrdreg $0xFFFFFFFF  }
0x47: {  	_ =	task.clear_ibuf [dreg:s23], $0x2FFFF;
	_ =	strace $0x9FFFFFFF  }
0x48: {  	(tm) =	ssettm $0x7FFFFFFF  }
0x49: {  	_ =	shalt  }
tec
execute0_lowered:
.L_overlay_start_1:
0x0: {  	(tag) =	ssettag $0x1  }
0x1: {  	s0 =	stileid.u32;
	s1 =	srdreg.scid  }
0x2: {  	s6 =	rddreg [dreg:$0x0];
	s31 =	simm.s32 $0x2;
	s15 =	simm.s32 $0x0  }
0x3: {  	p0 =	por $0x0, $0x0;
	s9 =	simm.s32 $0x800;
	s14 =	simm.s32 $0x0  }
0x4: {  	s13 =	simm.s32 $0x0;
	s10 =	simm.s32 $0x0;
	s2 =	sshll.u32 s0, $0x7  }
0x5: {  	s12 =	simm.s32 $0x0;
	s3 =	sshll.u32 s1, $0x4;
	s2 =	sand.u32 $0x80, s2  }
0x6: {  	s1 =	rddreg [dreg:$0x1];
	s3 =	sand.u32 $0x10, s3;
	s4 =	ssub.s32 $0x100, s2  }
0x7: {  	_ =	strace $0x80000053;
	s3 =	sor.u32 s0, s3;
	s5 =	sshrl.u32 s4, $0x7  }
.Ltmp0:
0x8: {  	s7 =	sshrl.u32 s4, $0x8;
	s5 =	sand.u32 $0x1, s5;
	(pc) =	sbr.rel .LBB1_1-.Ltmp0, $4  }
0x9: {  	s11 =	smov.u32 s2;
	s3 =	sshrl.u32 s3, $0x1;
	s5 =	sadd.s32 s7, s5  }
0xa: {  	s4 =	simm.s32 $0x1;
	s8 =	sshll.u32 s3, $0x4;
	s5 =	smul.u32 $0x21, s5  }
0xb: {  	[sflag:s4] =	ssyncpa.u1 $0x0;
	s8 =	sadd.s32 s8, s6;
	s6 =	sadd.s32 $0x430200, s6  }
0xc: {  	[sflag:s31] =	ssyncpa.u1 $0x0;
	s7 =	sadd.s32 $0x220200, s8;
	s8 =	sadd.s32 $0x1, s5  }
.LBB1_4:
0xd: {  	s18 =	sand.u32 $0x780, s13;
	s15 =	smul.u32 $0x10800, s15  }
0xe: {  	s14 =	sshll.u32 s14, $0xB;
	s19 =	sshrl.u32 s13, $0x3;
	s18 =	sadd.s32 s6, s18  }
0xf: {  	[tilespmem:s17+$0x810 ss:$0x81] =	vst.msk $0xffff, v2;
	s31 =	sand.u32 $0x7, s13;
	s19 =	sand.u32 $0xF, s19;
	s14 =	sadd.s32 s14, s18  }
0x10: {  	[tilespmem:s17+$0x1020 ss:$0x81] =	vst.msk $0xffff, v0;
	s13 =	sshll.u32 s31, $0x12;
	s14 =	sadd.s32 s19, s14  }
0x11: {  	[tilespmem:s17+$0x0 ss:$0x81] =	vst.msk $0xffff, v1;
	s13 =	sor.u32 $0x400, s13;
	s14 =	sadd.s32 s15, s14  }
0x12: {  	[hbm4b:s14+s13] =	stream.strided.scatter [tilespmem:s16], [sflag:$0x2], $0x2000, s9, s13, $0x20;
	[tilespmem:$0x8080] =	vst v63  }
.LBB1_5:
0x13: {  	s16 =	sadd.s32 $0x1, s10  }
0x14: {  	s13 =	sadd.s32 $0x100, s11;
	s17 =	smov.u32 s11;
	p2 =	sgt.s32 s16, $0x20  }
0x15: {  	s17 =	smov.u32 @p2 s13  }
0x16: {  	s16 =	simm.s32 @p2 $0x0;
	p2 =	sgt.s32 s17, $0xFF  }
0x17: {  	s17 =	smov.u32 @p2 s2;
	p2 =	sne.s32 s12, s8  }
.Ltmp1:
0x18: {  	p1 =	slt.u32 s12, $0x2;
	(pc) =	sbr.rel @!p2 .LBB1_6-.Ltmp1, $4  }
0x19: {  	s14 =	smov.u32 s10;
	s15 =	simm.s32 @!p1 $0x2  }
0x1a: {  	p0 =	por !p0, !p0;
	_ =	swait.ge @!p1 [sflag:s15], $0x2000;
	s13 =	smov.u32 s11  }
0x1b: {  	[sflag:s15] =	ssyncset.done @!p1 $0x0;
	s10 =	smov.u32 s16;
	s12 =	sadd.s32 $0x1, s12  }
0x1c: {  	[sflag:s15] =	ssyncadd.s32 @!p1 $0xFFFFE000;
	s15 =	smov.u32 s3;
	s11 =	smov.u32 s17  }
.LBB1_1:
0x1d: {  	p1 =	sge.u32 s12, s5  }
0x1e: {  	s17 =	smul.u32 @!p1 $0x2100, s11  }
0x1f: {  	s31 =	sadd.s32 $0xFFFFFFFF, s12;
	s16 =	sxor.u32 @!p1 $0xFFFFFFFF, s12;
	s18 =	sshll.u32 @!p1 s10, $0x8  }
0x20: {  	s19 =	simm.s32 @!p1 $0x10800;
	s16 =	sshll.u32 @!p1 s16, $0xD;
	s17 =	sadd.s32 @!p1 s17, s7  }
0x21: {  	s16 =	sand.u32 @!p1 $0x2000, s16;
	s17 =	sadd.s32 @!p1 s18, s17;
	s18 =	simm.s32 @!p1 $0x40  }
0x22: {  	[tilespmem:s16], [sflag:$0x1] =	stream.strided.gather @!p1 [hbm4b:s17+s18], $0x2000, s19, s18, $0x38;
	[tilespmem:$0x8080] =	vst v63  }
0x23: {  	p1 =	sge.u32 s31, s5  }
.Ltmp2:
0x24: {  	_ = 	snop;
	(pc) =	sbr.rel @p1 .LBB1_5-.Ltmp2, $1  }
0x25: {  	_ =	sdelay $0x3  }
0x26: {  	s16 =	simm.s32 $0x1  }
0x27: {  	_ =	swait.ge [sflag:s4], $0x2000;
	s16 =	simm.s32 @!p0 $0x0  }
0x28: {  	[sflag:s4] =	ssyncset.done $0x0;
	s17 =	sshll.u32 s16, $0xD  }
0x29: {  	[sflag:s4] =	ssyncadd.s32 $0xFFFFE000;
	s20 =	sor.u32 $0x20, s17  }
0x2a: {  	s16 =	smul.u32 $0x8100, s16;
	v3 =	vld [tilespmem:s20+$0x10]  }
0x2b: {  	s30 =	sand.u32 $0x1, s12;
	v2 =	vld [tilespmem:s20+$0xFFFFFFF0]  }
0x2c: {  	s17 =	smul.u32 $0x8100, s30;
	s16 =	sshrl.u32 s16, $0x2;
	v0 =	vld [tilespmem:s20+$0x0]  }
0x2d: {  	v1 =	vld [tilespmem:s20+$0xFFFFFFE0];
	s18 =	sor.u32 $0x4000, s16  }
0x2e: {  	s31 =	sshrl.u32 s17, $0x2;
	s17 =	sadd.s32 $0x0, s18  }
0x2f: {  	s19 =	simm.s32 $0x4;
	s20 =	sadd.s32 $0x40, s20;
	s16 =	sor.u32 $0x4000, s31;
	[tilespmem:s17+$0x1830 ss:$0x81] =	vst.msk $0xffff, v3  }
.LBB1_3:
0x30: {  	v3 =	vld [tilespmem:s20+$0x10];
	p1 =	sne.s32 s19, $0x1FC;
	[tilespmem:s17+$0x810 ss:$0x81] =	vst.msk $0xffff, v2;
	s21 =	smov.u32 s19;
	s19 =	sadd.s32 $0x4, s19  }
.Ltmp3:
0x31: {  	v2 =	vld [tilespmem:s20+$0xFFFFFFF0];
	[tilespmem:s17+$0x1020 ss:$0x81] =	vst.msk $0xffff, v0;
	(pc) =	sbr.rel @p1 .LBB1_3-.Ltmp3, $4  }
0x32: {  	v0 =	vld [tilespmem:s20+$0x0];
	[tilespmem:s17+$0x0 ss:$0x81] =	vst.msk $0xffff, v1  }
0x33: {  	s17 =	sshra.s32 s21, $0x2;
	v1 =	vld [tilespmem:s20+$0xFFFFFFE0]  }
0x34: {  	s17 =	sadd.s32 s17, s18  }
0x35: {  	s20 =	sadd.s32 $0x40, s20;
	[tilespmem:s17+$0x1830 ss:$0x81] =	vst.msk $0xffff, v3  }
.Ltmp4:
0x36: {  	_ = 	snop;
	(pc) =	sbr.rel .LBB1_4-.Ltmp4, $1  }
0x37: {  	_ =	sdelay $0x3  }
.LBB1_6:
0x38: {  	_ =	sfence.sel $0x180000  }
0x39: {  	s2 =	simm.s32 $0x1;
	[bflag:$0x0] =	sbarrier.arrive $0xFFFF  }
0x3a: {  	s31 =	simm.s32 $0x2;
	[sflag:s2] =	ssyncpa.u1 $0x1  }
0x3b: {  	[sflag:s31] =	ssyncpa.u1 $0x1  }
0x3c: {  	p0 =	sne.s32 s0, $0x0;
	_ =	strace $0x90000053  }
0x3d: {  	s0 =	sadd.s32 @!p0 $0x100000, s1;
	[bflag:$0x2] =	sbarrier.arrive $0xFFFF  }
0x3e: {  	[sflag:s0] =	ssyncadd.tile.s32 @!p0 $0x1;
	_ =	shalt  }
.Lfunc_end1:
_tile_overlayer_lowered:
.L_overlay_start_2:
0x3f: {  	(tag) =	ssettag $0x2  }
0x40: {  	s0 =	rddreg [dreg:$0x0];
	s2 =	stileid.u32  }
0x41: {  	s1 =	rddreg [dreg:$0x1];
	p0 =	sne.s32 s2, $0x0  }
0x42: {  	s3 =	rddreg [dreg:$0x2];
	[bflag:$0x3] =	sbarrier.arrive $0xFFFF;
	s2 =	simm.s32 @!p0 $0x1C01  }
0x43: {  	[timem:s3], [sflag:s2] =	dma.local @!p0 [hbm:s0], s1  }
0x44: {  	s0 =	simm.s32 @!p0 $0x1  }
0x45: {  	_ =	swait.ge @!p0 [sflag:s0], s1  }
0x46: {  	s1 =	ssub.s32 @!p0 $0x0, s1;
	[sflag:s0] =	ssyncset.done @!p0 $0x0  }
0x47: {  	[sflag:s0] =	ssyncadd.s32 @!p0 s1  }
0x48: {  	[bflag:$0x3] =	sbarrier.arrive $0xFFFF  }
0x49: {  	_ =	shalt  }

// kernel: sparse-core-data-format-call.cloned.1.call-start
scs
called_computation_lowered:
.L_overlay_start_0:
0x0: {  	s1 =	sld [smem:$0x3FD9]  }
0x1: {  	s2 =	sld [smem:$0x3FFE];
	_ =	sdelay $0x1  }
0x2: {  	s3 =	srdreg.scid  }
0x3: {  	s0 =	sand.u32 $0x1, s3  }
0x4: {  	s17 =	sshll.u32 s0, $0xA;
	s1 =	sadd.s32 s2, s1  }
0x5: {  	s1 =	sadd.s32 s1, s17  }
0x6: {  	[smem:$0x3FB5] =	sst s1  }
0x7: {  	_ = 	snop  }
0x8: {  	(tm) =	ssettm $0x1  }
0x9: {  	s18 =	sld [smem:$0x3FFB];
	_ =	sdelay $0x3  }
0xa: {  	_ =	strace s18  }
0xb: {  	s1 =	sld [smem:$0x3FFC];
	_ =	sdelay $0x3  }
0xc: {  	_ =	strace s1  }
0xd: {  	s1 =	sld [smem:$0x3FFD];
	_ =	sdelay $0x3  }
0xe: {  	_ =	strace s1  }
0xf: {  	_ =	strace $0x8FFFFFFF  }
0x10: {  	s19 =	sld [smem:$0x3FDB];
	_ =	sdelay $0x1  }
0x11: {  	s20 =	simm.s32 $_scs_section_size  }
0x12: {  	s4 =	simm.s32 $_size__tile_overlayer_lowered;
	s5 =	simm.s32 $_tile_overlayer_lowered  }
0x13: {  	s23 =	simm.s32 $0x1BFF;
	s22 =	sshll.u32 s5, $0x1;
	s1 =	sadd.s32 s20, s19  }
0x14: {  	s6 =	simm.s32 $0x0;
	s21 =	sshll.u32 s4, $0x1;
	s4 =	sadd.s32 s22, s1  }
0x15: {  	[timem:s6], [sflag:s23] =	dma.local [hbm:s4], s21  }
0x16: {  	_ =	swait.ge [sflag:s23], s21  }
0x17: {  	s2 =	ssub.s32 $0x0, s21;
	[sflag:s23] =	ssyncset.done $0x0  }
0x18: {  	[sflag:s23] =	ssyncadd.s32 s2;
	_ =	sdelay $0x1  }
0x19: {  	s24 =	simm.s32 $0x1B8B  }
0x1a: {  	_ =	swait.ge [sflag:s24], $0x1  }
0x1b: {  	[sflag:s24] =	ssyncset.done $0x0  }
0x1c: {  	s26 =	simm.s32 $0x1B8E;
	s25 =	sld [smem:$0x3FFE];
	[sflag:s24] =	ssyncadd.s32 $0xFFFFFFFF  }
0x1d: {  	s27 =	simm.s32 $execute0_lowered;
	[smem:$0x3FD2] =	sst s26  }
0x1e: {  	s4 =	sshll.u32 s27, $0x1;
	_ =	strace $0x80000055;
	[dreg:$0x1] =	wrdreg $0xFFFFFFFF  }
0x1f: {  	s28 =	simm.s32 $_size_execute0_lowered;
	s1 =	sadd.s32 s1, s4;
	[dreg:$0x0] =	wrdreg $0x0  }
0x20: {  	s4 =	sshll.u32 s28, $0x1;
	[dreg:$0x2] =	wrdreg s1  }
0x21: {  	[dreg:$0x3] =	wrdreg s4  }
0x22: {  	[dreg:$0x4] =	wrdreg $0xC0  }
0x23: {  	_ =	task [dreg:s6], $0x5FFFF  }
0x24: {  	[dreg:$0x1] =	wrdreg $0xFFFFFFFF  }
0x25: {  	[dreg:$0x0] =	wrdreg $0x60  }
0x26: {  	[dreg:$0x2] =	wrdreg s25  }
0x27: {  	[dreg:$0x3] =	wrdreg $0x9  }
0x28: {  	_ =	task.clear_ibuf [dreg:s6], $0x4FFFF;
	_ =	strace $0x90000055  }
0x29: {  	s29 =	simm.s32 $0x9;
	_ =	strace $0x80000057  }
0x2a: {  	_ =	swait.ge [sflag:s29], $0x1  }
0x2b: {  	[sflag:s29] =	ssyncadd.s32 $0xFFFFFFFF  }
0x2c: {  	_ =	strace $0x90000057  }
0x2d: {  	_ =	sfence  }
0x2e: {  	s30 =	sld [smem:$0x0];
	_ =	sdelay $0x2  }
0x2f: {  	s31 =	sshll.u32 s3, $0xD;
	s3 =	sshrl.u32 s3, $0x2  }
0x30: {  	s2 =	sand.u32 $0x4000, s31;
	s1 =	sadd.s32 s3, s30  }
0x31: {  	s0 =	sor.u32 s2, s0;
	s1 =	sshll.u32 s1, $0x11  }
0x32: {  	s0 =	sor.u32 s1, s0  }
0x33: {  	s0 =	sadd.s32 $0x8F2B, s0  }
0x34: {  	[sflag:s0] =	ssyncadd.remote.s32 $0x1  }
0x35: {  	_ =	sfence.sel $0xFFFF  }
0x36: {  	[dreg:$0x0] =	wrdreg $0xFFFFFFFF;
	(pc) =	sbr.abs _section_cstart, $3  }
0x37: {  	[dreg:$0x1] =	wrdreg $0xFFFFFFFF  }
0x38: {  	_ =	task.clear_ibuf [dreg:s6], $0x2FFFF;
	_ =	strace $0x9FFFFFFF  }
0x39: {  	(tm) =	ssettm $0x7FFFFFFF  }
tec
execute0_lowered:
.L_overlay_start_1:
0x0: {  	(tag) =	ssettag $0x1  }
0x1: {  	s4 =	rddreg [dreg:$0x0]  }
0x2: {  	s0 =	rddreg [dreg:$0x1];
	_ =	strace $0x80000056;
	s1 =	stileid.u32  }
0x3: {  	s5 =	srdreg.scid;
	s9 =	simm.s32 $0x2;
	s14 =	simm.s32 $0x0  }
0x4: {  	p0 =	por $0x0, $0x0;
	s10 =	simm.s32 $0x8000;
	s15 =	simm.s32 $0x0  }
0x5: {  	s13 =	simm.s32 $0x0;
	s2 =	sadd.s32 $0x200, s4;
	s3 =	sand.u32 $0x1, s1  }
0x6: {  	s4 =	sadd.s32 $0x10C600, s4;
	s5 =	sshll.u32 s5, $0x4;
	s6 =	ssub.s32 $0x2, s3  }
.Ltmp0:
0x7: {  	s5 =	sand.u32 $0x10, s5;
	s7 =	sshrl.u32 s6, $0x1;
	(pc) =	sbr.rel .LBB1_1-.Ltmp0, $4  }
0x8: {  	s6 =	sand.u32 $0x1, s6;
	s8 =	sor.u32 s1, s5;
	s5 =	simm.s32 $0x1  }
0x9: {  	s12 =	smov.u32 s3;
	s6 =	sadd.s32 s6, s7;
	[sflag:s5] =	ssyncpa.u1 $0x0  }
0xa: {  	s7 =	sshrl.u32 s8, $0x1;
	s6 =	sshll.u32 s6, $0x4;
	[sflag:s9] =	ssyncpa.u1 $0x0  }
0xb: {  	s9 =	simm.s32 $0x40;
	s11 =	smov.u32 s7;
	s8 =	sor.u32 $0x1, s6  }
.LBB1_4:
0xc: {  	_ = 	snop  }
0xd: {  	[tilespmem:s20+$0x1860 ss:$0x41] =	vst.msk $0xffff, v8  }
0xe: {  	[tilespmem:s20+$0x1C70 ss:$0x41] =	vst.msk $0xffff, v7  }
0xf: {  	[tilespmem:s20+$0x2490 ss:$0x41] =	vst.msk $0xffff, v1  }
0x10: {  	s23 =	sor.u32 s26, s25;
	v47 =	vld.idx.msk [tilespmem:v0+s18+$0x470 ss:$0x1], $0xffff;
	[tilespmem:s20+$0x28A0 ss:$0x41] =	vst.msk $0xffff, v2  }
0x11: {  	[tilespmem:s20+$0x2CB0 ss:$0x41] =	vst.msk $0xffff, v3;
	v57 =	vld.idx.msk [tilespmem:v0+s23+$0x410 ss:$0x1], $0xffff  }
0x12: {  	[tilespmem:s20+$0x30C0 ss:$0x41] =	vst.msk $0xffff, v4;
	v58 =	vld.idx.msk [tilespmem:v0+s23+$0x420 ss:$0x1], $0xffff  }
0x13: {  	[tilespmem:s20+$0x34D0 ss:$0x41] =	vst.msk $0xffff, v5;
	v59 =	vld.idx.msk [tilespmem:v0+s23+$0x430 ss:$0x1], $0xffff  }
0x14: {  	s31 =	sshra.s32 s21, $0x2;
	[tilespmem:s20+$0x38E0 ss:$0x41] =	vst.msk $0xffff, v6;
	v60 =	vld.idx.msk [tilespmem:v0+s23+$0x440 ss:$0x1], $0xffff  }
0x15: {  	s24 =	sand.u32 $0x3B00, s23;
	s18 =	sadd.s32 s31, s19;
	v61 =	vld.idx.msk [tilespmem:v0+s23+$0x450 ss:$0x1], $0xffff;
	[tilespmem:s20+$0x3CF0 ss:$0x41] =	vst.msk $0xffff, v47  }
0x16: {  	s22 =	sand.u32 $0x80, s22;
	v62 =	vld.idx.msk [tilespmem:v0+s23+$0x460 ss:$0x1], $0xffff;
	s17 =	sadd.s32 s24, s17;
	[tilespmem:s18+$0x2490 ss:$0x41] =	vst.msk $0xffff, v57  }
0x17: {  	v63 =	vld.idx.msk [tilespmem:v0+s23+$0x470 ss:$0x1], $0xffff;
	s17 =	sadd.s32 s22, s17;
	[tilespmem:s18+$0x28A0 ss:$0x41] =	vst.msk $0xffff, v58  }
0x18: {  	v48 =	vld [tilespmem:s17+$0x400];
	[tilespmem:s18+$0x2CB0 ss:$0x41] =	vst.msk $0xffff, v59  }
0x19: {  	v49 =	vld [tilespmem:s17+$0x0];
	[tilespmem:s18+$0x30C0 ss:$0x41] =	vst.msk $0xffff, v60  }
0x1a: {  	v50 =	vld [tilespmem:s17+$0x10];
	[tilespmem:s18+$0x34D0 ss:$0x41] =	vst.msk $0xffff, v61  }
0x1b: {  	v51 =	vld [tilespmem:s17+$0x20];
	[tilespmem:s18+$0x38E0 ss:$0x41] =	vst.msk $0xffff, v62  }
0x1c: {  	v52 =	vld [tilespmem:s17+$0x30];
	[tilespmem:s18+$0x3CF0 ss:$0x41] =	vst.msk $0xffff, v63  }
0x1d: {  	v53 =	vld [tilespmem:s17+$0x40];
	[tilespmem:s18+$0x2080 ss:$0x41] =	vst.msk $0xffff, v48  }
0x1e: {  	v54 =	vld [tilespmem:s17+$0x50];
	[tilespmem:s18+$0x0 ss:$0x41] =	vst.msk $0xffff, v49  }
0x1f: {  	v55 =	vld [tilespmem:s17+$0x60];
	[tilespmem:s18+$0x410 ss:$0x41] =	vst.msk $0xffff, v50  }
0x20: {  	v56 =	vld [tilespmem:s17+$0x70];
	[tilespmem:s18+$0x820 ss:$0x41] =	vst.msk $0xffff, v51  }
0x21: {  	[tilespmem:s18+$0xC30 ss:$0x41] =	vst.msk $0xffff, v52  }
0x22: {  	[tilespmem:s18+$0x1040 ss:$0x41] =	vst.msk $0xffff, v53  }
0x23: {  	s15 =	sshll.u32 s15, $0x14;
	s14 =	sshll.u32 s14, $0x4;
	[tilespmem:s18+$0x1450 ss:$0x41] =	vst.msk $0xffff, v54  }
0x24: {  	s14 =	sand.u32 $0xFF0, s14;
	s15 =	sadd.s32 s4, s15;
	[tilespmem:s18+$0x1860 ss:$0x41] =	vst.msk $0xffff, v55  }
0x25: {  	s14 =	sadd.s32 s14, s15;
	[tilespmem:s18+$0x1C70 ss:$0x41] =	vst.msk $0xffff, v56  }
0x26: {  	[hbm4b:s14+s9] =	stream.strided.scatter [tilespmem:s16], [sflag:$0x2], $0x4000, s10, s9, $0x18;
	[tilespmem:$0x10200] =	vst v63  }
.LBB1_5:
0x27: {  	s16 =	sadd.s32 $0x10, s11  }
0x28: {  	s14 =	sadd.s32 $0x2, s12;
	s18 =	smov.u32 s12;
	p2 =	sgt.s32 s16, $0xFF  }
0x29: {  	s18 =	smov.u32 @p2 s14  }
0x2a: {  	s16 =	smov.u32 @p2 s7;
	p2 =	sgt.s32 s18, $0x1  }
0x2b: {  	s18 =	smov.u32 @p2 s3;
	p2 =	sne.s32 s13, s8  }
.Ltmp1:
0x2c: {  	p1 =	slt.u32 s13, $0x2;
	(pc) =	sbr.rel @!p2 .LBB1_6-.Ltmp1, $4  }
0x2d: {  	s17 =	simm.s32 @!p1 $0x2  }
0x2e: {  	s15 =	smov.u32 s12;
	p0 =	por !p0, !p0;
	_ =	swait.ge @!p1 [sflag:s17], $0x4000  }
0x2f: {  	s14 =	smov.u32 s11;
	[sflag:s17] =	ssyncset.done @!p1 $0x0;
	s11 =	smov.u32 s16  }
0x30: {  	s13 =	sadd.s32 $0x1, s13;
	[sflag:s17] =	ssyncadd.s32 @!p1 $0xFFFFC000;
	s12 =	smov.u32 s18  }
.LBB1_1:
0x31: {  	p1 =	sge.u32 s13, s6  }
0x32: {  	s31 =	sadd.s32 $0xFFFFFFFF, s13;
	s16 =	sxor.u32 @!p1 $0xFFFFFFFF, s13;
	s17 =	sshll.u32 @!p1 s12, $0x13  }
0x33: {  	s18 =	sshll.u32 @!p1 s11, $0xB;
	s16 =	sshll.u32 @!p1 s16, $0xE;
	s17 =	sadd.s32 @!p1 s2, s17  }
0x34: {  	s16 =	sand.u32 @!p1 $0x4000, s16;
	s17 =	sadd.s32 @!p1 s18, s17;
	s18 =	simm.s32 @!p1 $0x0  }
0x35: {  	[tilespmem:s16], [sflag:$0x1] =	stream.linear.gather @!p1 [hbm4b:s17+s18], $0x4000, $0x38;
	[tilespmem:$0x10200] =	vst v63  }
0x36: {  	p1 =	sge.u32 s31, s6  }
.Ltmp2:
0x37: {  	_ = 	snop;
	(pc) =	sbr.rel @p1 .LBB1_5-.Ltmp2, $1  }
0x38: {  	_ =	sdelay $0x3  }
0x39: {  	s19 =	simm.s32 $0x0  }
0x3a: {  	s18 =	sand.u32 $0x3800, s19;
	s20 =	sand.u32 $0x380, s19  }
0x3b: {  	s16 =	sand.u32 $0x1, s13;
	s18 =	sor.u32 s20, s18  }
0x3c: {  	_ =	swait.ge [sflag:s5], $0x4000;
	s17 =	sshll.u32 s16, $0xE;
	s20 =	sand.u32 $0x3B00, s18  }
0x3d: {  	[sflag:s5] =	ssyncset.done $0x0;
	s19 =	sand.u32 $0x80, s19;
	s20 =	sadd.s32 s20, s17  }
0x3e: {  	[sflag:s5] =	ssyncadd.s32 $0xFFFFC000;
	s22 =	sadd.s32 s19, s20  }
0x3f: {  	v4 =	vld [tilespmem:s22+$0x400]  }
0x40: {  	s21 =	simm.s32 $0x1;
	v5 =	vld [tilespmem:s22+$0x0]  }
0x41: {  	s21 =	simm.s32 @!p0 $0x0;
	v6 =	vld [tilespmem:s22+$0x10]  }
0x42: {  	v0 =	vmov s17;
	s31 =	smul.u32 $0x10400, s21;
	v7 =	vld [tilespmem:s22+$0x20]  }
0x43: {  	v9 =	vld [tilespmem:s22+$0x30]  }
0x44: {  	s19 =	sshrl.u32 s31, $0x2;
	v10 =	vld [tilespmem:s22+$0x40]  }
0x45: {  	s19 =	sor.u32 $0x8000, s19;
	v11 =	vld [tilespmem:s22+$0x50]  }
0x46: {  	v8 =	vld [tilespmem:s22+$0x60];
	s20 =	sadd.s32 $0x0, s19  }
0x47: {  	v1 =	vld.idx.msk [tilespmem:v0+s18+$0x410 ss:$0x1], $0xffff;
	[tilespmem:s20+$0x2080 ss:$0x41] =	vst.msk $0xffff, v4  }
0x48: {  	v2 =	vld.idx.msk [tilespmem:v0+s18+$0x420 ss:$0x1], $0xffff;
	[tilespmem:s20+$0x0 ss:$0x41] =	vst.msk $0xffff, v5  }
0x49: {  	v3 =	vld.idx.msk [tilespmem:v0+s18+$0x430 ss:$0x1], $0xffff;
	[tilespmem:s20+$0x410 ss:$0x41] =	vst.msk $0xffff, v6  }
0x4a: {  	s16 =	smul.u32 $0x10400, s16;
	[tilespmem:s20+$0x820 ss:$0x41] =	vst.msk $0xffff, v7;
	v7 =	vld [tilespmem:s22+$0x70]  }
0x4b: {  	s23 =	simm.s32 $0x100;
	s24 =	simm.s32 $0x8;
	[tilespmem:s20+$0xC30 ss:$0x41] =	vst.msk $0xffff, v9;
	v4 =	vld.idx.msk [tilespmem:v0+s18+$0x440 ss:$0x1], $0xffff  }
0x4c: {  	s25 =	sand.u32 $0x3800, s23;
	s16 =	sshrl.u32 s16, $0x2;
	[tilespmem:s20+$0x1040 ss:$0x41] =	vst.msk $0xffff, v10;
	v5 =	vld.idx.msk [tilespmem:v0+s18+$0x450 ss:$0x1], $0xffff;
	s22 =	simm.s32 $0x80  }
0x4d: {  	s21 =	simm.s32 $0x4;
	s16 =	sor.u32 $0x8000, s16;
	[tilespmem:s20+$0x1450 ss:$0x41] =	vst.msk $0xffff, v11;
	v6 =	vld.idx.msk [tilespmem:v0+s18+$0x460 ss:$0x1], $0xffff;
	s26 =	sand.u32 $0x380, s22  }
.LBB1_3:
0x4e: {  	p1 =	sne.s32 s24, $0xFC;
	[tilespmem:s20+$0x1860 ss:$0x41] =	vst.msk $0xffff, v8;
	v8 =	vld.idx.msk [tilespmem:v0+s18+$0x470 ss:$0x1], $0xffff;
	s18 =	sor.u32 s26, s25  }
0x4f: {  	s25 =	sand.u32 $0x3B00, s18;
	v9 =	vld.idx.msk [tilespmem:v0+s18+$0x410 ss:$0x1], $0xffff;
	[tilespmem:s20+$0x1C70 ss:$0x41] =	vst.msk $0xffff, v7  }
0x50: {  	s26 =	sand.u32 $0x80, s22;
	s25 =	sadd.s32 s25, s17;
	v7 =	vld.idx.msk [tilespmem:v0+s18+$0x420 ss:$0x1], $0xffff;
	[tilespmem:s20+$0x2490 ss:$0x41] =	vst.msk $0xffff, v1  }
0x51: {  	s25 =	sadd.s32 s26, s25;
	v10 =	vld.idx.msk [tilespmem:v0+s18+$0x430 ss:$0x1], $0xffff;
	[tilespmem:s20+$0x28A0 ss:$0x41] =	vst.msk $0xffff, v2  }
0x52: {  	v11 =	vld [tilespmem:s25+$0x400];
	[tilespmem:s20+$0x2CB0 ss:$0x41] =	vst.msk $0xffff, v3  }
0x53: {  	v12 =	vld [tilespmem:s25+$0x0];
	[tilespmem:s20+$0x30C0 ss:$0x41] =	vst.msk $0xffff, v4  }
0x54: {  	v4 =	vld [tilespmem:s25+$0x10];
	[tilespmem:s20+$0x34D0 ss:$0x41] =	vst.msk $0xffff, v5  }
0x55: {  	s26 =	sshra.s32 s21, $0x2;
	s21 =	smov.u32 s24;
	v1 =	vmov v9;
	v5 =	vld [tilespmem:s25+$0x20];
	[tilespmem:s20+$0x38E0 ss:$0x41] =	vst.msk $0xffff, v6  }
0x56: {  	v2 =	vmov v7;
	v6 =	vld [tilespmem:s25+$0x30];
	[tilespmem:s20+$0x3CF0 ss:$0x41] =	vst.msk $0xffff, v8;
	s20 =	sadd.s32 s26, s19  }
0x57: {  	v3 =	vmov v10;
	v9 =	vld [tilespmem:s25+$0x40];
	[tilespmem:s20+$0x2080 ss:$0x41] =	vst.msk $0xffff, v11  }
0x58: {  	[tilespmem:s20+$0x0 ss:$0x41] =	vst.msk $0xffff, v12;
	v10 =	vld [tilespmem:s25+$0x50]  }
.Ltmp3:
0x59: {  	[tilespmem:s20+$0x410 ss:$0x41] =	vst.msk $0xffff, v4;
	v8 =	vld [tilespmem:s25+$0x60];
	(pc) =	sbr.rel @p1 .LBB1_3-.Ltmp3, $4  }
0x5a: {  	[tilespmem:s20+$0x820 ss:$0x41] =	vst.msk $0xffff, v5;
	v7 =	vld [tilespmem:s25+$0x70]  }
0x5b: {  	[tilespmem:s20+$0xC30 ss:$0x41] =	vst.msk $0xffff, v6;
	v4 =	vld.idx.msk [tilespmem:v0+s18+$0x440 ss:$0x1], $0xffff  }
0x5c: {  	s22 =	sadd.s32 $0x80, s22;
	s23 =	sadd.s32 $0x100, s23;
	[tilespmem:s20+$0x1040 ss:$0x41] =	vst.msk $0xffff, v9;
	v5 =	vld.idx.msk [tilespmem:v0+s18+$0x450 ss:$0x1], $0xffff  }
0x5d: {  	s24 =	sadd.s32 $0x4, s24;
	s26 =	sand.u32 $0x380, s22;
	s25 =	sand.u32 $0x3800, s23;
	[tilespmem:s20+$0x1450 ss:$0x41] =	vst.msk $0xffff, v10;
	v6 =	vld.idx.msk [tilespmem:v0+s18+$0x460 ss:$0x1], $0xffff  }
.Ltmp4:
0x5e: {  	_ = 	snop;
	(pc) =	sbr.rel .LBB1_4-.Ltmp4, $1  }
0x5f: {  	_ =	sdelay $0x3  }
.LBB1_6:
0x60: {  	_ =	sfence.sel $0x180000  }
0x61: {  	s2 =	simm.s32 $0x1;
	[bflag:$0x0] =	sbarrier.arrive $0xFFFF  }
0x62: {  	s31 =	simm.s32 $0x2;
	[sflag:s2] =	ssyncpa.u1 $0x1  }
0x63: {  	[sflag:s31] =	ssyncpa.u1 $0x1  }
0x64: {  	p0 =	sne.s32 s1, $0x0;
	_ =	strace $0x90000056  }
0x65: {  	s0 =	sadd.s32 @!p0 $0x100000, s0;
	[bflag:$0x2] =	sbarrier.arrive $0xFFFF  }
0x66: {  	[sflag:s0] =	ssyncadd.tile.s32 @!p0 $0x1;
	_ =	shalt  }
.Lfunc_end1:
_tile_overlayer_lowered:
.L_overlay_start_2:
0x67: {  	(tag) =	ssettag $0x2  }
0x68: {  	s0 =	rddreg [dreg:$0x0];
	s2 =	stileid.u32  }
0x69: {  	s1 =	rddreg [dreg:$0x1];
	p0 =	sne.s32 s2, $0x0  }
0x6a: {  	s3 =	rddreg [dreg:$0x2];
	[bflag:$0x3] =	sbarrier.arrive $0xFFFF;
	s2 =	simm.s32 @!p0 $0x1C01  }
0x6b: {  	[timem:s3], [sflag:s2] =	dma.local @!p0 [hbm:s0], s1  }
0x6c: {  	s0 =	simm.s32 @!p0 $0x1  }
0x6d: {  	_ =	swait.ge @!p0 [sflag:s0], s1  }
0x6e: {  	s1 =	ssub.s32 @!p0 $0x0, s1;
	[sflag:s0] =	ssyncset.done @!p0 $0x0  }
0x6f: {  	[sflag:s0] =	ssyncadd.s32 @!p0 s1  }
0x70: {  	[bflag:$0x3] =	sbarrier.arrive $0xFFFF  }
0x71: {  	_ =	shalt  }

</sc_bundles>
